<compile_context>
chip_gen: v7x
topology: tpu7x:2x2x1
jax: 0.10.2.dev20260603
libtpu: 0.0.44.dev20260713+nightly
codegen_flags: <defaults>
</compile_context>

<pallas_src>
import functools

import jax
import jax.numpy as jnp
from jax import lax
from jax.experimental import pallas as pl
from jax.experimental.pallas import tpu as pltpu
from jax.experimental.pallas import tpu_sc as plsc

B = 16384
N_CAT = 26
VOCAB = 1000
EMB = 16
N_CONT = 13
N_DISC = 13

_NC, _NS = 2, 16
_NW = _NC * _NS

_HB = B // 2
_TOTAL = _HB * N_CAT
_PER_W = _TOTAL // _NW
_ROW = 128
_NROW = _PER_W // _ROW
_GRP = 4
_NGRP = _NROW // _GRP
_GRP_ROWS = _GRP * _ROW


def _sc_gather(flat_table, idx2d):
    mesh = plsc.VectorSubcoreMesh(core_axis_name="c", subcore_axis_name="s")

    @functools.partial(
        pl.kernel,
        mesh=mesh,
        out_type=jax.ShapeDtypeStruct((_TOTAL, EMB), jnp.float32),
        compiler_params=pltpu.CompilerParams(use_tc_tiling_on_sc=False),
        scratch_types=[
            pltpu.VMEM((_NROW, _ROW), jnp.int32),
            pltpu.VMEM((_GRP_ROWS, EMB), jnp.float32),
            pltpu.VMEM((_GRP_ROWS, EMB), jnp.float32),
            pltpu.SemaphoreType.DMA,
            pltpu.SemaphoreType.DMA,
            pltpu.SemaphoreType.DMA,
            pltpu.SemaphoreType.DMA,
        ],
    )
    def gather_kernel(table_hbm, idx_hbm, out_hbm, idx_v, buf0, buf1,
                      gsem0, gsem1, osem0, osem1):
        wid = lax.axis_index("s") * _NC + lax.axis_index("c")
        base = wid * _PER_W
        pltpu.sync_copy(idx_hbm.at[pl.ds(wid * _NROW, _NROW)], idx_v)

        bufs = (buf0, buf1)
        gsems = (gsem0, gsem1)
        osems = (osem0, osem1)

        def issue(g):
            b = bufs[g % 2]
            s = gsems[g % 2]
            return [
                pltpu.async_copy(
                    table_hbm.at[idx_v.at[g * _GRP + j]],
                    b.at[pl.ds(j * _ROW, _ROW)], s)
                for j in range(_GRP)
            ]

        gcps = {0: issue(0)}
        ocp = {}
        for g in range(_NGRP):
            if g + 1 < _NGRP:
                if g >= 1:
                    ocp[g - 1].wait()
                gcps[g + 1] = issue(g + 1)
            for cp in gcps[g]:
                cp.wait()
            ocp[g] = pltpu.async_copy(
                bufs[g % 2],
                out_hbm.at[pl.ds(base + g * _GRP_ROWS, _GRP_ROWS)],
                osems[g % 2])
        ocp[_NGRP - 2].wait()
        ocp[_NGRP - 1].wait()

    return gather_kernel(flat_table, idx2d)


_BT = 1024


def _tc_mlp(cont, disc, emb, W1, b1, W2, b2, W3, b3):
    def mlp_kernel(cont_ref, disc_ref, emb_ref, w1_ref,
                   b1_ref, w2_ref, b2_ref, w3_ref, b3_ref, out_ref):
        w1 = w1_ref[...]
        h = (jnp.dot(cont_ref[...], w1[:N_CONT],
                     preferred_element_type=jnp.float32)
             + jnp.dot(disc_ref[...], w1[N_CONT:N_CONT + N_DISC],
                       preferred_element_type=jnp.float32)
             + jnp.dot(emb_ref[...], w1[N_CONT + N_DISC:],
                       preferred_element_type=jnp.float32)
             + b1_ref[...])
        h = jnp.maximum(h, 0.0)
        h2 = jnp.maximum(
            jnp.dot(h, w2_ref[...], preferred_element_type=jnp.float32)
            + b2_ref[...], 0.0)
        o = (jnp.dot(h2, w3_ref[...], preferred_element_type=jnp.float32)
             + b3_ref[...])
        out_ref[...] = 1.0 / (1.0 + jnp.exp(-o))

    grid = (_HB // _BT,)
    full = lambda shape: pl.BlockSpec(shape, lambda i: (0,) * len(shape))
    return pl.pallas_call(
        mlp_kernel,
        grid=grid,
        in_specs=[
            pl.BlockSpec((_BT, N_CONT), lambda i: (i, 0)),
            pl.BlockSpec((_BT, N_DISC), lambda i: (i, 0)),
            pl.BlockSpec((_BT, N_CAT * EMB), lambda i: (i, 0)),
            full((N_CONT + N_DISC + N_CAT * EMB, 128)),
            full((1, 128)),
            full((128, 64)),
            full((1, 64)),
            full((64, 1)),
            full((1, 1)),
        ],
        out_specs=pl.BlockSpec((_BT, 1), lambda i: (i, 0)),
        out_shape=jax.ShapeDtypeStruct((_HB, 1), jnp.float32),
    )(cont, disc, emb, W1, b1, W2, b2, W3, b3)


def kernel(continuous, discrete, categorical, emb_tables, W1, b1, W2, b2, W3, b3):
    flat_table = emb_tables.reshape(N_CAT * VOCAB, EMB)
    offs = (jnp.arange(N_CAT, dtype=jnp.int32) * VOCAB)[None, :]
    flat_idx = (categorical.astype(jnp.int32) + offs).reshape(
        2, _NW * _NROW, _ROW)
    b1r = b1.reshape(1, 128)
    b2r = b2.reshape(1, 64)
    b3r = b3.reshape(1, 1)
    outs = []
    embs = [_sc_gather(flat_table, flat_idx[h]).reshape(_HB, N_CAT * EMB)
            for h in range(2)]
    for h in range(2):
        outs.append(_tc_mlp(
            lax.slice_in_dim(continuous, h * _HB, (h + 1) * _HB),
            lax.slice_in_dim(discrete, h * _HB, (h + 1) * _HB),
            embs[h], W1, b1r, W2, b2r, W3, b3r))
    return jnp.concatenate(outs, axis=0)

# --- scband reference (transcript-rebuilt; emitter-appended) ---
"""Pipeline reference for scband-credit-risk-model-60352880443657 (READ-ONLY COPY).

The authoritative reference and input builder live on the scoring server;
editing this copy changes nothing except your own understanding.
"""

import jax, jax.numpy as jnp
import numpy as np

B = 16384
N_CAT = 26
VOCAB = 1000
EMB = 16
N_CONT = 13
N_DISC = 13
CONCAT_DIM = N_CONT + N_DISC + N_CAT * EMB  # 442


def setup_inputs(seed: int = 0) -> dict:
    key = jax.random.key(seed)
    ks = jax.random.split(key, 12)
    continuous = jax.random.normal(ks[0], (B, N_CONT), dtype=jnp.float32)
    discrete = jax.random.normal(ks[1], (B, N_DISC), dtype=jnp.float32)
    categorical = jax.random.randint(ks[2], (B, N_CAT), 0, VOCAB, dtype=jnp.int64 if jax.config.jax_enable_x64 else jnp.int32)
    # learned params
    emb_tables = jax.random.normal(ks[3], (N_CAT, VOCAB, EMB), dtype=jnp.float32) * 0.05
    # he_normal for dense layers
    W1 = jax.random.normal(ks[4], (CONCAT_DIM, 128), dtype=jnp.float32) * np.sqrt(2.0 / CONCAT_DIM)
    b1 = jnp.zeros((128,), dtype=jnp.float32)
    W2 = jax.random.normal(ks[5], (128, 64), dtype=jnp.float32) * np.sqrt(2.0 / 128)
    b2 = jnp.zeros((64,), dtype=jnp.float32)
    W3 = jax.random.normal(ks[6], (64, 1), dtype=jnp.float32) * np.sqrt(1.0 / 64)
    b3 = jnp.zeros((1,), dtype=jnp.float32)
    return {"continuous": continuous, "discrete": discrete, "categorical": categorical,
            "emb_tables": emb_tables, "W1": W1, "b1": b1, "W2": W2, "b2": b2, "W3": W3, "b3": b3}


def reference(continuous, discrete, categorical, emb_tables, W1, b1, W2, b2, W3, b3):
    # per-field embedding lookup (gather), then flatten: order matches list of
    # [flatten(emb_i(cat_i)) for i in range(N_CAT)] concatenation
    field_idx = jnp.arange(N_CAT)[None, :]  # [1, N_CAT]
    embedded = emb_tables[field_idx, categorical]  # [B, N_CAT, EMB]
    embedded = embedded.reshape(embedded.shape[0], N_CAT * EMB)
    x = jnp.concatenate([continuous, discrete, embedded], axis=1)  # [B, 442]
    x = jax.nn.relu(x @ W1 + b1)
    # dropout is identity at inference
    x = jax.nn.relu(x @ W2 + b2)
    out = jax.nn.sigmoid(x @ W3 + b3)
    return out

if __name__ == "__main__":
    import jax
    _d = setup_inputs()
    print(jax.jit(kernel)(*tuple(_d.values())))

</pallas_src>

<mosaic_0001>
#map = affine_map<(d0, d1) -> (0, 0)>
module attributes {stable_mosaic.version = 14 : i64} {
  func.func @gather_kernel(%arg0: i32, %arg1: i32, %arg2: memref<26000x16xf32, #tpu.memory_space<hbm>>, %arg3: memref<1664x128xi32, #tpu.memory_space<hbm>>, %arg4: memref<212992x16xf32, #tpu.memory_space<hbm>>, %arg5: memref<52x128xi32, #tpu.memory_space<vmem>>, %arg6: memref<512x16xf32, #tpu.memory_space<vmem>>, %arg7: memref<512x16xf32, #tpu.memory_space<vmem>>, %arg8: memref<!tpu.dma_semaphore, #tpu.memory_space<semaphore_mem>>, %arg9: memref<!tpu.dma_semaphore, #tpu.memory_space<semaphore_mem>>, %arg10: memref<!tpu.dma_semaphore, #tpu.memory_space<semaphore_mem>>, %arg11: memref<!tpu.dma_semaphore, #tpu.memory_space<semaphore_mem>>) attributes {dimension_semantics = [#tpu.dimension_semantics<core_parallel>, #tpu.dimension_semantics<subcore_parallel>], iteration_bounds = array<i64: 2, 16>, scalar_prefetch = 0 : i64, scratch_operands = 7 : i64, tpu.core_type = #tpu.core_type<sc_vector_subcore>, window_params = [{transform_indices = #map}, {transform_indices = #map}, {transform_indices = #map}]} {
    %mul3A = arith.constant 2 : i32
    %mul3A_0 = arith.muli %arg1, %mul3A : i32
    %add3A = arith.addi %mul3A_0, %arg0 : i32
    %mul3A_1 = arith.constant 6656 : i32
    %mul3A_2 = arith.muli %add3A, %mul3A_1 : i32
    %mul3A_3 = arith.constant 52 : i32
    %mul3A_4 = arith.muli %add3A, %mul3A_3 : i32
    "tpu.region"() ({
      %run_scoped3A = tpu.sem_alloc : memref<!tpu.dma_semaphore, #tpu.memory_space<semaphore_mem>>
      %dma_start3A_1173 = arith.constant 0 : i32
      %dma_start3A_1174 = tpu.memref_slice %arg3[%mul3A_4, %dma_start3A_1173] : memref<1664x128xi32, #tpu.memory_space<hbm>> -> memref<52x128xi32, #tpu.memory_space<hbm>>
      %dma_start3A_1175 = arith.constant 0 : i32
      %dma_start3A_1176 = tpu.memref_slice %arg3[%mul3A_4, %dma_start3A_1175] : memref<1664x128xi32, #tpu.memory_space<hbm>> -> memref<52x128xi32, #tpu.memory_space<hbm>>
      tpu.enqueue_dma source(%dma_start3A_1176 : memref<52x128xi32, #tpu.memory_space<hbm>>) target(%arg5 : memref<52x128xi32, #tpu.memory_space<vmem>>) target_semaphore(%run_scoped3A : memref<!tpu.dma_semaphore, #tpu.memory_space<semaphore_mem>>)
      %dma_wait3A_1177 = arith.constant 0 : i32
      %dma_wait3A_1178 = tpu.memref_slice %arg3[%mul3A_4, %dma_wait3A_1177] : memref<1664x128xi32, #tpu.memory_space<hbm>> -> memref<52x128xi32, #tpu.memory_space<hbm>>
      %dma_wait3A_1179 = arith.constant 0 : i32
      %dma_wait3A_1180 = tpu.memref_slice %arg3[%mul3A_4, %dma_wait3A_1179] : memref<1664x128xi32, #tpu.memory_space<hbm>> -> memref<52x128xi32, #tpu.memory_space<hbm>>
      tpu.wait_dma2 semaphore(%run_scoped3A : memref<!tpu.dma_semaphore, #tpu.memory_space<semaphore_mem>>) src(%dma_wait3A_1180 : memref<52x128xi32, #tpu.memory_space<hbm>>) dst(%arg5 : memref<52x128xi32, #tpu.memory_space<vmem>>)
      tpu.yield
    }) : () -> ()
    %dma_start3A = arith.constant 0 : i32
    %dma_start3A_5 = arith.constant 0 : i32
    %dma_start3A_6 = arith.constant 0 : i32
    %dma_start3A_7 = tpu.memref_slice %arg6[%dma_start3A_5, %dma_start3A_6] : memref<512x16xf32, #tpu.memory_space<vmem>> -> memref<128x16xf32, #tpu.memory_space<vmem>>
    %dma_start3A_8 = arith.constant 0 : i32
    %dma_start3A_9 = tpu.memref_slice %arg5[%dma_start3A, %dma_start3A_8] : memref<52x128xi32, #tpu.memory_space<vmem>> -> memref<1x128xi32, #tpu.memory_space<vmem>>
    %dma_start3A_10 = tpu.memref_squeeze %dma_start3A_9 : memref<1x128xi32, #tpu.memory_space<vmem>> -> memref<128xi32, #tpu.memory_space<vmem>>
    %dma_start3A_11 = arith.constant 0 : i32
    %dma_start3A_12 = arith.constant 0 : i32
    %dma_start3A_13 = tpu.memref_slice %arg2[%dma_start3A_11, %dma_start3A_12] : memref<26000x16xf32, #tpu.memory_space<hbm>> -> memref<26000x16xf32, #tpu.memory_space<hbm>>
    tpu.enqueue_indirect_dma source(%dma_start3A_13 : memref<26000x16xf32, #tpu.memory_space<hbm>>) target(%dma_start3A_7 : memref<128x16xf32, #tpu.memory_space<vmem>>) offsets(%dma_start3A_10 : memref<128xi32, #tpu.memory_space<vmem>>) semaphore(%arg8 : memref<!tpu.dma_semaphore, #tpu.memory_space<semaphore_mem>>)
    %dma_start3A_14 = arith.constant 1 : i32
    %dma_start3A_15 = arith.constant 128 : i32
    %dma_start3A_16 = arith.constant 0 : i32
    %dma_start3A_17 = tpu.memref_slice %arg6[%dma_start3A_15, %dma_start3A_16] : memref<512x16xf32, #tpu.memory_space<vmem>> -> memref<128x16xf32, #tpu.memory_space<vmem>>
    %dma_start3A_18 = arith.constant 0 : i32
    %dma_start3A_19 = tpu.memref_slice %arg5[%dma_start3A_14, %dma_start3A_18] : memref<52x128xi32, #tpu.memory_space<vmem>> -> memref<1x128xi32, #tpu.memory_space<vmem>>
    %dma_start3A_20 = tpu.memref_squeeze %dma_start3A_19 : memref<1x128xi32, #tpu.memory_space<vmem>> -> memref<128xi32, #tpu.memory_space<vmem>>
    %dma_start3A_21 = arith.constant 0 : i32
    %dma_start3A_22 = arith.constant 0 : i32
    %dma_start3A_23 = tpu.memref_slice %arg2[%dma_start3A_21, %dma_start3A_22] : memref<26000x16xf32, #tpu.memory_space<hbm>> -> memref<26000x16xf32, #tpu.memory_space<hbm>>
    tpu.enqueue_indirect_dma source(%dma_start3A_23 : memref<26000x16xf32, #tpu.memory_space<hbm>>) target(%dma_start3A_17 : memref<128x16xf32, #tpu.memory_space<vmem>>) offsets(%dma_start3A_20 : memref<128xi32, #tpu.memory_space<vmem>>) semaphore(%arg8 : memref<!tpu.dma_semaphore, #tpu.memory_space<semaphore_mem>>)
    %dma_start3A_24 = arith.constant 2 : i32
    %dma_start3A_25 = arith.constant 256 : i32
    %dma_start3A_26 = arith.constant 0 : i32
    %dma_start3A_27 = tpu.memref_slice %arg6[%dma_start3A_25, %dma_start3A_26] : memref<512x16xf32, #tpu.memory_space<vmem>> -> memref<128x16xf32, #tpu.memory_space<vmem>>
    %dma_start3A_28 = arith.constant 0 : i32
    %dma_start3A_29 = tpu.memref_slice %arg5[%dma_start3A_24, %dma_start3A_28] : memref<52x128xi32, #tpu.memory_space<vmem>> -> memref<1x128xi32, #tpu.memory_space<vmem>>
    %dma_start3A_30 = tpu.memref_squeeze %dma_start3A_29 : memref<1x128xi32, #tpu.memory_space<vmem>> -> memref<128xi32, #tpu.memory_space<vmem>>
    %dma_start3A_31 = arith.constant 0 : i32
    %dma_start3A_32 = arith.constant 0 : i32
    %dma_start3A_33 = tpu.memref_slice %arg2[%dma_start3A_31, %dma_start3A_32] : memref<26000x16xf32, #tpu.memory_space<hbm>> -> memref<26000x16xf32, #tpu.memory_space<hbm>>
    tpu.enqueue_indirect_dma source(%dma_start3A_33 : memref<26000x16xf32, #tpu.memory_space<hbm>>) target(%dma_start3A_27 : memref<128x16xf32, #tpu.memory_space<vmem>>) offsets(%dma_start3A_30 : memref<128xi32, #tpu.memory_space<vmem>>) semaphore(%arg8 : memref<!tpu.dma_semaphore, #tpu.memory_space<semaphore_mem>>)
    %dma_start3A_34 = arith.constant 3 : i32
    %dma_start3A_35 = arith.constant 384 : i32
    %dma_start3A_36 = arith.constant 0 : i32
    %dma_start3A_37 = tpu.memref_slice %arg6[%dma_start3A_35, %dma_start3A_36] : memref<512x16xf32, #tpu.memory_space<vmem>> -> memref<128x16xf32, #tpu.memory_space<vmem>>
    %dma_start3A_38 = arith.constant 0 : i32
    %dma_start3A_39 = tpu.memref_slice %arg5[%dma_start3A_34, %dma_start3A_38] : memref<52x128xi32, #tpu.memory_space<vmem>> -> memref<1x128xi32, #tpu.memory_space<vmem>>
    %dma_start3A_40 = tpu.memref_squeeze %dma_start3A_39 : memref<1x128xi32, #tpu.memory_space<vmem>> -> memref<128xi32, #tpu.memory_space<vmem>>
    %dma_start3A_41 = arith.constant 0 : i32
    %dma_start3A_42 = arith.constant 0 : i32
    %dma_start3A_43 = tpu.memref_slice %arg2[%dma_start3A_41, %dma_start3A_42] : memref<26000x16xf32, #tpu.memory_space<hbm>> -> memref<26000x16xf32, #tpu.memory_space<hbm>>
    tpu.enqueue_indirect_dma source(%dma_start3A_43 : memref<26000x16xf32, #tpu.memory_space<hbm>>) target(%dma_start3A_37 : memref<128x16xf32, #tpu.memory_space<vmem>>) offsets(%dma_start3A_40 : memref<128xi32, #tpu.memory_space<vmem>>) semaphore(%arg8 : memref<!tpu.dma_semaphore, #tpu.memory_space<semaphore_mem>>)
    %dma_start3A_44 = arith.constant 4 : i32
    %dma_start3A_45 = arith.constant 0 : i32
    %dma_start3A_46 = arith.constant 0 : i32
    %dma_start3A_47 = tpu.memref_slice %arg7[%dma_start3A_45, %dma_start3A_46] : memref<512x16xf32, #tpu.memory_space<vmem>> -> memref<128x16xf32, #tpu.memory_space<vmem>>
    %dma_start3A_48 = arith.constant 0 : i32
    %dma_start3A_49 = tpu.memref_slice %arg5[%dma_start3A_44, %dma_start3A_48] : memref<52x128xi32, #tpu.memory_space<vmem>> -> memref<1x128xi32, #tpu.memory_space<vmem>>
    %dma_start3A_50 = tpu.memref_squeeze %dma_start3A_49 : memref<1x128xi32, #tpu.memory_space<vmem>> -> memref<128xi32, #tpu.memory_space<vmem>>
    %dma_start3A_51 = arith.constant 0 : i32
    %dma_start3A_52 = arith.constant 0 : i32
    %dma_start3A_53 = tpu.memref_slice %arg2[%dma_start3A_51, %dma_start3A_52] : memref<26000x16xf32, #tpu.memory_space<hbm>> -> memref<26000x16xf32, #tpu.memory_space<hbm>>
    tpu.enqueue_indirect_dma source(%dma_start3A_53 : memref<26000x16xf32, #tpu.memory_space<hbm>>) target(%dma_start3A_47 : memref<128x16xf32, #tpu.memory_space<vmem>>) offsets(%dma_start3A_50 : memref<128xi32, #tpu.memory_space<vmem>>) semaphore(%arg9 : memref<!tpu.dma_semaphore, #tpu.memory_space<semaphore_mem>>)
    %dma_start3A_54 = arith.constant 5 : i32
    %dma_start3A_55 = arith.constant 128 : i32
    %dma_start3A_56 = arith.constant 0 : i32
    %dma_start3A_57 = tpu.memref_slice %arg7[%dma_start3A_55, %dma_start3A_56] : memref<512x16xf32, #tpu.memory_space<vmem>> -> memref<128x16xf32, #tpu.memory_space<vmem>>
    %dma_start3A_58 = arith.constant 0 : i32
    %dma_start3A_59 = tpu.memref_slice %arg5[%dma_start3A_54, %dma_start3A_58] : memref<52x128xi32, #tpu.memory_space<vmem>> -> memref<1x128xi32, #tpu.memory_space<vmem>>
    %dma_start3A_60 = tpu.memref_squeeze %dma_start3A_59 : memref<1x128xi32, #tpu.memory_space<vmem>> -> memref<128xi32, #tpu.memory_space<vmem>>
    %dma_start3A_61 = arith.constant 0 : i32
    %dma_start3A_62 = arith.constant 0 : i32
    %dma_start3A_63 = tpu.memref_slice %arg2[%dma_start3A_61, %dma_start3A_62] : memref<26000x16xf32, #tpu.memory_space<hbm>> -> memref<26000x16xf32, #tpu.memory_space<hbm>>
    tpu.enqueue_indirect_dma source(%dma_start3A_63 : memref<26000x16xf32, #tpu.memory_space<hbm>>) target(%dma_start3A_57 : memref<128x16xf32, #tpu.memory_space<vmem>>) offsets(%dma_start3A_60 : memref<128xi32, #tpu.memory_space<vmem>>) semaphore(%arg9 : memref<!tpu.dma_semaphore, #tpu.memory_space<semaphore_mem>>)
    %dma_start3A_64 = arith.constant 6 : i32
    %dma_start3A_65 = arith.constant 256 : i32
    %dma_start3A_66 = arith.constant 0 : i32
    %dma_start3A_67 = tpu.memref_slice %arg7[%dma_start3A_65, %dma_start3A_66] : memref<512x16xf32, #tpu.memory_space<vmem>> -> memref<128x16xf32, #tpu.memory_space<vmem>>
    %dma_start3A_68 = arith.constant 0 : i32
    %dma_start3A_69 = tpu.memref_slice %arg5[%dma_start3A_64, %dma_start3A_68] : memref<52x128xi32, #tpu.memory_space<vmem>> -> memref<1x128xi32, #tpu.memory_space<vmem>>
    %dma_start3A_70 = tpu.memref_squeeze %dma_start3A_69 : memref<1x128xi32, #tpu.memory_space<vmem>> -> memref<128xi32, #tpu.memory_space<vmem>>
    %dma_start3A_71 = arith.constant 0 : i32
    %dma_start3A_72 = arith.constant 0 : i32
    %dma_start3A_73 = tpu.memref_slice %arg2[%dma_start3A_71, %dma_start3A_72] : memref<26000x16xf32, #tpu.memory_space<hbm>> -> memref<26000x16xf32, #tpu.memory_space<hbm>>
    tpu.enqueue_indirect_dma source(%dma_start3A_73 : memref<26000x16xf32, #tpu.memory_space<hbm>>) target(%dma_start3A_67 : memref<128x16xf32, #tpu.memory_space<vmem>>) offsets(%dma_start3A_70 : memref<128xi32, #tpu.memory_space<vmem>>) semaphore(%arg9 : memref<!tpu.dma_semaphore, #tpu.memory_space<semaphore_mem>>)
    %dma_start3A_74 = arith.constant 7 : i32
    %dma_start3A_75 = arith.constant 384 : i32
    %dma_start3A_76 = arith.constant 0 : i32
    %dma_start3A_77 = tpu.memref_slice %arg7[%dma_start3A_75, %dma_start3A_76] : memref<512x16xf32, #tpu.memory_space<vmem>> -> memref<128x16xf32, #tpu.memory_space<vmem>>
    %dma_start3A_78 = arith.constant 0 : i32
    %dma_start3A_79 = tpu.memref_slice %arg5[%dma_start3A_74, %dma_start3A_78] : memref<52x128xi32, #tpu.memory_space<vmem>> -> memref<1x128xi32, #tpu.memory_space<vmem>>
    %dma_start3A_80 = tpu.memref_squeeze %dma_start3A_79 : memref<1x128xi32, #tpu.memory_space<vmem>> -> memref<128xi32, #tpu.memory_space<vmem>>
    %dma_start3A_81 = arith.constant 0 : i32
    %dma_start3A_82 = arith.constant 0 : i32
    %dma_start3A_83 = tpu.memref_slice %arg2[%dma_start3A_81, %dma_start3A_82] : memref<26000x16xf32, #tpu.memory_space<hbm>> -> memref<26000x16xf32, #tpu.memory_space<hbm>>
    tpu.enqueue_indirect_dma source(%dma_start3A_83 : memref<26000x16xf32, #tpu.memory_space<hbm>>) target(%dma_start3A_77 : memref<128x16xf32, #tpu.memory_space<vmem>>) offsets(%dma_start3A_80 : memref<128xi32, #tpu.memory_space<vmem>>) semaphore(%arg9 : memref<!tpu.dma_semaphore, #tpu.memory_space<semaphore_mem>>)
    %dma_wait3A = arith.constant 0 : i32
    %dma_wait3A_84 = arith.constant 0 : i32
    %dma_wait3A_85 = arith.constant 0 : i32
    %dma_wait3A_86 = tpu.memref_slice %arg6[%dma_wait3A_84, %dma_wait3A_85] : memref<512x16xf32, #tpu.memory_space<vmem>> -> memref<128x16xf32, #tpu.memory_space<vmem>>
    %dma_wait3A_87 = arith.constant 0 : i32
    %dma_wait3A_88 = tpu.memref_slice %arg5[%dma_wait3A, %dma_wait3A_87] : memref<52x128xi32, #tpu.memory_space<vmem>> -> memref<1x128xi32, #tpu.memory_space<vmem>>
    %dma_wait3A_89 = tpu.memref_squeeze %dma_wait3A_88 : memref<1x128xi32, #tpu.memory_space<vmem>> -> memref<128xi32, #tpu.memory_space<vmem>>
    %dma_wait3A_90 = arith.constant 0 : i32
    %dma_wait3A_91 = arith.constant 0 : i32
    %dma_wait3A_92 = tpu.memref_slice %arg2[%dma_wait3A_90, %dma_wait3A_91] : memref<26000x16xf32, #tpu.memory_space<hbm>> -> memref<26000x16xf32, #tpu.memory_space<hbm>>
    tpu.wait_indirect_dma semaphore(%arg8 : memref<!tpu.dma_semaphore, #tpu.memory_space<semaphore_mem>>) src(%dma_wait3A_92 : memref<26000x16xf32, #tpu.memory_space<hbm>>) dst(%dma_wait3A_86 : memref<128x16xf32, #tpu.memory_space<vmem>>)
    %dma_wait3A_93 = arith.constant 1 : i32
    %dma_wait3A_94 = arith.constant 128 : i32
    %dma_wait3A_95 = arith.constant 0 : i32
    %dma_wait3A_96 = tpu.memref_slice %arg6[%dma_wait3A_94, %dma_wait3A_95] : memref<512x16xf32, #tpu.memory_space<vmem>> -> memref<128x16xf32, #tpu.memory_space<vmem>>
    %dma_wait3A_97 = arith.constant 0 : i32
    %dma_wait3A_98 = tpu.memref_slice %arg5[%dma_wait3A_93, %dma_wait3A_97] : memref<52x128xi32, #tpu.memory_space<vmem>> -> memref<1x128xi32, #tpu.memory_space<vmem>>
    %dma_wait3A_99 = tpu.memref_squeeze %dma_wait3A_98 : memref<1x128xi32, #tpu.memory_space<vmem>> -> memref<128xi32, #tpu.memory_space<vmem>>
    %dma_wait3A_100 = arith.constant 0 : i32
    %dma_wait3A_101 = arith.constant 0 : i32
    %dma_wait3A_102 = tpu.memref_slice %arg2[%dma_wait3A_100, %dma_wait3A_101] : memref<26000x16xf32, #tpu.memory_space<hbm>> -> memref<26000x16xf32, #tpu.memory_space<hbm>>
    tpu.wait_indirect_dma semaphore(%arg8 : memref<!tpu.dma_semaphore, #tpu.memory_space<semaphore_mem>>) src(%dma_wait3A_102 : memref<26000x16xf32, #tpu.memory_space<hbm>>) dst(%dma_wait3A_96 : memref<128x16xf32, #tpu.memory_space<vmem>>)
    %dma_wait3A_103 = arith.constant 2 : i32
    %dma_wait3A_104 = arith.constant 256 : i32
    %dma_wait3A_105 = arith.constant 0 : i32
    %dma_wait3A_106 = tpu.memref_slice %arg6[%dma_wait3A_104, %dma_wait3A_105] : memref<512x16xf32, #tpu.memory_space<vmem>> -> memref<128x16xf32, #tpu.memory_space<vmem>>
    %dma_wait3A_107 = arith.constant 0 : i32
    %dma_wait3A_108 = tpu.memref_slice %arg5[%dma_wait3A_103, %dma_wait3A_107] : memref<52x128xi32, #tpu.memory_space<vmem>> -> memref<1x128xi32, #tpu.memory_space<vmem>>
    %dma_wait3A_109 = tpu.memref_squeeze %dma_wait3A_108 : memref<1x128xi32, #tpu.memory_space<vmem>> -> memref<128xi32, #tpu.memory_space<vmem>>
    %dma_wait3A_110 = arith.constant 0 : i32
    %dma_wait3A_111 = arith.constant 0 : i32
    %dma_wait3A_112 = tpu.memref_slice %arg2[%dma_wait3A_110, %dma_wait3A_111] : memref<26000x16xf32, #tpu.memory_space<hbm>> -> memref<26000x16xf32, #tpu.memory_space<hbm>>
    tpu.wait_indirect_dma semaphore(%arg8 : memref<!tpu.dma_semaphore, #tpu.memory_space<semaphore_mem>>) src(%dma_wait3A_112 : memref<26000x16xf32, #tpu.memory_space<hbm>>) dst(%dma_wait3A_106 : memref<128x16xf32, #tpu.memory_space<vmem>>)
    %dma_wait3A_113 = arith.constant 3 : i32
    %dma_wait3A_114 = arith.constant 384 : i32
    %dma_wait3A_115 = arith.constant 0 : i32
    %dma_wait3A_116 = tpu.memref_slice %arg6[%dma_wait3A_114, %dma_wait3A_115] : memref<512x16xf32, #tpu.memory_space<vmem>> -> memref<128x16xf32, #tpu.memory_space<vmem>>
    %dma_wait3A_117 = arith.constant 0 : i32
    %dma_wait3A_118 = tpu.memref_slice %arg5[%dma_wait3A_113, %dma_wait3A_117] : memref<52x128xi32, #tpu.memory_space<vmem>> -> memref<1x128xi32, #tpu.memory_space<vmem>>
    %dma_wait3A_119 = tpu.memref_squeeze %dma_wait3A_118 : memref<1x128xi32, #tpu.memory_space<vmem>> -> memref<128xi32, #tpu.memory_space<vmem>>
    %dma_wait3A_120 = arith.constant 0 : i32
    %dma_wait3A_121 = arith.constant 0 : i32
    %dma_wait3A_122 = tpu.memref_slice %arg2[%dma_wait3A_120, %dma_wait3A_121] : memref<26000x16xf32, #tpu.memory_space<hbm>> -> memref<26000x16xf32, #tpu.memory_space<hbm>>
    tpu.wait_indirect_dma semaphore(%arg8 : memref<!tpu.dma_semaphore, #tpu.memory_space<semaphore_mem>>) src(%dma_wait3A_122 : memref<26000x16xf32, #tpu.memory_space<hbm>>) dst(%dma_wait3A_116 : memref<128x16xf32, #tpu.memory_space<vmem>>)
    %add3A_123 = arith.constant 0 : i32
    %add3A_124 = arith.addi %mul3A_2, %add3A_123 : i32
    %dma_start3A_125 = arith.constant 0 : i32
    %dma_start3A_126 = tpu.memref_slice %arg4[%add3A_124, %dma_start3A_125] : memref<212992x16xf32, #tpu.memory_space<hbm>> -> memref<512x16xf32, #tpu.memory_space<hbm>>
    %dma_start3A_127 = arith.constant 0 : i32
    %dma_start3A_128 = tpu.memref_slice %arg4[%add3A_124, %dma_start3A_127] : memref<212992x16xf32, #tpu.memory_space<hbm>> -> memref<512x16xf32, #tpu.memory_space<hbm>>
    tpu.enqueue_dma source(%arg6 : memref<512x16xf32, #tpu.memory_space<vmem>>) target(%dma_start3A_128 : memref<512x16xf32, #tpu.memory_space<hbm>>) target_semaphore(%arg10 : memref<!tpu.dma_semaphore, #tpu.memory_space<semaphore_mem>>)
    %dma_wait3A_129 = arith.constant 0 : i32
    %dma_wait3A_130 = tpu.memref_slice %arg4[%add3A_124, %dma_wait3A_129] : memref<212992x16xf32, #tpu.memory_space<hbm>> -> memref<512x16xf32, #tpu.memory_space<hbm>>
    %dma_wait3A_131 = arith.constant 0 : i32
    %dma_wait3A_132 = tpu.memref_slice %arg4[%add3A_124, %dma_wait3A_131] : memref<212992x16xf32, #tpu.memory_space<hbm>> -> memref<512x16xf32, #tpu.memory_space<hbm>>
    tpu.wait_dma2 semaphore(%arg10 : memref<!tpu.dma_semaphore, #tpu.memory_space<semaphore_mem>>) src(%arg6 : memref<512x16xf32, #tpu.memory_space<vmem>>) dst(%dma_wait3A_132 : memref<512x16xf32, #tpu.memory_space<hbm>>)
    %dma_start3A_133 = arith.constant 8 : i32
    %dma_start3A_134 = arith.constant 0 : i32
    %dma_start3A_135 = arith.constant 0 : i32
    %dma_start3A_136 = tpu.memref_slice %arg6[%dma_start3A_134, %dma_start3A_135] : memref<512x16xf32, #tpu.memory_space<vmem>> -> memref<128x16xf32, #tpu.memory_space<vmem>>
    %dma_start3A_137 = arith.constant 0 : i32
    %dma_start3A_138 = tpu.memref_slice %arg5[%dma_start3A_133, %dma_start3A_137] : memref<52x128xi32, #tpu.memory_space<vmem>> -> memref<1x128xi32, #tpu.memory_space<vmem>>
    %dma_start3A_139 = tpu.memref_squeeze %dma_start3A_138 : memref<1x128xi32, #tpu.memory_space<vmem>> -> memref<128xi32, #tpu.memory_space<vmem>>
    %dma_start3A_140 = arith.constant 0 : i32
    %dma_start3A_141 = arith.constant 0 : i32
    %dma_start3A_142 = tpu.memref_slice %arg2[%dma_start3A_140, %dma_start3A_141] : memref<26000x16xf32, #tpu.memory_space<hbm>> -> memref<26000x16xf32, #tpu.memory_space<hbm>>
    tpu.enqueue_indirect_dma source(%dma_start3A_142 : memref<26000x16xf32, #tpu.memory_space<hbm>>) target(%dma_start3A_136 : memref<128x16xf32, #tpu.memory_space<vmem>>) offsets(%dma_start3A_139 : memref<128xi32, #tpu.memory_space<vmem>>) semaphore(%arg8 : memref<!tpu.dma_semaphore, #tpu.memory_space<semaphore_mem>>)
    %dma_start3A_143 = arith.constant 9 : i32
    %dma_start3A_144 = arith.constant 128 : i32
    %dma_start3A_145 = arith.constant 0 : i32
    %dma_start3A_146 = tpu.memref_slice %arg6[%dma_start3A_144, %dma_start3A_145] : memref<512x16xf32, #tpu.memory_space<vmem>> -> memref<128x16xf32, #tpu.memory_space<vmem>>
    %dma_start3A_147 = arith.constant 0 : i32
    %dma_start3A_148 = tpu.memref_slice %arg5[%dma_start3A_143, %dma_start3A_147] : memref<52x128xi32, #tpu.memory_space<vmem>> -> memref<1x128xi32, #tpu.memory_space<vmem>>
    %dma_start3A_149 = tpu.memref_squeeze %dma_start3A_148 : memref<1x128xi32, #tpu.memory_space<vmem>> -> memref<128xi32, #tpu.memory_space<vmem>>
    %dma_start3A_150 = arith.constant 0 : i32
    %dma_start3A_151 = arith.constant 0 : i32
    %dma_start3A_152 = tpu.memref_slice %arg2[%dma_start3A_150, %dma_start3A_151] : memref<26000x16xf32, #tpu.memory_space<hbm>> -> memref<26000x16xf32, #tpu.memory_space<hbm>>
    tpu.enqueue_indirect_dma source(%dma_start3A_152 : memref<26000x16xf32, #tpu.memory_space<hbm>>) target(%dma_start3A_146 : memref<128x16xf32, #tpu.memory_space<vmem>>) offsets(%dma_start3A_149 : memref<128xi32, #tpu.memory_space<vmem>>) semaphore(%arg8 : memref<!tpu.dma_semaphore, #tpu.memory_space<semaphore_mem>>)
    %dma_start3A_153 = arith.constant 10 : i32
    %dma_start3A_154 = arith.constant 256 : i32
    %dma_start3A_155 = arith.constant 0 : i32
    %dma_start3A_156 = tpu.memref_slice %arg6[%dma_start3A_154, %dma_start3A_155] : memref<512x16xf32, #tpu.memory_space<vmem>> -> memref<128x16xf32, #tpu.memory_space<vmem>>
    %dma_start3A_157 = arith.constant 0 : i32
    %dma_start3A_158 = tpu.memref_slice %arg5[%dma_start3A_153, %dma_start3A_157] : memref<52x128xi32, #tpu.memory_space<vmem>> -> memref<1x128xi32, #tpu.memory_space<vmem>>
    %dma_start3A_159 = tpu.memref_squeeze %dma_start3A_158 : memref<1x128xi32, #tpu.memory_space<vmem>> -> memref<128xi32, #tpu.memory_space<vmem>>
    %dma_start3A_160 = arith.constant 0 : i32
    %dma_start3A_161 = arith.constant 0 : i32
    %dma_start3A_162 = tpu.memref_slice %arg2[%dma_start3A_160, %dma_start3A_161] : memref<26000x16xf32, #tpu.memory_space<hbm>> -> memref<26000x16xf32, #tpu.memory_space<hbm>>
    tpu.enqueue_indirect_dma source(%dma_start3A_162 : memref<26000x16xf32, #tpu.memory_space<hbm>>) target(%dma_start3A_156 : memref<128x16xf32, #tpu.memory_space<vmem>>) offsets(%dma_start3A_159 : memref<128xi32, #tpu.memory_space<vmem>>) semaphore(%arg8 : memref<!tpu.dma_semaphore, #tpu.memory_space<semaphore_mem>>)
    %dma_start3A_163 = arith.constant 11 : i32
    %dma_start3A_164 = arith.constant 384 : i32
    %dma_start3A_165 = arith.constant 0 : i32
    %dma_start3A_166 = tpu.memref_slice %arg6[%dma_start3A_164, %dma_start3A_165] : memref<512x16xf32, #tpu.memory_space<vmem>> -> memref<128x16xf32, #tpu.memory_space<vmem>>
    %dma_start3A_167 = arith.constant 0 : i32
    %dma_start3A_168 = tpu.memref_slice %arg5[%dma_start3A_163, %dma_start3A_167] : memref<52x128xi32, #tpu.memory_space<vmem>> -> memref<1x128xi32, #tpu.memory_space<vmem>>
    %dma_start3A_169 = tpu.memref_squeeze %dma_start3A_168 : memref<1x128xi32, #tpu.memory_space<vmem>> -> memref<128xi32, #tpu.memory_space<vmem>>
    %dma_start3A_170 = arith.constant 0 : i32
    %dma_start3A_171 = arith.constant 0 : i32
    %dma_start3A_172 = tpu.memref_slice %arg2[%dma_start3A_170, %dma_start3A_171] : memref<26000x16xf32, #tpu.memory_space<hbm>> -> memref<26000x16xf32, #tpu.memory_space<hbm>>
    tpu.enqueue_indirect_dma source(%dma_start3A_172 : memref<26000x16xf32, #tpu.memory_space<hbm>>) target(%dma_start3A_166 : memref<128x16xf32, #tpu.memory_space<vmem>>) offsets(%dma_start3A_169 : memref<128xi32, #tpu.memory_space<vmem>>) semaphore(%arg8 : memref<!tpu.dma_semaphore, #tpu.memory_space<semaphore_mem>>)
    %dma_wait3A_173 = arith.constant 4 : i32
    %dma_wait3A_174 = arith.constant 0 : i32
    %dma_wait3A_175 = arith.constant 0 : i32
    %dma_wait3A_176 = tpu.memref_slice %arg7[%dma_wait3A_174, %dma_wait3A_175] : memref<512x16xf32, #tpu.memory_space<vmem>> -> memref<128x16xf32, #tpu.memory_space<vmem>>
    %dma_wait3A_177 = arith.constant 0 : i32
    %dma_wait3A_178 = tpu.memref_slice %arg5[%dma_wait3A_173, %dma_wait3A_177] : memref<52x128xi32, #tpu.memory_space<vmem>> -> memref<1x128xi32, #tpu.memory_space<vmem>>
    %dma_wait3A_179 = tpu.memref_squeeze %dma_wait3A_178 : memref<1x128xi32, #tpu.memory_space<vmem>> -> memref<128xi32, #tpu.memory_space<vmem>>
    %dma_wait3A_180 = arith.constant 0 : i32
    %dma_wait3A_181 = arith.constant 0 : i32
    %dma_wait3A_182 = tpu.memref_slice %arg2[%dma_wait3A_180, %dma_wait3A_181] : memref<26000x16xf32, #tpu.memory_space<hbm>> -> memref<26000x16xf32, #tpu.memory_space<hbm>>
    tpu.wait_indirect_dma semaphore(%arg9 : memref<!tpu.dma_semaphore, #tpu.memory_space<semaphore_mem>>) src(%dma_wait3A_182 : memref<26000x16xf32, #tpu.memory_space<hbm>>) dst(%dma_wait3A_176 : memref<128x16xf32, #tpu.memory_space<vmem>>)
    %dma_wait3A_183 = arith.constant 5 : i32
    %dma_wait3A_184 = arith.constant 128 : i32
    %dma_wait3A_185 = arith.constant 0 : i32
    %dma_wait3A_186 = tpu.memref_slice %arg7[%dma_wait3A_184, %dma_wait3A_185] : memref<512x16xf32, #tpu.memory_space<vmem>> -> memref<128x16xf32, #tpu.memory_space<vmem>>
    %dma_wait3A_187 = arith.constant 0 : i32
    %dma_wait3A_188 = tpu.memref_slice %arg5[%dma_wait3A_183, %dma_wait3A_187] : memref<52x128xi32, #tpu.memory_space<vmem>> -> memref<1x128xi32, #tpu.memory_space<vmem>>
    %dma_wait3A_189 = tpu.memref_squeeze %dma_wait3A_188 : memref<1x128xi32, #tpu.memory_space<vmem>> -> memref<128xi32, #tpu.memory_space<vmem>>
    %dma_wait3A_190 = arith.constant 0 : i32
    %dma_wait3A_191 = arith.constant 0 : i32
    %dma_wait3A_192 = tpu.memref_slice %arg2[%dma_wait3A_190, %dma_wait3A_191] : memref<26000x16xf32, #tpu.memory_space<hbm>> -> memref<26000x16xf32, #tpu.memory_space<hbm>>
    tpu.wait_indirect_dma semaphore(%arg9 : memref<!tpu.dma_semaphore, #tpu.memory_space<semaphore_mem>>) src(%dma_wait3A_192 : memref<26000x16xf32, #tpu.memory_space<hbm>>) dst(%dma_wait3A_186 : memref<128x16xf32, #tpu.memory_space<vmem>>)
    %dma_wait3A_193 = arith.constant 6 : i32
    %dma_wait3A_194 = arith.constant 256 : i32
    %dma_wait3A_195 = arith.constant 0 : i32
    %dma_wait3A_196 = tpu.memref_slice %arg7[%dma_wait3A_194, %dma_wait3A_195] : memref<512x16xf32, #tpu.memory_space<vmem>> -> memref<128x16xf32, #tpu.memory_space<vmem>>
    %dma_wait3A_197 = arith.constant 0 : i32
    %dma_wait3A_198 = tpu.memref_slice %arg5[%dma_wait3A_193, %dma_wait3A_197] : memref<52x128xi32, #tpu.memory_space<vmem>> -> memref<1x128xi32, #tpu.memory_space<vmem>>
    %dma_wait3A_199 = tpu.memref_squeeze %dma_wait3A_198 : memref<1x128xi32, #tpu.memory_space<vmem>> -> memref<128xi32, #tpu.memory_space<vmem>>
    %dma_wait3A_200 = arith.constant 0 : i32
    %dma_wait3A_201 = arith.constant 0 : i32
    %dma_wait3A_202 = tpu.memref_slice %arg2[%dma_wait3A_200, %dma_wait3A_201] : memref<26000x16xf32, #tpu.memory_space<hbm>> -> memref<26000x16xf32, #tpu.memory_space<hbm>>
    tpu.wait_indirect_dma semaphore(%arg9 : memref<!tpu.dma_semaphore, #tpu.memory_space<semaphore_mem>>) src(%dma_wait3A_202 : memref<26000x16xf32, #tpu.memory_space<hbm>>) dst(%dma_wait3A_196 : memref<128x16xf32, #tpu.memory_space<vmem>>)
    %dma_wait3A_203 = arith.constant 7 : i32
    %dma_wait3A_204 = arith.constant 384 : i32
    %dma_wait3A_205 = arith.constant 0 : i32
    %dma_wait3A_206 = tpu.memref_slice %arg7[%dma_wait3A_204, %dma_wait3A_205] : memref<512x16xf32, #tpu.memory_space<vmem>> -> memref<128x16xf32, #tpu.memory_space<vmem>>
    %dma_wait3A_207 = arith.constant 0 : i32
    %dma_wait3A_208 = tpu.memref_slice %arg5[%dma_wait3A_203, %dma_wait3A_207] : memref<52x128xi32, #tpu.memory_space<vmem>> -> memref<1x128xi32, #tpu.memory_space<vmem>>
    %dma_wait3A_209 = tpu.memref_squeeze %dma_wait3A_208 : memref<1x128xi32, #tpu.memory_space<vmem>> -> memref<128xi32, #tpu.memory_space<vmem>>
    %dma_wait3A_210 = arith.constant 0 : i32
    %dma_wait3A_211 = arith.constant 0 : i32
    %dma_wait3A_212 = tpu.memref_slice %arg2[%dma_wait3A_210, %dma_wait3A_211] : memref<26000x16xf32, #tpu.memory_space<hbm>> -> memref<26000x16xf32, #tpu.memory_space<hbm>>
    tpu.wait_indirect_dma semaphore(%arg9 : memref<!tpu.dma_semaphore, #tpu.memory_space<semaphore_mem>>) src(%dma_wait3A_212 : memref<26000x16xf32, #tpu.memory_space<hbm>>) dst(%dma_wait3A_206 : memref<128x16xf32, #tpu.memory_space<vmem>>)
    %add3A_213 = arith.constant 512 : i32
    %add3A_214 = arith.addi %mul3A_2, %add3A_213 : i32
    %dma_start3A_215 = arith.constant 0 : i32
    %dma_start3A_216 = tpu.memref_slice %arg4[%add3A_214, %dma_start3A_215] : memref<212992x16xf32, #tpu.memory_space<hbm>> -> memref<512x16xf32, #tpu.memory_space<hbm>>
    %dma_start3A_217 = arith.constant 0 : i32
    %dma_start3A_218 = tpu.memref_slice %arg4[%add3A_214, %dma_start3A_217] : memref<212992x16xf32, #tpu.memory_space<hbm>> -> memref<512x16xf32, #tpu.memory_space<hbm>>
    tpu.enqueue_dma source(%arg7 : memref<512x16xf32, #tpu.memory_space<vmem>>) target(%dma_start3A_218 : memref<512x16xf32, #tpu.memory_space<hbm>>) target_semaphore(%arg11 : memref<!tpu.dma_semaphore, #tpu.memory_space<semaphore_mem>>)
    %dma_wait3A_219 = arith.constant 0 : i32
    %dma_wait3A_220 = tpu.memref_slice %arg4[%add3A_214, %dma_wait3A_219] : memref<212992x16xf32, #tpu.memory_space<hbm>> -> memref<512x16xf32, #tpu.memory_space<hbm>>
    %dma_wait3A_221 = arith.constant 0 : i32
    %dma_wait3A_222 = tpu.memref_slice %arg4[%add3A_214, %dma_wait3A_221] : memref<212992x16xf32, #tpu.memory_space<hbm>> -> memref<512x16xf32, #tpu.memory_space<hbm>>
    tpu.wait_dma2 semaphore(%arg11 : memref<!tpu.dma_semaphore, #tpu.memory_space<semaphore_mem>>) src(%arg7 : memref<512x16xf32, #tpu.memory_space<vmem>>) dst(%dma_wait3A_222 : memref<512x16xf32, #tpu.memory_space<hbm>>)
    %dma_start3A_223 = arith.constant 12 : i32
    %dma_start3A_224 = arith.constant 0 : i32
    %dma_start3A_225 = arith.constant 0 : i32
    %dma_start3A_226 = tpu.memref_slice %arg7[%dma_start3A_224, %dma_start3A_225] : memref<512x16xf32, #tpu.memory_space<vmem>> -> memref<128x16xf32, #tpu.memory_space<vmem>>
    %dma_start3A_227 = arith.constant 0 : i32
    %dma_start3A_228 = tpu.memref_slice %arg5[%dma_start3A_223, %dma_start3A_227] : memref<52x128xi32, #tpu.memory_space<vmem>> -> memref<1x128xi32, #tpu.memory_space<vmem>>
    %dma_start3A_229 = tpu.memref_squeeze %dma_start3A_228 : memref<1x128xi32, #tpu.memory_space<vmem>> -> memref<128xi32, #tpu.memory_space<vmem>>
    %dma_start3A_230 = arith.constant 0 : i32
    %dma_start3A_231 = arith.constant 0 : i32
    %dma_start3A_232 = tpu.memref_slice %arg2[%dma_start3A_230, %dma_start3A_231] : memref<26000x16xf32, #tpu.memory_space<hbm>> -> memref<26000x16xf32, #tpu.memory_space<hbm>>
    tpu.enqueue_indirect_dma source(%dma_start3A_232 : memref<26000x16xf32, #tpu.memory_space<hbm>>) target(%dma_start3A_226 : memref<128x16xf32, #tpu.memory_space<vmem>>) offsets(%dma_start3A_229 : memref<128xi32, #tpu.memory_space<vmem>>) semaphore(%arg9 : memref<!tpu.dma_semaphore, #tpu.memory_space<semaphore_mem>>)
    %dma_start3A_233 = arith.constant 13 : i32
    %dma_start3A_234 = arith.constant 128 : i32
    %dma_start3A_235 = arith.constant 0 : i32
    %dma_start3A_236 = tpu.memref_slice %arg7[%dma_start3A_234, %dma_start3A_235] : memref<512x16xf32, #tpu.memory_space<vmem>> -> memref<128x16xf32, #tpu.memory_space<vmem>>
    %dma_start3A_237 = arith.constant 0 : i32
    %dma_start3A_238 = tpu.memref_slice %arg5[%dma_start3A_233, %dma_start3A_237] : memref<52x128xi32, #tpu.memory_space<vmem>> -> memref<1x128xi32, #tpu.memory_space<vmem>>
    %dma_start3A_239 = tpu.memref_squeeze %dma_start3A_238 : memref<1x128xi32, #tpu.memory_space<vmem>> -> memref<128xi32, #tpu.memory_space<vmem>>
    %dma_start3A_240 = arith.constant 0 : i32
    %dma_start3A_241 = arith.constant 0 : i32
    %dma_start3A_242 = tpu.memref_slice %arg2[%dma_start3A_240, %dma_start3A_241] : memref<26000x16xf32, #tpu.memory_space<hbm>> -> memref<26000x16xf32, #tpu.memory_space<hbm>>
    tpu.enqueue_indirect_dma source(%dma_start3A_242 : memref<26000x16xf32, #tpu.memory_space<hbm>>) target(%dma_start3A_236 : memref<128x16xf32, #tpu.memory_space<vmem>>) offsets(%dma_start3A_239 : memref<128xi32, #tpu.memory_space<vmem>>) semaphore(%arg9 : memref<!tpu.dma_semaphore, #tpu.memory_space<semaphore_mem>>)
    %dma_start3A_243 = arith.constant 14 : i32
    %dma_start3A_244 = arith.constant 256 : i32
    %dma_start3A_245 = arith.constant 0 : i32
    %dma_start3A_246 = tpu.memref_slice %arg7[%dma_start3A_244, %dma_start3A_245] : memref<512x16xf32, #tpu.memory_space<vmem>> -> memref<128x16xf32, #tpu.memory_space<vmem>>
    %dma_start3A_247 = arith.constant 0 : i32
    %dma_start3A_248 = tpu.memref_slice %arg5[%dma_start3A_243, %dma_start3A_247] : memref<52x128xi32, #tpu.memory_space<vmem>> -> memref<1x128xi32, #tpu.memory_space<vmem>>
    %dma_start3A_249 = tpu.memref_squeeze %dma_start3A_248 : memref<1x128xi32, #tpu.memory_space<vmem>> -> memref<128xi32, #tpu.memory_space<vmem>>
    %dma_start3A_250 = arith.constant 0 : i32
    %dma_start3A_251 = arith.constant 0 : i32
    %dma_start3A_252 = tpu.memref_slice %arg2[%dma_start3A_250, %dma_start3A_251] : memref<26000x16xf32, #tpu.memory_space<hbm>> -> memref<26000x16xf32, #tpu.memory_space<hbm>>
    tpu.enqueue_indirect_dma source(%dma_start3A_252 : memref<26000x16xf32, #tpu.memory_space<hbm>>) target(%dma_start3A_246 : memref<128x16xf32, #tpu.memory_space<vmem>>) offsets(%dma_start3A_249 : memref<128xi32, #tpu.memory_space<vmem>>) semaphore(%arg9 : memref<!tpu.dma_semaphore, #tpu.memory_space<semaphore_mem>>)
    %dma_start3A_253 = arith.constant 15 : i32
    %dma_start3A_254 = arith.constant 384 : i32
    %dma_start3A_255 = arith.constant 0 : i32
    %dma_start3A_256 = tpu.memref_slice %arg7[%dma_start3A_254, %dma_start3A_255] : memref<512x16xf32, #tpu.memory_space<vmem>> -> memref<128x16xf32, #tpu.memory_space<vmem>>
    %dma_start3A_257 = arith.constant 0 : i32
    %dma_start3A_258 = tpu.memref_slice %arg5[%dma_start3A_253, %dma_start3A_257] : memref<52x128xi32, #tpu.memory_space<vmem>> -> memref<1x128xi32, #tpu.memory_space<vmem>>
    %dma_start3A_259 = tpu.memref_squeeze %dma_start3A_258 : memref<1x128xi32, #tpu.memory_space<vmem>> -> memref<128xi32, #tpu.memory_space<vmem>>
    %dma_start3A_260 = arith.constant 0 : i32
    %dma_start3A_261 = arith.constant 0 : i32
    %dma_start3A_262 = tpu.memref_slice %arg2[%dma_start3A_260, %dma_start3A_261] : memref<26000x16xf32, #tpu.memory_space<hbm>> -> memref<26000x16xf32, #tpu.memory_space<hbm>>
    tpu.enqueue_indirect_dma source(%dma_start3A_262 : memref<26000x16xf32, #tpu.memory_space<hbm>>) target(%dma_start3A_256 : memref<128x16xf32, #tpu.memory_space<vmem>>) offsets(%dma_start3A_259 : memref<128xi32, #tpu.memory_space<vmem>>) semaphore(%arg9 : memref<!tpu.dma_semaphore, #tpu.memory_space<semaphore_mem>>)
    %dma_wait3A_263 = arith.constant 8 : i32
    %dma_wait3A_264 = arith.constant 0 : i32
    %dma_wait3A_265 = arith.constant 0 : i32
    %dma_wait3A_266 = tpu.memref_slice %arg6[%dma_wait3A_264, %dma_wait3A_265] : memref<512x16xf32, #tpu.memory_space<vmem>> -> memref<128x16xf32, #tpu.memory_space<vmem>>
    %dma_wait3A_267 = arith.constant 0 : i32
    %dma_wait3A_268 = tpu.memref_slice %arg5[%dma_wait3A_263, %dma_wait3A_267] : memref<52x128xi32, #tpu.memory_space<vmem>> -> memref<1x128xi32, #tpu.memory_space<vmem>>
    %dma_wait3A_269 = tpu.memref_squeeze %dma_wait3A_268 : memref<1x128xi32, #tpu.memory_space<vmem>> -> memref<128xi32, #tpu.memory_space<vmem>>
    %dma_wait3A_270 = arith.constant 0 : i32
    %dma_wait3A_271 = arith.constant 0 : i32
    %dma_wait3A_272 = tpu.memref_slice %arg2[%dma_wait3A_270, %dma_wait3A_271] : memref<26000x16xf32, #tpu.memory_space<hbm>> -> memref<26000x16xf32, #tpu.memory_space<hbm>>
    tpu.wait_indirect_dma semaphore(%arg8 : memref<!tpu.dma_semaphore, #tpu.memory_space<semaphore_mem>>) src(%dma_wait3A_272 : memref<26000x16xf32, #tpu.memory_space<hbm>>) dst(%dma_wait3A_266 : memref<128x16xf32, #tpu.memory_space<vmem>>)
    %dma_wait3A_273 = arith.constant 9 : i32
    %dma_wait3A_274 = arith.constant 128 : i32
    %dma_wait3A_275 = arith.constant 0 : i32
    %dma_wait3A_276 = tpu.memref_slice %arg6[%dma_wait3A_274, %dma_wait3A_275] : memref<512x16xf32, #tpu.memory_space<vmem>> -> memref<128x16xf32, #tpu.memory_space<vmem>>
    %dma_wait3A_277 = arith.constant 0 : i32
    %dma_wait3A_278 = tpu.memref_slice %arg5[%dma_wait3A_273, %dma_wait3A_277] : memref<52x128xi32, #tpu.memory_space<vmem>> -> memref<1x128xi32, #tpu.memory_space<vmem>>
    %dma_wait3A_279 = tpu.memref_squeeze %dma_wait3A_278 : memref<1x128xi32, #tpu.memory_space<vmem>> -> memref<128xi32, #tpu.memory_space<vmem>>
    %dma_wait3A_280 = arith.constant 0 : i32
    %dma_wait3A_281 = arith.constant 0 : i32
    %dma_wait3A_282 = tpu.memref_slice %arg2[%dma_wait3A_280, %dma_wait3A_281] : memref<26000x16xf32, #tpu.memory_space<hbm>> -> memref<26000x16xf32, #tpu.memory_space<hbm>>
    tpu.wait_indirect_dma semaphore(%arg8 : memref<!tpu.dma_semaphore, #tpu.memory_space<semaphore_mem>>) src(%dma_wait3A_282 : memref<26000x16xf32, #tpu.memory_space<hbm>>) dst(%dma_wait3A_276 : memref<128x16xf32, #tpu.memory_space<vmem>>)
    %dma_wait3A_283 = arith.constant 10 : i32
    %dma_wait3A_284 = arith.constant 256 : i32
    %dma_wait3A_285 = arith.constant 0 : i32
    %dma_wait3A_286 = tpu.memref_slice %arg6[%dma_wait3A_284, %dma_wait3A_285] : memref<512x16xf32, #tpu.memory_space<vmem>> -> memref<128x16xf32, #tpu.memory_space<vmem>>
    %dma_wait3A_287 = arith.constant 0 : i32
    %dma_wait3A_288 = tpu.memref_slice %arg5[%dma_wait3A_283, %dma_wait3A_287] : memref<52x128xi32, #tpu.memory_space<vmem>> -> memref<1x128xi32, #tpu.memory_space<vmem>>
    %dma_wait3A_289 = tpu.memref_squeeze %dma_wait3A_288 : memref<1x128xi32, #tpu.memory_space<vmem>> -> memref<128xi32, #tpu.memory_space<vmem>>
    %dma_wait3A_290 = arith.constant 0 : i32
    %dma_wait3A_291 = arith.constant 0 : i32
    %dma_wait3A_292 = tpu.memref_slice %arg2[%dma_wait3A_290, %dma_wait3A_291] : memref<26000x16xf32, #tpu.memory_space<hbm>> -> memref<26000x16xf32, #tpu.memory_space<hbm>>
    tpu.wait_indirect_dma semaphore(%arg8 : memref<!tpu.dma_semaphore, #tpu.memory_space<semaphore_mem>>) src(%dma_wait3A_292 : memref<26000x16xf32, #tpu.memory_space<hbm>>) dst(%dma_wait3A_286 : memref<128x16xf32, #tpu.memory_space<vmem>>)
    %dma_wait3A_293 = arith.constant 11 : i32
    %dma_wait3A_294 = arith.constant 384 : i32
    %dma_wait3A_295 = arith.constant 0 : i32
    %dma_wait3A_296 = tpu.memref_slice %arg6[%dma_wait3A_294, %dma_wait3A_295] : memref<512x16xf32, #tpu.memory_space<vmem>> -> memref<128x16xf32, #tpu.memory_space<vmem>>
    %dma_wait3A_297 = arith.constant 0 : i32
    %dma_wait3A_298 = tpu.memref_slice %arg5[%dma_wait3A_293, %dma_wait3A_297] : memref<52x128xi32, #tpu.memory_space<vmem>> -> memref<1x128xi32, #tpu.memory_space<vmem>>
    %dma_wait3A_299 = tpu.memref_squeeze %dma_wait3A_298 : memref<1x128xi32, #tpu.memory_space<vmem>> -> memref<128xi32, #tpu.memory_space<vmem>>
    %dma_wait3A_300 = arith.constant 0 : i32
    %dma_wait3A_301 = arith.constant 0 : i32
    %dma_wait3A_302 = tpu.memref_slice %arg2[%dma_wait3A_300, %dma_wait3A_301] : memref<26000x16xf32, #tpu.memory_space<hbm>> -> memref<26000x16xf32, #tpu.memory_space<hbm>>
    tpu.wait_indirect_dma semaphore(%arg8 : memref<!tpu.dma_semaphore, #tpu.memory_space<semaphore_mem>>) src(%dma_wait3A_302 : memref<26000x16xf32, #tpu.memory_space<hbm>>) dst(%dma_wait3A_296 : memref<128x16xf32, #tpu.memory_space<vmem>>)
    %add3A_303 = arith.constant 1024 : i32
    %add3A_304 = arith.addi %mul3A_2, %add3A_303 : i32
    %dma_start3A_305 = arith.constant 0 : i32
    %dma_start3A_306 = tpu.memref_slice %arg4[%add3A_304, %dma_start3A_305] : memref<212992x16xf32, #tpu.memory_space<hbm>> -> memref<512x16xf32, #tpu.memory_space<hbm>>
    %dma_start3A_307 = arith.constant 0 : i32
    %dma_start3A_308 = tpu.memref_slice %arg4[%add3A_304, %dma_start3A_307] : memref<212992x16xf32, #tpu.memory_space<hbm>> -> memref<512x16xf32, #tpu.memory_space<hbm>>
    tpu.enqueue_dma source(%arg6 : memref<512x16xf32, #tpu.memory_space<vmem>>) target(%dma_start3A_308 : memref<512x16xf32, #tpu.memory_space<hbm>>) target_semaphore(%arg10 : memref<!tpu.dma_semaphore, #tpu.memory_space<semaphore_mem>>)
    %dma_wait3A_309 = arith.constant 0 : i32
    %dma_wait3A_310 = tpu.memref_slice %arg4[%add3A_304, %dma_wait3A_309] : memref<212992x16xf32, #tpu.memory_space<hbm>> -> memref<512x16xf32, #tpu.memory_space<hbm>>
    %dma_wait3A_311 = arith.constant 0 : i32
    %dma_wait3A_312 = tpu.memref_slice %arg4[%add3A_304, %dma_wait3A_311] : memref<212992x16xf32, #tpu.memory_space<hbm>> -> memref<512x16xf32, #tpu.memory_space<hbm>>
    tpu.wait_dma2 semaphore(%arg10 : memref<!tpu.dma_semaphore, #tpu.memory_space<semaphore_mem>>) src(%arg6 : memref<512x16xf32, #tpu.memory_space<vmem>>) dst(%dma_wait3A_312 : memref<512x16xf32, #tpu.memory_space<hbm>>)
    %dma_start3A_313 = arith.constant 16 : i32
    %dma_start3A_314 = arith.constant 0 : i32
    %dma_start3A_315 = arith.constant 0 : i32
    %dma_start3A_316 = tpu.memref_slice %arg6[%dma_start3A_314, %dma_start3A_315] : memref<512x16xf32, #tpu.memory_space<vmem>> -> memref<128x16xf32, #tpu.memory_space<vmem>>
    %dma_start3A_317 = arith.constant 0 : i32
    %dma_start3A_318 = tpu.memref_slice %arg5[%dma_start3A_313, %dma_start3A_317] : memref<52x128xi32, #tpu.memory_space<vmem>> -> memref<1x128xi32, #tpu.memory_space<vmem>>
    %dma_start3A_319 = tpu.memref_squeeze %dma_start3A_318 : memref<1x128xi32, #tpu.memory_space<vmem>> -> memref<128xi32, #tpu.memory_space<vmem>>
    %dma_start3A_320 = arith.constant 0 : i32
    %dma_start3A_321 = arith.constant 0 : i32
    %dma_start3A_322 = tpu.memref_slice %arg2[%dma_start3A_320, %dma_start3A_321] : memref<26000x16xf32, #tpu.memory_space<hbm>> -> memref<26000x16xf32, #tpu.memory_space<hbm>>
    tpu.enqueue_indirect_dma source(%dma_start3A_322 : memref<26000x16xf32, #tpu.memory_space<hbm>>) target(%dma_start3A_316 : memref<128x16xf32, #tpu.memory_space<vmem>>) offsets(%dma_start3A_319 : memref<128xi32, #tpu.memory_space<vmem>>) semaphore(%arg8 : memref<!tpu.dma_semaphore, #tpu.memory_space<semaphore_mem>>)
    %dma_start3A_323 = arith.constant 17 : i32
    %dma_start3A_324 = arith.constant 128 : i32
    %dma_start3A_325 = arith.constant 0 : i32
    %dma_start3A_326 = tpu.memref_slice %arg6[%dma_start3A_324, %dma_start3A_325] : memref<512x16xf32, #tpu.memory_space<vmem>> -> memref<128x16xf32, #tpu.memory_space<vmem>>
    %dma_start3A_327 = arith.constant 0 : i32
    %dma_start3A_328 = tpu.memref_slice %arg5[%dma_start3A_323, %dma_start3A_327] : memref<52x128xi32, #tpu.memory_space<vmem>> -> memref<1x128xi32, #tpu.memory_space<vmem>>
    %dma_start3A_329 = tpu.memref_squeeze %dma_start3A_328 : memref<1x128xi32, #tpu.memory_space<vmem>> -> memref<128xi32, #tpu.memory_space<vmem>>
    %dma_start3A_330 = arith.constant 0 : i32
    %dma_start3A_331 = arith.constant 0 : i32
    %dma_start3A_332 = tpu.memref_slice %arg2[%dma_start3A_330, %dma_start3A_331] : memref<26000x16xf32, #tpu.memory_space<hbm>> -> memref<26000x16xf32, #tpu.memory_space<hbm>>
    tpu.enqueue_indirect_dma source(%dma_start3A_332 : memref<26000x16xf32, #tpu.memory_space<hbm>>) target(%dma_start3A_326 : memref<128x16xf32, #tpu.memory_space<vmem>>) offsets(%dma_start3A_329 : memref<128xi32, #tpu.memory_space<vmem>>) semaphore(%arg8 : memref<!tpu.dma_semaphore, #tpu.memory_space<semaphore_mem>>)
    %dma_start3A_333 = arith.constant 18 : i32
    %dma_start3A_334 = arith.constant 256 : i32
    %dma_start3A_335 = arith.constant 0 : i32
    %dma_start3A_336 = tpu.memref_slice %arg6[%dma_start3A_334, %dma_start3A_335] : memref<512x16xf32, #tpu.memory_space<vmem>> -> memref<128x16xf32, #tpu.memory_space<vmem>>
    %dma_start3A_337 = arith.constant 0 : i32
    %dma_start3A_338 = tpu.memref_slice %arg5[%dma_start3A_333, %dma_start3A_337] : memref<52x128xi32, #tpu.memory_space<vmem>> -> memref<1x128xi32, #tpu.memory_space<vmem>>
    %dma_start3A_339 = tpu.memref_squeeze %dma_start3A_338 : memref<1x128xi32, #tpu.memory_space<vmem>> -> memref<128xi32, #tpu.memory_space<vmem>>
    %dma_start3A_340 = arith.constant 0 : i32
    %dma_start3A_341 = arith.constant 0 : i32
    %dma_start3A_342 = tpu.memref_slice %arg2[%dma_start3A_340, %dma_start3A_341] : memref<26000x16xf32, #tpu.memory_space<hbm>> -> memref<26000x16xf32, #tpu.memory_space<hbm>>
    tpu.enqueue_indirect_dma source(%dma_start3A_342 : memref<26000x16xf32, #tpu.memory_space<hbm>>) target(%dma_start3A_336 : memref<128x16xf32, #tpu.memory_space<vmem>>) offsets(%dma_start3A_339 : memref<128xi32, #tpu.memory_space<vmem>>) semaphore(%arg8 : memref<!tpu.dma_semaphore, #tpu.memory_space<semaphore_mem>>)
    %dma_start3A_343 = arith.constant 19 : i32
    %dma_start3A_344 = arith.constant 384 : i32
    %dma_start3A_345 = arith.constant 0 : i32
    %dma_start3A_346 = tpu.memref_slice %arg6[%dma_start3A_344, %dma_start3A_345] : memref<512x16xf32, #tpu.memory_space<vmem>> -> memref<128x16xf32, #tpu.memory_space<vmem>>
    %dma_start3A_347 = arith.constant 0 : i32
    %dma_start3A_348 = tpu.memref_slice %arg5[%dma_start3A_343, %dma_start3A_347] : memref<52x128xi32, #tpu.memory_space<vmem>> -> memref<1x128xi32, #tpu.memory_space<vmem>>
    %dma_start3A_349 = tpu.memref_squeeze %dma_start3A_348 : memref<1x128xi32, #tpu.memory_space<vmem>> -> memref<128xi32, #tpu.memory_space<vmem>>
    %dma_start3A_350 = arith.constant 0 : i32
    %dma_start3A_351 = arith.constant 0 : i32
    %dma_start3A_352 = tpu.memref_slice %arg2[%dma_start3A_350, %dma_start3A_351] : memref<26000x16xf32, #tpu.memory_space<hbm>> -> memref<26000x16xf32, #tpu.memory_space<hbm>>
    tpu.enqueue_indirect_dma source(%dma_start3A_352 : memref<26000x16xf32, #tpu.memory_space<hbm>>) target(%dma_start3A_346 : memref<128x16xf32, #tpu.memory_space<vmem>>) offsets(%dma_start3A_349 : memref<128xi32, #tpu.memory_space<vmem>>) semaphore(%arg8 : memref<!tpu.dma_semaphore, #tpu.memory_space<semaphore_mem>>)
    %dma_wait3A_353 = arith.constant 12 : i32
    %dma_wait3A_354 = arith.constant 0 : i32
    %dma_wait3A_355 = arith.constant 0 : i32
    %dma_wait3A_356 = tpu.memref_slice %arg7[%dma_wait3A_354, %dma_wait3A_355] : memref<512x16xf32, #tpu.memory_space<vmem>> -> memref<128x16xf32, #tpu.memory_space<vmem>>
    %dma_wait3A_357 = arith.constant 0 : i32
    %dma_wait3A_358 = tpu.memref_slice %arg5[%dma_wait3A_353, %dma_wait3A_357] : memref<52x128xi32, #tpu.memory_space<vmem>> -> memref<1x128xi32, #tpu.memory_space<vmem>>
    %dma_wait3A_359 = tpu.memref_squeeze %dma_wait3A_358 : memref<1x128xi32, #tpu.memory_space<vmem>> -> memref<128xi32, #tpu.memory_space<vmem>>
    %dma_wait3A_360 = arith.constant 0 : i32
    %dma_wait3A_361 = arith.constant 0 : i32
    %dma_wait3A_362 = tpu.memref_slice %arg2[%dma_wait3A_360, %dma_wait3A_361] : memref<26000x16xf32, #tpu.memory_space<hbm>> -> memref<26000x16xf32, #tpu.memory_space<hbm>>
    tpu.wait_indirect_dma semaphore(%arg9 : memref<!tpu.dma_semaphore, #tpu.memory_space<semaphore_mem>>) src(%dma_wait3A_362 : memref<26000x16xf32, #tpu.memory_space<hbm>>) dst(%dma_wait3A_356 : memref<128x16xf32, #tpu.memory_space<vmem>>)
    %dma_wait3A_363 = arith.constant 13 : i32
    %dma_wait3A_364 = arith.constant 128 : i32
    %dma_wait3A_365 = arith.constant 0 : i32
    %dma_wait3A_366 = tpu.memref_slice %arg7[%dma_wait3A_364, %dma_wait3A_365] : memref<512x16xf32, #tpu.memory_space<vmem>> -> memref<128x16xf32, #tpu.memory_space<vmem>>
    %dma_wait3A_367 = arith.constant 0 : i32
    %dma_wait3A_368 = tpu.memref_slice %arg5[%dma_wait3A_363, %dma_wait3A_367] : memref<52x128xi32, #tpu.memory_space<vmem>> -> memref<1x128xi32, #tpu.memory_space<vmem>>
    %dma_wait3A_369 = tpu.memref_squeeze %dma_wait3A_368 : memref<1x128xi32, #tpu.memory_space<vmem>> -> memref<128xi32, #tpu.memory_space<vmem>>
    %dma_wait3A_370 = arith.constant 0 : i32
    %dma_wait3A_371 = arith.constant 0 : i32
    %dma_wait3A_372 = tpu.memref_slice %arg2[%dma_wait3A_370, %dma_wait3A_371] : memref<26000x16xf32, #tpu.memory_space<hbm>> -> memref<26000x16xf32, #tpu.memory_space<hbm>>
    tpu.wait_indirect_dma semaphore(%arg9 : memref<!tpu.dma_semaphore, #tpu.memory_space<semaphore_mem>>) src(%dma_wait3A_372 : memref<26000x16xf32, #tpu.memory_space<hbm>>) dst(%dma_wait3A_366 : memref<128x16xf32, #tpu.memory_space<vmem>>)
    %dma_wait3A_373 = arith.constant 14 : i32
    %dma_wait3A_374 = arith.constant 256 : i32
    %dma_wait3A_375 = arith.constant 0 : i32
    %dma_wait3A_376 = tpu.memref_slice %arg7[%dma_wait3A_374, %dma_wait3A_375] : memref<512x16xf32, #tpu.memory_space<vmem>> -> memref<128x16xf32, #tpu.memory_space<vmem>>
    %dma_wait3A_377 = arith.constant 0 : i32
    %dma_wait3A_378 = tpu.memref_slice %arg5[%dma_wait3A_373, %dma_wait3A_377] : memref<52x128xi32, #tpu.memory_space<vmem>> -> memref<1x128xi32, #tpu.memory_space<vmem>>
    %dma_wait3A_379 = tpu.memref_squeeze %dma_wait3A_378 : memref<1x128xi32, #tpu.memory_space<vmem>> -> memref<128xi32, #tpu.memory_space<vmem>>
    %dma_wait3A_380 = arith.constant 0 : i32
    %dma_wait3A_381 = arith.constant 0 : i32
    %dma_wait3A_382 = tpu.memref_slice %arg2[%dma_wait3A_380, %dma_wait3A_381] : memref<26000x16xf32, #tpu.memory_space<hbm>> -> memref<26000x16xf32, #tpu.memory_space<hbm>>
    tpu.wait_indirect_dma semaphore(%arg9 : memref<!tpu.dma_semaphore, #tpu.memory_space<semaphore_mem>>) src(%dma_wait3A_382 : memref<26000x16xf32, #tpu.memory_space<hbm>>) dst(%dma_wait3A_376 : memref<128x16xf32, #tpu.memory_space<vmem>>)
    %dma_wait3A_383 = arith.constant 15 : i32
    %dma_wait3A_384 = arith.constant 384 : i32
    %dma_wait3A_385 = arith.constant 0 : i32
    %dma_wait3A_386 = tpu.memref_slice %arg7[%dma_wait3A_384, %dma_wait3A_385] : memref<512x16xf32, #tpu.memory_space<vmem>> -> memref<128x16xf32, #tpu.memory_space<vmem>>
    %dma_wait3A_387 = arith.constant 0 : i32
    %dma_wait3A_388 = tpu.memref_slice %arg5[%dma_wait3A_383, %dma_wait3A_387] : memref<52x128xi32, #tpu.memory_space<vmem>> -> memref<1x128xi32, #tpu.memory_space<vmem>>
    %dma_wait3A_389 = tpu.memref_squeeze %dma_wait3A_388 : memref<1x128xi32, #tpu.memory_space<vmem>> -> memref<128xi32, #tpu.memory_space<vmem>>
    %dma_wait3A_390 = arith.constant 0 : i32
    %dma_wait3A_391 = arith.constant 0 : i32
    %dma_wait3A_392 = tpu.memref_slice %arg2[%dma_wait3A_390, %dma_wait3A_391] : memref<26000x16xf32, #tpu.memory_space<hbm>> -> memref<26000x16xf32, #tpu.memory_space<hbm>>
    tpu.wait_indirect_dma semaphore(%arg9 : memref<!tpu.dma_semaphore, #tpu.memory_space<semaphore_mem>>) src(%dma_wait3A_392 : memref<26000x16xf32, #tpu.memory_space<hbm>>) dst(%dma_wait3A_386 : memref<128x16xf32, #tpu.memory_space<vmem>>)
    %add3A_393 = arith.constant 1536 : i32
    %add3A_394 = arith.addi %mul3A_2, %add3A_393 : i32
    %dma_start3A_395 = arith.constant 0 : i32
    %dma_start3A_396 = tpu.memref_slice %arg4[%add3A_394, %dma_start3A_395] : memref<212992x16xf32, #tpu.memory_space<hbm>> -> memref<512x16xf32, #tpu.memory_space<hbm>>
    %dma_start3A_397 = arith.constant 0 : i32
    %dma_start3A_398 = tpu.memref_slice %arg4[%add3A_394, %dma_start3A_397] : memref<212992x16xf32, #tpu.memory_space<hbm>> -> memref<512x16xf32, #tpu.memory_space<hbm>>
    tpu.enqueue_dma source(%arg7 : memref<512x16xf32, #tpu.memory_space<vmem>>) target(%dma_start3A_398 : memref<512x16xf32, #tpu.memory_space<hbm>>) target_semaphore(%arg11 : memref<!tpu.dma_semaphore, #tpu.memory_space<semaphore_mem>>)
    %dma_wait3A_399 = arith.constant 0 : i32
    %dma_wait3A_400 = tpu.memref_slice %arg4[%add3A_394, %dma_wait3A_399] : memref<212992x16xf32, #tpu.memory_space<hbm>> -> memref<512x16xf32, #tpu.memory_space<hbm>>
    %dma_wait3A_401 = arith.constant 0 : i32
    %dma_wait3A_402 = tpu.memref_slice %arg4[%add3A_394, %dma_wait3A_401] : memref<212992x16xf32, #tpu.memory_space<hbm>> -> memref<512x16xf32, #tpu.memory_space<hbm>>
    tpu.wait_dma2 semaphore(%arg11 : memref<!tpu.dma_semaphore, #tpu.memory_space<semaphore_mem>>) src(%arg7 : memref<512x16xf32, #tpu.memory_space<vmem>>) dst(%dma_wait3A_402 : memref<512x16xf32, #tpu.memory_space<hbm>>)
    %dma_start3A_403 = arith.constant 20 : i32
    %dma_start3A_404 = arith.constant 0 : i32
    %dma_start3A_405 = arith.constant 0 : i32
    %dma_start3A_406 = tpu.memref_slice %arg7[%dma_start3A_404, %dma_start3A_405] : memref<512x16xf32, #tpu.memory_space<vmem>> -> memref<128x16xf32, #tpu.memory_space<vmem>>
    %dma_start3A_407 = arith.constant 0 : i32
    %dma_start3A_408 = tpu.memref_slice %arg5[%dma_start3A_403, %dma_start3A_407] : memref<52x128xi32, #tpu.memory_space<vmem>> -> memref<1x128xi32, #tpu.memory_space<vmem>>
    %dma_start3A_409 = tpu.memref_squeeze %dma_start3A_408 : memref<1x128xi32, #tpu.memory_space<vmem>> -> memref<128xi32, #tpu.memory_space<vmem>>
    %dma_start3A_410 = arith.constant 0 : i32
    %dma_start3A_411 = arith.constant 0 : i32
    %dma_start3A_412 = tpu.memref_slice %arg2[%dma_start3A_410, %dma_start3A_411] : memref<26000x16xf32, #tpu.memory_space<hbm>> -> memref<26000x16xf32, #tpu.memory_space<hbm>>
    tpu.enqueue_indirect_dma source(%dma_start3A_412 : memref<26000x16xf32, #tpu.memory_space<hbm>>) target(%dma_start3A_406 : memref<128x16xf32, #tpu.memory_space<vmem>>) offsets(%dma_start3A_409 : memref<128xi32, #tpu.memory_space<vmem>>) semaphore(%arg9 : memref<!tpu.dma_semaphore, #tpu.memory_space<semaphore_mem>>)
    %dma_start3A_413 = arith.constant 21 : i32
    %dma_start3A_414 = arith.constant 128 : i32
    %dma_start3A_415 = arith.constant 0 : i32
    %dma_start3A_416 = tpu.memref_slice %arg7[%dma_start3A_414, %dma_start3A_415] : memref<512x16xf32, #tpu.memory_space<vmem>> -> memref<128x16xf32, #tpu.memory_space<vmem>>
    %dma_start3A_417 = arith.constant 0 : i32
    %dma_start3A_418 = tpu.memref_slice %arg5[%dma_start3A_413, %dma_start3A_417] : memref<52x128xi32, #tpu.memory_space<vmem>> -> memref<1x128xi32, #tpu.memory_space<vmem>>
    %dma_start3A_419 = tpu.memref_squeeze %dma_start3A_418 : memref<1x128xi32, #tpu.memory_space<vmem>> -> memref<128xi32, #tpu.memory_space<vmem>>
    %dma_start3A_420 = arith.constant 0 : i32
    %dma_start3A_421 = arith.constant 0 : i32
    %dma_start3A_422 = tpu.memref_slice %arg2[%dma_start3A_420, %dma_start3A_421] : memref<26000x16xf32, #tpu.memory_space<hbm>> -> memref<26000x16xf32, #tpu.memory_space<hbm>>
    tpu.enqueue_indirect_dma source(%dma_start3A_422 : memref<26000x16xf32, #tpu.memory_space<hbm>>) target(%dma_start3A_416 : memref<128x16xf32, #tpu.memory_space<vmem>>) offsets(%dma_start3A_419 : memref<128xi32, #tpu.memory_space<vmem>>) semaphore(%arg9 : memref<!tpu.dma_semaphore, #tpu.memory_space<semaphore_mem>>)
    %dma_start3A_423 = arith.constant 22 : i32
    %dma_start3A_424 = arith.constant 256 : i32
    %dma_start3A_425 = arith.constant 0 : i32
    %dma_start3A_426 = tpu.memref_slice %arg7[%dma_start3A_424, %dma_start3A_425] : memref<512x16xf32, #tpu.memory_space<vmem>> -> memref<128x16xf32, #tpu.memory_space<vmem>>
    %dma_start3A_427 = arith.constant 0 : i32
    %dma_start3A_428 = tpu.memref_slice %arg5[%dma_start3A_423, %dma_start3A_427] : memref<52x128xi32, #tpu.memory_space<vmem>> -> memref<1x128xi32, #tpu.memory_space<vmem>>
    %dma_start3A_429 = tpu.memref_squeeze %dma_start3A_428 : memref<1x128xi32, #tpu.memory_space<vmem>> -> memref<128xi32, #tpu.memory_space<vmem>>
    %dma_start3A_430 = arith.constant 0 : i32
    %dma_start3A_431 = arith.constant 0 : i32
    %dma_start3A_432 = tpu.memref_slice %arg2[%dma_start3A_430, %dma_start3A_431] : memref<26000x16xf32, #tpu.memory_space<hbm>> -> memref<26000x16xf32, #tpu.memory_space<hbm>>
    tpu.enqueue_indirect_dma source(%dma_start3A_432 : memref<26000x16xf32, #tpu.memory_space<hbm>>) target(%dma_start3A_426 : memref<128x16xf32, #tpu.memory_space<vmem>>) offsets(%dma_start3A_429 : memref<128xi32, #tpu.memory_space<vmem>>) semaphore(%arg9 : memref<!tpu.dma_semaphore, #tpu.memory_space<semaphore_mem>>)
    %dma_start3A_433 = arith.constant 23 : i32
    %dma_start3A_434 = arith.constant 384 : i32
    %dma_start3A_435 = arith.constant 0 : i32
    %dma_start3A_436 = tpu.memref_slice %arg7[%dma_start3A_434, %dma_start3A_435] : memref<512x16xf32, #tpu.memory_space<vmem>> -> memref<128x16xf32, #tpu.memory_space<vmem>>
    %dma_start3A_437 = arith.constant 0 : i32
    %dma_start3A_438 = tpu.memref_slice %arg5[%dma_start3A_433, %dma_start3A_437] : memref<52x128xi32, #tpu.memory_space<vmem>> -> memref<1x128xi32, #tpu.memory_space<vmem>>
    %dma_start3A_439 = tpu.memref_squeeze %dma_start3A_438 : memref<1x128xi32, #tpu.memory_space<vmem>> -> memref<128xi32, #tpu.memory_space<vmem>>
    %dma_start3A_440 = arith.constant 0 : i32
    %dma_start3A_441 = arith.constant 0 : i32
    %dma_start3A_442 = tpu.memref_slice %arg2[%dma_start3A_440, %dma_start3A_441] : memref<26000x16xf32, #tpu.memory_space<hbm>> -> memref<26000x16xf32, #tpu.memory_space<hbm>>
    tpu.enqueue_indirect_dma source(%dma_start3A_442 : memref<26000x16xf32, #tpu.memory_space<hbm>>) target(%dma_start3A_436 : memref<128x16xf32, #tpu.memory_space<vmem>>) offsets(%dma_start3A_439 : memref<128xi32, #tpu.memory_space<vmem>>) semaphore(%arg9 : memref<!tpu.dma_semaphore, #tpu.memory_space<semaphore_mem>>)
    %dma_wait3A_443 = arith.constant 16 : i32
    %dma_wait3A_444 = arith.constant 0 : i32
    %dma_wait3A_445 = arith.constant 0 : i32
    %dma_wait3A_446 = tpu.memref_slice %arg6[%dma_wait3A_444, %dma_wait3A_445] : memref<512x16xf32, #tpu.memory_space<vmem>> -> memref<128x16xf32, #tpu.memory_space<vmem>>
    %dma_wait3A_447 = arith.constant 0 : i32
    %dma_wait3A_448 = tpu.memref_slice %arg5[%dma_wait3A_443, %dma_wait3A_447] : memref<52x128xi32, #tpu.memory_space<vmem>> -> memref<1x128xi32, #tpu.memory_space<vmem>>
    %dma_wait3A_449 = tpu.memref_squeeze %dma_wait3A_448 : memref<1x128xi32, #tpu.memory_space<vmem>> -> memref<128xi32, #tpu.memory_space<vmem>>
    %dma_wait3A_450 = arith.constant 0 : i32
    %dma_wait3A_451 = arith.constant 0 : i32
    %dma_wait3A_452 = tpu.memref_slice %arg2[%dma_wait3A_450, %dma_wait3A_451] : memref<26000x16xf32, #tpu.memory_space<hbm>> -> memref<26000x16xf32, #tpu.memory_space<hbm>>
    tpu.wait_indirect_dma semaphore(%arg8 : memref<!tpu.dma_semaphore, #tpu.memory_space<semaphore_mem>>) src(%dma_wait3A_452 : memref<26000x16xf32, #tpu.memory_space<hbm>>) dst(%dma_wait3A_446 : memref<128x16xf32, #tpu.memory_space<vmem>>)
    %dma_wait3A_453 = arith.constant 17 : i32
    %dma_wait3A_454 = arith.constant 128 : i32
    %dma_wait3A_455 = arith.constant 0 : i32
    %dma_wait3A_456 = tpu.memref_slice %arg6[%dma_wait3A_454, %dma_wait3A_455] : memref<512x16xf32, #tpu.memory_space<vmem>> -> memref<128x16xf32, #tpu.memory_space<vmem>>
    %dma_wait3A_457 = arith.constant 0 : i32
    %dma_wait3A_458 = tpu.memref_slice %arg5[%dma_wait3A_453, %dma_wait3A_457] : memref<52x128xi32, #tpu.memory_space<vmem>> -> memref<1x128xi32, #tpu.memory_space<vmem>>
    %dma_wait3A_459 = tpu.memref_squeeze %dma_wait3A_458 : memref<1x128xi32, #tpu.memory_space<vmem>> -> memref<128xi32, #tpu.memory_space<vmem>>
    %dma_wait3A_460 = arith.constant 0 : i32
    %dma_wait3A_461 = arith.constant 0 : i32
    %dma_wait3A_462 = tpu.memref_slice %arg2[%dma_wait3A_460, %dma_wait3A_461] : memref<26000x16xf32, #tpu.memory_space<hbm>> -> memref<26000x16xf32, #tpu.memory_space<hbm>>
    tpu.wait_indirect_dma semaphore(%arg8 : memref<!tpu.dma_semaphore, #tpu.memory_space<semaphore_mem>>) src(%dma_wait3A_462 : memref<26000x16xf32, #tpu.memory_space<hbm>>) dst(%dma_wait3A_456 : memref<128x16xf32, #tpu.memory_space<vmem>>)
    %dma_wait3A_463 = arith.constant 18 : i32
    %dma_wait3A_464 = arith.constant 256 : i32
    %dma_wait3A_465 = arith.constant 0 : i32
    %dma_wait3A_466 = tpu.memref_slice %arg6[%dma_wait3A_464, %dma_wait3A_465] : memref<512x16xf32, #tpu.memory_space<vmem>> -> memref<128x16xf32, #tpu.memory_space<vmem>>
    %dma_wait3A_467 = arith.constant 0 : i32
    %dma_wait3A_468 = tpu.memref_slice %arg5[%dma_wait3A_463, %dma_wait3A_467] : memref<52x128xi32, #tpu.memory_space<vmem>> -> memref<1x128xi32, #tpu.memory_space<vmem>>
    %dma_wait3A_469 = tpu.memref_squeeze %dma_wait3A_468 : memref<1x128xi32, #tpu.memory_space<vmem>> -> memref<128xi32, #tpu.memory_space<vmem>>
    %dma_wait3A_470 = arith.constant 0 : i32
    %dma_wait3A_471 = arith.constant 0 : i32
    %dma_wait3A_472 = tpu.memref_slice %arg2[%dma_wait3A_470, %dma_wait3A_471] : memref<26000x16xf32, #tpu.memory_space<hbm>> -> memref<26000x16xf32, #tpu.memory_space<hbm>>
    tpu.wait_indirect_dma semaphore(%arg8 : memref<!tpu.dma_semaphore, #tpu.memory_space<semaphore_mem>>) src(%dma_wait3A_472 : memref<26000x16xf32, #tpu.memory_space<hbm>>) dst(%dma_wait3A_466 : memref<128x16xf32, #tpu.memory_space<vmem>>)
    %dma_wait3A_473 = arith.constant 19 : i32
    %dma_wait3A_474 = arith.constant 384 : i32
    %dma_wait3A_475 = arith.constant 0 : i32
    %dma_wait3A_476 = tpu.memref_slice %arg6[%dma_wait3A_474, %dma_wait3A_475] : memref<512x16xf32, #tpu.memory_space<vmem>> -> memref<128x16xf32, #tpu.memory_space<vmem>>
    %dma_wait3A_477 = arith.constant 0 : i32
    %dma_wait3A_478 = tpu.memref_slice %arg5[%dma_wait3A_473, %dma_wait3A_477] : memref<52x128xi32, #tpu.memory_space<vmem>> -> memref<1x128xi32, #tpu.memory_space<vmem>>
    %dma_wait3A_479 = tpu.memref_squeeze %dma_wait3A_478 : memref<1x128xi32, #tpu.memory_space<vmem>> -> memref<128xi32, #tpu.memory_space<vmem>>
    %dma_wait3A_480 = arith.constant 0 : i32
    %dma_wait3A_481 = arith.constant 0 : i32
    %dma_wait3A_482 = tpu.memref_slice %arg2[%dma_wait3A_480, %dma_wait3A_481] : memref<26000x16xf32, #tpu.memory_space<hbm>> -> memref<26000x16xf32, #tpu.memory_space<hbm>>
    tpu.wait_indirect_dma semaphore(%arg8 : memref<!tpu.dma_semaphore, #tpu.memory_space<semaphore_mem>>) src(%dma_wait3A_482 : memref<26000x16xf32, #tpu.memory_space<hbm>>) dst(%dma_wait3A_476 : memref<128x16xf32, #tpu.memory_space<vmem>>)
    %add3A_483 = arith.constant 2048 : i32
    %add3A_484 = arith.addi %mul3A_2, %add3A_483 : i32
    %dma_start3A_485 = arith.constant 0 : i32
    %dma_start3A_486 = tpu.memref_slice %arg4[%add3A_484, %dma_start3A_485] : memref<212992x16xf32, #tpu.memory_space<hbm>> -> memref<512x16xf32, #tpu.memory_space<hbm>>
    %dma_start3A_487 = arith.constant 0 : i32
    %dma_start3A_488 = tpu.memref_slice %arg4[%add3A_484, %dma_start3A_487] : memref<212992x16xf32, #tpu.memory_space<hbm>> -> memref<512x16xf32, #tpu.memory_space<hbm>>
    tpu.enqueue_dma source(%arg6 : memref<512x16xf32, #tpu.memory_space<vmem>>) target(%dma_start3A_488 : memref<512x16xf32, #tpu.memory_space<hbm>>) target_semaphore(%arg10 : memref<!tpu.dma_semaphore, #tpu.memory_space<semaphore_mem>>)
    %dma_wait3A_489 = arith.constant 0 : i32
    %dma_wait3A_490 = tpu.memref_slice %arg4[%add3A_484, %dma_wait3A_489] : memref<212992x16xf32, #tpu.memory_space<hbm>> -> memref<512x16xf32, #tpu.memory_space<hbm>>
    %dma_wait3A_491 = arith.constant 0 : i32
    %dma_wait3A_492 = tpu.memref_slice %arg4[%add3A_484, %dma_wait3A_491] : memref<212992x16xf32, #tpu.memory_space<hbm>> -> memref<512x16xf32, #tpu.memory_space<hbm>>
    tpu.wait_dma2 semaphore(%arg10 : memref<!tpu.dma_semaphore, #tpu.memory_space<semaphore_mem>>) src(%arg6 : memref<512x16xf32, #tpu.memory_space<vmem>>) dst(%dma_wait3A_492 : memref<512x16xf32, #tpu.memory_space<hbm>>)
    %dma_start3A_493 = arith.constant 24 : i32
    %dma_start3A_494 = arith.constant 0 : i32
    %dma_start3A_495 = arith.constant 0 : i32
    %dma_start3A_496 = tpu.memref_slice %arg6[%dma_start3A_494, %dma_start3A_495] : memref<512x16xf32, #tpu.memory_space<vmem>> -> memref<128x16xf32, #tpu.memory_space<vmem>>
    %dma_start3A_497 = arith.constant 0 : i32
    %dma_start3A_498 = tpu.memref_slice %arg5[%dma_start3A_493, %dma_start3A_497] : memref<52x128xi32, #tpu.memory_space<vmem>> -> memref<1x128xi32, #tpu.memory_space<vmem>>
    %dma_start3A_499 = tpu.memref_squeeze %dma_start3A_498 : memref<1x128xi32, #tpu.memory_space<vmem>> -> memref<128xi32, #tpu.memory_space<vmem>>
    %dma_start3A_500 = arith.constant 0 : i32
    %dma_start3A_501 = arith.constant 0 : i32
    %dma_start3A_502 = tpu.memref_slice %arg2[%dma_start3A_500, %dma_start3A_501] : memref<26000x16xf32, #tpu.memory_space<hbm>> -> memref<26000x16xf32, #tpu.memory_space<hbm>>
    tpu.enqueue_indirect_dma source(%dma_start3A_502 : memref<26000x16xf32, #tpu.memory_space<hbm>>) target(%dma_start3A_496 : memref<128x16xf32, #tpu.memory_space<vmem>>) offsets(%dma_start3A_499 : memref<128xi32, #tpu.memory_space<vmem>>) semaphore(%arg8 : memref<!tpu.dma_semaphore, #tpu.memory_space<semaphore_mem>>)
    %dma_start3A_503 = arith.constant 25 : i32
    %dma_start3A_504 = arith.constant 128 : i32
    %dma_start3A_505 = arith.constant 0 : i32
    %dma_start3A_506 = tpu.memref_slice %arg6[%dma_start3A_504, %dma_start3A_505] : memref<512x16xf32, #tpu.memory_space<vmem>> -> memref<128x16xf32, #tpu.memory_space<vmem>>
    %dma_start3A_507 = arith.constant 0 : i32
    %dma_start3A_508 = tpu.memref_slice %arg5[%dma_start3A_503, %dma_start3A_507] : memref<52x128xi32, #tpu.memory_space<vmem>> -> memref<1x128xi32, #tpu.memory_space<vmem>>
    %dma_start3A_509 = tpu.memref_squeeze %dma_start3A_508 : memref<1x128xi32, #tpu.memory_space<vmem>> -> memref<128xi32, #tpu.memory_space<vmem>>
    %dma_start3A_510 = arith.constant 0 : i32
    %dma_start3A_511 = arith.constant 0 : i32
    %dma_start3A_512 = tpu.memref_slice %arg2[%dma_start3A_510, %dma_start3A_511] : memref<26000x16xf32, #tpu.memory_space<hbm>> -> memref<26000x16xf32, #tpu.memory_space<hbm>>
    tpu.enqueue_indirect_dma source(%dma_start3A_512 : memref<26000x16xf32, #tpu.memory_space<hbm>>) target(%dma_start3A_506 : memref<128x16xf32, #tpu.memory_space<vmem>>) offsets(%dma_start3A_509 : memref<128xi32, #tpu.memory_space<vmem>>) semaphore(%arg8 : memref<!tpu.dma_semaphore, #tpu.memory_space<semaphore_mem>>)
    %dma_start3A_513 = arith.constant 26 : i32
    %dma_start3A_514 = arith.constant 256 : i32
    %dma_start3A_515 = arith.constant 0 : i32
    %dma_start3A_516 = tpu.memref_slice %arg6[%dma_start3A_514, %dma_start3A_515] : memref<512x16xf32, #tpu.memory_space<vmem>> -> memref<128x16xf32, #tpu.memory_space<vmem>>
    %dma_start3A_517 = arith.constant 0 : i32
    %dma_start3A_518 = tpu.memref_slice %arg5[%dma_start3A_513, %dma_start3A_517] : memref<52x128xi32, #tpu.memory_space<vmem>> -> memref<1x128xi32, #tpu.memory_space<vmem>>
    %dma_start3A_519 = tpu.memref_squeeze %dma_start3A_518 : memref<1x128xi32, #tpu.memory_space<vmem>> -> memref<128xi32, #tpu.memory_space<vmem>>
    %dma_start3A_520 = arith.constant 0 : i32
    %dma_start3A_521 = arith.constant 0 : i32
    %dma_start3A_522 = tpu.memref_slice %arg2[%dma_start3A_520, %dma_start3A_521] : memref<26000x16xf32, #tpu.memory_space<hbm>> -> memref<26000x16xf32, #tpu.memory_space<hbm>>
    tpu.enqueue_indirect_dma source(%dma_start3A_522 : memref<26000x16xf32, #tpu.memory_space<hbm>>) target(%dma_start3A_516 : memref<128x16xf32, #tpu.memory_space<vmem>>) offsets(%dma_start3A_519 : memref<128xi32, #tpu.memory_space<vmem>>) semaphore(%arg8 : memref<!tpu.dma_semaphore, #tpu.memory_space<semaphore_mem>>)
    %dma_start3A_523 = arith.constant 27 : i32
    %dma_start3A_524 = arith.constant 384 : i32
    %dma_start3A_525 = arith.constant 0 : i32
    %dma_start3A_526 = tpu.memref_slice %arg6[%dma_start3A_524, %dma_start3A_525] : memref<512x16xf32, #tpu.memory_space<vmem>> -> memref<128x16xf32, #tpu.memory_space<vmem>>
    %dma_start3A_527 = arith.constant 0 : i32
    %dma_start3A_528 = tpu.memref_slice %arg5[%dma_start3A_523, %dma_start3A_527] : memref<52x128xi32, #tpu.memory_space<vmem>> -> memref<1x128xi32, #tpu.memory_space<vmem>>
    %dma_start3A_529 = tpu.memref_squeeze %dma_start3A_528 : memref<1x128xi32, #tpu.memory_space<vmem>> -> memref<128xi32, #tpu.memory_space<vmem>>
    %dma_start3A_530 = arith.constant 0 : i32
    %dma_start3A_531 = arith.constant 0 : i32
    %dma_start3A_532 = tpu.memref_slice %arg2[%dma_start3A_530, %dma_start3A_531] : memref<26000x16xf32, #tpu.memory_space<hbm>> -> memref<26000x16xf32, #tpu.memory_space<hbm>>
    tpu.enqueue_indirect_dma source(%dma_start3A_532 : memref<26000x16xf32, #tpu.memory_space<hbm>>) target(%dma_start3A_526 : memref<128x16xf32, #tpu.memory_space<vmem>>) offsets(%dma_start3A_529 : memref<128xi32, #tpu.memory_space<vmem>>) semaphore(%arg8 : memref<!tpu.dma_semaphore, #tpu.memory_space<semaphore_mem>>)
    %dma_wait3A_533 = arith.constant 20 : i32
    %dma_wait3A_534 = arith.constant 0 : i32
    %dma_wait3A_535 = arith.constant 0 : i32
    %dma_wait3A_536 = tpu.memref_slice %arg7[%dma_wait3A_534, %dma_wait3A_535] : memref<512x16xf32, #tpu.memory_space<vmem>> -> memref<128x16xf32, #tpu.memory_space<vmem>>
    %dma_wait3A_537 = arith.constant 0 : i32
    %dma_wait3A_538 = tpu.memref_slice %arg5[%dma_wait3A_533, %dma_wait3A_537] : memref<52x128xi32, #tpu.memory_space<vmem>> -> memref<1x128xi32, #tpu.memory_space<vmem>>
    %dma_wait3A_539 = tpu.memref_squeeze %dma_wait3A_538 : memref<1x128xi32, #tpu.memory_space<vmem>> -> memref<128xi32, #tpu.memory_space<vmem>>
    %dma_wait3A_540 = arith.constant 0 : i32
    %dma_wait3A_541 = arith.constant 0 : i32
    %dma_wait3A_542 = tpu.memref_slice %arg2[%dma_wait3A_540, %dma_wait3A_541] : memref<26000x16xf32, #tpu.memory_space<hbm>> -> memref<26000x16xf32, #tpu.memory_space<hbm>>
    tpu.wait_indirect_dma semaphore(%arg9 : memref<!tpu.dma_semaphore, #tpu.memory_space<semaphore_mem>>) src(%dma_wait3A_542 : memref<26000x16xf32, #tpu.memory_space<hbm>>) dst(%dma_wait3A_536 : memref<128x16xf32, #tpu.memory_space<vmem>>)
    %dma_wait3A_543 = arith.constant 21 : i32
    %dma_wait3A_544 = arith.constant 128 : i32
    %dma_wait3A_545 = arith.constant 0 : i32
    %dma_wait3A_546 = tpu.memref_slice %arg7[%dma_wait3A_544, %dma_wait3A_545] : memref<512x16xf32, #tpu.memory_space<vmem>> -> memref<128x16xf32, #tpu.memory_space<vmem>>
    %dma_wait3A_547 = arith.constant 0 : i32
    %dma_wait3A_548 = tpu.memref_slice %arg5[%dma_wait3A_543, %dma_wait3A_547] : memref<52x128xi32, #tpu.memory_space<vmem>> -> memref<1x128xi32, #tpu.memory_space<vmem>>
    %dma_wait3A_549 = tpu.memref_squeeze %dma_wait3A_548 : memref<1x128xi32, #tpu.memory_space<vmem>> -> memref<128xi32, #tpu.memory_space<vmem>>
    %dma_wait3A_550 = arith.constant 0 : i32
    %dma_wait3A_551 = arith.constant 0 : i32
    %dma_wait3A_552 = tpu.memref_slice %arg2[%dma_wait3A_550, %dma_wait3A_551] : memref<26000x16xf32, #tpu.memory_space<hbm>> -> memref<26000x16xf32, #tpu.memory_space<hbm>>
    tpu.wait_indirect_dma semaphore(%arg9 : memref<!tpu.dma_semaphore, #tpu.memory_space<semaphore_mem>>) src(%dma_wait3A_552 : memref<26000x16xf32, #tpu.memory_space<hbm>>) dst(%dma_wait3A_546 : memref<128x16xf32, #tpu.memory_space<vmem>>)
    %dma_wait3A_553 = arith.constant 22 : i32
    %dma_wait3A_554 = arith.constant 256 : i32
    %dma_wait3A_555 = arith.constant 0 : i32
    %dma_wait3A_556 = tpu.memref_slice %arg7[%dma_wait3A_554, %dma_wait3A_555] : memref<512x16xf32, #tpu.memory_space<vmem>> -> memref<128x16xf32, #tpu.memory_space<vmem>>
    %dma_wait3A_557 = arith.constant 0 : i32
    %dma_wait3A_558 = tpu.memref_slice %arg5[%dma_wait3A_553, %dma_wait3A_557] : memref<52x128xi32, #tpu.memory_space<vmem>> -> memref<1x128xi32, #tpu.memory_space<vmem>>
    %dma_wait3A_559 = tpu.memref_squeeze %dma_wait3A_558 : memref<1x128xi32, #tpu.memory_space<vmem>> -> memref<128xi32, #tpu.memory_space<vmem>>
    %dma_wait3A_560 = arith.constant 0 : i32
    %dma_wait3A_561 = arith.constant 0 : i32
    %dma_wait3A_562 = tpu.memref_slice %arg2[%dma_wait3A_560, %dma_wait3A_561] : memref<26000x16xf32, #tpu.memory_space<hbm>> -> memref<26000x16xf32, #tpu.memory_space<hbm>>
    tpu.wait_indirect_dma semaphore(%arg9 : memref<!tpu.dma_semaphore, #tpu.memory_space<semaphore_mem>>) src(%dma_wait3A_562 : memref<26000x16xf32, #tpu.memory_space<hbm>>) dst(%dma_wait3A_556 : memref<128x16xf32, #tpu.memory_space<vmem>>)
    %dma_wait3A_563 = arith.constant 23 : i32
    %dma_wait3A_564 = arith.constant 384 : i32
    %dma_wait3A_565 = arith.constant 0 : i32
    %dma_wait3A_566 = tpu.memref_slice %arg7[%dma_wait3A_564, %dma_wait3A_565] : memref<512x16xf32, #tpu.memory_space<vmem>> -> memref<128x16xf32, #tpu.memory_space<vmem>>
    %dma_wait3A_567 = arith.constant 0 : i32
    %dma_wait3A_568 = tpu.memref_slice %arg5[%dma_wait3A_563, %dma_wait3A_567] : memref<52x128xi32, #tpu.memory_space<vmem>> -> memref<1x128xi32, #tpu.memory_space<vmem>>
    %dma_wait3A_569 = tpu.memref_squeeze %dma_wait3A_568 : memref<1x128xi32, #tpu.memory_space<vmem>> -> memref<128xi32, #tpu.memory_space<vmem>>
    %dma_wait3A_570 = arith.constant 0 : i32
    %dma_wait3A_571 = arith.constant 0 : i32
    %dma_wait3A_572 = tpu.memref_slice %arg2[%dma_wait3A_570, %dma_wait3A_571] : memref<26000x16xf32, #tpu.memory_space<hbm>> -> memref<26000x16xf32, #tpu.memory_space<hbm>>
    tpu.wait_indirect_dma semaphore(%arg9 : memref<!tpu.dma_semaphore, #tpu.memory_space<semaphore_mem>>) src(%dma_wait3A_572 : memref<26000x16xf32, #tpu.memory_space<hbm>>) dst(%dma_wait3A_566 : memref<128x16xf32, #tpu.memory_space<vmem>>)
    %add3A_573 = arith.constant 2560 : i32
    %add3A_574 = arith.addi %mul3A_2, %add3A_573 : i32
    %dma_start3A_575 = arith.constant 0 : i32
    %dma_start3A_576 = tpu.memref_slice %arg4[%add3A_574, %dma_start3A_575] : memref<212992x16xf32, #tpu.memory_space<hbm>> -> memref<512x16xf32, #tpu.memory_space<hbm>>
    %dma_start3A_577 = arith.constant 0 : i32
    %dma_start3A_578 = tpu.memref_slice %arg4[%add3A_574, %dma_start3A_577] : memref<212992x16xf32, #tpu.memory_space<hbm>> -> memref<512x16xf32, #tpu.memory_space<hbm>>
    tpu.enqueue_dma source(%arg7 : memref<512x16xf32, #tpu.memory_space<vmem>>) target(%dma_start3A_578 : memref<512x16xf32, #tpu.memory_space<hbm>>) target_semaphore(%arg11 : memref<!tpu.dma_semaphore, #tpu.memory_space<semaphore_mem>>)
    %dma_wait3A_579 = arith.constant 0 : i32
    %dma_wait3A_580 = tpu.memref_slice %arg4[%add3A_574, %dma_wait3A_579] : memref<212992x16xf32, #tpu.memory_space<hbm>> -> memref<512x16xf32, #tpu.memory_space<hbm>>
    %dma_wait3A_581 = arith.constant 0 : i32
    %dma_wait3A_582 = tpu.memref_slice %arg4[%add3A_574, %dma_wait3A_581] : memref<212992x16xf32, #tpu.memory_space<hbm>> -> memref<512x16xf32, #tpu.memory_space<hbm>>
    tpu.wait_dma2 semaphore(%arg11 : memref<!tpu.dma_semaphore, #tpu.memory_space<semaphore_mem>>) src(%arg7 : memref<512x16xf32, #tpu.memory_space<vmem>>) dst(%dma_wait3A_582 : memref<512x16xf32, #tpu.memory_space<hbm>>)
    %dma_start3A_583 = arith.constant 28 : i32
    %dma_start3A_584 = arith.constant 0 : i32
    %dma_start3A_585 = arith.constant 0 : i32
    %dma_start3A_586 = tpu.memref_slice %arg7[%dma_start3A_584, %dma_start3A_585] : memref<512x16xf32, #tpu.memory_space<vmem>> -> memref<128x16xf32, #tpu.memory_space<vmem>>
    %dma_start3A_587 = arith.constant 0 : i32
    %dma_start3A_588 = tpu.memref_slice %arg5[%dma_start3A_583, %dma_start3A_587] : memref<52x128xi32, #tpu.memory_space<vmem>> -> memref<1x128xi32, #tpu.memory_space<vmem>>
    %dma_start3A_589 = tpu.memref_squeeze %dma_start3A_588 : memref<1x128xi32, #tpu.memory_space<vmem>> -> memref<128xi32, #tpu.memory_space<vmem>>
    %dma_start3A_590 = arith.constant 0 : i32
    %dma_start3A_591 = arith.constant 0 : i32
    %dma_start3A_592 = tpu.memref_slice %arg2[%dma_start3A_590, %dma_start3A_591] : memref<26000x16xf32, #tpu.memory_space<hbm>> -> memref<26000x16xf32, #tpu.memory_space<hbm>>
    tpu.enqueue_indirect_dma source(%dma_start3A_592 : memref<26000x16xf32, #tpu.memory_space<hbm>>) target(%dma_start3A_586 : memref<128x16xf32, #tpu.memory_space<vmem>>) offsets(%dma_start3A_589 : memref<128xi32, #tpu.memory_space<vmem>>) semaphore(%arg9 : memref<!tpu.dma_semaphore, #tpu.memory_space<semaphore_mem>>)
    %dma_start3A_593 = arith.constant 29 : i32
    %dma_start3A_594 = arith.constant 128 : i32
    %dma_start3A_595 = arith.constant 0 : i32
    %dma_start3A_596 = tpu.memref_slice %arg7[%dma_start3A_594, %dma_start3A_595] : memref<512x16xf32, #tpu.memory_space<vmem>> -> memref<128x16xf32, #tpu.memory_space<vmem>>
    %dma_start3A_597 = arith.constant 0 : i32
    %dma_start3A_598 = tpu.memref_slice %arg5[%dma_start3A_593, %dma_start3A_597] : memref<52x128xi32, #tpu.memory_space<vmem>> -> memref<1x128xi32, #tpu.memory_space<vmem>>
    %dma_start3A_599 = tpu.memref_squeeze %dma_start3A_598 : memref<1x128xi32, #tpu.memory_space<vmem>> -> memref<128xi32, #tpu.memory_space<vmem>>
    %dma_start3A_600 = arith.constant 0 : i32
    %dma_start3A_601 = arith.constant 0 : i32
    %dma_start3A_602 = tpu.memref_slice %arg2[%dma_start3A_600, %dma_start3A_601] : memref<26000x16xf32, #tpu.memory_space<hbm>> -> memref<26000x16xf32, #tpu.memory_space<hbm>>
    tpu.enqueue_indirect_dma source(%dma_start3A_602 : memref<26000x16xf32, #tpu.memory_space<hbm>>) target(%dma_start3A_596 : memref<128x16xf32, #tpu.memory_space<vmem>>) offsets(%dma_start3A_599 : memref<128xi32, #tpu.memory_space<vmem>>) semaphore(%arg9 : memref<!tpu.dma_semaphore, #tpu.memory_space<semaphore_mem>>)
    %dma_start3A_603 = arith.constant 30 : i32
    %dma_start3A_604 = arith.constant 256 : i32
    %dma_start3A_605 = arith.constant 0 : i32
    %dma_start3A_606 = tpu.memref_slice %arg7[%dma_start3A_604, %dma_start3A_605] : memref<512x16xf32, #tpu.memory_space<vmem>> -> memref<128x16xf32, #tpu.memory_space<vmem>>
    %dma_start3A_607 = arith.constant 0 : i32
    %dma_start3A_608 = tpu.memref_slice %arg5[%dma_start3A_603, %dma_start3A_607] : memref<52x128xi32, #tpu.memory_space<vmem>> -> memref<1x128xi32, #tpu.memory_space<vmem>>
    %dma_start3A_609 = tpu.memref_squeeze %dma_start3A_608 : memref<1x128xi32, #tpu.memory_space<vmem>> -> memref<128xi32, #tpu.memory_space<vmem>>
    %dma_start3A_610 = arith.constant 0 : i32
    %dma_start3A_611 = arith.constant 0 : i32
    %dma_start3A_612 = tpu.memref_slice %arg2[%dma_start3A_610, %dma_start3A_611] : memref<26000x16xf32, #tpu.memory_space<hbm>> -> memref<26000x16xf32, #tpu.memory_space<hbm>>
    tpu.enqueue_indirect_dma source(%dma_start3A_612 : memref<26000x16xf32, #tpu.memory_space<hbm>>) target(%dma_start3A_606 : memref<128x16xf32, #tpu.memory_space<vmem>>) offsets(%dma_start3A_609 : memref<128xi32, #tpu.memory_space<vmem>>) semaphore(%arg9 : memref<!tpu.dma_semaphore, #tpu.memory_space<semaphore_mem>>)
    %dma_start3A_613 = arith.constant 31 : i32
    %dma_start3A_614 = arith.constant 384 : i32
    %dma_start3A_615 = arith.constant 0 : i32
    %dma_start3A_616 = tpu.memref_slice %arg7[%dma_start3A_614, %dma_start3A_615] : memref<512x16xf32, #tpu.memory_space<vmem>> -> memref<128x16xf32, #tpu.memory_space<vmem>>
    %dma_start3A_617 = arith.constant 0 : i32
    %dma_start3A_618 = tpu.memref_slice %arg5[%dma_start3A_613, %dma_start3A_617] : memref<52x128xi32, #tpu.memory_space<vmem>> -> memref<1x128xi32, #tpu.memory_space<vmem>>
    %dma_start3A_619 = tpu.memref_squeeze %dma_start3A_618 : memref<1x128xi32, #tpu.memory_space<vmem>> -> memref<128xi32, #tpu.memory_space<vmem>>
    %dma_start3A_620 = arith.constant 0 : i32
    %dma_start3A_621 = arith.constant 0 : i32
    %dma_start3A_622 = tpu.memref_slice %arg2[%dma_start3A_620, %dma_start3A_621] : memref<26000x16xf32, #tpu.memory_space<hbm>> -> memref<26000x16xf32, #tpu.memory_space<hbm>>
    tpu.enqueue_indirect_dma source(%dma_start3A_622 : memref<26000x16xf32, #tpu.memory_space<hbm>>) target(%dma_start3A_616 : memref<128x16xf32, #tpu.memory_space<vmem>>) offsets(%dma_start3A_619 : memref<128xi32, #tpu.memory_space<vmem>>) semaphore(%arg9 : memref<!tpu.dma_semaphore, #tpu.memory_space<semaphore_mem>>)
    %dma_wait3A_623 = arith.constant 24 : i32
    %dma_wait3A_624 = arith.constant 0 : i32
    %dma_wait3A_625 = arith.constant 0 : i32
    %dma_wait3A_626 = tpu.memref_slice %arg6[%dma_wait3A_624, %dma_wait3A_625] : memref<512x16xf32, #tpu.memory_space<vmem>> -> memref<128x16xf32, #tpu.memory_space<vmem>>
    %dma_wait3A_627 = arith.constant 0 : i32
    %dma_wait3A_628 = tpu.memref_slice %arg5[%dma_wait3A_623, %dma_wait3A_627] : memref<52x128xi32, #tpu.memory_space<vmem>> -> memref<1x128xi32, #tpu.memory_space<vmem>>
    %dma_wait3A_629 = tpu.memref_squeeze %dma_wait3A_628 : memref<1x128xi32, #tpu.memory_space<vmem>> -> memref<128xi32, #tpu.memory_space<vmem>>
    %dma_wait3A_630 = arith.constant 0 : i32
    %dma_wait3A_631 = arith.constant 0 : i32
    %dma_wait3A_632 = tpu.memref_slice %arg2[%dma_wait3A_630, %dma_wait3A_631] : memref<26000x16xf32, #tpu.memory_space<hbm>> -> memref<26000x16xf32, #tpu.memory_space<hbm>>
    tpu.wait_indirect_dma semaphore(%arg8 : memref<!tpu.dma_semaphore, #tpu.memory_space<semaphore_mem>>) src(%dma_wait3A_632 : memref<26000x16xf32, #tpu.memory_space<hbm>>) dst(%dma_wait3A_626 : memref<128x16xf32, #tpu.memory_space<vmem>>)
    %dma_wait3A_633 = arith.constant 25 : i32
    %dma_wait3A_634 = arith.constant 128 : i32
    %dma_wait3A_635 = arith.constant 0 : i32
    %dma_wait3A_636 = tpu.memref_slice %arg6[%dma_wait3A_634, %dma_wait3A_635] : memref<512x16xf32, #tpu.memory_space<vmem>> -> memref<128x16xf32, #tpu.memory_space<vmem>>
    %dma_wait3A_637 = arith.constant 0 : i32
    %dma_wait3A_638 = tpu.memref_slice %arg5[%dma_wait3A_633, %dma_wait3A_637] : memref<52x128xi32, #tpu.memory_space<vmem>> -> memref<1x128xi32, #tpu.memory_space<vmem>>
    %dma_wait3A_639 = tpu.memref_squeeze %dma_wait3A_638 : memref<1x128xi32, #tpu.memory_space<vmem>> -> memref<128xi32, #tpu.memory_space<vmem>>
    %dma_wait3A_640 = arith.constant 0 : i32
    %dma_wait3A_641 = arith.constant 0 : i32
    %dma_wait3A_642 = tpu.memref_slice %arg2[%dma_wait3A_640, %dma_wait3A_641] : memref<26000x16xf32, #tpu.memory_space<hbm>> -> memref<26000x16xf32, #tpu.memory_space<hbm>>
    tpu.wait_indirect_dma semaphore(%arg8 : memref<!tpu.dma_semaphore, #tpu.memory_space<semaphore_mem>>) src(%dma_wait3A_642 : memref<26000x16xf32, #tpu.memory_space<hbm>>) dst(%dma_wait3A_636 : memref<128x16xf32, #tpu.memory_space<vmem>>)
    %dma_wait3A_643 = arith.constant 26 : i32
    %dma_wait3A_644 = arith.constant 256 : i32
    %dma_wait3A_645 = arith.constant 0 : i32
    %dma_wait3A_646 = tpu.memref_slice %arg6[%dma_wait3A_644, %dma_wait3A_645] : memref<512x16xf32, #tpu.memory_space<vmem>> -> memref<128x16xf32, #tpu.memory_space<vmem>>
    %dma_wait3A_647 = arith.constant 0 : i32
    %dma_wait3A_648 = tpu.memref_slice %arg5[%dma_wait3A_643, %dma_wait3A_647] : memref<52x128xi32, #tpu.memory_space<vmem>> -> memref<1x128xi32, #tpu.memory_space<vmem>>
    %dma_wait3A_649 = tpu.memref_squeeze %dma_wait3A_648 : memref<1x128xi32, #tpu.memory_space<vmem>> -> memref<128xi32, #tpu.memory_space<vmem>>
    %dma_wait3A_650 = arith.constant 0 : i32
    %dma_wait3A_651 = arith.constant 0 : i32
    %dma_wait3A_652 = tpu.memref_slice %arg2[%dma_wait3A_650, %dma_wait3A_651] : memref<26000x16xf32, #tpu.memory_space<hbm>> -> memref<26000x16xf32, #tpu.memory_space<hbm>>
    tpu.wait_indirect_dma semaphore(%arg8 : memref<!tpu.dma_semaphore, #tpu.memory_space<semaphore_mem>>) src(%dma_wait3A_652 : memref<26000x16xf32, #tpu.memory_space<hbm>>) dst(%dma_wait3A_646 : memref<128x16xf32, #tpu.memory_space<vmem>>)
    %dma_wait3A_653 = arith.constant 27 : i32
    %dma_wait3A_654 = arith.constant 384 : i32
    %dma_wait3A_655 = arith.constant 0 : i32
    %dma_wait3A_656 = tpu.memref_slice %arg6[%dma_wait3A_654, %dma_wait3A_655] : memref<512x16xf32, #tpu.memory_space<vmem>> -> memref<128x16xf32, #tpu.memory_space<vmem>>
    %dma_wait3A_657 = arith.constant 0 : i32
    %dma_wait3A_658 = tpu.memref_slice %arg5[%dma_wait3A_653, %dma_wait3A_657] : memref<52x128xi32, #tpu.memory_space<vmem>> -> memref<1x128xi32, #tpu.memory_space<vmem>>
    %dma_wait3A_659 = tpu.memref_squeeze %dma_wait3A_658 : memref<1x128xi32, #tpu.memory_space<vmem>> -> memref<128xi32, #tpu.memory_space<vmem>>
    %dma_wait3A_660 = arith.constant 0 : i32
    %dma_wait3A_661 = arith.constant 0 : i32
    %dma_wait3A_662 = tpu.memref_slice %arg2[%dma_wait3A_660, %dma_wait3A_661] : memref<26000x16xf32, #tpu.memory_space<hbm>> -> memref<26000x16xf32, #tpu.memory_space<hbm>>
    tpu.wait_indirect_dma semaphore(%arg8 : memref<!tpu.dma_semaphore, #tpu.memory_space<semaphore_mem>>) src(%dma_wait3A_662 : memref<26000x16xf32, #tpu.memory_space<hbm>>) dst(%dma_wait3A_656 : memref<128x16xf32, #tpu.memory_space<vmem>>)
    %add3A_663 = arith.constant 3072 : i32
    %add3A_664 = arith.addi %mul3A_2, %add3A_663 : i32
    %dma_start3A_665 = arith.constant 0 : i32
    %dma_start3A_666 = tpu.memref_slice %arg4[%add3A_664, %dma_start3A_665] : memref<212992x16xf32, #tpu.memory_space<hbm>> -> memref<512x16xf32, #tpu.memory_space<hbm>>
    %dma_start3A_667 = arith.constant 0 : i32
    %dma_start3A_668 = tpu.memref_slice %arg4[%add3A_664, %dma_start3A_667] : memref<212992x16xf32, #tpu.memory_space<hbm>> -> memref<512x16xf32, #tpu.memory_space<hbm>>
    tpu.enqueue_dma source(%arg6 : memref<512x16xf32, #tpu.memory_space<vmem>>) target(%dma_start3A_668 : memref<512x16xf32, #tpu.memory_space<hbm>>) target_semaphore(%arg10 : memref<!tpu.dma_semaphore, #tpu.memory_space<semaphore_mem>>)
    %dma_wait3A_669 = arith.constant 0 : i32
    %dma_wait3A_670 = tpu.memref_slice %arg4[%add3A_664, %dma_wait3A_669] : memref<212992x16xf32, #tpu.memory_space<hbm>> -> memref<512x16xf32, #tpu.memory_space<hbm>>
    %dma_wait3A_671 = arith.constant 0 : i32
    %dma_wait3A_672 = tpu.memref_slice %arg4[%add3A_664, %dma_wait3A_671] : memref<212992x16xf32, #tpu.memory_space<hbm>> -> memref<512x16xf32, #tpu.memory_space<hbm>>
    tpu.wait_dma2 semaphore(%arg10 : memref<!tpu.dma_semaphore, #tpu.memory_space<semaphore_mem>>) src(%arg6 : memref<512x16xf32, #tpu.memory_space<vmem>>) dst(%dma_wait3A_672 : memref<512x16xf32, #tpu.memory_space<hbm>>)
    %dma_start3A_673 = arith.constant 32 : i32
    %dma_start3A_674 = arith.constant 0 : i32
    %dma_start3A_675 = arith.constant 0 : i32
    %dma_start3A_676 = tpu.memref_slice %arg6[%dma_start3A_674, %dma_start3A_675] : memref<512x16xf32, #tpu.memory_space<vmem>> -> memref<128x16xf32, #tpu.memory_space<vmem>>
    %dma_start3A_677 = arith.constant 0 : i32
    %dma_start3A_678 = tpu.memref_slice %arg5[%dma_start3A_673, %dma_start3A_677] : memref<52x128xi32, #tpu.memory_space<vmem>> -> memref<1x128xi32, #tpu.memory_space<vmem>>
    %dma_start3A_679 = tpu.memref_squeeze %dma_start3A_678 : memref<1x128xi32, #tpu.memory_space<vmem>> -> memref<128xi32, #tpu.memory_space<vmem>>
    %dma_start3A_680 = arith.constant 0 : i32
    %dma_start3A_681 = arith.constant 0 : i32
    %dma_start3A_682 = tpu.memref_slice %arg2[%dma_start3A_680, %dma_start3A_681] : memref<26000x16xf32, #tpu.memory_space<hbm>> -> memref<26000x16xf32, #tpu.memory_space<hbm>>
    tpu.enqueue_indirect_dma source(%dma_start3A_682 : memref<26000x16xf32, #tpu.memory_space<hbm>>) target(%dma_start3A_676 : memref<128x16xf32, #tpu.memory_space<vmem>>) offsets(%dma_start3A_679 : memref<128xi32, #tpu.memory_space<vmem>>) semaphore(%arg8 : memref<!tpu.dma_semaphore, #tpu.memory_space<semaphore_mem>>)
    %dma_start3A_683 = arith.constant 33 : i32
    %dma_start3A_684 = arith.constant 128 : i32
    %dma_start3A_685 = arith.constant 0 : i32
    %dma_start3A_686 = tpu.memref_slice %arg6[%dma_start3A_684, %dma_start3A_685] : memref<512x16xf32, #tpu.memory_space<vmem>> -> memref<128x16xf32, #tpu.memory_space<vmem>>
    %dma_start3A_687 = arith.constant 0 : i32
    %dma_start3A_688 = tpu.memref_slice %arg5[%dma_start3A_683, %dma_start3A_687] : memref<52x128xi32, #tpu.memory_space<vmem>> -> memref<1x128xi32, #tpu.memory_space<vmem>>
    %dma_start3A_689 = tpu.memref_squeeze %dma_start3A_688 : memref<1x128xi32, #tpu.memory_space<vmem>> -> memref<128xi32, #tpu.memory_space<vmem>>
    %dma_start3A_690 = arith.constant 0 : i32
    %dma_start3A_691 = arith.constant 0 : i32
    %dma_start3A_692 = tpu.memref_slice %arg2[%dma_start3A_690, %dma_start3A_691] : memref<26000x16xf32, #tpu.memory_space<hbm>> -> memref<26000x16xf32, #tpu.memory_space<hbm>>
    tpu.enqueue_indirect_dma source(%dma_start3A_692 : memref<26000x16xf32, #tpu.memory_space<hbm>>) target(%dma_start3A_686 : memref<128x16xf32, #tpu.memory_space<vmem>>) offsets(%dma_start3A_689 : memref<128xi32, #tpu.memory_space<vmem>>) semaphore(%arg8 : memref<!tpu.dma_semaphore, #tpu.memory_space<semaphore_mem>>)
    %dma_start3A_693 = arith.constant 34 : i32
    %dma_start3A_694 = arith.constant 256 : i32
    %dma_start3A_695 = arith.constant 0 : i32
    %dma_start3A_696 = tpu.memref_slice %arg6[%dma_start3A_694, %dma_start3A_695] : memref<512x16xf32, #tpu.memory_space<vmem>> -> memref<128x16xf32, #tpu.memory_space<vmem>>
    %dma_start3A_697 = arith.constant 0 : i32
    %dma_start3A_698 = tpu.memref_slice %arg5[%dma_start3A_693, %dma_start3A_697] : memref<52x128xi32, #tpu.memory_space<vmem>> -> memref<1x128xi32, #tpu.memory_space<vmem>>
    %dma_start3A_699 = tpu.memref_squeeze %dma_start3A_698 : memref<1x128xi32, #tpu.memory_space<vmem>> -> memref<128xi32, #tpu.memory_space<vmem>>
    %dma_start3A_700 = arith.constant 0 : i32
    %dma_start3A_701 = arith.constant 0 : i32
    %dma_start3A_702 = tpu.memref_slice %arg2[%dma_start3A_700, %dma_start3A_701] : memref<26000x16xf32, #tpu.memory_space<hbm>> -> memref<26000x16xf32, #tpu.memory_space<hbm>>
    tpu.enqueue_indirect_dma source(%dma_start3A_702 : memref<26000x16xf32, #tpu.memory_space<hbm>>) target(%dma_start3A_696 : memref<128x16xf32, #tpu.memory_space<vmem>>) offsets(%dma_start3A_699 : memref<128xi32, #tpu.memory_space<vmem>>) semaphore(%arg8 : memref<!tpu.dma_semaphore, #tpu.memory_space<semaphore_mem>>)
    %dma_start3A_703 = arith.constant 35 : i32
    %dma_start3A_704 = arith.constant 384 : i32
    %dma_start3A_705 = arith.constant 0 : i32
    %dma_start3A_706 = tpu.memref_slice %arg6[%dma_start3A_704, %dma_start3A_705] : memref<512x16xf32, #tpu.memory_space<vmem>> -> memref<128x16xf32, #tpu.memory_space<vmem>>
    %dma_start3A_707 = arith.constant 0 : i32
    %dma_start3A_708 = tpu.memref_slice %arg5[%dma_start3A_703, %dma_start3A_707] : memref<52x128xi32, #tpu.memory_space<vmem>> -> memref<1x128xi32, #tpu.memory_space<vmem>>
    %dma_start3A_709 = tpu.memref_squeeze %dma_start3A_708 : memref<1x128xi32, #tpu.memory_space<vmem>> -> memref<128xi32, #tpu.memory_space<vmem>>
    %dma_start3A_710 = arith.constant 0 : i32
    %dma_start3A_711 = arith.constant 0 : i32
    %dma_start3A_712 = tpu.memref_slice %arg2[%dma_start3A_710, %dma_start3A_711] : memref<26000x16xf32, #tpu.memory_space<hbm>> -> memref<26000x16xf32, #tpu.memory_space<hbm>>
    tpu.enqueue_indirect_dma source(%dma_start3A_712 : memref<26000x16xf32, #tpu.memory_space<hbm>>) target(%dma_start3A_706 : memref<128x16xf32, #tpu.memory_space<vmem>>) offsets(%dma_start3A_709 : memref<128xi32, #tpu.memory_space<vmem>>) semaphore(%arg8 : memref<!tpu.dma_semaphore, #tpu.memory_space<semaphore_mem>>)
    %dma_wait3A_713 = arith.constant 28 : i32
    %dma_wait3A_714 = arith.constant 0 : i32
    %dma_wait3A_715 = arith.constant 0 : i32
    %dma_wait3A_716 = tpu.memref_slice %arg7[%dma_wait3A_714, %dma_wait3A_715] : memref<512x16xf32, #tpu.memory_space<vmem>> -> memref<128x16xf32, #tpu.memory_space<vmem>>
    %dma_wait3A_717 = arith.constant 0 : i32
    %dma_wait3A_718 = tpu.memref_slice %arg5[%dma_wait3A_713, %dma_wait3A_717] : memref<52x128xi32, #tpu.memory_space<vmem>> -> memref<1x128xi32, #tpu.memory_space<vmem>>
    %dma_wait3A_719 = tpu.memref_squeeze %dma_wait3A_718 : memref<1x128xi32, #tpu.memory_space<vmem>> -> memref<128xi32, #tpu.memory_space<vmem>>
    %dma_wait3A_720 = arith.constant 0 : i32
    %dma_wait3A_721 = arith.constant 0 : i32
    %dma_wait3A_722 = tpu.memref_slice %arg2[%dma_wait3A_720, %dma_wait3A_721] : memref<26000x16xf32, #tpu.memory_space<hbm>> -> memref<26000x16xf32, #tpu.memory_space<hbm>>
    tpu.wait_indirect_dma semaphore(%arg9 : memref<!tpu.dma_semaphore, #tpu.memory_space<semaphore_mem>>) src(%dma_wait3A_722 : memref<26000x16xf32, #tpu.memory_space<hbm>>) dst(%dma_wait3A_716 : memref<128x16xf32, #tpu.memory_space<vmem>>)
    %dma_wait3A_723 = arith.constant 29 : i32
    %dma_wait3A_724 = arith.constant 128 : i32
    %dma_wait3A_725 = arith.constant 0 : i32
    %dma_wait3A_726 = tpu.memref_slice %arg7[%dma_wait3A_724, %dma_wait3A_725] : memref<512x16xf32, #tpu.memory_space<vmem>> -> memref<128x16xf32, #tpu.memory_space<vmem>>
    %dma_wait3A_727 = arith.constant 0 : i32
    %dma_wait3A_728 = tpu.memref_slice %arg5[%dma_wait3A_723, %dma_wait3A_727] : memref<52x128xi32, #tpu.memory_space<vmem>> -> memref<1x128xi32, #tpu.memory_space<vmem>>
    %dma_wait3A_729 = tpu.memref_squeeze %dma_wait3A_728 : memref<1x128xi32, #tpu.memory_space<vmem>> -> memref<128xi32, #tpu.memory_space<vmem>>
    %dma_wait3A_730 = arith.constant 0 : i32
    %dma_wait3A_731 = arith.constant 0 : i32
    %dma_wait3A_732 = tpu.memref_slice %arg2[%dma_wait3A_730, %dma_wait3A_731] : memref<26000x16xf32, #tpu.memory_space<hbm>> -> memref<26000x16xf32, #tpu.memory_space<hbm>>
    tpu.wait_indirect_dma semaphore(%arg9 : memref<!tpu.dma_semaphore, #tpu.memory_space<semaphore_mem>>) src(%dma_wait3A_732 : memref<26000x16xf32, #tpu.memory_space<hbm>>) dst(%dma_wait3A_726 : memref<128x16xf32, #tpu.memory_space<vmem>>)
    %dma_wait3A_733 = arith.constant 30 : i32
    %dma_wait3A_734 = arith.constant 256 : i32
    %dma_wait3A_735 = arith.constant 0 : i32
    %dma_wait3A_736 = tpu.memref_slice %arg7[%dma_wait3A_734, %dma_wait3A_735] : memref<512x16xf32, #tpu.memory_space<vmem>> -> memref<128x16xf32, #tpu.memory_space<vmem>>
    %dma_wait3A_737 = arith.constant 0 : i32
    %dma_wait3A_738 = tpu.memref_slice %arg5[%dma_wait3A_733, %dma_wait3A_737] : memref<52x128xi32, #tpu.memory_space<vmem>> -> memref<1x128xi32, #tpu.memory_space<vmem>>
    %dma_wait3A_739 = tpu.memref_squeeze %dma_wait3A_738 : memref<1x128xi32, #tpu.memory_space<vmem>> -> memref<128xi32, #tpu.memory_space<vmem>>
    %dma_wait3A_740 = arith.constant 0 : i32
    %dma_wait3A_741 = arith.constant 0 : i32
    %dma_wait3A_742 = tpu.memref_slice %arg2[%dma_wait3A_740, %dma_wait3A_741] : memref<26000x16xf32, #tpu.memory_space<hbm>> -> memref<26000x16xf32, #tpu.memory_space<hbm>>
    tpu.wait_indirect_dma semaphore(%arg9 : memref<!tpu.dma_semaphore, #tpu.memory_space<semaphore_mem>>) src(%dma_wait3A_742 : memref<26000x16xf32, #tpu.memory_space<hbm>>) dst(%dma_wait3A_736 : memref<128x16xf32, #tpu.memory_space<vmem>>)
    %dma_wait3A_743 = arith.constant 31 : i32
    %dma_wait3A_744 = arith.constant 384 : i32
    %dma_wait3A_745 = arith.constant 0 : i32
    %dma_wait3A_746 = tpu.memref_slice %arg7[%dma_wait3A_744, %dma_wait3A_745] : memref<512x16xf32, #tpu.memory_space<vmem>> -> memref<128x16xf32, #tpu.memory_space<vmem>>
    %dma_wait3A_747 = arith.constant 0 : i32
    %dma_wait3A_748 = tpu.memref_slice %arg5[%dma_wait3A_743, %dma_wait3A_747] : memref<52x128xi32, #tpu.memory_space<vmem>> -> memref<1x128xi32, #tpu.memory_space<vmem>>
    %dma_wait3A_749 = tpu.memref_squeeze %dma_wait3A_748 : memref<1x128xi32, #tpu.memory_space<vmem>> -> memref<128xi32, #tpu.memory_space<vmem>>
    %dma_wait3A_750 = arith.constant 0 : i32
    %dma_wait3A_751 = arith.constant 0 : i32
    %dma_wait3A_752 = tpu.memref_slice %arg2[%dma_wait3A_750, %dma_wait3A_751] : memref<26000x16xf32, #tpu.memory_space<hbm>> -> memref<26000x16xf32, #tpu.memory_space<hbm>>
    tpu.wait_indirect_dma semaphore(%arg9 : memref<!tpu.dma_semaphore, #tpu.memory_space<semaphore_mem>>) src(%dma_wait3A_752 : memref<26000x16xf32, #tpu.memory_space<hbm>>) dst(%dma_wait3A_746 : memref<128x16xf32, #tpu.memory_space<vmem>>)
    %add3A_753 = arith.constant 3584 : i32
    %add3A_754 = arith.addi %mul3A_2, %add3A_753 : i32
    %dma_start3A_755 = arith.constant 0 : i32
    %dma_start3A_756 = tpu.memref_slice %arg4[%add3A_754, %dma_start3A_755] : memref<212992x16xf32, #tpu.memory_space<hbm>> -> memref<512x16xf32, #tpu.memory_space<hbm>>
    %dma_start3A_757 = arith.constant 0 : i32
    %dma_start3A_758 = tpu.memref_slice %arg4[%add3A_754, %dma_start3A_757] : memref<212992x16xf32, #tpu.memory_space<hbm>> -> memref<512x16xf32, #tpu.memory_space<hbm>>
    tpu.enqueue_dma source(%arg7 : memref<512x16xf32, #tpu.memory_space<vmem>>) target(%dma_start3A_758 : memref<512x16xf32, #tpu.memory_space<hbm>>) target_semaphore(%arg11 : memref<!tpu.dma_semaphore, #tpu.memory_space<semaphore_mem>>)
    %dma_wait3A_759 = arith.constant 0 : i32
    %dma_wait3A_760 = tpu.memref_slice %arg4[%add3A_754, %dma_wait3A_759] : memref<212992x16xf32, #tpu.memory_space<hbm>> -> memref<512x16xf32, #tpu.memory_space<hbm>>
    %dma_wait3A_761 = arith.constant 0 : i32
    %dma_wait3A_762 = tpu.memref_slice %arg4[%add3A_754, %dma_wait3A_761] : memref<212992x16xf32, #tpu.memory_space<hbm>> -> memref<512x16xf32, #tpu.memory_space<hbm>>
    tpu.wait_dma2 semaphore(%arg11 : memref<!tpu.dma_semaphore, #tpu.memory_space<semaphore_mem>>) src(%arg7 : memref<512x16xf32, #tpu.memory_space<vmem>>) dst(%dma_wait3A_762 : memref<512x16xf32, #tpu.memory_space<hbm>>)
    %dma_start3A_763 = arith.constant 36 : i32
    %dma_start3A_764 = arith.constant 0 : i32
    %dma_start3A_765 = arith.constant 0 : i32
    %dma_start3A_766 = tpu.memref_slice %arg7[%dma_start3A_764, %dma_start3A_765] : memref<512x16xf32, #tpu.memory_space<vmem>> -> memref<128x16xf32, #tpu.memory_space<vmem>>
    %dma_start3A_767 = arith.constant 0 : i32
    %dma_start3A_768 = tpu.memref_slice %arg5[%dma_start3A_763, %dma_start3A_767] : memref<52x128xi32, #tpu.memory_space<vmem>> -> memref<1x128xi32, #tpu.memory_space<vmem>>
    %dma_start3A_769 = tpu.memref_squeeze %dma_start3A_768 : memref<1x128xi32, #tpu.memory_space<vmem>> -> memref<128xi32, #tpu.memory_space<vmem>>
    %dma_start3A_770 = arith.constant 0 : i32
    %dma_start3A_771 = arith.constant 0 : i32
    %dma_start3A_772 = tpu.memref_slice %arg2[%dma_start3A_770, %dma_start3A_771] : memref<26000x16xf32, #tpu.memory_space<hbm>> -> memref<26000x16xf32, #tpu.memory_space<hbm>>
    tpu.enqueue_indirect_dma source(%dma_start3A_772 : memref<26000x16xf32, #tpu.memory_space<hbm>>) target(%dma_start3A_766 : memref<128x16xf32, #tpu.memory_space<vmem>>) offsets(%dma_start3A_769 : memref<128xi32, #tpu.memory_space<vmem>>) semaphore(%arg9 : memref<!tpu.dma_semaphore, #tpu.memory_space<semaphore_mem>>)
    %dma_start3A_773 = arith.constant 37 : i32
    %dma_start3A_774 = arith.constant 128 : i32
    %dma_start3A_775 = arith.constant 0 : i32
    %dma_start3A_776 = tpu.memref_slice %arg7[%dma_start3A_774, %dma_start3A_775] : memref<512x16xf32, #tpu.memory_space<vmem>> -> memref<128x16xf32, #tpu.memory_space<vmem>>
    %dma_start3A_777 = arith.constant 0 : i32
    %dma_start3A_778 = tpu.memref_slice %arg5[%dma_start3A_773, %dma_start3A_777] : memref<52x128xi32, #tpu.memory_space<vmem>> -> memref<1x128xi32, #tpu.memory_space<vmem>>
    %dma_start3A_779 = tpu.memref_squeeze %dma_start3A_778 : memref<1x128xi32, #tpu.memory_space<vmem>> -> memref<128xi32, #tpu.memory_space<vmem>>
    %dma_start3A_780 = arith.constant 0 : i32
    %dma_start3A_781 = arith.constant 0 : i32
    %dma_start3A_782 = tpu.memref_slice %arg2[%dma_start3A_780, %dma_start3A_781] : memref<26000x16xf32, #tpu.memory_space<hbm>> -> memref<26000x16xf32, #tpu.memory_space<hbm>>
    tpu.enqueue_indirect_dma source(%dma_start3A_782 : memref<26000x16xf32, #tpu.memory_space<hbm>>) target(%dma_start3A_776 : memref<128x16xf32, #tpu.memory_space<vmem>>) offsets(%dma_start3A_779 : memref<128xi32, #tpu.memory_space<vmem>>) semaphore(%arg9 : memref<!tpu.dma_semaphore, #tpu.memory_space<semaphore_mem>>)
    %dma_start3A_783 = arith.constant 38 : i32
    %dma_start3A_784 = arith.constant 256 : i32
    %dma_start3A_785 = arith.constant 0 : i32
    %dma_start3A_786 = tpu.memref_slice %arg7[%dma_start3A_784, %dma_start3A_785] : memref<512x16xf32, #tpu.memory_space<vmem>> -> memref<128x16xf32, #tpu.memory_space<vmem>>
    %dma_start3A_787 = arith.constant 0 : i32
    %dma_start3A_788 = tpu.memref_slice %arg5[%dma_start3A_783, %dma_start3A_787] : memref<52x128xi32, #tpu.memory_space<vmem>> -> memref<1x128xi32, #tpu.memory_space<vmem>>
    %dma_start3A_789 = tpu.memref_squeeze %dma_start3A_788 : memref<1x128xi32, #tpu.memory_space<vmem>> -> memref<128xi32, #tpu.memory_space<vmem>>
    %dma_start3A_790 = arith.constant 0 : i32
    %dma_start3A_791 = arith.constant 0 : i32
    %dma_start3A_792 = tpu.memref_slice %arg2[%dma_start3A_790, %dma_start3A_791] : memref<26000x16xf32, #tpu.memory_space<hbm>> -> memref<26000x16xf32, #tpu.memory_space<hbm>>
    tpu.enqueue_indirect_dma source(%dma_start3A_792 : memref<26000x16xf32, #tpu.memory_space<hbm>>) target(%dma_start3A_786 : memref<128x16xf32, #tpu.memory_space<vmem>>) offsets(%dma_start3A_789 : memref<128xi32, #tpu.memory_space<vmem>>) semaphore(%arg9 : memref<!tpu.dma_semaphore, #tpu.memory_space<semaphore_mem>>)
    %dma_start3A_793 = arith.constant 39 : i32
    %dma_start3A_794 = arith.constant 384 : i32
    %dma_start3A_795 = arith.constant 0 : i32
    %dma_start3A_796 = tpu.memref_slice %arg7[%dma_start3A_794, %dma_start3A_795] : memref<512x16xf32, #tpu.memory_space<vmem>> -> memref<128x16xf32, #tpu.memory_space<vmem>>
    %dma_start3A_797 = arith.constant 0 : i32
    %dma_start3A_798 = tpu.memref_slice %arg5[%dma_start3A_793, %dma_start3A_797] : memref<52x128xi32, #tpu.memory_space<vmem>> -> memref<1x128xi32, #tpu.memory_space<vmem>>
    %dma_start3A_799 = tpu.memref_squeeze %dma_start3A_798 : memref<1x128xi32, #tpu.memory_space<vmem>> -> memref<128xi32, #tpu.memory_space<vmem>>
    %dma_start3A_800 = arith.constant 0 : i32
    %dma_start3A_801 = arith.constant 0 : i32
    %dma_start3A_802 = tpu.memref_slice %arg2[%dma_start3A_800, %dma_start3A_801] : memref<26000x16xf32, #tpu.memory_space<hbm>> -> memref<26000x16xf32, #tpu.memory_space<hbm>>
    tpu.enqueue_indirect_dma source(%dma_start3A_802 : memref<26000x16xf32, #tpu.memory_space<hbm>>) target(%dma_start3A_796 : memref<128x16xf32, #tpu.memory_space<vmem>>) offsets(%dma_start3A_799 : memref<128xi32, #tpu.memory_space<vmem>>) semaphore(%arg9 : memref<!tpu.dma_semaphore, #tpu.memory_space<semaphore_mem>>)
    %dma_wait3A_803 = arith.constant 32 : i32
    %dma_wait3A_804 = arith.constant 0 : i32
    %dma_wait3A_805 = arith.constant 0 : i32
    %dma_wait3A_806 = tpu.memref_slice %arg6[%dma_wait3A_804, %dma_wait3A_805] : memref<512x16xf32, #tpu.memory_space<vmem>> -> memref<128x16xf32, #tpu.memory_space<vmem>>
    %dma_wait3A_807 = arith.constant 0 : i32
    %dma_wait3A_808 = tpu.memref_slice %arg5[%dma_wait3A_803, %dma_wait3A_807] : memref<52x128xi32, #tpu.memory_space<vmem>> -> memref<1x128xi32, #tpu.memory_space<vmem>>
    %dma_wait3A_809 = tpu.memref_squeeze %dma_wait3A_808 : memref<1x128xi32, #tpu.memory_space<vmem>> -> memref<128xi32, #tpu.memory_space<vmem>>
    %dma_wait3A_810 = arith.constant 0 : i32
    %dma_wait3A_811 = arith.constant 0 : i32
    %dma_wait3A_812 = tpu.memref_slice %arg2[%dma_wait3A_810, %dma_wait3A_811] : memref<26000x16xf32, #tpu.memory_space<hbm>> -> memref<26000x16xf32, #tpu.memory_space<hbm>>
    tpu.wait_indirect_dma semaphore(%arg8 : memref<!tpu.dma_semaphore, #tpu.memory_space<semaphore_mem>>) src(%dma_wait3A_812 : memref<26000x16xf32, #tpu.memory_space<hbm>>) dst(%dma_wait3A_806 : memref<128x16xf32, #tpu.memory_space<vmem>>)
    %dma_wait3A_813 = arith.constant 33 : i32
    %dma_wait3A_814 = arith.constant 128 : i32
    %dma_wait3A_815 = arith.constant 0 : i32
    %dma_wait3A_816 = tpu.memref_slice %arg6[%dma_wait3A_814, %dma_wait3A_815] : memref<512x16xf32, #tpu.memory_space<vmem>> -> memref<128x16xf32, #tpu.memory_space<vmem>>
    %dma_wait3A_817 = arith.constant 0 : i32
    %dma_wait3A_818 = tpu.memref_slice %arg5[%dma_wait3A_813, %dma_wait3A_817] : memref<52x128xi32, #tpu.memory_space<vmem>> -> memref<1x128xi32, #tpu.memory_space<vmem>>
    %dma_wait3A_819 = tpu.memref_squeeze %dma_wait3A_818 : memref<1x128xi32, #tpu.memory_space<vmem>> -> memref<128xi32, #tpu.memory_space<vmem>>
    %dma_wait3A_820 = arith.constant 0 : i32
    %dma_wait3A_821 = arith.constant 0 : i32
    %dma_wait3A_822 = tpu.memref_slice %arg2[%dma_wait3A_820, %dma_wait3A_821] : memref<26000x16xf32, #tpu.memory_space<hbm>> -> memref<26000x16xf32, #tpu.memory_space<hbm>>
    tpu.wait_indirect_dma semaphore(%arg8 : memref<!tpu.dma_semaphore, #tpu.memory_space<semaphore_mem>>) src(%dma_wait3A_822 : memref<26000x16xf32, #tpu.memory_space<hbm>>) dst(%dma_wait3A_816 : memref<128x16xf32, #tpu.memory_space<vmem>>)
    %dma_wait3A_823 = arith.constant 34 : i32
    %dma_wait3A_824 = arith.constant 256 : i32
    %dma_wait3A_825 = arith.constant 0 : i32
    %dma_wait3A_826 = tpu.memref_slice %arg6[%dma_wait3A_824, %dma_wait3A_825] : memref<512x16xf32, #tpu.memory_space<vmem>> -> memref<128x16xf32, #tpu.memory_space<vmem>>
    %dma_wait3A_827 = arith.constant 0 : i32
    %dma_wait3A_828 = tpu.memref_slice %arg5[%dma_wait3A_823, %dma_wait3A_827] : memref<52x128xi32, #tpu.memory_space<vmem>> -> memref<1x128xi32, #tpu.memory_space<vmem>>
    %dma_wait3A_829 = tpu.memref_squeeze %dma_wait3A_828 : memref<1x128xi32, #tpu.memory_space<vmem>> -> memref<128xi32, #tpu.memory_space<vmem>>
    %dma_wait3A_830 = arith.constant 0 : i32
    %dma_wait3A_831 = arith.constant 0 : i32
    %dma_wait3A_832 = tpu.memref_slice %arg2[%dma_wait3A_830, %dma_wait3A_831] : memref<26000x16xf32, #tpu.memory_space<hbm>> -> memref<26000x16xf32, #tpu.memory_space<hbm>>
    tpu.wait_indirect_dma semaphore(%arg8 : memref<!tpu.dma_semaphore, #tpu.memory_space<semaphore_mem>>) src(%dma_wait3A_832 : memref<26000x16xf32, #tpu.memory_space<hbm>>) dst(%dma_wait3A_826 : memref<128x16xf32, #tpu.memory_space<vmem>>)
    %dma_wait3A_833 = arith.constant 35 : i32
    %dma_wait3A_834 = arith.constant 384 : i32
    %dma_wait3A_835 = arith.constant 0 : i32
    %dma_wait3A_836 = tpu.memref_slice %arg6[%dma_wait3A_834, %dma_wait3A_835] : memref<512x16xf32, #tpu.memory_space<vmem>> -> memref<128x16xf32, #tpu.memory_space<vmem>>
    %dma_wait3A_837 = arith.constant 0 : i32
    %dma_wait3A_838 = tpu.memref_slice %arg5[%dma_wait3A_833, %dma_wait3A_837] : memref<52x128xi32, #tpu.memory_space<vmem>> -> memref<1x128xi32, #tpu.memory_space<vmem>>
    %dma_wait3A_839 = tpu.memref_squeeze %dma_wait3A_838 : memref<1x128xi32, #tpu.memory_space<vmem>> -> memref<128xi32, #tpu.memory_space<vmem>>
    %dma_wait3A_840 = arith.constant 0 : i32
    %dma_wait3A_841 = arith.constant 0 : i32
    %dma_wait3A_842 = tpu.memref_slice %arg2[%dma_wait3A_840, %dma_wait3A_841] : memref<26000x16xf32, #tpu.memory_space<hbm>> -> memref<26000x16xf32, #tpu.memory_space<hbm>>
    tpu.wait_indirect_dma semaphore(%arg8 : memref<!tpu.dma_semaphore, #tpu.memory_space<semaphore_mem>>) src(%dma_wait3A_842 : memref<26000x16xf32, #tpu.memory_space<hbm>>) dst(%dma_wait3A_836 : memref<128x16xf32, #tpu.memory_space<vmem>>)
    %add3A_843 = arith.constant 4096 : i32
    %add3A_844 = arith.addi %mul3A_2, %add3A_843 : i32
    %dma_start3A_845 = arith.constant 0 : i32
    %dma_start3A_846 = tpu.memref_slice %arg4[%add3A_844, %dma_start3A_845] : memref<212992x16xf32, #tpu.memory_space<hbm>> -> memref<512x16xf32, #tpu.memory_space<hbm>>
    %dma_start3A_847 = arith.constant 0 : i32
    %dma_start3A_848 = tpu.memref_slice %arg4[%add3A_844, %dma_start3A_847] : memref<212992x16xf32, #tpu.memory_space<hbm>> -> memref<512x16xf32, #tpu.memory_space<hbm>>
    tpu.enqueue_dma source(%arg6 : memref<512x16xf32, #tpu.memory_space<vmem>>) target(%dma_start3A_848 : memref<512x16xf32, #tpu.memory_space<hbm>>) target_semaphore(%arg10 : memref<!tpu.dma_semaphore, #tpu.memory_space<semaphore_mem>>)
    %dma_wait3A_849 = arith.constant 0 : i32
    %dma_wait3A_850 = tpu.memref_slice %arg4[%add3A_844, %dma_wait3A_849] : memref<212992x16xf32, #tpu.memory_space<hbm>> -> memref<512x16xf32, #tpu.memory_space<hbm>>
    %dma_wait3A_851 = arith.constant 0 : i32
    %dma_wait3A_852 = tpu.memref_slice %arg4[%add3A_844, %dma_wait3A_851] : memref<212992x16xf32, #tpu.memory_space<hbm>> -> memref<512x16xf32, #tpu.memory_space<hbm>>
    tpu.wait_dma2 semaphore(%arg10 : memref<!tpu.dma_semaphore, #tpu.memory_space<semaphore_mem>>) src(%arg6 : memref<512x16xf32, #tpu.memory_space<vmem>>) dst(%dma_wait3A_852 : memref<512x16xf32, #tpu.memory_space<hbm>>)
    %dma_start3A_853 = arith.constant 40 : i32
    %dma_start3A_854 = arith.constant 0 : i32
    %dma_start3A_855 = arith.constant 0 : i32
    %dma_start3A_856 = tpu.memref_slice %arg6[%dma_start3A_854, %dma_start3A_855] : memref<512x16xf32, #tpu.memory_space<vmem>> -> memref<128x16xf32, #tpu.memory_space<vmem>>
    %dma_start3A_857 = arith.constant 0 : i32
    %dma_start3A_858 = tpu.memref_slice %arg5[%dma_start3A_853, %dma_start3A_857] : memref<52x128xi32, #tpu.memory_space<vmem>> -> memref<1x128xi32, #tpu.memory_space<vmem>>
    %dma_start3A_859 = tpu.memref_squeeze %dma_start3A_858 : memref<1x128xi32, #tpu.memory_space<vmem>> -> memref<128xi32, #tpu.memory_space<vmem>>
    %dma_start3A_860 = arith.constant 0 : i32
    %dma_start3A_861 = arith.constant 0 : i32
    %dma_start3A_862 = tpu.memref_slice %arg2[%dma_start3A_860, %dma_start3A_861] : memref<26000x16xf32, #tpu.memory_space<hbm>> -> memref<26000x16xf32, #tpu.memory_space<hbm>>
    tpu.enqueue_indirect_dma source(%dma_start3A_862 : memref<26000x16xf32, #tpu.memory_space<hbm>>) target(%dma_start3A_856 : memref<128x16xf32, #tpu.memory_space<vmem>>) offsets(%dma_start3A_859 : memref<128xi32, #tpu.memory_space<vmem>>) semaphore(%arg8 : memref<!tpu.dma_semaphore, #tpu.memory_space<semaphore_mem>>)
    %dma_start3A_863 = arith.constant 41 : i32
    %dma_start3A_864 = arith.constant 128 : i32
    %dma_start3A_865 = arith.constant 0 : i32
    %dma_start3A_866 = tpu.memref_slice %arg6[%dma_start3A_864, %dma_start3A_865] : memref<512x16xf32, #tpu.memory_space<vmem>> -> memref<128x16xf32, #tpu.memory_space<vmem>>
    %dma_start3A_867 = arith.constant 0 : i32
    %dma_start3A_868 = tpu.memref_slice %arg5[%dma_start3A_863, %dma_start3A_867] : memref<52x128xi32, #tpu.memory_space<vmem>> -> memref<1x128xi32, #tpu.memory_space<vmem>>
    %dma_start3A_869 = tpu.memref_squeeze %dma_start3A_868 : memref<1x128xi32, #tpu.memory_space<vmem>> -> memref<128xi32, #tpu.memory_space<vmem>>
    %dma_start3A_870 = arith.constant 0 : i32
    %dma_start3A_871 = arith.constant 0 : i32
    %dma_start3A_872 = tpu.memref_slice %arg2[%dma_start3A_870, %dma_start3A_871] : memref<26000x16xf32, #tpu.memory_space<hbm>> -> memref<26000x16xf32, #tpu.memory_space<hbm>>
    tpu.enqueue_indirect_dma source(%dma_start3A_872 : memref<26000x16xf32, #tpu.memory_space<hbm>>) target(%dma_start3A_866 : memref<128x16xf32, #tpu.memory_space<vmem>>) offsets(%dma_start3A_869 : memref<128xi32, #tpu.memory_space<vmem>>) semaphore(%arg8 : memref<!tpu.dma_semaphore, #tpu.memory_space<semaphore_mem>>)
    %dma_start3A_873 = arith.constant 42 : i32
    %dma_start3A_874 = arith.constant 256 : i32
    %dma_start3A_875 = arith.constant 0 : i32
    %dma_start3A_876 = tpu.memref_slice %arg6[%dma_start3A_874, %dma_start3A_875] : memref<512x16xf32, #tpu.memory_space<vmem>> -> memref<128x16xf32, #tpu.memory_space<vmem>>
    %dma_start3A_877 = arith.constant 0 : i32
    %dma_start3A_878 = tpu.memref_slice %arg5[%dma_start3A_873, %dma_start3A_877] : memref<52x128xi32, #tpu.memory_space<vmem>> -> memref<1x128xi32, #tpu.memory_space<vmem>>
    %dma_start3A_879 = tpu.memref_squeeze %dma_start3A_878 : memref<1x128xi32, #tpu.memory_space<vmem>> -> memref<128xi32, #tpu.memory_space<vmem>>
    %dma_start3A_880 = arith.constant 0 : i32
    %dma_start3A_881 = arith.constant 0 : i32
    %dma_start3A_882 = tpu.memref_slice %arg2[%dma_start3A_880, %dma_start3A_881] : memref<26000x16xf32, #tpu.memory_space<hbm>> -> memref<26000x16xf32, #tpu.memory_space<hbm>>
    tpu.enqueue_indirect_dma source(%dma_start3A_882 : memref<26000x16xf32, #tpu.memory_space<hbm>>) target(%dma_start3A_876 : memref<128x16xf32, #tpu.memory_space<vmem>>) offsets(%dma_start3A_879 : memref<128xi32, #tpu.memory_space<vmem>>) semaphore(%arg8 : memref<!tpu.dma_semaphore, #tpu.memory_space<semaphore_mem>>)
    %dma_start3A_883 = arith.constant 43 : i32
    %dma_start3A_884 = arith.constant 384 : i32
    %dma_start3A_885 = arith.constant 0 : i32
    %dma_start3A_886 = tpu.memref_slice %arg6[%dma_start3A_884, %dma_start3A_885] : memref<512x16xf32, #tpu.memory_space<vmem>> -> memref<128x16xf32, #tpu.memory_space<vmem>>
    %dma_start3A_887 = arith.constant 0 : i32
    %dma_start3A_888 = tpu.memref_slice %arg5[%dma_start3A_883, %dma_start3A_887] : memref<52x128xi32, #tpu.memory_space<vmem>> -> memref<1x128xi32, #tpu.memory_space<vmem>>
    %dma_start3A_889 = tpu.memref_squeeze %dma_start3A_888 : memref<1x128xi32, #tpu.memory_space<vmem>> -> memref<128xi32, #tpu.memory_space<vmem>>
    %dma_start3A_890 = arith.constant 0 : i32
    %dma_start3A_891 = arith.constant 0 : i32
    %dma_start3A_892 = tpu.memref_slice %arg2[%dma_start3A_890, %dma_start3A_891] : memref<26000x16xf32, #tpu.memory_space<hbm>> -> memref<26000x16xf32, #tpu.memory_space<hbm>>
    tpu.enqueue_indirect_dma source(%dma_start3A_892 : memref<26000x16xf32, #tpu.memory_space<hbm>>) target(%dma_start3A_886 : memref<128x16xf32, #tpu.memory_space<vmem>>) offsets(%dma_start3A_889 : memref<128xi32, #tpu.memory_space<vmem>>) semaphore(%arg8 : memref<!tpu.dma_semaphore, #tpu.memory_space<semaphore_mem>>)
    %dma_wait3A_893 = arith.constant 36 : i32
    %dma_wait3A_894 = arith.constant 0 : i32
    %dma_wait3A_895 = arith.constant 0 : i32
    %dma_wait3A_896 = tpu.memref_slice %arg7[%dma_wait3A_894, %dma_wait3A_895] : memref<512x16xf32, #tpu.memory_space<vmem>> -> memref<128x16xf32, #tpu.memory_space<vmem>>
    %dma_wait3A_897 = arith.constant 0 : i32
    %dma_wait3A_898 = tpu.memref_slice %arg5[%dma_wait3A_893, %dma_wait3A_897] : memref<52x128xi32, #tpu.memory_space<vmem>> -> memref<1x128xi32, #tpu.memory_space<vmem>>
    %dma_wait3A_899 = tpu.memref_squeeze %dma_wait3A_898 : memref<1x128xi32, #tpu.memory_space<vmem>> -> memref<128xi32, #tpu.memory_space<vmem>>
    %dma_wait3A_900 = arith.constant 0 : i32
    %dma_wait3A_901 = arith.constant 0 : i32
    %dma_wait3A_902 = tpu.memref_slice %arg2[%dma_wait3A_900, %dma_wait3A_901] : memref<26000x16xf32, #tpu.memory_space<hbm>> -> memref<26000x16xf32, #tpu.memory_space<hbm>>
    tpu.wait_indirect_dma semaphore(%arg9 : memref<!tpu.dma_semaphore, #tpu.memory_space<semaphore_mem>>) src(%dma_wait3A_902 : memref<26000x16xf32, #tpu.memory_space<hbm>>) dst(%dma_wait3A_896 : memref<128x16xf32, #tpu.memory_space<vmem>>)
    %dma_wait3A_903 = arith.constant 37 : i32
    %dma_wait3A_904 = arith.constant 128 : i32
    %dma_wait3A_905 = arith.constant 0 : i32
    %dma_wait3A_906 = tpu.memref_slice %arg7[%dma_wait3A_904, %dma_wait3A_905] : memref<512x16xf32, #tpu.memory_space<vmem>> -> memref<128x16xf32, #tpu.memory_space<vmem>>
    %dma_wait3A_907 = arith.constant 0 : i32
    %dma_wait3A_908 = tpu.memref_slice %arg5[%dma_wait3A_903, %dma_wait3A_907] : memref<52x128xi32, #tpu.memory_space<vmem>> -> memref<1x128xi32, #tpu.memory_space<vmem>>
    %dma_wait3A_909 = tpu.memref_squeeze %dma_wait3A_908 : memref<1x128xi32, #tpu.memory_space<vmem>> -> memref<128xi32, #tpu.memory_space<vmem>>
    %dma_wait3A_910 = arith.constant 0 : i32
    %dma_wait3A_911 = arith.constant 0 : i32
    %dma_wait3A_912 = tpu.memref_slice %arg2[%dma_wait3A_910, %dma_wait3A_911] : memref<26000x16xf32, #tpu.memory_space<hbm>> -> memref<26000x16xf32, #tpu.memory_space<hbm>>
    tpu.wait_indirect_dma semaphore(%arg9 : memref<!tpu.dma_semaphore, #tpu.memory_space<semaphore_mem>>) src(%dma_wait3A_912 : memref<26000x16xf32, #tpu.memory_space<hbm>>) dst(%dma_wait3A_906 : memref<128x16xf32, #tpu.memory_space<vmem>>)
    %dma_wait3A_913 = arith.constant 38 : i32
    %dma_wait3A_914 = arith.constant 256 : i32
    %dma_wait3A_915 = arith.constant 0 : i32
    %dma_wait3A_916 = tpu.memref_slice %arg7[%dma_wait3A_914, %dma_wait3A_915] : memref<512x16xf32, #tpu.memory_space<vmem>> -> memref<128x16xf32, #tpu.memory_space<vmem>>
    %dma_wait3A_917 = arith.constant 0 : i32
    %dma_wait3A_918 = tpu.memref_slice %arg5[%dma_wait3A_913, %dma_wait3A_917] : memref<52x128xi32, #tpu.memory_space<vmem>> -> memref<1x128xi32, #tpu.memory_space<vmem>>
    %dma_wait3A_919 = tpu.memref_squeeze %dma_wait3A_918 : memref<1x128xi32, #tpu.memory_space<vmem>> -> memref<128xi32, #tpu.memory_space<vmem>>
    %dma_wait3A_920 = arith.constant 0 : i32
    %dma_wait3A_921 = arith.constant 0 : i32
    %dma_wait3A_922 = tpu.memref_slice %arg2[%dma_wait3A_920, %dma_wait3A_921] : memref<26000x16xf32, #tpu.memory_space<hbm>> -> memref<26000x16xf32, #tpu.memory_space<hbm>>
    tpu.wait_indirect_dma semaphore(%arg9 : memref<!tpu.dma_semaphore, #tpu.memory_space<semaphore_mem>>) src(%dma_wait3A_922 : memref<26000x16xf32, #tpu.memory_space<hbm>>) dst(%dma_wait3A_916 : memref<128x16xf32, #tpu.memory_space<vmem>>)
    %dma_wait3A_923 = arith.constant 39 : i32
    %dma_wait3A_924 = arith.constant 384 : i32
    %dma_wait3A_925 = arith.constant 0 : i32
    %dma_wait3A_926 = tpu.memref_slice %arg7[%dma_wait3A_924, %dma_wait3A_925] : memref<512x16xf32, #tpu.memory_space<vmem>> -> memref<128x16xf32, #tpu.memory_space<vmem>>
    %dma_wait3A_927 = arith.constant 0 : i32
    %dma_wait3A_928 = tpu.memref_slice %arg5[%dma_wait3A_923, %dma_wait3A_927] : memref<52x128xi32, #tpu.memory_space<vmem>> -> memref<1x128xi32, #tpu.memory_space<vmem>>
    %dma_wait3A_929 = tpu.memref_squeeze %dma_wait3A_928 : memref<1x128xi32, #tpu.memory_space<vmem>> -> memref<128xi32, #tpu.memory_space<vmem>>
    %dma_wait3A_930 = arith.constant 0 : i32
    %dma_wait3A_931 = arith.constant 0 : i32
    %dma_wait3A_932 = tpu.memref_slice %arg2[%dma_wait3A_930, %dma_wait3A_931] : memref<26000x16xf32, #tpu.memory_space<hbm>> -> memref<26000x16xf32, #tpu.memory_space<hbm>>
    tpu.wait_indirect_dma semaphore(%arg9 : memref<!tpu.dma_semaphore, #tpu.memory_space<semaphore_mem>>) src(%dma_wait3A_932 : memref<26000x16xf32, #tpu.memory_space<hbm>>) dst(%dma_wait3A_926 : memref<128x16xf32, #tpu.memory_space<vmem>>)
    %add3A_933 = arith.constant 4608 : i32
    %add3A_934 = arith.addi %mul3A_2, %add3A_933 : i32
    %dma_start3A_935 = arith.constant 0 : i32
    %dma_start3A_936 = tpu.memref_slice %arg4[%add3A_934, %dma_start3A_935] : memref<212992x16xf32, #tpu.memory_space<hbm>> -> memref<512x16xf32, #tpu.memory_space<hbm>>
    %dma_start3A_937 = arith.constant 0 : i32
    %dma_start3A_938 = tpu.memref_slice %arg4[%add3A_934, %dma_start3A_937] : memref<212992x16xf32, #tpu.memory_space<hbm>> -> memref<512x16xf32, #tpu.memory_space<hbm>>
    tpu.enqueue_dma source(%arg7 : memref<512x16xf32, #tpu.memory_space<vmem>>) target(%dma_start3A_938 : memref<512x16xf32, #tpu.memory_space<hbm>>) target_semaphore(%arg11 : memref<!tpu.dma_semaphore, #tpu.memory_space<semaphore_mem>>)
    %dma_wait3A_939 = arith.constant 0 : i32
    %dma_wait3A_940 = tpu.memref_slice %arg4[%add3A_934, %dma_wait3A_939] : memref<212992x16xf32, #tpu.memory_space<hbm>> -> memref<512x16xf32, #tpu.memory_space<hbm>>
    %dma_wait3A_941 = arith.constant 0 : i32
    %dma_wait3A_942 = tpu.memref_slice %arg4[%add3A_934, %dma_wait3A_941] : memref<212992x16xf32, #tpu.memory_space<hbm>> -> memref<512x16xf32, #tpu.memory_space<hbm>>
    tpu.wait_dma2 semaphore(%arg11 : memref<!tpu.dma_semaphore, #tpu.memory_space<semaphore_mem>>) src(%arg7 : memref<512x16xf32, #tpu.memory_space<vmem>>) dst(%dma_wait3A_942 : memref<512x16xf32, #tpu.memory_space<hbm>>)
    %dma_start3A_943 = arith.constant 44 : i32
    %dma_start3A_944 = arith.constant 0 : i32
    %dma_start3A_945 = arith.constant 0 : i32
    %dma_start3A_946 = tpu.memref_slice %arg7[%dma_start3A_944, %dma_start3A_945] : memref<512x16xf32, #tpu.memory_space<vmem>> -> memref<128x16xf32, #tpu.memory_space<vmem>>
    %dma_start3A_947 = arith.constant 0 : i32
    %dma_start3A_948 = tpu.memref_slice %arg5[%dma_start3A_943, %dma_start3A_947] : memref<52x128xi32, #tpu.memory_space<vmem>> -> memref<1x128xi32, #tpu.memory_space<vmem>>
    %dma_start3A_949 = tpu.memref_squeeze %dma_start3A_948 : memref<1x128xi32, #tpu.memory_space<vmem>> -> memref<128xi32, #tpu.memory_space<vmem>>
    %dma_start3A_950 = arith.constant 0 : i32
    %dma_start3A_951 = arith.constant 0 : i32
    %dma_start3A_952 = tpu.memref_slice %arg2[%dma_start3A_950, %dma_start3A_951] : memref<26000x16xf32, #tpu.memory_space<hbm>> -> memref<26000x16xf32, #tpu.memory_space<hbm>>
    tpu.enqueue_indirect_dma source(%dma_start3A_952 : memref<26000x16xf32, #tpu.memory_space<hbm>>) target(%dma_start3A_946 : memref<128x16xf32, #tpu.memory_space<vmem>>) offsets(%dma_start3A_949 : memref<128xi32, #tpu.memory_space<vmem>>) semaphore(%arg9 : memref<!tpu.dma_semaphore, #tpu.memory_space<semaphore_mem>>)
    %dma_start3A_953 = arith.constant 45 : i32
    %dma_start3A_954 = arith.constant 128 : i32
    %dma_start3A_955 = arith.constant 0 : i32
    %dma_start3A_956 = tpu.memref_slice %arg7[%dma_start3A_954, %dma_start3A_955] : memref<512x16xf32, #tpu.memory_space<vmem>> -> memref<128x16xf32, #tpu.memory_space<vmem>>
    %dma_start3A_957 = arith.constant 0 : i32
    %dma_start3A_958 = tpu.memref_slice %arg5[%dma_start3A_953, %dma_start3A_957] : memref<52x128xi32, #tpu.memory_space<vmem>> -> memref<1x128xi32, #tpu.memory_space<vmem>>
    %dma_start3A_959 = tpu.memref_squeeze %dma_start3A_958 : memref<1x128xi32, #tpu.memory_space<vmem>> -> memref<128xi32, #tpu.memory_space<vmem>>
    %dma_start3A_960 = arith.constant 0 : i32
    %dma_start3A_961 = arith.constant 0 : i32
    %dma_start3A_962 = tpu.memref_slice %arg2[%dma_start3A_960, %dma_start3A_961] : memref<26000x16xf32, #tpu.memory_space<hbm>> -> memref<26000x16xf32, #tpu.memory_space<hbm>>
    tpu.enqueue_indirect_dma source(%dma_start3A_962 : memref<26000x16xf32, #tpu.memory_space<hbm>>) target(%dma_start3A_956 : memref<128x16xf32, #tpu.memory_space<vmem>>) offsets(%dma_start3A_959 : memref<128xi32, #tpu.memory_space<vmem>>) semaphore(%arg9 : memref<!tpu.dma_semaphore, #tpu.memory_space<semaphore_mem>>)
    %dma_start3A_963 = arith.constant 46 : i32
    %dma_start3A_964 = arith.constant 256 : i32
    %dma_start3A_965 = arith.constant 0 : i32
    %dma_start3A_966 = tpu.memref_slice %arg7[%dma_start3A_964, %dma_start3A_965] : memref<512x16xf32, #tpu.memory_space<vmem>> -> memref<128x16xf32, #tpu.memory_space<vmem>>
    %dma_start3A_967 = arith.constant 0 : i32
    %dma_start3A_968 = tpu.memref_slice %arg5[%dma_start3A_963, %dma_start3A_967] : memref<52x128xi32, #tpu.memory_space<vmem>> -> memref<1x128xi32, #tpu.memory_space<vmem>>
    %dma_start3A_969 = tpu.memref_squeeze %dma_start3A_968 : memref<1x128xi32, #tpu.memory_space<vmem>> -> memref<128xi32, #tpu.memory_space<vmem>>
    %dma_start3A_970 = arith.constant 0 : i32
    %dma_start3A_971 = arith.constant 0 : i32
    %dma_start3A_972 = tpu.memref_slice %arg2[%dma_start3A_970, %dma_start3A_971] : memref<26000x16xf32, #tpu.memory_space<hbm>> -> memref<26000x16xf32, #tpu.memory_space<hbm>>
    tpu.enqueue_indirect_dma source(%dma_start3A_972 : memref<26000x16xf32, #tpu.memory_space<hbm>>) target(%dma_start3A_966 : memref<128x16xf32, #tpu.memory_space<vmem>>) offsets(%dma_start3A_969 : memref<128xi32, #tpu.memory_space<vmem>>) semaphore(%arg9 : memref<!tpu.dma_semaphore, #tpu.memory_space<semaphore_mem>>)
    %dma_start3A_973 = arith.constant 47 : i32
    %dma_start3A_974 = arith.constant 384 : i32
    %dma_start3A_975 = arith.constant 0 : i32
    %dma_start3A_976 = tpu.memref_slice %arg7[%dma_start3A_974, %dma_start3A_975] : memref<512x16xf32, #tpu.memory_space<vmem>> -> memref<128x16xf32, #tpu.memory_space<vmem>>
    %dma_start3A_977 = arith.constant 0 : i32
    %dma_start3A_978 = tpu.memref_slice %arg5[%dma_start3A_973, %dma_start3A_977] : memref<52x128xi32, #tpu.memory_space<vmem>> -> memref<1x128xi32, #tpu.memory_space<vmem>>
    %dma_start3A_979 = tpu.memref_squeeze %dma_start3A_978 : memref<1x128xi32, #tpu.memory_space<vmem>> -> memref<128xi32, #tpu.memory_space<vmem>>
    %dma_start3A_980 = arith.constant 0 : i32
    %dma_start3A_981 = arith.constant 0 : i32
    %dma_start3A_982 = tpu.memref_slice %arg2[%dma_start3A_980, %dma_start3A_981] : memref<26000x16xf32, #tpu.memory_space<hbm>> -> memref<26000x16xf32, #tpu.memory_space<hbm>>
    tpu.enqueue_indirect_dma source(%dma_start3A_982 : memref<26000x16xf32, #tpu.memory_space<hbm>>) target(%dma_start3A_976 : memref<128x16xf32, #tpu.memory_space<vmem>>) offsets(%dma_start3A_979 : memref<128xi32, #tpu.memory_space<vmem>>) semaphore(%arg9 : memref<!tpu.dma_semaphore, #tpu.memory_space<semaphore_mem>>)
    %dma_wait3A_983 = arith.constant 40 : i32
    %dma_wait3A_984 = arith.constant 0 : i32
    %dma_wait3A_985 = arith.constant 0 : i32
    %dma_wait3A_986 = tpu.memref_slice %arg6[%dma_wait3A_984, %dma_wait3A_985] : memref<512x16xf32, #tpu.memory_space<vmem>> -> memref<128x16xf32, #tpu.memory_space<vmem>>
    %dma_wait3A_987 = arith.constant 0 : i32
    %dma_wait3A_988 = tpu.memref_slice %arg5[%dma_wait3A_983, %dma_wait3A_987] : memref<52x128xi32, #tpu.memory_space<vmem>> -> memref<1x128xi32, #tpu.memory_space<vmem>>
    %dma_wait3A_989 = tpu.memref_squeeze %dma_wait3A_988 : memref<1x128xi32, #tpu.memory_space<vmem>> -> memref<128xi32, #tpu.memory_space<vmem>>
    %dma_wait3A_990 = arith.constant 0 : i32
    %dma_wait3A_991 = arith.constant 0 : i32
    %dma_wait3A_992 = tpu.memref_slice %arg2[%dma_wait3A_990, %dma_wait3A_991] : memref<26000x16xf32, #tpu.memory_space<hbm>> -> memref<26000x16xf32, #tpu.memory_space<hbm>>
    tpu.wait_indirect_dma semaphore(%arg8 : memref<!tpu.dma_semaphore, #tpu.memory_space<semaphore_mem>>) src(%dma_wait3A_992 : memref<26000x16xf32, #tpu.memory_space<hbm>>) dst(%dma_wait3A_986 : memref<128x16xf32, #tpu.memory_space<vmem>>)
    %dma_wait3A_993 = arith.constant 41 : i32
    %dma_wait3A_994 = arith.constant 128 : i32
    %dma_wait3A_995 = arith.constant 0 : i32
    %dma_wait3A_996 = tpu.memref_slice %arg6[%dma_wait3A_994, %dma_wait3A_995] : memref<512x16xf32, #tpu.memory_space<vmem>> -> memref<128x16xf32, #tpu.memory_space<vmem>>
    %dma_wait3A_997 = arith.constant 0 : i32
    %dma_wait3A_998 = tpu.memref_slice %arg5[%dma_wait3A_993, %dma_wait3A_997] : memref<52x128xi32, #tpu.memory_space<vmem>> -> memref<1x128xi32, #tpu.memory_space<vmem>>
    %dma_wait3A_999 = tpu.memref_squeeze %dma_wait3A_998 : memref<1x128xi32, #tpu.memory_space<vmem>> -> memref<128xi32, #tpu.memory_space<vmem>>
    %dma_wait3A_1000 = arith.constant 0 : i32
    %dma_wait3A_1001 = arith.constant 0 : i32
    %dma_wait3A_1002 = tpu.memref_slice %arg2[%dma_wait3A_1000, %dma_wait3A_1001] : memref<26000x16xf32, #tpu.memory_space<hbm>> -> memref<26000x16xf32, #tpu.memory_space<hbm>>
    tpu.wait_indirect_dma semaphore(%arg8 : memref<!tpu.dma_semaphore, #tpu.memory_space<semaphore_mem>>) src(%dma_wait3A_1002 : memref<26000x16xf32, #tpu.memory_space<hbm>>) dst(%dma_wait3A_996 : memref<128x16xf32, #tpu.memory_space<vmem>>)
    %dma_wait3A_1003 = arith.constant 42 : i32
    %dma_wait3A_1004 = arith.constant 256 : i32
    %dma_wait3A_1005 = arith.constant 0 : i32
    %dma_wait3A_1006 = tpu.memref_slice %arg6[%dma_wait3A_1004, %dma_wait3A_1005] : memref<512x16xf32, #tpu.memory_space<vmem>> -> memref<128x16xf32, #tpu.memory_space<vmem>>
    %dma_wait3A_1007 = arith.constant 0 : i32
    %dma_wait3A_1008 = tpu.memref_slice %arg5[%dma_wait3A_1003, %dma_wait3A_1007] : memref<52x128xi32, #tpu.memory_space<vmem>> -> memref<1x128xi32, #tpu.memory_space<vmem>>
    %dma_wait3A_1009 = tpu.memref_squeeze %dma_wait3A_1008 : memref<1x128xi32, #tpu.memory_space<vmem>> -> memref<128xi32, #tpu.memory_space<vmem>>
    %dma_wait3A_1010 = arith.constant 0 : i32
    %dma_wait3A_1011 = arith.constant 0 : i32
    %dma_wait3A_1012 = tpu.memref_slice %arg2[%dma_wait3A_1010, %dma_wait3A_1011] : memref<26000x16xf32, #tpu.memory_space<hbm>> -> memref<26000x16xf32, #tpu.memory_space<hbm>>
    tpu.wait_indirect_dma semaphore(%arg8 : memref<!tpu.dma_semaphore, #tpu.memory_space<semaphore_mem>>) src(%dma_wait3A_1012 : memref<26000x16xf32, #tpu.memory_space<hbm>>) dst(%dma_wait3A_1006 : memref<128x16xf32, #tpu.memory_space<vmem>>)
    %dma_wait3A_1013 = arith.constant 43 : i32
    %dma_wait3A_1014 = arith.constant 384 : i32
    %dma_wait3A_1015 = arith.constant 0 : i32
    %dma_wait3A_1016 = tpu.memref_slice %arg6[%dma_wait3A_1014, %dma_wait3A_1015] : memref<512x16xf32, #tpu.memory_space<vmem>> -> memref<128x16xf32, #tpu.memory_space<vmem>>
    %dma_wait3A_1017 = arith.constant 0 : i32
    %dma_wait3A_1018 = tpu.memref_slice %arg5[%dma_wait3A_1013, %dma_wait3A_1017] : memref<52x128xi32, #tpu.memory_space<vmem>> -> memref<1x128xi32, #tpu.memory_space<vmem>>
    %dma_wait3A_1019 = tpu.memref_squeeze %dma_wait3A_1018 : memref<1x128xi32, #tpu.memory_space<vmem>> -> memref<128xi32, #tpu.memory_space<vmem>>
    %dma_wait3A_1020 = arith.constant 0 : i32
    %dma_wait3A_1021 = arith.constant 0 : i32
    %dma_wait3A_1022 = tpu.memref_slice %arg2[%dma_wait3A_1020, %dma_wait3A_1021] : memref<26000x16xf32, #tpu.memory_space<hbm>> -> memref<26000x16xf32, #tpu.memory_space<hbm>>
    tpu.wait_indirect_dma semaphore(%arg8 : memref<!tpu.dma_semaphore, #tpu.memory_space<semaphore_mem>>) src(%dma_wait3A_1022 : memref<26000x16xf32, #tpu.memory_space<hbm>>) dst(%dma_wait3A_1016 : memref<128x16xf32, #tpu.memory_space<vmem>>)
    %add3A_1023 = arith.constant 5120 : i32
    %add3A_1024 = arith.addi %mul3A_2, %add3A_1023 : i32
    %dma_start3A_1025 = arith.constant 0 : i32
    %dma_start3A_1026 = tpu.memref_slice %arg4[%add3A_1024, %dma_start3A_1025] : memref<212992x16xf32, #tpu.memory_space<hbm>> -> memref<512x16xf32, #tpu.memory_space<hbm>>
    %dma_start3A_1027 = arith.constant 0 : i32
    %dma_start3A_1028 = tpu.memref_slice %arg4[%add3A_1024, %dma_start3A_1027] : memref<212992x16xf32, #tpu.memory_space<hbm>> -> memref<512x16xf32, #tpu.memory_space<hbm>>
    tpu.enqueue_dma source(%arg6 : memref<512x16xf32, #tpu.memory_space<vmem>>) target(%dma_start3A_1028 : memref<512x16xf32, #tpu.memory_space<hbm>>) target_semaphore(%arg10 : memref<!tpu.dma_semaphore, #tpu.memory_space<semaphore_mem>>)
    %dma_wait3A_1029 = arith.constant 0 : i32
    %dma_wait3A_1030 = tpu.memref_slice %arg4[%add3A_1024, %dma_wait3A_1029] : memref<212992x16xf32, #tpu.memory_space<hbm>> -> memref<512x16xf32, #tpu.memory_space<hbm>>
    %dma_wait3A_1031 = arith.constant 0 : i32
    %dma_wait3A_1032 = tpu.memref_slice %arg4[%add3A_1024, %dma_wait3A_1031] : memref<212992x16xf32, #tpu.memory_space<hbm>> -> memref<512x16xf32, #tpu.memory_space<hbm>>
    tpu.wait_dma2 semaphore(%arg10 : memref<!tpu.dma_semaphore, #tpu.memory_space<semaphore_mem>>) src(%arg6 : memref<512x16xf32, #tpu.memory_space<vmem>>) dst(%dma_wait3A_1032 : memref<512x16xf32, #tpu.memory_space<hbm>>)
    %dma_start3A_1033 = arith.constant 48 : i32
    %dma_start3A_1034 = arith.constant 0 : i32
    %dma_start3A_1035 = arith.constant 0 : i32
    %dma_start3A_1036 = tpu.memref_slice %arg6[%dma_start3A_1034, %dma_start3A_1035] : memref<512x16xf32, #tpu.memory_space<vmem>> -> memref<128x16xf32, #tpu.memory_space<vmem>>
    %dma_start3A_1037 = arith.constant 0 : i32
    %dma_start3A_1038 = tpu.memref_slice %arg5[%dma_start3A_1033, %dma_start3A_1037] : memref<52x128xi32, #tpu.memory_space<vmem>> -> memref<1x128xi32, #tpu.memory_space<vmem>>
    %dma_start3A_1039 = tpu.memref_squeeze %dma_start3A_1038 : memref<1x128xi32, #tpu.memory_space<vmem>> -> memref<128xi32, #tpu.memory_space<vmem>>
    %dma_start3A_1040 = arith.constant 0 : i32
    %dma_start3A_1041 = arith.constant 0 : i32
    %dma_start3A_1042 = tpu.memref_slice %arg2[%dma_start3A_1040, %dma_start3A_1041] : memref<26000x16xf32, #tpu.memory_space<hbm>> -> memref<26000x16xf32, #tpu.memory_space<hbm>>
    tpu.enqueue_indirect_dma source(%dma_start3A_1042 : memref<26000x16xf32, #tpu.memory_space<hbm>>) target(%dma_start3A_1036 : memref<128x16xf32, #tpu.memory_space<vmem>>) offsets(%dma_start3A_1039 : memref<128xi32, #tpu.memory_space<vmem>>) semaphore(%arg8 : memref<!tpu.dma_semaphore, #tpu.memory_space<semaphore_mem>>)
    %dma_start3A_1043 = arith.constant 49 : i32
    %dma_start3A_1044 = arith.constant 128 : i32
    %dma_start3A_1045 = arith.constant 0 : i32
    %dma_start3A_1046 = tpu.memref_slice %arg6[%dma_start3A_1044, %dma_start3A_1045] : memref<512x16xf32, #tpu.memory_space<vmem>> -> memref<128x16xf32, #tpu.memory_space<vmem>>
    %dma_start3A_1047 = arith.constant 0 : i32
    %dma_start3A_1048 = tpu.memref_slice %arg5[%dma_start3A_1043, %dma_start3A_1047] : memref<52x128xi32, #tpu.memory_space<vmem>> -> memref<1x128xi32, #tpu.memory_space<vmem>>
    %dma_start3A_1049 = tpu.memref_squeeze %dma_start3A_1048 : memref<1x128xi32, #tpu.memory_space<vmem>> -> memref<128xi32, #tpu.memory_space<vmem>>
    %dma_start3A_1050 = arith.constant 0 : i32
    %dma_start3A_1051 = arith.constant 0 : i32
    %dma_start3A_1052 = tpu.memref_slice %arg2[%dma_start3A_1050, %dma_start3A_1051] : memref<26000x16xf32, #tpu.memory_space<hbm>> -> memref<26000x16xf32, #tpu.memory_space<hbm>>
    tpu.enqueue_indirect_dma source(%dma_start3A_1052 : memref<26000x16xf32, #tpu.memory_space<hbm>>) target(%dma_start3A_1046 : memref<128x16xf32, #tpu.memory_space<vmem>>) offsets(%dma_start3A_1049 : memref<128xi32, #tpu.memory_space<vmem>>) semaphore(%arg8 : memref<!tpu.dma_semaphore, #tpu.memory_space<semaphore_mem>>)
    %dma_start3A_1053 = arith.constant 50 : i32
    %dma_start3A_1054 = arith.constant 256 : i32
    %dma_start3A_1055 = arith.constant 0 : i32
    %dma_start3A_1056 = tpu.memref_slice %arg6[%dma_start3A_1054, %dma_start3A_1055] : memref<512x16xf32, #tpu.memory_space<vmem>> -> memref<128x16xf32, #tpu.memory_space<vmem>>
    %dma_start3A_1057 = arith.constant 0 : i32
    %dma_start3A_1058 = tpu.memref_slice %arg5[%dma_start3A_1053, %dma_start3A_1057] : memref<52x128xi32, #tpu.memory_space<vmem>> -> memref<1x128xi32, #tpu.memory_space<vmem>>
    %dma_start3A_1059 = tpu.memref_squeeze %dma_start3A_1058 : memref<1x128xi32, #tpu.memory_space<vmem>> -> memref<128xi32, #tpu.memory_space<vmem>>
    %dma_start3A_1060 = arith.constant 0 : i32
    %dma_start3A_1061 = arith.constant 0 : i32
    %dma_start3A_1062 = tpu.memref_slice %arg2[%dma_start3A_1060, %dma_start3A_1061] : memref<26000x16xf32, #tpu.memory_space<hbm>> -> memref<26000x16xf32, #tpu.memory_space<hbm>>
    tpu.enqueue_indirect_dma source(%dma_start3A_1062 : memref<26000x16xf32, #tpu.memory_space<hbm>>) target(%dma_start3A_1056 : memref<128x16xf32, #tpu.memory_space<vmem>>) offsets(%dma_start3A_1059 : memref<128xi32, #tpu.memory_space<vmem>>) semaphore(%arg8 : memref<!tpu.dma_semaphore, #tpu.memory_space<semaphore_mem>>)
    %dma_start3A_1063 = arith.constant 51 : i32
    %dma_start3A_1064 = arith.constant 384 : i32
    %dma_start3A_1065 = arith.constant 0 : i32
    %dma_start3A_1066 = tpu.memref_slice %arg6[%dma_start3A_1064, %dma_start3A_1065] : memref<512x16xf32, #tpu.memory_space<vmem>> -> memref<128x16xf32, #tpu.memory_space<vmem>>
    %dma_start3A_1067 = arith.constant 0 : i32
    %dma_start3A_1068 = tpu.memref_slice %arg5[%dma_start3A_1063, %dma_start3A_1067] : memref<52x128xi32, #tpu.memory_space<vmem>> -> memref<1x128xi32, #tpu.memory_space<vmem>>
    %dma_start3A_1069 = tpu.memref_squeeze %dma_start3A_1068 : memref<1x128xi32, #tpu.memory_space<vmem>> -> memref<128xi32, #tpu.memory_space<vmem>>
    %dma_start3A_1070 = arith.constant 0 : i32
    %dma_start3A_1071 = arith.constant 0 : i32
    %dma_start3A_1072 = tpu.memref_slice %arg2[%dma_start3A_1070, %dma_start3A_1071] : memref<26000x16xf32, #tpu.memory_space<hbm>> -> memref<26000x16xf32, #tpu.memory_space<hbm>>
    tpu.enqueue_indirect_dma source(%dma_start3A_1072 : memref<26000x16xf32, #tpu.memory_space<hbm>>) target(%dma_start3A_1066 : memref<128x16xf32, #tpu.memory_space<vmem>>) offsets(%dma_start3A_1069 : memref<128xi32, #tpu.memory_space<vmem>>) semaphore(%arg8 : memref<!tpu.dma_semaphore, #tpu.memory_space<semaphore_mem>>)
    %dma_wait3A_1073 = arith.constant 44 : i32
    %dma_wait3A_1074 = arith.constant 0 : i32
    %dma_wait3A_1075 = arith.constant 0 : i32
    %dma_wait3A_1076 = tpu.memref_slice %arg7[%dma_wait3A_1074, %dma_wait3A_1075] : memref<512x16xf32, #tpu.memory_space<vmem>> -> memref<128x16xf32, #tpu.memory_space<vmem>>
    %dma_wait3A_1077 = arith.constant 0 : i32
    %dma_wait3A_1078 = tpu.memref_slice %arg5[%dma_wait3A_1073, %dma_wait3A_1077] : memref<52x128xi32, #tpu.memory_space<vmem>> -> memref<1x128xi32, #tpu.memory_space<vmem>>
    %dma_wait3A_1079 = tpu.memref_squeeze %dma_wait3A_1078 : memref<1x128xi32, #tpu.memory_space<vmem>> -> memref<128xi32, #tpu.memory_space<vmem>>
    %dma_wait3A_1080 = arith.constant 0 : i32
    %dma_wait3A_1081 = arith.constant 0 : i32
    %dma_wait3A_1082 = tpu.memref_slice %arg2[%dma_wait3A_1080, %dma_wait3A_1081] : memref<26000x16xf32, #tpu.memory_space<hbm>> -> memref<26000x16xf32, #tpu.memory_space<hbm>>
    tpu.wait_indirect_dma semaphore(%arg9 : memref<!tpu.dma_semaphore, #tpu.memory_space<semaphore_mem>>) src(%dma_wait3A_1082 : memref<26000x16xf32, #tpu.memory_space<hbm>>) dst(%dma_wait3A_1076 : memref<128x16xf32, #tpu.memory_space<vmem>>)
    %dma_wait3A_1083 = arith.constant 45 : i32
    %dma_wait3A_1084 = arith.constant 128 : i32
    %dma_wait3A_1085 = arith.constant 0 : i32
    %dma_wait3A_1086 = tpu.memref_slice %arg7[%dma_wait3A_1084, %dma_wait3A_1085] : memref<512x16xf32, #tpu.memory_space<vmem>> -> memref<128x16xf32, #tpu.memory_space<vmem>>
    %dma_wait3A_1087 = arith.constant 0 : i32
    %dma_wait3A_1088 = tpu.memref_slice %arg5[%dma_wait3A_1083, %dma_wait3A_1087] : memref<52x128xi32, #tpu.memory_space<vmem>> -> memref<1x128xi32, #tpu.memory_space<vmem>>
    %dma_wait3A_1089 = tpu.memref_squeeze %dma_wait3A_1088 : memref<1x128xi32, #tpu.memory_space<vmem>> -> memref<128xi32, #tpu.memory_space<vmem>>
    %dma_wait3A_1090 = arith.constant 0 : i32
    %dma_wait3A_1091 = arith.constant 0 : i32
    %dma_wait3A_1092 = tpu.memref_slice %arg2[%dma_wait3A_1090, %dma_wait3A_1091] : memref<26000x16xf32, #tpu.memory_space<hbm>> -> memref<26000x16xf32, #tpu.memory_space<hbm>>
    tpu.wait_indirect_dma semaphore(%arg9 : memref<!tpu.dma_semaphore, #tpu.memory_space<semaphore_mem>>) src(%dma_wait3A_1092 : memref<26000x16xf32, #tpu.memory_space<hbm>>) dst(%dma_wait3A_1086 : memref<128x16xf32, #tpu.memory_space<vmem>>)
    %dma_wait3A_1093 = arith.constant 46 : i32
    %dma_wait3A_1094 = arith.constant 256 : i32
    %dma_wait3A_1095 = arith.constant 0 : i32
    %dma_wait3A_1096 = tpu.memref_slice %arg7[%dma_wait3A_1094, %dma_wait3A_1095] : memref<512x16xf32, #tpu.memory_space<vmem>> -> memref<128x16xf32, #tpu.memory_space<vmem>>
    %dma_wait3A_1097 = arith.constant 0 : i32
    %dma_wait3A_1098 = tpu.memref_slice %arg5[%dma_wait3A_1093, %dma_wait3A_1097] : memref<52x128xi32, #tpu.memory_space<vmem>> -> memref<1x128xi32, #tpu.memory_space<vmem>>
    %dma_wait3A_1099 = tpu.memref_squeeze %dma_wait3A_1098 : memref<1x128xi32, #tpu.memory_space<vmem>> -> memref<128xi32, #tpu.memory_space<vmem>>
    %dma_wait3A_1100 = arith.constant 0 : i32
    %dma_wait3A_1101 = arith.constant 0 : i32
    %dma_wait3A_1102 = tpu.memref_slice %arg2[%dma_wait3A_1100, %dma_wait3A_1101] : memref<26000x16xf32, #tpu.memory_space<hbm>> -> memref<26000x16xf32, #tpu.memory_space<hbm>>
    tpu.wait_indirect_dma semaphore(%arg9 : memref<!tpu.dma_semaphore, #tpu.memory_space<semaphore_mem>>) src(%dma_wait3A_1102 : memref<26000x16xf32, #tpu.memory_space<hbm>>) dst(%dma_wait3A_1096 : memref<128x16xf32, #tpu.memory_space<vmem>>)
    %dma_wait3A_1103 = arith.constant 47 : i32
    %dma_wait3A_1104 = arith.constant 384 : i32
    %dma_wait3A_1105 = arith.constant 0 : i32
    %dma_wait3A_1106 = tpu.memref_slice %arg7[%dma_wait3A_1104, %dma_wait3A_1105] : memref<512x16xf32, #tpu.memory_space<vmem>> -> memref<128x16xf32, #tpu.memory_space<vmem>>
    %dma_wait3A_1107 = arith.constant 0 : i32
    %dma_wait3A_1108 = tpu.memref_slice %arg5[%dma_wait3A_1103, %dma_wait3A_1107] : memref<52x128xi32, #tpu.memory_space<vmem>> -> memref<1x128xi32, #tpu.memory_space<vmem>>
    %dma_wait3A_1109 = tpu.memref_squeeze %dma_wait3A_1108 : memref<1x128xi32, #tpu.memory_space<vmem>> -> memref<128xi32, #tpu.memory_space<vmem>>
    %dma_wait3A_1110 = arith.constant 0 : i32
    %dma_wait3A_1111 = arith.constant 0 : i32
    %dma_wait3A_1112 = tpu.memref_slice %arg2[%dma_wait3A_1110, %dma_wait3A_1111] : memref<26000x16xf32, #tpu.memory_space<hbm>> -> memref<26000x16xf32, #tpu.memory_space<hbm>>
    tpu.wait_indirect_dma semaphore(%arg9 : memref<!tpu.dma_semaphore, #tpu.memory_space<semaphore_mem>>) src(%dma_wait3A_1112 : memref<26000x16xf32, #tpu.memory_space<hbm>>) dst(%dma_wait3A_1106 : memref<128x16xf32, #tpu.memory_space<vmem>>)
    %add3A_1113 = arith.constant 5632 : i32
    %add3A_1114 = arith.addi %mul3A_2, %add3A_1113 : i32
    %dma_start3A_1115 = arith.constant 0 : i32
    %dma_start3A_1116 = tpu.memref_slice %arg4[%add3A_1114, %dma_start3A_1115] : memref<212992x16xf32, #tpu.memory_space<hbm>> -> memref<512x16xf32, #tpu.memory_space<hbm>>
    %dma_start3A_1117 = arith.constant 0 : i32
    %dma_start3A_1118 = tpu.memref_slice %arg4[%add3A_1114, %dma_start3A_1117] : memref<212992x16xf32, #tpu.memory_space<hbm>> -> memref<512x16xf32, #tpu.memory_space<hbm>>
    tpu.enqueue_dma source(%arg7 : memref<512x16xf32, #tpu.memory_space<vmem>>) target(%dma_start3A_1118 : memref<512x16xf32, #tpu.memory_space<hbm>>) target_semaphore(%arg11 : memref<!tpu.dma_semaphore, #tpu.memory_space<semaphore_mem>>)
    %dma_wait3A_1119 = arith.constant 48 : i32
    %dma_wait3A_1120 = arith.constant 0 : i32
    %dma_wait3A_1121 = arith.constant 0 : i32
    %dma_wait3A_1122 = tpu.memref_slice %arg6[%dma_wait3A_1120, %dma_wait3A_1121] : memref<512x16xf32, #tpu.memory_space<vmem>> -> memref<128x16xf32, #tpu.memory_space<vmem>>
    %dma_wait3A_1123 = arith.constant 0 : i32
    %dma_wait3A_1124 = tpu.memref_slice %arg5[%dma_wait3A_1119, %dma_wait3A_1123] : memref<52x128xi32, #tpu.memory_space<vmem>> -> memref<1x128xi32, #tpu.memory_space<vmem>>
    %dma_wait3A_1125 = tpu.memref_squeeze %dma_wait3A_1124 : memref<1x128xi32, #tpu.memory_space<vmem>> -> memref<128xi32, #tpu.memory_space<vmem>>
    %dma_wait3A_1126 = arith.constant 0 : i32
    %dma_wait3A_1127 = arith.constant 0 : i32
    %dma_wait3A_1128 = tpu.memref_slice %arg2[%dma_wait3A_1126, %dma_wait3A_1127] : memref<26000x16xf32, #tpu.memory_space<hbm>> -> memref<26000x16xf32, #tpu.memory_space<hbm>>
    tpu.wait_indirect_dma semaphore(%arg8 : memref<!tpu.dma_semaphore, #tpu.memory_space<semaphore_mem>>) src(%dma_wait3A_1128 : memref<26000x16xf32, #tpu.memory_space<hbm>>) dst(%dma_wait3A_1122 : memref<128x16xf32, #tpu.memory_space<vmem>>)
    %dma_wait3A_1129 = arith.constant 49 : i32
    %dma_wait3A_1130 = arith.constant 128 : i32
    %dma_wait3A_1131 = arith.constant 0 : i32
    %dma_wait3A_1132 = tpu.memref_slice %arg6[%dma_wait3A_1130, %dma_wait3A_1131] : memref<512x16xf32, #tpu.memory_space<vmem>> -> memref<128x16xf32, #tpu.memory_space<vmem>>
    %dma_wait3A_1133 = arith.constant 0 : i32
    %dma_wait3A_1134 = tpu.memref_slice %arg5[%dma_wait3A_1129, %dma_wait3A_1133] : memref<52x128xi32, #tpu.memory_space<vmem>> -> memref<1x128xi32, #tpu.memory_space<vmem>>
    %dma_wait3A_1135 = tpu.memref_squeeze %dma_wait3A_1134 : memref<1x128xi32, #tpu.memory_space<vmem>> -> memref<128xi32, #tpu.memory_space<vmem>>
    %dma_wait3A_1136 = arith.constant 0 : i32
    %dma_wait3A_1137 = arith.constant 0 : i32
    %dma_wait3A_1138 = tpu.memref_slice %arg2[%dma_wait3A_1136, %dma_wait3A_1137] : memref<26000x16xf32, #tpu.memory_space<hbm>> -> memref<26000x16xf32, #tpu.memory_space<hbm>>
    tpu.wait_indirect_dma semaphore(%arg8 : memref<!tpu.dma_semaphore, #tpu.memory_space<semaphore_mem>>) src(%dma_wait3A_1138 : memref<26000x16xf32, #tpu.memory_space<hbm>>) dst(%dma_wait3A_1132 : memref<128x16xf32, #tpu.memory_space<vmem>>)
    %dma_wait3A_1139 = arith.constant 50 : i32
    %dma_wait3A_1140 = arith.constant 256 : i32
    %dma_wait3A_1141 = arith.constant 0 : i32
    %dma_wait3A_1142 = tpu.memref_slice %arg6[%dma_wait3A_1140, %dma_wait3A_1141] : memref<512x16xf32, #tpu.memory_space<vmem>> -> memref<128x16xf32, #tpu.memory_space<vmem>>
    %dma_wait3A_1143 = arith.constant 0 : i32
    %dma_wait3A_1144 = tpu.memref_slice %arg5[%dma_wait3A_1139, %dma_wait3A_1143] : memref<52x128xi32, #tpu.memory_space<vmem>> -> memref<1x128xi32, #tpu.memory_space<vmem>>
    %dma_wait3A_1145 = tpu.memref_squeeze %dma_wait3A_1144 : memref<1x128xi32, #tpu.memory_space<vmem>> -> memref<128xi32, #tpu.memory_space<vmem>>
    %dma_wait3A_1146 = arith.constant 0 : i32
    %dma_wait3A_1147 = arith.constant 0 : i32
    %dma_wait3A_1148 = tpu.memref_slice %arg2[%dma_wait3A_1146, %dma_wait3A_1147] : memref<26000x16xf32, #tpu.memory_space<hbm>> -> memref<26000x16xf32, #tpu.memory_space<hbm>>
    tpu.wait_indirect_dma semaphore(%arg8 : memref<!tpu.dma_semaphore, #tpu.memory_space<semaphore_mem>>) src(%dma_wait3A_1148 : memref<26000x16xf32, #tpu.memory_space<hbm>>) dst(%dma_wait3A_1142 : memref<128x16xf32, #tpu.memory_space<vmem>>)
    %dma_wait3A_1149 = arith.constant 51 : i32
    %dma_wait3A_1150 = arith.constant 384 : i32
    %dma_wait3A_1151 = arith.constant 0 : i32
    %dma_wait3A_1152 = tpu.memref_slice %arg6[%dma_wait3A_1150, %dma_wait3A_1151] : memref<512x16xf32, #tpu.memory_space<vmem>> -> memref<128x16xf32, #tpu.memory_space<vmem>>
    %dma_wait3A_1153 = arith.constant 0 : i32
    %dma_wait3A_1154 = tpu.memref_slice %arg5[%dma_wait3A_1149, %dma_wait3A_1153] : memref<52x128xi32, #tpu.memory_space<vmem>> -> memref<1x128xi32, #tpu.memory_space<vmem>>
    %dma_wait3A_1155 = tpu.memref_squeeze %dma_wait3A_1154 : memref<1x128xi32, #tpu.memory_space<vmem>> -> memref<128xi32, #tpu.memory_space<vmem>>
    %dma_wait3A_1156 = arith.constant 0 : i32
    %dma_wait3A_1157 = arith.constant 0 : i32
    %dma_wait3A_1158 = tpu.memref_slice %arg2[%dma_wait3A_1156, %dma_wait3A_1157] : memref<26000x16xf32, #tpu.memory_space<hbm>> -> memref<26000x16xf32, #tpu.memory_space<hbm>>
    tpu.wait_indirect_dma semaphore(%arg8 : memref<!tpu.dma_semaphore, #tpu.memory_space<semaphore_mem>>) src(%dma_wait3A_1158 : memref<26000x16xf32, #tpu.memory_space<hbm>>) dst(%dma_wait3A_1152 : memref<128x16xf32, #tpu.memory_space<vmem>>)
    %add3A_1159 = arith.constant 6144 : i32
    %add3A_1160 = arith.addi %mul3A_2, %add3A_1159 : i32
    %dma_start3A_1161 = arith.constant 0 : i32
    %dma_start3A_1162 = tpu.memref_slice %arg4[%add3A_1160, %dma_start3A_1161] : memref<212992x16xf32, #tpu.memory_space<hbm>> -> memref<512x16xf32, #tpu.memory_space<hbm>>
    %dma_start3A_1163 = arith.constant 0 : i32
    %dma_start3A_1164 = tpu.memref_slice %arg4[%add3A_1160, %dma_start3A_1163] : memref<212992x16xf32, #tpu.memory_space<hbm>> -> memref<512x16xf32, #tpu.memory_space<hbm>>
    tpu.enqueue_dma source(%arg6 : memref<512x16xf32, #tpu.memory_space<vmem>>) target(%dma_start3A_1164 : memref<512x16xf32, #tpu.memory_space<hbm>>) target_semaphore(%arg10 : memref<!tpu.dma_semaphore, #tpu.memory_space<semaphore_mem>>)
    %dma_wait3A_1165 = arith.constant 0 : i32
    %dma_wait3A_1166 = tpu.memref_slice %arg4[%add3A_1114, %dma_wait3A_1165] : memref<212992x16xf32, #tpu.memory_space<hbm>> -> memref<512x16xf32, #tpu.memory_space<hbm>>
    %dma_wait3A_1167 = arith.constant 0 : i32
    %dma_wait3A_1168 = tpu.memref_slice %arg4[%add3A_1114, %dma_wait3A_1167] : memref<212992x16xf32, #tpu.memory_space<hbm>> -> memref<512x16xf32, #tpu.memory_space<hbm>>
    tpu.wait_dma2 semaphore(%arg11 : memref<!tpu.dma_semaphore, #tpu.memory_space<semaphore_mem>>) src(%arg7 : memref<512x16xf32, #tpu.memory_space<vmem>>) dst(%dma_wait3A_1168 : memref<512x16xf32, #tpu.memory_space<hbm>>)
    %dma_wait3A_1169 = arith.constant 0 : i32
    %dma_wait3A_1170 = tpu.memref_slice %arg4[%add3A_1160, %dma_wait3A_1169] : memref<212992x16xf32, #tpu.memory_space<hbm>> -> memref<512x16xf32, #tpu.memory_space<hbm>>
    %dma_wait3A_1171 = arith.constant 0 : i32
    %dma_wait3A_1172 = tpu.memref_slice %arg4[%add3A_1160, %dma_wait3A_1171] : memref<212992x16xf32, #tpu.memory_space<hbm>> -> memref<512x16xf32, #tpu.memory_space<hbm>>
    tpu.wait_dma2 semaphore(%arg10 : memref<!tpu.dma_semaphore, #tpu.memory_space<semaphore_mem>>) src(%arg6 : memref<512x16xf32, #tpu.memory_space<vmem>>) dst(%dma_wait3A_1172 : memref<512x16xf32, #tpu.memory_space<hbm>>)
    return
  }
}

#map = affine_map<(d0, d1) -> (0, 0)>
module attributes {stable_mosaic.version = 14 : i64} {
  func.func @gather_kernel(%arg0: i32, %arg1: i32, %arg2: memref<26000x16xf32, #tpu.memory_space<hbm>>, %arg3: memref<1664x128xi32, #tpu.memory_space<hbm>>, %arg4: memref<212992x16xf32, #tpu.memory_space<hbm>>, %arg5: memref<52x128xi32, #tpu.memory_space<vmem>>, %arg6: memref<512x16xf32, #tpu.memory_space<vmem>>, %arg7: memref<512x16xf32, #tpu.memory_space<vmem>>, %arg8: memref<!tpu.dma_semaphore, #tpu.memory_space<semaphore_mem>>, %arg9: memref<!tpu.dma_semaphore, #tpu.memory_space<semaphore_mem>>, %arg10: memref<!tpu.dma_semaphore, #tpu.memory_space<semaphore_mem>>, %arg11: memref<!tpu.dma_semaphore, #tpu.memory_space<semaphore_mem>>) attributes {dimension_semantics = [#tpu.dimension_semantics<core_parallel>, #tpu.dimension_semantics<subcore_parallel>], iteration_bounds = array<i64: 2, 16>, scalar_prefetch = 0 : i64, scratch_operands = 7 : i64, tpu.core_type = #tpu.core_type<sc_vector_subcore>, window_params = [{transform_indices = #map}, {transform_indices = #map}, {transform_indices = #map}]} {
    %mul3A = arith.constant 2 : i32
    %mul3A_0 = arith.muli %arg1, %mul3A : i32
    %add3A = arith.addi %mul3A_0, %arg0 : i32
    %mul3A_1 = arith.constant 6656 : i32
    %mul3A_2 = arith.muli %add3A, %mul3A_1 : i32
    %mul3A_3 = arith.constant 52 : i32
    %mul3A_4 = arith.muli %add3A, %mul3A_3 : i32
    "tpu.region"() ({
      %run_scoped3A = tpu.sem_alloc : memref<!tpu.dma_semaphore, #tpu.memory_space<semaphore_mem>>
      %dma_start3A_1173 = arith.constant 0 : i32
      %dma_start3A_1174 = tpu.memref_slice %arg3[%mul3A_4, %dma_start3A_1173] : memref<1664x128xi32, #tpu.memory_space<hbm>> -> memref<52x128xi32, #tpu.memory_space<hbm>>
      %dma_start3A_1175 = arith.constant 0 : i32
      %dma_start3A_1176 = tpu.memref_slice %arg3[%mul3A_4, %dma_start3A_1175] : memref<1664x128xi32, #tpu.memory_space<hbm>> -> memref<52x128xi32, #tpu.memory_space<hbm>>
      tpu.enqueue_dma source(%dma_start3A_1176 : memref<52x128xi32, #tpu.memory_space<hbm>>) target(%arg5 : memref<52x128xi32, #tpu.memory_space<vmem>>) target_semaphore(%run_scoped3A : memref<!tpu.dma_semaphore, #tpu.memory_space<semaphore_mem>>)
      %dma_wait3A_1177 = arith.constant 0 : i32
      %dma_wait3A_1178 = tpu.memref_slice %arg3[%mul3A_4, %dma_wait3A_1177] : memref<1664x128xi32, #tpu.memory_space<hbm>> -> memref<52x128xi32, #tpu.memory_space<hbm>>
      %dma_wait3A_1179 = arith.constant 0 : i32
      %dma_wait3A_1180 = tpu.memref_slice %arg3[%mul3A_4, %dma_wait3A_1179] : memref<1664x128xi32, #tpu.memory_space<hbm>> -> memref<52x128xi32, #tpu.memory_space<hbm>>
      tpu.wait_dma2 semaphore(%run_scoped3A : memref<!tpu.dma_semaphore, #tpu.memory_space<semaphore_mem>>) src(%dma_wait3A_1180 : memref<52x128xi32, #tpu.memory_space<hbm>>) dst(%arg5 : memref<52x128xi32, #tpu.memory_space<vmem>>)
      tpu.yield
    }) : () -> ()
    %dma_start3A = arith.constant 0 : i32
    %dma_start3A_5 = arith.constant 0 : i32
    %dma_start3A_6 = arith.constant 0 : i32
    %dma_start3A_7 = tpu.memref_slice %arg6[%dma_start3A_5, %dma_start3A_6] : memref<512x16xf32, #tpu.memory_space<vmem>> -> memref<128x16xf32, #tpu.memory_space<vmem>>
    %dma_start3A_8 = arith.constant 0 : i32
    %dma_start3A_9 = tpu.memref_slice %arg5[%dma_start3A, %dma_start3A_8] : memref<52x128xi32, #tpu.memory_space<vmem>> -> memref<1x128xi32, #tpu.memory_space<vmem>>
    %dma_start3A_10 = tpu.memref_squeeze %dma_start3A_9 : memref<1x128xi32, #tpu.memory_space<vmem>> -> memref<128xi32, #tpu.memory_space<vmem>>
    %dma_start3A_11 = arith.constant 0 : i32
    %dma_start3A_12 = arith.constant 0 : i32
    %dma_start3A_13 = tpu.memref_slice %arg2[%dma_start3A_11, %dma_start3A_12] : memref<26000x16xf32, #tpu.memory_space<hbm>> -> memref<26000x16xf32, #tpu.memory_space<hbm>>
    tpu.enqueue_indirect_dma source(%dma_start3A_13 : memref<26000x16xf32, #tpu.memory_space<hbm>>) target(%dma_start3A_7 : memref<128x16xf32, #tpu.memory_space<vmem>>) offsets(%dma_start3A_10 : memref<128xi32, #tpu.memory_space<vmem>>) semaphore(%arg8 : memref<!tpu.dma_semaphore, #tpu.memory_space<semaphore_mem>>)
    %dma_start3A_14 = arith.constant 1 : i32
    %dma_start3A_15 = arith.constant 128 : i32
    %dma_start3A_16 = arith.constant 0 : i32
    %dma_start3A_17 = tpu.memref_slice %arg6[%dma_start3A_15, %dma_start3A_16] : memref<512x16xf32, #tpu.memory_space<vmem>> -> memref<128x16xf32, #tpu.memory_space<vmem>>
    %dma_start3A_18 = arith.constant 0 : i32
    %dma_start3A_19 = tpu.memref_slice %arg5[%dma_start3A_14, %dma_start3A_18] : memref<52x128xi32, #tpu.memory_space<vmem>> -> memref<1x128xi32, #tpu.memory_space<vmem>>
    %dma_start3A_20 = tpu.memref_squeeze %dma_start3A_19 : memref<1x128xi32, #tpu.memory_space<vmem>> -> memref<128xi32, #tpu.memory_space<vmem>>
    %dma_start3A_21 = arith.constant 0 : i32
    %dma_start3A_22 = arith.constant 0 : i32
    %dma_start3A_23 = tpu.memref_slice %arg2[%dma_start3A_21, %dma_start3A_22] : memref<26000x16xf32, #tpu.memory_space<hbm>> -> memref<26000x16xf32, #tpu.memory_space<hbm>>
    tpu.enqueue_indirect_dma source(%dma_start3A_23 : memref<26000x16xf32, #tpu.memory_space<hbm>>) target(%dma_start3A_17 : memref<128x16xf32, #tpu.memory_space<vmem>>) offsets(%dma_start3A_20 : memref<128xi32, #tpu.memory_space<vmem>>) semaphore(%arg8 : memref<!tpu.dma_semaphore, #tpu.memory_space<semaphore_mem>>)
    %dma_start3A_24 = arith.constant 2 : i32
    %dma_start3A_25 = arith.constant 256 : i32
    %dma_start3A_26 = arith.constant 0 : i32
    %dma_start3A_27 = tpu.memref_slice %arg6[%dma_start3A_25, %dma_start3A_26] : memref<512x16xf32, #tpu.memory_space<vmem>> -> memref<128x16xf32, #tpu.memory_space<vmem>>
    %dma_start3A_28 = arith.constant 0 : i32
    %dma_start3A_29 = tpu.memref_slice %arg5[%dma_start3A_24, %dma_start3A_28] : memref<52x128xi32, #tpu.memory_space<vmem>> -> memref<1x128xi32, #tpu.memory_space<vmem>>
    %dma_start3A_30 = tpu.memref_squeeze %dma_start3A_29 : memref<1x128xi32, #tpu.memory_space<vmem>> -> memref<128xi32, #tpu.memory_space<vmem>>
    %dma_start3A_31 = arith.constant 0 : i32
    %dma_start3A_32 = arith.constant 0 : i32
    %dma_start3A_33 = tpu.memref_slice %arg2[%dma_start3A_31, %dma_start3A_32] : memref<26000x16xf32, #tpu.memory_space<hbm>> -> memref<26000x16xf32, #tpu.memory_space<hbm>>
    tpu.enqueue_indirect_dma source(%dma_start3A_33 : memref<26000x16xf32, #tpu.memory_space<hbm>>) target(%dma_start3A_27 : memref<128x16xf32, #tpu.memory_space<vmem>>) offsets(%dma_start3A_30 : memref<128xi32, #tpu.memory_space<vmem>>) semaphore(%arg8 : memref<!tpu.dma_semaphore, #tpu.memory_space<semaphore_mem>>)
    %dma_start3A_34 = arith.constant 3 : i32
    %dma_start3A_35 = arith.constant 384 : i32
    %dma_start3A_36 = arith.constant 0 : i32
    %dma_start3A_37 = tpu.memref_slice %arg6[%dma_start3A_35, %dma_start3A_36] : memref<512x16xf32, #tpu.memory_space<vmem>> -> memref<128x16xf32, #tpu.memory_space<vmem>>
    %dma_start3A_38 = arith.constant 0 : i32
    %dma_start3A_39 = tpu.memref_slice %arg5[%dma_start3A_34, %dma_start3A_38] : memref<52x128xi32, #tpu.memory_space<vmem>> -> memref<1x128xi32, #tpu.memory_space<vmem>>
    %dma_start3A_40 = tpu.memref_squeeze %dma_start3A_39 : memref<1x128xi32, #tpu.memory_space<vmem>> -> memref<128xi32, #tpu.memory_space<vmem>>
    %dma_start3A_41 = arith.constant 0 : i32
    %dma_start3A_42 = arith.constant 0 : i32
    %dma_start3A_43 = tpu.memref_slice %arg2[%dma_start3A_41, %dma_start3A_42] : memref<26000x16xf32, #tpu.memory_space<hbm>> -> memref<26000x16xf32, #tpu.memory_space<hbm>>
    tpu.enqueue_indirect_dma source(%dma_start3A_43 : memref<26000x16xf32, #tpu.memory_space<hbm>>) target(%dma_start3A_37 : memref<128x16xf32, #tpu.memory_space<vmem>>) offsets(%dma_start3A_40 : memref<128xi32, #tpu.memory_space<vmem>>) semaphore(%arg8 : memref<!tpu.dma_semaphore, #tpu.memory_space<semaphore_mem>>)
    %dma_start3A_44 = arith.constant 4 : i32
    %dma_start3A_45 = arith.constant 0 : i32
    %dma_start3A_46 = arith.constant 0 : i32
    %dma_start3A_47 = tpu.memref_slice %arg7[%dma_start3A_45, %dma_start3A_46] : memref<512x16xf32, #tpu.memory_space<vmem>> -> memref<128x16xf32, #tpu.memory_space<vmem>>
    %dma_start3A_48 = arith.constant 0 : i32
    %dma_start3A_49 = tpu.memref_slice %arg5[%dma_start3A_44, %dma_start3A_48] : memref<52x128xi32, #tpu.memory_space<vmem>> -> memref<1x128xi32, #tpu.memory_space<vmem>>
    %dma_start3A_50 = tpu.memref_squeeze %dma_start3A_49 : memref<1x128xi32, #tpu.memory_space<vmem>> -> memref<128xi32, #tpu.memory_space<vmem>>
    %dma_start3A_51 = arith.constant 0 : i32
    %dma_start3A_52 = arith.constant 0 : i32
    %dma_start3A_53 = tpu.memref_slice %arg2[%dma_start3A_51, %dma_start3A_52] : memref<26000x16xf32, #tpu.memory_space<hbm>> -> memref<26000x16xf32, #tpu.memory_space<hbm>>
    tpu.enqueue_indirect_dma source(%dma_start3A_53 : memref<26000x16xf32, #tpu.memory_space<hbm>>) target(%dma_start3A_47 : memref<128x16xf32, #tpu.memory_space<vmem>>) offsets(%dma_start3A_50 : memref<128xi32, #tpu.memory_space<vmem>>) semaphore(%arg9 : memref<!tpu.dma_semaphore, #tpu.memory_space<semaphore_mem>>)
    %dma_start3A_54 = arith.constant 5 : i32
    %dma_start3A_55 = arith.constant 128 : i32
    %dma_start3A_56 = arith.constant 0 : i32
    %dma_start3A_57 = tpu.memref_slice %arg7[%dma_start3A_55, %dma_start3A_56] : memref<512x16xf32, #tpu.memory_space<vmem>> -> memref<128x16xf32, #tpu.memory_space<vmem>>
    %dma_start3A_58 = arith.constant 0 : i32
    %dma_start3A_59 = tpu.memref_slice %arg5[%dma_start3A_54, %dma_start3A_58] : memref<52x128xi32, #tpu.memory_space<vmem>> -> memref<1x128xi32, #tpu.memory_space<vmem>>
    %dma_start3A_60 = tpu.memref_squeeze %dma_start3A_59 : memref<1x128xi32, #tpu.memory_space<vmem>> -> memref<128xi32, #tpu.memory_space<vmem>>
    %dma_start3A_61 = arith.constant 0 : i32
    %dma_start3A_62 = arith.constant 0 : i32
    %dma_start3A_63 = tpu.memref_slice %arg2[%dma_start3A_61, %dma_start3A_62] : memref<26000x16xf32, #tpu.memory_space<hbm>> -> memref<26000x16xf32, #tpu.memory_space<hbm>>
    tpu.enqueue_indirect_dma source(%dma_start3A_63 : memref<26000x16xf32, #tpu.memory_space<hbm>>) target(%dma_start3A_57 : memref<128x16xf32, #tpu.memory_space<vmem>>) offsets(%dma_start3A_60 : memref<128xi32, #tpu.memory_space<vmem>>) semaphore(%arg9 : memref<!tpu.dma_semaphore, #tpu.memory_space<semaphore_mem>>)
    %dma_start3A_64 = arith.constant 6 : i32
    %dma_start3A_65 = arith.constant 256 : i32
    %dma_start3A_66 = arith.constant 0 : i32
    %dma_start3A_67 = tpu.memref_slice %arg7[%dma_start3A_65, %dma_start3A_66] : memref<512x16xf32, #tpu.memory_space<vmem>> -> memref<128x16xf32, #tpu.memory_space<vmem>>
    %dma_start3A_68 = arith.constant 0 : i32
    %dma_start3A_69 = tpu.memref_slice %arg5[%dma_start3A_64, %dma_start3A_68] : memref<52x128xi32, #tpu.memory_space<vmem>> -> memref<1x128xi32, #tpu.memory_space<vmem>>
    %dma_start3A_70 = tpu.memref_squeeze %dma_start3A_69 : memref<1x128xi32, #tpu.memory_space<vmem>> -> memref<128xi32, #tpu.memory_space<vmem>>
    %dma_start3A_71 = arith.constant 0 : i32
    %dma_start3A_72 = arith.constant 0 : i32
    %dma_start3A_73 = tpu.memref_slice %arg2[%dma_start3A_71, %dma_start3A_72] : memref<26000x16xf32, #tpu.memory_space<hbm>> -> memref<26000x16xf32, #tpu.memory_space<hbm>>
    tpu.enqueue_indirect_dma source(%dma_start3A_73 : memref<26000x16xf32, #tpu.memory_space<hbm>>) target(%dma_start3A_67 : memref<128x16xf32, #tpu.memory_space<vmem>>) offsets(%dma_start3A_70 : memref<128xi32, #tpu.memory_space<vmem>>) semaphore(%arg9 : memref<!tpu.dma_semaphore, #tpu.memory_space<semaphore_mem>>)
    %dma_start3A_74 = arith.constant 7 : i32
    %dma_start3A_75 = arith.constant 384 : i32
    %dma_start3A_76 = arith.constant 0 : i32
    %dma_start3A_77 = tpu.memref_slice %arg7[%dma_start3A_75, %dma_start3A_76] : memref<512x16xf32, #tpu.memory_space<vmem>> -> memref<128x16xf32, #tpu.memory_space<vmem>>
    %dma_start3A_78 = arith.constant 0 : i32
    %dma_start3A_79 = tpu.memref_slice %arg5[%dma_start3A_74, %dma_start3A_78] : memref<52x128xi32, #tpu.memory_space<vmem>> -> memref<1x128xi32, #tpu.memory_space<vmem>>
    %dma_start3A_80 = tpu.memref_squeeze %dma_start3A_79 : memref<1x128xi32, #tpu.memory_space<vmem>> -> memref<128xi32, #tpu.memory_space<vmem>>
    %dma_start3A_81 = arith.constant 0 : i32
    %dma_start3A_82 = arith.constant 0 : i32
    %dma_start3A_83 = tpu.memref_slice %arg2[%dma_start3A_81, %dma_start3A_82] : memref<26000x16xf32, #tpu.memory_space<hbm>> -> memref<26000x16xf32, #tpu.memory_space<hbm>>
    tpu.enqueue_indirect_dma source(%dma_start3A_83 : memref<26000x16xf32, #tpu.memory_space<hbm>>) target(%dma_start3A_77 : memref<128x16xf32, #tpu.memory_space<vmem>>) offsets(%dma_start3A_80 : memref<128xi32, #tpu.memory_space<vmem>>) semaphore(%arg9 : memref<!tpu.dma_semaphore, #tpu.memory_space<semaphore_mem>>)
    %dma_wait3A = arith.constant 0 : i32
    %dma_wait3A_84 = arith.constant 0 : i32
    %dma_wait3A_85 = arith.constant 0 : i32
    %dma_wait3A_86 = tpu.memref_slice %arg6[%dma_wait3A_84, %dma_wait3A_85] : memref<512x16xf32, #tpu.memory_space<vmem>> -> memref<128x16xf32, #tpu.memory_space<vmem>>
    %dma_wait3A_87 = arith.constant 0 : i32
    %dma_wait3A_88 = tpu.memref_slice %arg5[%dma_wait3A, %dma_wait3A_87] : memref<52x128xi32, #tpu.memory_space<vmem>> -> memref<1x128xi32, #tpu.memory_space<vmem>>
    %dma_wait3A_89 = tpu.memref_squeeze %dma_wait3A_88 : memref<1x128xi32, #tpu.memory_space<vmem>> -> memref<128xi32, #tpu.memory_space<vmem>>
    %dma_wait3A_90 = arith.constant 0 : i32
    %dma_wait3A_91 = arith.constant 0 : i32
    %dma_wait3A_92 = tpu.memref_slice %arg2[%dma_wait3A_90, %dma_wait3A_91] : memref<26000x16xf32, #tpu.memory_space<hbm>> -> memref<26000x16xf32, #tpu.memory_space<hbm>>
    tpu.wait_indirect_dma semaphore(%arg8 : memref<!tpu.dma_semaphore, #tpu.memory_space<semaphore_mem>>) src(%dma_wait3A_92 : memref<26000x16xf32, #tpu.memory_space<hbm>>) dst(%dma_wait3A_86 : memref<128x16xf32, #tpu.memory_space<vmem>>)
    %dma_wait3A_93 = arith.constant 1 : i32
    %dma_wait3A_94 = arith.constant 128 : i32
    %dma_wait3A_95 = arith.constant 0 : i32
    %dma_wait3A_96 = tpu.memref_slice %arg6[%dma_wait3A_94, %dma_wait3A_95] : memref<512x16xf32, #tpu.memory_space<vmem>> -> memref<128x16xf32, #tpu.memory_space<vmem>>
    %dma_wait3A_97 = arith.constant 0 : i32
    %dma_wait3A_98 = tpu.memref_slice %arg5[%dma_wait3A_93, %dma_wait3A_97] : memref<52x128xi32, #tpu.memory_space<vmem>> -> memref<1x128xi32, #tpu.memory_space<vmem>>
    %dma_wait3A_99 = tpu.memref_squeeze %dma_wait3A_98 : memref<1x128xi32, #tpu.memory_space<vmem>> -> memref<128xi32, #tpu.memory_space<vmem>>
    %dma_wait3A_100 = arith.constant 0 : i32
    %dma_wait3A_101 = arith.constant 0 : i32
    %dma_wait3A_102 = tpu.memref_slice %arg2[%dma_wait3A_100, %dma_wait3A_101] : memref<26000x16xf32, #tpu.memory_space<hbm>> -> memref<26000x16xf32, #tpu.memory_space<hbm>>
    tpu.wait_indirect_dma semaphore(%arg8 : memref<!tpu.dma_semaphore, #tpu.memory_space<semaphore_mem>>) src(%dma_wait3A_102 : memref<26000x16xf32, #tpu.memory_space<hbm>>) dst(%dma_wait3A_96 : memref<128x16xf32, #tpu.memory_space<vmem>>)
    %dma_wait3A_103 = arith.constant 2 : i32
    %dma_wait3A_104 = arith.constant 256 : i32
    %dma_wait3A_105 = arith.constant 0 : i32
    %dma_wait3A_106 = tpu.memref_slice %arg6[%dma_wait3A_104, %dma_wait3A_105] : memref<512x16xf32, #tpu.memory_space<vmem>> -> memref<128x16xf32, #tpu.memory_space<vmem>>
    %dma_wait3A_107 = arith.constant 0 : i32
    %dma_wait3A_108 = tpu.memref_slice %arg5[%dma_wait3A_103, %dma_wait3A_107] : memref<52x128xi32, #tpu.memory_space<vmem>> -> memref<1x128xi32, #tpu.memory_space<vmem>>
    %dma_wait3A_109 = tpu.memref_squeeze %dma_wait3A_108 : memref<1x128xi32, #tpu.memory_space<vmem>> -> memref<128xi32, #tpu.memory_space<vmem>>
    %dma_wait3A_110 = arith.constant 0 : i32
    %dma_wait3A_111 = arith.constant 0 : i32
    %dma_wait3A_112 = tpu.memref_slice %arg2[%dma_wait3A_110, %dma_wait3A_111] : memref<26000x16xf32, #tpu.memory_space<hbm>> -> memref<26000x16xf32, #tpu.memory_space<hbm>>
    tpu.wait_indirect_dma semaphore(%arg8 : memref<!tpu.dma_semaphore, #tpu.memory_space<semaphore_mem>>) src(%dma_wait3A_112 : memref<26000x16xf32, #tpu.memory_space<hbm>>) dst(%dma_wait3A_106 : memref<128x16xf32, #tpu.memory_space<vmem>>)
    %dma_wait3A_113 = arith.constant 3 : i32
    %dma_wait3A_114 = arith.constant 384 : i32
    %dma_wait3A_115 = arith.constant 0 : i32
    %dma_wait3A_116 = tpu.memref_slice %arg6[%dma_wait3A_114, %dma_wait3A_115] : memref<512x16xf32, #tpu.memory_space<vmem>> -> memref<128x16xf32, #tpu.memory_space<vmem>>
    %dma_wait3A_117 = arith.constant 0 : i32
    %dma_wait3A_118 = tpu.memref_slice %arg5[%dma_wait3A_113, %dma_wait3A_117] : memref<52x128xi32, #tpu.memory_space<vmem>> -> memref<1x128xi32, #tpu.memory_space<vmem>>
    %dma_wait3A_119 = tpu.memref_squeeze %dma_wait3A_118 : memref<1x128xi32, #tpu.memory_space<vmem>> -> memref<128xi32, #tpu.memory_space<vmem>>
    %dma_wait3A_120 = arith.constant 0 : i32
    %dma_wait3A_121 = arith.constant 0 : i32
    %dma_wait3A_122 = tpu.memref_slice %arg2[%dma_wait3A_120, %dma_wait3A_121] : memref<26000x16xf32, #tpu.memory_space<hbm>> -> memref<26000x16xf32, #tpu.memory_space<hbm>>
    tpu.wait_indirect_dma semaphore(%arg8 : memref<!tpu.dma_semaphore, #tpu.memory_space<semaphore_mem>>) src(%dma_wait3A_122 : memref<26000x16xf32, #tpu.memory_space<hbm>>) dst(%dma_wait3A_116 : memref<128x16xf32, #tpu.memory_space<vmem>>)
    %add3A_123 = arith.constant 0 : i32
    %add3A_124 = arith.addi %mul3A_2, %add3A_123 : i32
    %dma_start3A_125 = arith.constant 0 : i32
    %dma_start3A_126 = tpu.memref_slice %arg4[%add3A_124, %dma_start3A_125] : memref<212992x16xf32, #tpu.memory_space<hbm>> -> memref<512x16xf32, #tpu.memory_space<hbm>>
    %dma_start3A_127 = arith.constant 0 : i32
    %dma_start3A_128 = tpu.memref_slice %arg4[%add3A_124, %dma_start3A_127] : memref<212992x16xf32, #tpu.memory_space<hbm>> -> memref<512x16xf32, #tpu.memory_space<hbm>>
    tpu.enqueue_dma source(%arg6 : memref<512x16xf32, #tpu.memory_space<vmem>>) target(%dma_start3A_128 : memref<512x16xf32, #tpu.memory_space<hbm>>) target_semaphore(%arg10 : memref<!tpu.dma_semaphore, #tpu.memory_space<semaphore_mem>>)
    %dma_wait3A_129 = arith.constant 0 : i32
    %dma_wait3A_130 = tpu.memref_slice %arg4[%add3A_124, %dma_wait3A_129] : memref<212992x16xf32, #tpu.memory_space<hbm>> -> memref<512x16xf32, #tpu.memory_space<hbm>>
    %dma_wait3A_131 = arith.constant 0 : i32
    %dma_wait3A_132 = tpu.memref_slice %arg4[%add3A_124, %dma_wait3A_131] : memref<212992x16xf32, #tpu.memory_space<hbm>> -> memref<512x16xf32, #tpu.memory_space<hbm>>
    tpu.wait_dma2 semaphore(%arg10 : memref<!tpu.dma_semaphore, #tpu.memory_space<semaphore_mem>>) src(%arg6 : memref<512x16xf32, #tpu.memory_space<vmem>>) dst(%dma_wait3A_132 : memref<512x16xf32, #tpu.memory_space<hbm>>)
    %dma_start3A_133 = arith.constant 8 : i32
    %dma_start3A_134 = arith.constant 0 : i32
    %dma_start3A_135 = arith.constant 0 : i32
    %dma_start3A_136 = tpu.memref_slice %arg6[%dma_start3A_134, %dma_start3A_135] : memref<512x16xf32, #tpu.memory_space<vmem>> -> memref<128x16xf32, #tpu.memory_space<vmem>>
    %dma_start3A_137 = arith.constant 0 : i32
    %dma_start3A_138 = tpu.memref_slice %arg5[%dma_start3A_133, %dma_start3A_137] : memref<52x128xi32, #tpu.memory_space<vmem>> -> memref<1x128xi32, #tpu.memory_space<vmem>>
    %dma_start3A_139 = tpu.memref_squeeze %dma_start3A_138 : memref<1x128xi32, #tpu.memory_space<vmem>> -> memref<128xi32, #tpu.memory_space<vmem>>
    %dma_start3A_140 = arith.constant 0 : i32
    %dma_start3A_141 = arith.constant 0 : i32
    %dma_start3A_142 = tpu.memref_slice %arg2[%dma_start3A_140, %dma_start3A_141] : memref<26000x16xf32, #tpu.memory_space<hbm>> -> memref<26000x16xf32, #tpu.memory_space<hbm>>
    tpu.enqueue_indirect_dma source(%dma_start3A_142 : memref<26000x16xf32, #tpu.memory_space<hbm>>) target(%dma_start3A_136 : memref<128x16xf32, #tpu.memory_space<vmem>>) offsets(%dma_start3A_139 : memref<128xi32, #tpu.memory_space<vmem>>) semaphore(%arg8 : memref<!tpu.dma_semaphore, #tpu.memory_space<semaphore_mem>>)
    %dma_start3A_143 = arith.constant 9 : i32
    %dma_start3A_144 = arith.constant 128 : i32
    %dma_start3A_145 = arith.constant 0 : i32
    %dma_start3A_146 = tpu.memref_slice %arg6[%dma_start3A_144, %dma_start3A_145] : memref<512x16xf32, #tpu.memory_space<vmem>> -> memref<128x16xf32, #tpu.memory_space<vmem>>
    %dma_start3A_147 = arith.constant 0 : i32
    %dma_start3A_148 = tpu.memref_slice %arg5[%dma_start3A_143, %dma_start3A_147] : memref<52x128xi32, #tpu.memory_space<vmem>> -> memref<1x128xi32, #tpu.memory_space<vmem>>
    %dma_start3A_149 = tpu.memref_squeeze %dma_start3A_148 : memref<1x128xi32, #tpu.memory_space<vmem>> -> memref<128xi32, #tpu.memory_space<vmem>>
    %dma_start3A_150 = arith.constant 0 : i32
    %dma_start3A_151 = arith.constant 0 : i32
    %dma_start3A_152 = tpu.memref_slice %arg2[%dma_start3A_150, %dma_start3A_151] : memref<26000x16xf32, #tpu.memory_space<hbm>> -> memref<26000x16xf32, #tpu.memory_space<hbm>>
    tpu.enqueue_indirect_dma source(%dma_start3A_152 : memref<26000x16xf32, #tpu.memory_space<hbm>>) target(%dma_start3A_146 : memref<128x16xf32, #tpu.memory_space<vmem>>) offsets(%dma_start3A_149 : memref<128xi32, #tpu.memory_space<vmem>>) semaphore(%arg8 : memref<!tpu.dma_semaphore, #tpu.memory_space<semaphore_mem>>)
    %dma_start3A_153 = arith.constant 10 : i32
    %dma_start3A_154 = arith.constant 256 : i32
    %dma_start3A_155 = arith.constant 0 : i32
    %dma_start3A_156 = tpu.memref_slice %arg6[%dma_start3A_154, %dma_start3A_155] : memref<512x16xf32, #tpu.memory_space<vmem>> -> memref<128x16xf32, #tpu.memory_space<vmem>>
    %dma_start3A_157 = arith.constant 0 : i32
    %dma_start3A_158 = tpu.memref_slice %arg5[%dma_start3A_153, %dma_start3A_157] : memref<52x128xi32, #tpu.memory_space<vmem>> -> memref<1x128xi32, #tpu.memory_space<vmem>>
    %dma_start3A_159 = tpu.memref_squeeze %dma_start3A_158 : memref<1x128xi32, #tpu.memory_space<vmem>> -> memref<128xi32, #tpu.memory_space<vmem>>
    %dma_start3A_160 = arith.constant 0 : i32
    %dma_start3A_161 = arith.constant 0 : i32
    %dma_start3A_162 = tpu.memref_slice %arg2[%dma_start3A_160, %dma_start3A_161] : memref<26000x16xf32, #tpu.memory_space<hbm>> -> memref<26000x16xf32, #tpu.memory_space<hbm>>
    tpu.enqueue_indirect_dma source(%dma_start3A_162 : memref<26000x16xf32, #tpu.memory_space<hbm>>) target(%dma_start3A_156 : memref<128x16xf32, #tpu.memory_space<vmem>>) offsets(%dma_start3A_159 : memref<128xi32, #tpu.memory_space<vmem>>) semaphore(%arg8 : memref<!tpu.dma_semaphore, #tpu.memory_space<semaphore_mem>>)
    %dma_start3A_163 = arith.constant 11 : i32
    %dma_start3A_164 = arith.constant 384 : i32
    %dma_start3A_165 = arith.constant 0 : i32
    %dma_start3A_166 = tpu.memref_slice %arg6[%dma_start3A_164, %dma_start3A_165] : memref<512x16xf32, #tpu.memory_space<vmem>> -> memref<128x16xf32, #tpu.memory_space<vmem>>
    %dma_start3A_167 = arith.constant 0 : i32
    %dma_start3A_168 = tpu.memref_slice %arg5[%dma_start3A_163, %dma_start3A_167] : memref<52x128xi32, #tpu.memory_space<vmem>> -> memref<1x128xi32, #tpu.memory_space<vmem>>
    %dma_start3A_169 = tpu.memref_squeeze %dma_start3A_168 : memref<1x128xi32, #tpu.memory_space<vmem>> -> memref<128xi32, #tpu.memory_space<vmem>>
    %dma_start3A_170 = arith.constant 0 : i32
    %dma_start3A_171 = arith.constant 0 : i32
    %dma_start3A_172 = tpu.memref_slice %arg2[%dma_start3A_170, %dma_start3A_171] : memref<26000x16xf32, #tpu.memory_space<hbm>> -> memref<26000x16xf32, #tpu.memory_space<hbm>>
    tpu.enqueue_indirect_dma source(%dma_start3A_172 : memref<26000x16xf32, #tpu.memory_space<hbm>>) target(%dma_start3A_166 : memref<128x16xf32, #tpu.memory_space<vmem>>) offsets(%dma_start3A_169 : memref<128xi32, #tpu.memory_space<vmem>>) semaphore(%arg8 : memref<!tpu.dma_semaphore, #tpu.memory_space<semaphore_mem>>)
    %dma_wait3A_173 = arith.constant 4 : i32
    %dma_wait3A_174 = arith.constant 0 : i32
    %dma_wait3A_175 = arith.constant 0 : i32
    %dma_wait3A_176 = tpu.memref_slice %arg7[%dma_wait3A_174, %dma_wait3A_175] : memref<512x16xf32, #tpu.memory_space<vmem>> -> memref<128x16xf32, #tpu.memory_space<vmem>>
    %dma_wait3A_177 = arith.constant 0 : i32
    %dma_wait3A_178 = tpu.memref_slice %arg5[%dma_wait3A_173, %dma_wait3A_177] : memref<52x128xi32, #tpu.memory_space<vmem>> -> memref<1x128xi32, #tpu.memory_space<vmem>>
    %dma_wait3A_179 = tpu.memref_squeeze %dma_wait3A_178 : memref<1x128xi32, #tpu.memory_space<vmem>> -> memref<128xi32, #tpu.memory_space<vmem>>
    %dma_wait3A_180 = arith.constant 0 : i32
    %dma_wait3A_181 = arith.constant 0 : i32
    %dma_wait3A_182 = tpu.memref_slice %arg2[%dma_wait3A_180, %dma_wait3A_181] : memref<26000x16xf32, #tpu.memory_space<hbm>> -> memref<26000x16xf32, #tpu.memory_space<hbm>>
    tpu.wait_indirect_dma semaphore(%arg9 : memref<!tpu.dma_semaphore, #tpu.memory_space<semaphore_mem>>) src(%dma_wait3A_182 : memref<26000x16xf32, #tpu.memory_space<hbm>>) dst(%dma_wait3A_176 : memref<128x16xf32, #tpu.memory_space<vmem>>)
    %dma_wait3A_183 = arith.constant 5 : i32
    %dma_wait3A_184 = arith.constant 128 : i32
    %dma_wait3A_185 = arith.constant 0 : i32
    %dma_wait3A_186 = tpu.memref_slice %arg7[%dma_wait3A_184, %dma_wait3A_185] : memref<512x16xf32, #tpu.memory_space<vmem>> -> memref<128x16xf32, #tpu.memory_space<vmem>>
    %dma_wait3A_187 = arith.constant 0 : i32
    %dma_wait3A_188 = tpu.memref_slice %arg5[%dma_wait3A_183, %dma_wait3A_187] : memref<52x128xi32, #tpu.memory_space<vmem>> -> memref<1x128xi32, #tpu.memory_space<vmem>>
    %dma_wait3A_189 = tpu.memref_squeeze %dma_wait3A_188 : memref<1x128xi32, #tpu.memory_space<vmem>> -> memref<128xi32, #tpu.memory_space<vmem>>
    %dma_wait3A_190 = arith.constant 0 : i32
    %dma_wait3A_191 = arith.constant 0 : i32
    %dma_wait3A_192 = tpu.memref_slice %arg2[%dma_wait3A_190, %dma_wait3A_191] : memref<26000x16xf32, #tpu.memory_space<hbm>> -> memref<26000x16xf32, #tpu.memory_space<hbm>>
    tpu.wait_indirect_dma semaphore(%arg9 : memref<!tpu.dma_semaphore, #tpu.memory_space<semaphore_mem>>) src(%dma_wait3A_192 : memref<26000x16xf32, #tpu.memory_space<hbm>>) dst(%dma_wait3A_186 : memref<128x16xf32, #tpu.memory_space<vmem>>)
    %dma_wait3A_193 = arith.constant 6 : i32
    %dma_wait3A_194 = arith.constant 256 : i32
    %dma_wait3A_195 = arith.constant 0 : i32
    %dma_wait3A_196 = tpu.memref_slice %arg7[%dma_wait3A_194, %dma_wait3A_195] : memref<512x16xf32, #tpu.memory_space<vmem>> -> memref<128x16xf32, #tpu.memory_space<vmem>>
    %dma_wait3A_197 = arith.constant 0 : i32
    %dma_wait3A_198 = tpu.memref_slice %arg5[%dma_wait3A_193, %dma_wait3A_197] : memref<52x128xi32, #tpu.memory_space<vmem>> -> memref<1x128xi32, #tpu.memory_space<vmem>>
    %dma_wait3A_199 = tpu.memref_squeeze %dma_wait3A_198 : memref<1x128xi32, #tpu.memory_space<vmem>> -> memref<128xi32, #tpu.memory_space<vmem>>
    %dma_wait3A_200 = arith.constant 0 : i32
    %dma_wait3A_201 = arith.constant 0 : i32
    %dma_wait3A_202 = tpu.memref_slice %arg2[%dma_wait3A_200, %dma_wait3A_201] : memref<26000x16xf32, #tpu.memory_space<hbm>> -> memref<26000x16xf32, #tpu.memory_space<hbm>>
    tpu.wait_indirect_dma semaphore(%arg9 : memref<!tpu.dma_semaphore, #tpu.memory_space<semaphore_mem>>) src(%dma_wait3A_202 : memref<26000x16xf32, #tpu.memory_space<hbm>>) dst(%dma_wait3A_196 : memref<128x16xf32, #tpu.memory_space<vmem>>)
    %dma_wait3A_203 = arith.constant 7 : i32
    %dma_wait3A_204 = arith.constant 384 : i32
    %dma_wait3A_205 = arith.constant 0 : i32
    %dma_wait3A_206 = tpu.memref_slice %arg7[%dma_wait3A_204, %dma_wait3A_205] : memref<512x16xf32, #tpu.memory_space<vmem>> -> memref<128x16xf32, #tpu.memory_space<vmem>>
    %dma_wait3A_207 = arith.constant 0 : i32
    %dma_wait3A_208 = tpu.memref_slice %arg5[%dma_wait3A_203, %dma_wait3A_207] : memref<52x128xi32, #tpu.memory_space<vmem>> -> memref<1x128xi32, #tpu.memory_space<vmem>>
    %dma_wait3A_209 = tpu.memref_squeeze %dma_wait3A_208 : memref<1x128xi32, #tpu.memory_space<vmem>> -> memref<128xi32, #tpu.memory_space<vmem>>
    %dma_wait3A_210 = arith.constant 0 : i32
    %dma_wait3A_211 = arith.constant 0 : i32
    %dma_wait3A_212 = tpu.memref_slice %arg2[%dma_wait3A_210, %dma_wait3A_211] : memref<26000x16xf32, #tpu.memory_space<hbm>> -> memref<26000x16xf32, #tpu.memory_space<hbm>>
    tpu.wait_indirect_dma semaphore(%arg9 : memref<!tpu.dma_semaphore, #tpu.memory_space<semaphore_mem>>) src(%dma_wait3A_212 : memref<26000x16xf32, #tpu.memory_space<hbm>>) dst(%dma_wait3A_206 : memref<128x16xf32, #tpu.memory_space<vmem>>)
    %add3A_213 = arith.constant 512 : i32
    %add3A_214 = arith.addi %mul3A_2, %add3A_213 : i32
    %dma_start3A_215 = arith.constant 0 : i32
    %dma_start3A_216 = tpu.memref_slice %arg4[%add3A_214, %dma_start3A_215] : memref<212992x16xf32, #tpu.memory_space<hbm>> -> memref<512x16xf32, #tpu.memory_space<hbm>>
    %dma_start3A_217 = arith.constant 0 : i32
    %dma_start3A_218 = tpu.memref_slice %arg4[%add3A_214, %dma_start3A_217] : memref<212992x16xf32, #tpu.memory_space<hbm>> -> memref<512x16xf32, #tpu.memory_space<hbm>>
    tpu.enqueue_dma source(%arg7 : memref<512x16xf32, #tpu.memory_space<vmem>>) target(%dma_start3A_218 : memref<512x16xf32, #tpu.memory_space<hbm>>) target_semaphore(%arg11 : memref<!tpu.dma_semaphore, #tpu.memory_space<semaphore_mem>>)
    %dma_wait3A_219 = arith.constant 0 : i32
    %dma_wait3A_220 = tpu.memref_slice %arg4[%add3A_214, %dma_wait3A_219] : memref<212992x16xf32, #tpu.memory_space<hbm>> -> memref<512x16xf32, #tpu.memory_space<hbm>>
    %dma_wait3A_221 = arith.constant 0 : i32
    %dma_wait3A_222 = tpu.memref_slice %arg4[%add3A_214, %dma_wait3A_221] : memref<212992x16xf32, #tpu.memory_space<hbm>> -> memref<512x16xf32, #tpu.memory_space<hbm>>
    tpu.wait_dma2 semaphore(%arg11 : memref<!tpu.dma_semaphore, #tpu.memory_space<semaphore_mem>>) src(%arg7 : memref<512x16xf32, #tpu.memory_space<vmem>>) dst(%dma_wait3A_222 : memref<512x16xf32, #tpu.memory_space<hbm>>)
    %dma_start3A_223 = arith.constant 12 : i32
    %dma_start3A_224 = arith.constant 0 : i32
    %dma_start3A_225 = arith.constant 0 : i32
    %dma_start3A_226 = tpu.memref_slice %arg7[%dma_start3A_224, %dma_start3A_225] : memref<512x16xf32, #tpu.memory_space<vmem>> -> memref<128x16xf32, #tpu.memory_space<vmem>>
    %dma_start3A_227 = arith.constant 0 : i32
    %dma_start3A_228 = tpu.memref_slice %arg5[%dma_start3A_223, %dma_start3A_227] : memref<52x128xi32, #tpu.memory_space<vmem>> -> memref<1x128xi32, #tpu.memory_space<vmem>>
    %dma_start3A_229 = tpu.memref_squeeze %dma_start3A_228 : memref<1x128xi32, #tpu.memory_space<vmem>> -> memref<128xi32, #tpu.memory_space<vmem>>
    %dma_start3A_230 = arith.constant 0 : i32
    %dma_start3A_231 = arith.constant 0 : i32
    %dma_start3A_232 = tpu.memref_slice %arg2[%dma_start3A_230, %dma_start3A_231] : memref<26000x16xf32, #tpu.memory_space<hbm>> -> memref<26000x16xf32, #tpu.memory_space<hbm>>
    tpu.enqueue_indirect_dma source(%dma_start3A_232 : memref<26000x16xf32, #tpu.memory_space<hbm>>) target(%dma_start3A_226 : memref<128x16xf32, #tpu.memory_space<vmem>>) offsets(%dma_start3A_229 : memref<128xi32, #tpu.memory_space<vmem>>) semaphore(%arg9 : memref<!tpu.dma_semaphore, #tpu.memory_space<semaphore_mem>>)
    %dma_start3A_233 = arith.constant 13 : i32
    %dma_start3A_234 = arith.constant 128 : i32
    %dma_start3A_235 = arith.constant 0 : i32
    %dma_start3A_236 = tpu.memref_slice %arg7[%dma_start3A_234, %dma_start3A_235] : memref<512x16xf32, #tpu.memory_space<vmem>> -> memref<128x16xf32, #tpu.memory_space<vmem>>
    %dma_start3A_237 = arith.constant 0 : i32
    %dma_start3A_238 = tpu.memref_slice %arg5[%dma_start3A_233, %dma_start3A_237] : memref<52x128xi32, #tpu.memory_space<vmem>> -> memref<1x128xi32, #tpu.memory_space<vmem>>
    %dma_start3A_239 = tpu.memref_squeeze %dma_start3A_238 : memref<1x128xi32, #tpu.memory_space<vmem>> -> memref<128xi32, #tpu.memory_space<vmem>>
    %dma_start3A_240 = arith.constant 0 : i32
    %dma_start3A_241 = arith.constant 0 : i32
    %dma_start3A_242 = tpu.memref_slice %arg2[%dma_start3A_240, %dma_start3A_241] : memref<26000x16xf32, #tpu.memory_space<hbm>> -> memref<26000x16xf32, #tpu.memory_space<hbm>>
    tpu.enqueue_indirect_dma source(%dma_start3A_242 : memref<26000x16xf32, #tpu.memory_space<hbm>>) target(%dma_start3A_236 : memref<128x16xf32, #tpu.memory_space<vmem>>) offsets(%dma_start3A_239 : memref<128xi32, #tpu.memory_space<vmem>>) semaphore(%arg9 : memref<!tpu.dma_semaphore, #tpu.memory_space<semaphore_mem>>)
    %dma_start3A_243 = arith.constant 14 : i32
    %dma_start3A_244 = arith.constant 256 : i32
    %dma_start3A_245 = arith.constant 0 : i32
    %dma_start3A_246 = tpu.memref_slice %arg7[%dma_start3A_244, %dma_start3A_245] : memref<512x16xf32, #tpu.memory_space<vmem>> -> memref<128x16xf32, #tpu.memory_space<vmem>>
    %dma_start3A_247 = arith.constant 0 : i32
    %dma_start3A_248 = tpu.memref_slice %arg5[%dma_start3A_243, %dma_start3A_247] : memref<52x128xi32, #tpu.memory_space<vmem>> -> memref<1x128xi32, #tpu.memory_space<vmem>>
    %dma_start3A_249 = tpu.memref_squeeze %dma_start3A_248 : memref<1x128xi32, #tpu.memory_space<vmem>> -> memref<128xi32, #tpu.memory_space<vmem>>
    %dma_start3A_250 = arith.constant 0 : i32
    %dma_start3A_251 = arith.constant 0 : i32
    %dma_start3A_252 = tpu.memref_slice %arg2[%dma_start3A_250, %dma_start3A_251] : memref<26000x16xf32, #tpu.memory_space<hbm>> -> memref<26000x16xf32, #tpu.memory_space<hbm>>
    tpu.enqueue_indirect_dma source(%dma_start3A_252 : memref<26000x16xf32, #tpu.memory_space<hbm>>) target(%dma_start3A_246 : memref<128x16xf32, #tpu.memory_space<vmem>>) offsets(%dma_start3A_249 : memref<128xi32, #tpu.memory_space<vmem>>) semaphore(%arg9 : memref<!tpu.dma_semaphore, #tpu.memory_space<semaphore_mem>>)
    %dma_start3A_253 = arith.constant 15 : i32
    %dma_start3A_254 = arith.constant 384 : i32
    %dma_start3A_255 = arith.constant 0 : i32
    %dma_start3A_256 = tpu.memref_slice %arg7[%dma_start3A_254, %dma_start3A_255] : memref<512x16xf32, #tpu.memory_space<vmem>> -> memref<128x16xf32, #tpu.memory_space<vmem>>
    %dma_start3A_257 = arith.constant 0 : i32
    %dma_start3A_258 = tpu.memref_slice %arg5[%dma_start3A_253, %dma_start3A_257] : memref<52x128xi32, #tpu.memory_space<vmem>> -> memref<1x128xi32, #tpu.memory_space<vmem>>
    %dma_start3A_259 = tpu.memref_squeeze %dma_start3A_258 : memref<1x128xi32, #tpu.memory_space<vmem>> -> memref<128xi32, #tpu.memory_space<vmem>>
    %dma_start3A_260 = arith.constant 0 : i32
    %dma_start3A_261 = arith.constant 0 : i32
    %dma_start3A_262 = tpu.memref_slice %arg2[%dma_start3A_260, %dma_start3A_261] : memref<26000x16xf32, #tpu.memory_space<hbm>> -> memref<26000x16xf32, #tpu.memory_space<hbm>>
    tpu.enqueue_indirect_dma source(%dma_start3A_262 : memref<26000x16xf32, #tpu.memory_space<hbm>>) target(%dma_start3A_256 : memref<128x16xf32, #tpu.memory_space<vmem>>) offsets(%dma_start3A_259 : memref<128xi32, #tpu.memory_space<vmem>>) semaphore(%arg9 : memref<!tpu.dma_semaphore, #tpu.memory_space<semaphore_mem>>)
    %dma_wait3A_263 = arith.constant 8 : i32
    %dma_wait3A_264 = arith.constant 0 : i32
    %dma_wait3A_265 = arith.constant 0 : i32
    %dma_wait3A_266 = tpu.memref_slice %arg6[%dma_wait3A_264, %dma_wait3A_265] : memref<512x16xf32, #tpu.memory_space<vmem>> -> memref<128x16xf32, #tpu.memory_space<vmem>>
    %dma_wait3A_267 = arith.constant 0 : i32
    %dma_wait3A_268 = tpu.memref_slice %arg5[%dma_wait3A_263, %dma_wait3A_267] : memref<52x128xi32, #tpu.memory_space<vmem>> -> memref<1x128xi32, #tpu.memory_space<vmem>>
    %dma_wait3A_269 = tpu.memref_squeeze %dma_wait3A_268 : memref<1x128xi32, #tpu.memory_space<vmem>> -> memref<128xi32, #tpu.memory_space<vmem>>
    %dma_wait3A_270 = arith.constant 0 : i32
    %dma_wait3A_271 = arith.constant 0 : i32
    %dma_wait3A_272 = tpu.memref_slice %arg2[%dma_wait3A_270, %dma_wait3A_271] : memref<26000x16xf32, #tpu.memory_space<hbm>> -> memref<26000x16xf32, #tpu.memory_space<hbm>>
    tpu.wait_indirect_dma semaphore(%arg8 : memref<!tpu.dma_semaphore, #tpu.memory_space<semaphore_mem>>) src(%dma_wait3A_272 : memref<26000x16xf32, #tpu.memory_space<hbm>>) dst(%dma_wait3A_266 : memref<128x16xf32, #tpu.memory_space<vmem>>)
    %dma_wait3A_273 = arith.constant 9 : i32
    %dma_wait3A_274 = arith.constant 128 : i32
    %dma_wait3A_275 = arith.constant 0 : i32
    %dma_wait3A_276 = tpu.memref_slice %arg6[%dma_wait3A_274, %dma_wait3A_275] : memref<512x16xf32, #tpu.memory_space<vmem>> -> memref<128x16xf32, #tpu.memory_space<vmem>>
    %dma_wait3A_277 = arith.constant 0 : i32
    %dma_wait3A_278 = tpu.memref_slice %arg5[%dma_wait3A_273, %dma_wait3A_277] : memref<52x128xi32, #tpu.memory_space<vmem>> -> memref<1x128xi32, #tpu.memory_space<vmem>>
    %dma_wait3A_279 = tpu.memref_squeeze %dma_wait3A_278 : memref<1x128xi32, #tpu.memory_space<vmem>> -> memref<128xi32, #tpu.memory_space<vmem>>
    %dma_wait3A_280 = arith.constant 0 : i32
    %dma_wait3A_281 = arith.constant 0 : i32
    %dma_wait3A_282 = tpu.memref_slice %arg2[%dma_wait3A_280, %dma_wait3A_281] : memref<26000x16xf32, #tpu.memory_space<hbm>> -> memref<26000x16xf32, #tpu.memory_space<hbm>>
    tpu.wait_indirect_dma semaphore(%arg8 : memref<!tpu.dma_semaphore, #tpu.memory_space<semaphore_mem>>) src(%dma_wait3A_282 : memref<26000x16xf32, #tpu.memory_space<hbm>>) dst(%dma_wait3A_276 : memref<128x16xf32, #tpu.memory_space<vmem>>)
    %dma_wait3A_283 = arith.constant 10 : i32
    %dma_wait3A_284 = arith.constant 256 : i32
    %dma_wait3A_285 = arith.constant 0 : i32
    %dma_wait3A_286 = tpu.memref_slice %arg6[%dma_wait3A_284, %dma_wait3A_285] : memref<512x16xf32, #tpu.memory_space<vmem>> -> memref<128x16xf32, #tpu.memory_space<vmem>>
    %dma_wait3A_287 = arith.constant 0 : i32
    %dma_wait3A_288 = tpu.memref_slice %arg5[%dma_wait3A_283, %dma_wait3A_287] : memref<52x128xi32, #tpu.memory_space<vmem>> -> memref<1x128xi32, #tpu.memory_space<vmem>>
    %dma_wait3A_289 = tpu.memref_squeeze %dma_wait3A_288 : memref<1x128xi32, #tpu.memory_space<vmem>> -> memref<128xi32, #tpu.memory_space<vmem>>
    %dma_wait3A_290 = arith.constant 0 : i32
    %dma_wait3A_291 = arith.constant 0 : i32
    %dma_wait3A_292 = tpu.memref_slice %arg2[%dma_wait3A_290, %dma_wait3A_291] : memref<26000x16xf32, #tpu.memory_space<hbm>> -> memref<26000x16xf32, #tpu.memory_space<hbm>>
    tpu.wait_indirect_dma semaphore(%arg8 : memref<!tpu.dma_semaphore, #tpu.memory_space<semaphore_mem>>) src(%dma_wait3A_292 : memref<26000x16xf32, #tpu.memory_space<hbm>>) dst(%dma_wait3A_286 : memref<128x16xf32, #tpu.memory_space<vmem>>)
    %dma_wait3A_293 = arith.constant 11 : i32
    %dma_wait3A_294 = arith.constant 384 : i32
    %dma_wait3A_295 = arith.constant 0 : i32
    %dma_wait3A_296 = tpu.memref_slice %arg6[%dma_wait3A_294, %dma_wait3A_295] : memref<512x16xf32, #tpu.memory_space<vmem>> -> memref<128x16xf32, #tpu.memory_space<vmem>>
    %dma_wait3A_297 = arith.constant 0 : i32
    %dma_wait3A_298 = tpu.memref_slice %arg5[%dma_wait3A_293, %dma_wait3A_297] : memref<52x128xi32, #tpu.memory_space<vmem>> -> memref<1x128xi32, #tpu.memory_space<vmem>>
    %dma_wait3A_299 = tpu.memref_squeeze %dma_wait3A_298 : memref<1x128xi32, #tpu.memory_space<vmem>> -> memref<128xi32, #tpu.memory_space<vmem>>
    %dma_wait3A_300 = arith.constant 0 : i32
    %dma_wait3A_301 = arith.constant 0 : i32
    %dma_wait3A_302 = tpu.memref_slice %arg2[%dma_wait3A_300, %dma_wait3A_301] : memref<26000x16xf32, #tpu.memory_space<hbm>> -> memref<26000x16xf32, #tpu.memory_space<hbm>>
    tpu.wait_indirect_dma semaphore(%arg8 : memref<!tpu.dma_semaphore, #tpu.memory_space<semaphore_mem>>) src(%dma_wait3A_302 : memref<26000x16xf32, #tpu.memory_space<hbm>>) dst(%dma_wait3A_296 : memref<128x16xf32, #tpu.memory_space<vmem>>)
    %add3A_303 = arith.constant 1024 : i32
    %add3A_304 = arith.addi %mul3A_2, %add3A_303 : i32
    %dma_start3A_305 = arith.constant 0 : i32
    %dma_start3A_306 = tpu.memref_slice %arg4[%add3A_304, %dma_start3A_305] : memref<212992x16xf32, #tpu.memory_space<hbm>> -> memref<512x16xf32, #tpu.memory_space<hbm>>
    %dma_start3A_307 = arith.constant 0 : i32
    %dma_start3A_308 = tpu.memref_slice %arg4[%add3A_304, %dma_start3A_307] : memref<212992x16xf32, #tpu.memory_space<hbm>> -> memref<512x16xf32, #tpu.memory_space<hbm>>
    tpu.enqueue_dma source(%arg6 : memref<512x16xf32, #tpu.memory_space<vmem>>) target(%dma_start3A_308 : memref<512x16xf32, #tpu.memory_space<hbm>>) target_semaphore(%arg10 : memref<!tpu.dma_semaphore, #tpu.memory_space<semaphore_mem>>)
    %dma_wait3A_309 = arith.constant 0 : i32
    %dma_wait3A_310 = tpu.memref_slice %arg4[%add3A_304, %dma_wait3A_309] : memref<212992x16xf32, #tpu.memory_space<hbm>> -> memref<512x16xf32, #tpu.memory_space<hbm>>
    %dma_wait3A_311 = arith.constant 0 : i32
    %dma_wait3A_312 = tpu.memref_slice %arg4[%add3A_304, %dma_wait3A_311] : memref<212992x16xf32, #tpu.memory_space<hbm>> -> memref<512x16xf32, #tpu.memory_space<hbm>>
    tpu.wait_dma2 semaphore(%arg10 : memref<!tpu.dma_semaphore, #tpu.memory_space<semaphore_mem>>) src(%arg6 : memref<512x16xf32, #tpu.memory_space<vmem>>) dst(%dma_wait3A_312 : memref<512x16xf32, #tpu.memory_space<hbm>>)
    %dma_start3A_313 = arith.constant 16 : i32
    %dma_start3A_314 = arith.constant 0 : i32
    %dma_start3A_315 = arith.constant 0 : i32
    %dma_start3A_316 = tpu.memref_slice %arg6[%dma_start3A_314, %dma_start3A_315] : memref<512x16xf32, #tpu.memory_space<vmem>> -> memref<128x16xf32, #tpu.memory_space<vmem>>
    %dma_start3A_317 = arith.constant 0 : i32
    %dma_start3A_318 = tpu.memref_slice %arg5[%dma_start3A_313, %dma_start3A_317] : memref<52x128xi32, #tpu.memory_space<vmem>> -> memref<1x128xi32, #tpu.memory_space<vmem>>
    %dma_start3A_319 = tpu.memref_squeeze %dma_start3A_318 : memref<1x128xi32, #tpu.memory_space<vmem>> -> memref<128xi32, #tpu.memory_space<vmem>>
    %dma_start3A_320 = arith.constant 0 : i32
    %dma_start3A_321 = arith.constant 0 : i32
    %dma_start3A_322 = tpu.memref_slice %arg2[%dma_start3A_320, %dma_start3A_321] : memref<26000x16xf32, #tpu.memory_space<hbm>> -> memref<26000x16xf32, #tpu.memory_space<hbm>>
    tpu.enqueue_indirect_dma source(%dma_start3A_322 : memref<26000x16xf32, #tpu.memory_space<hbm>>) target(%dma_start3A_316 : memref<128x16xf32, #tpu.memory_space<vmem>>) offsets(%dma_start3A_319 : memref<128xi32, #tpu.memory_space<vmem>>) semaphore(%arg8 : memref<!tpu.dma_semaphore, #tpu.memory_space<semaphore_mem>>)
    %dma_start3A_323 = arith.constant 17 : i32
    %dma_start3A_324 = arith.constant 128 : i32
    %dma_start3A_325 = arith.constant 0 : i32
    %dma_start3A_326 = tpu.memref_slice %arg6[%dma_start3A_324, %dma_start3A_325] : memref<512x16xf32, #tpu.memory_space<vmem>> -> memref<128x16xf32, #tpu.memory_space<vmem>>
    %dma_start3A_327 = arith.constant 0 : i32
    %dma_start3A_328 = tpu.memref_slice %arg5[%dma_start3A_323, %dma_start3A_327] : memref<52x128xi32, #tpu.memory_space<vmem>> -> memref<1x128xi32, #tpu.memory_space<vmem>>
    %dma_start3A_329 = tpu.memref_squeeze %dma_start3A_328 : memref<1x128xi32, #tpu.memory_space<vmem>> -> memref<128xi32, #tpu.memory_space<vmem>>
    %dma_start3A_330 = arith.constant 0 : i32
    %dma_start3A_331 = arith.constant 0 : i32
    %dma_start3A_332 = tpu.memref_slice %arg2[%dma_start3A_330, %dma_start3A_331] : memref<26000x16xf32, #tpu.memory_space<hbm>> -> memref<26000x16xf32, #tpu.memory_space<hbm>>
    tpu.enqueue_indirect_dma source(%dma_start3A_332 : memref<26000x16xf32, #tpu.memory_space<hbm>>) target(%dma_start3A_326 : memref<128x16xf32, #tpu.memory_space<vmem>>) offsets(%dma_start3A_329 : memref<128xi32, #tpu.memory_space<vmem>>) semaphore(%arg8 : memref<!tpu.dma_semaphore, #tpu.memory_space<semaphore_mem>>)
    %dma_start3A_333 = arith.constant 18 : i32
    %dma_start3A_334 = arith.constant 256 : i32
    %dma_start3A_335 = arith.constant 0 : i32
    %dma_start3A_336 = tpu.memref_slice %arg6[%dma_start3A_334, %dma_start3A_335] : memref<512x16xf32, #tpu.memory_space<vmem>> -> memref<128x16xf32, #tpu.memory_space<vmem>>
    %dma_start3A_337 = arith.constant 0 : i32
    %dma_start3A_338 = tpu.memref_slice %arg5[%dma_start3A_333, %dma_start3A_337] : memref<52x128xi32, #tpu.memory_space<vmem>> -> memref<1x128xi32, #tpu.memory_space<vmem>>
    %dma_start3A_339 = tpu.memref_squeeze %dma_start3A_338 : memref<1x128xi32, #tpu.memory_space<vmem>> -> memref<128xi32, #tpu.memory_space<vmem>>
    %dma_start3A_340 = arith.constant 0 : i32
    %dma_start3A_341 = arith.constant 0 : i32
    %dma_start3A_342 = tpu.memref_slice %arg2[%dma_start3A_340, %dma_start3A_341] : memref<26000x16xf32, #tpu.memory_space<hbm>> -> memref<26000x16xf32, #tpu.memory_space<hbm>>
    tpu.enqueue_indirect_dma source(%dma_start3A_342 : memref<26000x16xf32, #tpu.memory_space<hbm>>) target(%dma_start3A_336 : memref<128x16xf32, #tpu.memory_space<vmem>>) offsets(%dma_start3A_339 : memref<128xi32, #tpu.memory_space<vmem>>) semaphore(%arg8 : memref<!tpu.dma_semaphore, #tpu.memory_space<semaphore_mem>>)
    %dma_start3A_343 = arith.constant 19 : i32
    %dma_start3A_344 = arith.constant 384 : i32
    %dma_start3A_345 = arith.constant 0 : i32
    %dma_start3A_346 = tpu.memref_slice %arg6[%dma_start3A_344, %dma_start3A_345] : memref<512x16xf32, #tpu.memory_space<vmem>> -> memref<128x16xf32, #tpu.memory_space<vmem>>
    %dma_start3A_347 = arith.constant 0 : i32
    %dma_start3A_348 = tpu.memref_slice %arg5[%dma_start3A_343, %dma_start3A_347] : memref<52x128xi32, #tpu.memory_space<vmem>> -> memref<1x128xi32, #tpu.memory_space<vmem>>
    %dma_start3A_349 = tpu.memref_squeeze %dma_start3A_348 : memref<1x128xi32, #tpu.memory_space<vmem>> -> memref<128xi32, #tpu.memory_space<vmem>>
    %dma_start3A_350 = arith.constant 0 : i32
    %dma_start3A_351 = arith.constant 0 : i32
    %dma_start3A_352 = tpu.memref_slice %arg2[%dma_start3A_350, %dma_start3A_351] : memref<26000x16xf32, #tpu.memory_space<hbm>> -> memref<26000x16xf32, #tpu.memory_space<hbm>>
    tpu.enqueue_indirect_dma source(%dma_start3A_352 : memref<26000x16xf32, #tpu.memory_space<hbm>>) target(%dma_start3A_346 : memref<128x16xf32, #tpu.memory_space<vmem>>) offsets(%dma_start3A_349 : memref<128xi32, #tpu.memory_space<vmem>>) semaphore(%arg8 : memref<!tpu.dma_semaphore, #tpu.memory_space<semaphore_mem>>)
    %dma_wait3A_353 = arith.constant 12 : i32
    %dma_wait3A_354 = arith.constant 0 : i32
    %dma_wait3A_355 = arith.constant 0 : i32
    %dma_wait3A_356 = tpu.memref_slice %arg7[%dma_wait3A_354, %dma_wait3A_355] : memref<512x16xf32, #tpu.memory_space<vmem>> -> memref<128x16xf32, #tpu.memory_space<vmem>>
    %dma_wait3A_357 = arith.constant 0 : i32
    %dma_wait3A_358 = tpu.memref_slice %arg5[%dma_wait3A_353, %dma_wait3A_357] : memref<52x128xi32, #tpu.memory_space<vmem>> -> memref<1x128xi32, #tpu.memory_space<vmem>>
    %dma_wait3A_359 = tpu.memref_squeeze %dma_wait3A_358 : memref<1x128xi32, #tpu.memory_space<vmem>> -> memref<128xi32, #tpu.memory_space<vmem>>
    %dma_wait3A_360 = arith.constant 0 : i32
    %dma_wait3A_361 = arith.constant 0 : i32
    %dma_wait3A_362 = tpu.memref_slice %arg2[%dma_wait3A_360, %dma_wait3A_361] : memref<26000x16xf32, #tpu.memory_space<hbm>> -> memref<26000x16xf32, #tpu.memory_space<hbm>>
    tpu.wait_indirect_dma semaphore(%arg9 : memref<!tpu.dma_semaphore, #tpu.memory_space<semaphore_mem>>) src(%dma_wait3A_362 : memref<26000x16xf32, #tpu.memory_space<hbm>>) dst(%dma_wait3A_356 : memref<128x16xf32, #tpu.memory_space<vmem>>)
    %dma_wait3A_363 = arith.constant 13 : i32
    %dma_wait3A_364 = arith.constant 128 : i32
    %dma_wait3A_365 = arith.constant 0 : i32
    %dma_wait3A_366 = tpu.memref_slice %arg7[%dma_wait3A_364, %dma_wait3A_365] : memref<512x16xf32, #tpu.memory_space<vmem>> -> memref<128x16xf32, #tpu.memory_space<vmem>>
    %dma_wait3A_367 = arith.constant 0 : i32
    %dma_wait3A_368 = tpu.memref_slice %arg5[%dma_wait3A_363, %dma_wait3A_367] : memref<52x128xi32, #tpu.memory_space<vmem>> -> memref<1x128xi32, #tpu.memory_space<vmem>>
    %dma_wait3A_369 = tpu.memref_squeeze %dma_wait3A_368 : memref<1x128xi32, #tpu.memory_space<vmem>> -> memref<128xi32, #tpu.memory_space<vmem>>
    %dma_wait3A_370 = arith.constant 0 : i32
    %dma_wait3A_371 = arith.constant 0 : i32
    %dma_wait3A_372 = tpu.memref_slice %arg2[%dma_wait3A_370, %dma_wait3A_371] : memref<26000x16xf32, #tpu.memory_space<hbm>> -> memref<26000x16xf32, #tpu.memory_space<hbm>>
    tpu.wait_indirect_dma semaphore(%arg9 : memref<!tpu.dma_semaphore, #tpu.memory_space<semaphore_mem>>) src(%dma_wait3A_372 : memref<26000x16xf32, #tpu.memory_space<hbm>>) dst(%dma_wait3A_366 : memref<128x16xf32, #tpu.memory_space<vmem>>)
    %dma_wait3A_373 = arith.constant 14 : i32
    %dma_wait3A_374 = arith.constant 256 : i32
    %dma_wait3A_375 = arith.constant 0 : i32
    %dma_wait3A_376 = tpu.memref_slice %arg7[%dma_wait3A_374, %dma_wait3A_375] : memref<512x16xf32, #tpu.memory_space<vmem>> -> memref<128x16xf32, #tpu.memory_space<vmem>>
    %dma_wait3A_377 = arith.constant 0 : i32
    %dma_wait3A_378 = tpu.memref_slice %arg5[%dma_wait3A_373, %dma_wait3A_377] : memref<52x128xi32, #tpu.memory_space<vmem>> -> memref<1x128xi32, #tpu.memory_space<vmem>>
    %dma_wait3A_379 = tpu.memref_squeeze %dma_wait3A_378 : memref<1x128xi32, #tpu.memory_space<vmem>> -> memref<128xi32, #tpu.memory_space<vmem>>
    %dma_wait3A_380 = arith.constant 0 : i32
    %dma_wait3A_381 = arith.constant 0 : i32
    %dma_wait3A_382 = tpu.memref_slice %arg2[%dma_wait3A_380, %dma_wait3A_381] : memref<26000x16xf32, #tpu.memory_space<hbm>> -> memref<26000x16xf32, #tpu.memory_space<hbm>>
    tpu.wait_indirect_dma semaphore(%arg9 : memref<!tpu.dma_semaphore, #tpu.memory_space<semaphore_mem>>) src(%dma_wait3A_382 : memref<26000x16xf32, #tpu.memory_space<hbm>>) dst(%dma_wait3A_376 : memref<128x16xf32, #tpu.memory_space<vmem>>)
    %dma_wait3A_383 = arith.constant 15 : i32
    %dma_wait3A_384 = arith.constant 384 : i32
    %dma_wait3A_385 = arith.constant 0 : i32
    %dma_wait3A_386 = tpu.memref_slice %arg7[%dma_wait3A_384, %dma_wait3A_385] : memref<512x16xf32, #tpu.memory_space<vmem>> -> memref<128x16xf32, #tpu.memory_space<vmem>>
    %dma_wait3A_387 = arith.constant 0 : i32
    %dma_wait3A_388 = tpu.memref_slice %arg5[%dma_wait3A_383, %dma_wait3A_387] : memref<52x128xi32, #tpu.memory_space<vmem>> -> memref<1x128xi32, #tpu.memory_space<vmem>>
    %dma_wait3A_389 = tpu.memref_squeeze %dma_wait3A_388 : memref<1x128xi32, #tpu.memory_space<vmem>> -> memref<128xi32, #tpu.memory_space<vmem>>
    %dma_wait3A_390 = arith.constant 0 : i32
    %dma_wait3A_391 = arith.constant 0 : i32
    %dma_wait3A_392 = tpu.memref_slice %arg2[%dma_wait3A_390, %dma_wait3A_391] : memref<26000x16xf32, #tpu.memory_space<hbm>> -> memref<26000x16xf32, #tpu.memory_space<hbm>>
    tpu.wait_indirect_dma semaphore(%arg9 : memref<!tpu.dma_semaphore, #tpu.memory_space<semaphore_mem>>) src(%dma_wait3A_392 : memref<26000x16xf32, #tpu.memory_space<hbm>>) dst(%dma_wait3A_386 : memref<128x16xf32, #tpu.memory_space<vmem>>)
    %add3A_393 = arith.constant 1536 : i32
    %add3A_394 = arith.addi %mul3A_2, %add3A_393 : i32
    %dma_start3A_395 = arith.constant 0 : i32
    %dma_start3A_396 = tpu.memref_slice %arg4[%add3A_394, %dma_start3A_395] : memref<212992x16xf32, #tpu.memory_space<hbm>> -> memref<512x16xf32, #tpu.memory_space<hbm>>
    %dma_start3A_397 = arith.constant 0 : i32
    %dma_start3A_398 = tpu.memref_slice %arg4[%add3A_394, %dma_start3A_397] : memref<212992x16xf32, #tpu.memory_space<hbm>> -> memref<512x16xf32, #tpu.memory_space<hbm>>
    tpu.enqueue_dma source(%arg7 : memref<512x16xf32, #tpu.memory_space<vmem>>) target(%dma_start3A_398 : memref<512x16xf32, #tpu.memory_space<hbm>>) target_semaphore(%arg11 : memref<!tpu.dma_semaphore, #tpu.memory_space<semaphore_mem>>)
    %dma_wait3A_399 = arith.constant 0 : i32
    %dma_wait3A_400 = tpu.memref_slice %arg4[%add3A_394, %dma_wait3A_399] : memref<212992x16xf32, #tpu.memory_space<hbm>> -> memref<512x16xf32, #tpu.memory_space<hbm>>
    %dma_wait3A_401 = arith.constant 0 : i32
    %dma_wait3A_402 = tpu.memref_slice %arg4[%add3A_394, %dma_wait3A_401] : memref<212992x16xf32, #tpu.memory_space<hbm>> -> memref<512x16xf32, #tpu.memory_space<hbm>>
    tpu.wait_dma2 semaphore(%arg11 : memref<!tpu.dma_semaphore, #tpu.memory_space<semaphore_mem>>) src(%arg7 : memref<512x16xf32, #tpu.memory_space<vmem>>) dst(%dma_wait3A_402 : memref<512x16xf32, #tpu.memory_space<hbm>>)
    %dma_start3A_403 = arith.constant 20 : i32
    %dma_start3A_404 = arith.constant 0 : i32
    %dma_start3A_405 = arith.constant 0 : i32
    %dma_start3A_406 = tpu.memref_slice %arg7[%dma_start3A_404, %dma_start3A_405] : memref<512x16xf32, #tpu.memory_space<vmem>> -> memref<128x16xf32, #tpu.memory_space<vmem>>
    %dma_start3A_407 = arith.constant 0 : i32
    %dma_start3A_408 = tpu.memref_slice %arg5[%dma_start3A_403, %dma_start3A_407] : memref<52x128xi32, #tpu.memory_space<vmem>> -> memref<1x128xi32, #tpu.memory_space<vmem>>
    %dma_start3A_409 = tpu.memref_squeeze %dma_start3A_408 : memref<1x128xi32, #tpu.memory_space<vmem>> -> memref<128xi32, #tpu.memory_space<vmem>>
    %dma_start3A_410 = arith.constant 0 : i32
    %dma_start3A_411 = arith.constant 0 : i32
    %dma_start3A_412 = tpu.memref_slice %arg2[%dma_start3A_410, %dma_start3A_411] : memref<26000x16xf32, #tpu.memory_space<hbm>> -> memref<26000x16xf32, #tpu.memory_space<hbm>>
    tpu.enqueue_indirect_dma source(%dma_start3A_412 : memref<26000x16xf32, #tpu.memory_space<hbm>>) target(%dma_start3A_406 : memref<128x16xf32, #tpu.memory_space<vmem>>) offsets(%dma_start3A_409 : memref<128xi32, #tpu.memory_space<vmem>>) semaphore(%arg9 : memref<!tpu.dma_semaphore, #tpu.memory_space<semaphore_mem>>)
    %dma_start3A_413 = arith.constant 21 : i32
    %dma_start3A_414 = arith.constant 128 : i32
    %dma_start3A_415 = arith.constant 0 : i32
    %dma_start3A_416 = tpu.memref_slice %arg7[%dma_start3A_414, %dma_start3A_415] : memref<512x16xf32, #tpu.memory_space<vmem>> -> memref<128x16xf32, #tpu.memory_space<vmem>>
    %dma_start3A_417 = arith.constant 0 : i32
    %dma_start3A_418 = tpu.memref_slice %arg5[%dma_start3A_413, %dma_start3A_417] : memref<52x128xi32, #tpu.memory_space<vmem>> -> memref<1x128xi32, #tpu.memory_space<vmem>>
    %dma_start3A_419 = tpu.memref_squeeze %dma_start3A_418 : memref<1x128xi32, #tpu.memory_space<vmem>> -> memref<128xi32, #tpu.memory_space<vmem>>
    %dma_start3A_420 = arith.constant 0 : i32
    %dma_start3A_421 = arith.constant 0 : i32
    %dma_start3A_422 = tpu.memref_slice %arg2[%dma_start3A_420, %dma_start3A_421] : memref<26000x16xf32, #tpu.memory_space<hbm>> -> memref<26000x16xf32, #tpu.memory_space<hbm>>
    tpu.enqueue_indirect_dma source(%dma_start3A_422 : memref<26000x16xf32, #tpu.memory_space<hbm>>) target(%dma_start3A_416 : memref<128x16xf32, #tpu.memory_space<vmem>>) offsets(%dma_start3A_419 : memref<128xi32, #tpu.memory_space<vmem>>) semaphore(%arg9 : memref<!tpu.dma_semaphore, #tpu.memory_space<semaphore_mem>>)
    %dma_start3A_423 = arith.constant 22 : i32
    %dma_start3A_424 = arith.constant 256 : i32
    %dma_start3A_425 = arith.constant 0 : i32
    %dma_start3A_426 = tpu.memref_slice %arg7[%dma_start3A_424, %dma_start3A_425] : memref<512x16xf32, #tpu.memory_space<vmem>> -> memref<128x16xf32, #tpu.memory_space<vmem>>
    %dma_start3A_427 = arith.constant 0 : i32
    %dma_start3A_428 = tpu.memref_slice %arg5[%dma_start3A_423, %dma_start3A_427] : memref<52x128xi32, #tpu.memory_space<vmem>> -> memref<1x128xi32, #tpu.memory_space<vmem>>
    %dma_start3A_429 = tpu.memref_squeeze %dma_start3A_428 : memref<1x128xi32, #tpu.memory_space<vmem>> -> memref<128xi32, #tpu.memory_space<vmem>>
    %dma_start3A_430 = arith.constant 0 : i32
    %dma_start3A_431 = arith.constant 0 : i32
    %dma_start3A_432 = tpu.memref_slice %arg2[%dma_start3A_430, %dma_start3A_431] : memref<26000x16xf32, #tpu.memory_space<hbm>> -> memref<26000x16xf32, #tpu.memory_space<hbm>>
    tpu.enqueue_indirect_dma source(%dma_start3A_432 : memref<26000x16xf32, #tpu.memory_space<hbm>>) target(%dma_start3A_426 : memref<128x16xf32, #tpu.memory_space<vmem>>) offsets(%dma_start3A_429 : memref<128xi32, #tpu.memory_space<vmem>>) semaphore(%arg9 : memref<!tpu.dma_semaphore, #tpu.memory_space<semaphore_mem>>)
    %dma_start3A_433 = arith.constant 23 : i32
    %dma_start3A_434 = arith.constant 384 : i32
    %dma_start3A_435 = arith.constant 0 : i32
    %dma_start3A_436 = tpu.memref_slice %arg7[%dma_start3A_434, %dma_start3A_435] : memref<512x16xf32, #tpu.memory_space<vmem>> -> memref<128x16xf32, #tpu.memory_space<vmem>>
    %dma_start3A_437 = arith.constant 0 : i32
    %dma_start3A_438 = tpu.memref_slice %arg5[%dma_start3A_433, %dma_start3A_437] : memref<52x128xi32, #tpu.memory_space<vmem>> -> memref<1x128xi32, #tpu.memory_space<vmem>>
    %dma_start3A_439 = tpu.memref_squeeze %dma_start3A_438 : memref<1x128xi32, #tpu.memory_space<vmem>> -> memref<128xi32, #tpu.memory_space<vmem>>
    %dma_start3A_440 = arith.constant 0 : i32
    %dma_start3A_441 = arith.constant 0 : i32
    %dma_start3A_442 = tpu.memref_slice %arg2[%dma_start3A_440, %dma_start3A_441] : memref<26000x16xf32, #tpu.memory_space<hbm>> -> memref<26000x16xf32, #tpu.memory_space<hbm>>
    tpu.enqueue_indirect_dma source(%dma_start3A_442 : memref<26000x16xf32, #tpu.memory_space<hbm>>) target(%dma_start3A_436 : memref<128x16xf32, #tpu.memory_space<vmem>>) offsets(%dma_start3A_439 : memref<128xi32, #tpu.memory_space<vmem>>) semaphore(%arg9 : memref<!tpu.dma_semaphore, #tpu.memory_space<semaphore_mem>>)
    %dma_wait3A_443 = arith.constant 16 : i32
    %dma_wait3A_444 = arith.constant 0 : i32
    %dma_wait3A_445 = arith.constant 0 : i32
    %dma_wait3A_446 = tpu.memref_slice %arg6[%dma_wait3A_444, %dma_wait3A_445] : memref<512x16xf32, #tpu.memory_space<vmem>> -> memref<128x16xf32, #tpu.memory_space<vmem>>
    %dma_wait3A_447 = arith.constant 0 : i32
    %dma_wait3A_448 = tpu.memref_slice %arg5[%dma_wait3A_443, %dma_wait3A_447] : memref<52x128xi32, #tpu.memory_space<vmem>> -> memref<1x128xi32, #tpu.memory_space<vmem>>
    %dma_wait3A_449 = tpu.memref_squeeze %dma_wait3A_448 : memref<1x128xi32, #tpu.memory_space<vmem>> -> memref<128xi32, #tpu.memory_space<vmem>>
    %dma_wait3A_450 = arith.constant 0 : i32
    %dma_wait3A_451 = arith.constant 0 : i32
    %dma_wait3A_452 = tpu.memref_slice %arg2[%dma_wait3A_450, %dma_wait3A_451] : memref<26000x16xf32, #tpu.memory_space<hbm>> -> memref<26000x16xf32, #tpu.memory_space<hbm>>
    tpu.wait_indirect_dma semaphore(%arg8 : memref<!tpu.dma_semaphore, #tpu.memory_space<semaphore_mem>>) src(%dma_wait3A_452 : memref<26000x16xf32, #tpu.memory_space<hbm>>) dst(%dma_wait3A_446 : memref<128x16xf32, #tpu.memory_space<vmem>>)
    %dma_wait3A_453 = arith.constant 17 : i32
    %dma_wait3A_454 = arith.constant 128 : i32
    %dma_wait3A_455 = arith.constant 0 : i32
    %dma_wait3A_456 = tpu.memref_slice %arg6[%dma_wait3A_454, %dma_wait3A_455] : memref<512x16xf32, #tpu.memory_space<vmem>> -> memref<128x16xf32, #tpu.memory_space<vmem>>
    %dma_wait3A_457 = arith.constant 0 : i32
    %dma_wait3A_458 = tpu.memref_slice %arg5[%dma_wait3A_453, %dma_wait3A_457] : memref<52x128xi32, #tpu.memory_space<vmem>> -> memref<1x128xi32, #tpu.memory_space<vmem>>
    %dma_wait3A_459 = tpu.memref_squeeze %dma_wait3A_458 : memref<1x128xi32, #tpu.memory_space<vmem>> -> memref<128xi32, #tpu.memory_space<vmem>>
    %dma_wait3A_460 = arith.constant 0 : i32
    %dma_wait3A_461 = arith.constant 0 : i32
    %dma_wait3A_462 = tpu.memref_slice %arg2[%dma_wait3A_460, %dma_wait3A_461] : memref<26000x16xf32, #tpu.memory_space<hbm>> -> memref<26000x16xf32, #tpu.memory_space<hbm>>
    tpu.wait_indirect_dma semaphore(%arg8 : memref<!tpu.dma_semaphore, #tpu.memory_space<semaphore_mem>>) src(%dma_wait3A_462 : memref<26000x16xf32, #tpu.memory_space<hbm>>) dst(%dma_wait3A_456 : memref<128x16xf32, #tpu.memory_space<vmem>>)
    %dma_wait3A_463 = arith.constant 18 : i32
    %dma_wait3A_464 = arith.constant 256 : i32
    %dma_wait3A_465 = arith.constant 0 : i32
    %dma_wait3A_466 = tpu.memref_slice %arg6[%dma_wait3A_464, %dma_wait3A_465] : memref<512x16xf32, #tpu.memory_space<vmem>> -> memref<128x16xf32, #tpu.memory_space<vmem>>
    %dma_wait3A_467 = arith.constant 0 : i32
    %dma_wait3A_468 = tpu.memref_slice %arg5[%dma_wait3A_463, %dma_wait3A_467] : memref<52x128xi32, #tpu.memory_space<vmem>> -> memref<1x128xi32, #tpu.memory_space<vmem>>
    %dma_wait3A_469 = tpu.memref_squeeze %dma_wait3A_468 : memref<1x128xi32, #tpu.memory_space<vmem>> -> memref<128xi32, #tpu.memory_space<vmem>>
    %dma_wait3A_470 = arith.constant 0 : i32
    %dma_wait3A_471 = arith.constant 0 : i32
    %dma_wait3A_472 = tpu.memref_slice %arg2[%dma_wait3A_470, %dma_wait3A_471] : memref<26000x16xf32, #tpu.memory_space<hbm>> -> memref<26000x16xf32, #tpu.memory_space<hbm>>
    tpu.wait_indirect_dma semaphore(%arg8 : memref<!tpu.dma_semaphore, #tpu.memory_space<semaphore_mem>>) src(%dma_wait3A_472 : memref<26000x16xf32, #tpu.memory_space<hbm>>) dst(%dma_wait3A_466 : memref<128x16xf32, #tpu.memory_space<vmem>>)
    %dma_wait3A_473 = arith.constant 19 : i32
    %dma_wait3A_474 = arith.constant 384 : i32
    %dma_wait3A_475 = arith.constant 0 : i32
    %dma_wait3A_476 = tpu.memref_slice %arg6[%dma_wait3A_474, %dma_wait3A_475] : memref<512x16xf32, #tpu.memory_space<vmem>> -> memref<128x16xf32, #tpu.memory_space<vmem>>
    %dma_wait3A_477 = arith.constant 0 : i32
    %dma_wait3A_478 = tpu.memref_slice %arg5[%dma_wait3A_473, %dma_wait3A_477] : memref<52x128xi32, #tpu.memory_space<vmem>> -> memref<1x128xi32, #tpu.memory_space<vmem>>
    %dma_wait3A_479 = tpu.memref_squeeze %dma_wait3A_478 : memref<1x128xi32, #tpu.memory_space<vmem>> -> memref<128xi32, #tpu.memory_space<vmem>>
    %dma_wait3A_480 = arith.constant 0 : i32
    %dma_wait3A_481 = arith.constant 0 : i32
    %dma_wait3A_482 = tpu.memref_slice %arg2[%dma_wait3A_480, %dma_wait3A_481] : memref<26000x16xf32, #tpu.memory_space<hbm>> -> memref<26000x16xf32, #tpu.memory_space<hbm>>
    tpu.wait_indirect_dma semaphore(%arg8 : memref<!tpu.dma_semaphore, #tpu.memory_space<semaphore_mem>>) src(%dma_wait3A_482 : memref<26000x16xf32, #tpu.memory_space<hbm>>) dst(%dma_wait3A_476 : memref<128x16xf32, #tpu.memory_space<vmem>>)
    %add3A_483 = arith.constant 2048 : i32
    %add3A_484 = arith.addi %mul3A_2, %add3A_483 : i32
    %dma_start3A_485 = arith.constant 0 : i32
    %dma_start3A_486 = tpu.memref_slice %arg4[%add3A_484, %dma_start3A_485] : memref<212992x16xf32, #tpu.memory_space<hbm>> -> memref<512x16xf32, #tpu.memory_space<hbm>>
    %dma_start3A_487 = arith.constant 0 : i32
    %dma_start3A_488 = tpu.memref_slice %arg4[%add3A_484, %dma_start3A_487] : memref<212992x16xf32, #tpu.memory_space<hbm>> -> memref<512x16xf32, #tpu.memory_space<hbm>>
    tpu.enqueue_dma source(%arg6 : memref<512x16xf32, #tpu.memory_space<vmem>>) target(%dma_start3A_488 : memref<512x16xf32, #tpu.memory_space<hbm>>) target_semaphore(%arg10 : memref<!tpu.dma_semaphore, #tpu.memory_space<semaphore_mem>>)
    %dma_wait3A_489 = arith.constant 0 : i32
    %dma_wait3A_490 = tpu.memref_slice %arg4[%add3A_484, %dma_wait3A_489] : memref<212992x16xf32, #tpu.memory_space<hbm>> -> memref<512x16xf32, #tpu.memory_space<hbm>>
    %dma_wait3A_491 = arith.constant 0 : i32
    %dma_wait3A_492 = tpu.memref_slice %arg4[%add3A_484, %dma_wait3A_491] : memref<212992x16xf32, #tpu.memory_space<hbm>> -> memref<512x16xf32, #tpu.memory_space<hbm>>
    tpu.wait_dma2 semaphore(%arg10 : memref<!tpu.dma_semaphore, #tpu.memory_space<semaphore_mem>>) src(%arg6 : memref<512x16xf32, #tpu.memory_space<vmem>>) dst(%dma_wait3A_492 : memref<512x16xf32, #tpu.memory_space<hbm>>)
    %dma_start3A_493 = arith.constant 24 : i32
    %dma_start3A_494 = arith.constant 0 : i32
    %dma_start3A_495 = arith.constant 0 : i32
    %dma_start3A_496 = tpu.memref_slice %arg6[%dma_start3A_494, %dma_start3A_495] : memref<512x16xf32, #tpu.memory_space<vmem>> -> memref<128x16xf32, #tpu.memory_space<vmem>>
    %dma_start3A_497 = arith.constant 0 : i32
    %dma_start3A_498 = tpu.memref_slice %arg5[%dma_start3A_493, %dma_start3A_497] : memref<52x128xi32, #tpu.memory_space<vmem>> -> memref<1x128xi32, #tpu.memory_space<vmem>>
    %dma_start3A_499 = tpu.memref_squeeze %dma_start3A_498 : memref<1x128xi32, #tpu.memory_space<vmem>> -> memref<128xi32, #tpu.memory_space<vmem>>
    %dma_start3A_500 = arith.constant 0 : i32
    %dma_start3A_501 = arith.constant 0 : i32
    %dma_start3A_502 = tpu.memref_slice %arg2[%dma_start3A_500, %dma_start3A_501] : memref<26000x16xf32, #tpu.memory_space<hbm>> -> memref<26000x16xf32, #tpu.memory_space<hbm>>
    tpu.enqueue_indirect_dma source(%dma_start3A_502 : memref<26000x16xf32, #tpu.memory_space<hbm>>) target(%dma_start3A_496 : memref<128x16xf32, #tpu.memory_space<vmem>>) offsets(%dma_start3A_499 : memref<128xi32, #tpu.memory_space<vmem>>) semaphore(%arg8 : memref<!tpu.dma_semaphore, #tpu.memory_space<semaphore_mem>>)
    %dma_start3A_503 = arith.constant 25 : i32
    %dma_start3A_504 = arith.constant 128 : i32
    %dma_start3A_505 = arith.constant 0 : i32
    %dma_start3A_506 = tpu.memref_slice %arg6[%dma_start3A_504, %dma_start3A_505] : memref<512x16xf32, #tpu.memory_space<vmem>> -> memref<128x16xf32, #tpu.memory_space<vmem>>
    %dma_start3A_507 = arith.constant 0 : i32
    %dma_start3A_508 = tpu.memref_slice %arg5[%dma_start3A_503, %dma_start3A_507] : memref<52x128xi32, #tpu.memory_space<vmem>> -> memref<1x128xi32, #tpu.memory_space<vmem>>
    %dma_start3A_509 = tpu.memref_squeeze %dma_start3A_508 : memref<1x128xi32, #tpu.memory_space<vmem>> -> memref<128xi32, #tpu.memory_space<vmem>>
    %dma_start3A_510 = arith.constant 0 : i32
    %dma_start3A_511 = arith.constant 0 : i32
    %dma_start3A_512 = tpu.memref_slice %arg2[%dma_start3A_510, %dma_start3A_511] : memref<26000x16xf32, #tpu.memory_space<hbm>> -> memref<26000x16xf32, #tpu.memory_space<hbm>>
    tpu.enqueue_indirect_dma source(%dma_start3A_512 : memref<26000x16xf32, #tpu.memory_space<hbm>>) target(%dma_start3A_506 : memref<128x16xf32, #tpu.memory_space<vmem>>) offsets(%dma_start3A_509 : memref<128xi32, #tpu.memory_space<vmem>>) semaphore(%arg8 : memref<!tpu.dma_semaphore, #tpu.memory_space<semaphore_mem>>)
    %dma_start3A_513 = arith.constant 26 : i32
    %dma_start3A_514 = arith.constant 256 : i32
    %dma_start3A_515 = arith.constant 0 : i32
    %dma_start3A_516 = tpu.memref_slice %arg6[%dma_start3A_514, %dma_start3A_515] : memref<512x16xf32, #tpu.memory_space<vmem>> -> memref<128x16xf32, #tpu.memory_space<vmem>>
    %dma_start3A_517 = arith.constant 0 : i32
    %dma_start3A_518 = tpu.memref_slice %arg5[%dma_start3A_513, %dma_start3A_517] : memref<52x128xi32, #tpu.memory_space<vmem>> -> memref<1x128xi32, #tpu.memory_space<vmem>>
    %dma_start3A_519 = tpu.memref_squeeze %dma_start3A_518 : memref<1x128xi32, #tpu.memory_space<vmem>> -> memref<128xi32, #tpu.memory_space<vmem>>
    %dma_start3A_520 = arith.constant 0 : i32
    %dma_start3A_521 = arith.constant 0 : i32
    %dma_start3A_522 = tpu.memref_slice %arg2[%dma_start3A_520, %dma_start3A_521] : memref<26000x16xf32, #tpu.memory_space<hbm>> -> memref<26000x16xf32, #tpu.memory_space<hbm>>
    tpu.enqueue_indirect_dma source(%dma_start3A_522 : memref<26000x16xf32, #tpu.memory_space<hbm>>) target(%dma_start3A_516 : memref<128x16xf32, #tpu.memory_space<vmem>>) offsets(%dma_start3A_519 : memref<128xi32, #tpu.memory_space<vmem>>) semaphore(%arg8 : memref<!tpu.dma_semaphore, #tpu.memory_space<semaphore_mem>>)
    %dma_start3A_523 = arith.constant 27 : i32
    %dma_start3A_524 = arith.constant 384 : i32
    %dma_start3A_525 = arith.constant 0 : i32
    %dma_start3A_526 = tpu.memref_slice %arg6[%dma_start3A_524, %dma_start3A_525] : memref<512x16xf32, #tpu.memory_space<vmem>> -> memref<128x16xf32, #tpu.memory_space<vmem>>
    %dma_start3A_527 = arith.constant 0 : i32
    %dma_start3A_528 = tpu.memref_slice %arg5[%dma_start3A_523, %dma_start3A_527] : memref<52x128xi32, #tpu.memory_space<vmem>> -> memref<1x128xi32, #tpu.memory_space<vmem>>
    %dma_start3A_529 = tpu.memref_squeeze %dma_start3A_528 : memref<1x128xi32, #tpu.memory_space<vmem>> -> memref<128xi32, #tpu.memory_space<vmem>>
    %dma_start3A_530 = arith.constant 0 : i32
    %dma_start3A_531 = arith.constant 0 : i32
    %dma_start3A_532 = tpu.memref_slice %arg2[%dma_start3A_530, %dma_start3A_531] : memref<26000x16xf32, #tpu.memory_space<hbm>> -> memref<26000x16xf32, #tpu.memory_space<hbm>>
    tpu.enqueue_indirect_dma source(%dma_start3A_532 : memref<26000x16xf32, #tpu.memory_space<hbm>>) target(%dma_start3A_526 : memref<128x16xf32, #tpu.memory_space<vmem>>) offsets(%dma_start3A_529 : memref<128xi32, #tpu.memory_space<vmem>>) semaphore(%arg8 : memref<!tpu.dma_semaphore, #tpu.memory_space<semaphore_mem>>)
    %dma_wait3A_533 = arith.constant 20 : i32
    %dma_wait3A_534 = arith.constant 0 : i32
    %dma_wait3A_535 = arith.constant 0 : i32
    %dma_wait3A_536 = tpu.memref_slice %arg7[%dma_wait3A_534, %dma_wait3A_535] : memref<512x16xf32, #tpu.memory_space<vmem>> -> memref<128x16xf32, #tpu.memory_space<vmem>>
    %dma_wait3A_537 = arith.constant 0 : i32
    %dma_wait3A_538 = tpu.memref_slice %arg5[%dma_wait3A_533, %dma_wait3A_537] : memref<52x128xi32, #tpu.memory_space<vmem>> -> memref<1x128xi32, #tpu.memory_space<vmem>>
    %dma_wait3A_539 = tpu.memref_squeeze %dma_wait3A_538 : memref<1x128xi32, #tpu.memory_space<vmem>> -> memref<128xi32, #tpu.memory_space<vmem>>
    %dma_wait3A_540 = arith.constant 0 : i32
    %dma_wait3A_541 = arith.constant 0 : i32
    %dma_wait3A_542 = tpu.memref_slice %arg2[%dma_wait3A_540, %dma_wait3A_541] : memref<26000x16xf32, #tpu.memory_space<hbm>> -> memref<26000x16xf32, #tpu.memory_space<hbm>>
    tpu.wait_indirect_dma semaphore(%arg9 : memref<!tpu.dma_semaphore, #tpu.memory_space<semaphore_mem>>) src(%dma_wait3A_542 : memref<26000x16xf32, #tpu.memory_space<hbm>>) dst(%dma_wait3A_536 : memref<128x16xf32, #tpu.memory_space<vmem>>)
    %dma_wait3A_543 = arith.constant 21 : i32
    %dma_wait3A_544 = arith.constant 128 : i32
    %dma_wait3A_545 = arith.constant 0 : i32
    %dma_wait3A_546 = tpu.memref_slice %arg7[%dma_wait3A_544, %dma_wait3A_545] : memref<512x16xf32, #tpu.memory_space<vmem>> -> memref<128x16xf32, #tpu.memory_space<vmem>>
    %dma_wait3A_547 = arith.constant 0 : i32
    %dma_wait3A_548 = tpu.memref_slice %arg5[%dma_wait3A_543, %dma_wait3A_547] : memref<52x128xi32, #tpu.memory_space<vmem>> -> memref<1x128xi32, #tpu.memory_space<vmem>>
    %dma_wait3A_549 = tpu.memref_squeeze %dma_wait3A_548 : memref<1x128xi32, #tpu.memory_space<vmem>> -> memref<128xi32, #tpu.memory_space<vmem>>
    %dma_wait3A_550 = arith.constant 0 : i32
    %dma_wait3A_551 = arith.constant 0 : i32
    %dma_wait3A_552 = tpu.memref_slice %arg2[%dma_wait3A_550, %dma_wait3A_551] : memref<26000x16xf32, #tpu.memory_space<hbm>> -> memref<26000x16xf32, #tpu.memory_space<hbm>>
    tpu.wait_indirect_dma semaphore(%arg9 : memref<!tpu.dma_semaphore, #tpu.memory_space<semaphore_mem>>) src(%dma_wait3A_552 : memref<26000x16xf32, #tpu.memory_space<hbm>>) dst(%dma_wait3A_546 : memref<128x16xf32, #tpu.memory_space<vmem>>)
    %dma_wait3A_553 = arith.constant 22 : i32
    %dma_wait3A_554 = arith.constant 256 : i32
    %dma_wait3A_555 = arith.constant 0 : i32
    %dma_wait3A_556 = tpu.memref_slice %arg7[%dma_wait3A_554, %dma_wait3A_555] : memref<512x16xf32, #tpu.memory_space<vmem>> -> memref<128x16xf32, #tpu.memory_space<vmem>>
    %dma_wait3A_557 = arith.constant 0 : i32
    %dma_wait3A_558 = tpu.memref_slice %arg5[%dma_wait3A_553, %dma_wait3A_557] : memref<52x128xi32, #tpu.memory_space<vmem>> -> memref<1x128xi32, #tpu.memory_space<vmem>>
    %dma_wait3A_559 = tpu.memref_squeeze %dma_wait3A_558 : memref<1x128xi32, #tpu.memory_space<vmem>> -> memref<128xi32, #tpu.memory_space<vmem>>
    %dma_wait3A_560 = arith.constant 0 : i32
    %dma_wait3A_561 = arith.constant 0 : i32
    %dma_wait3A_562 = tpu.memref_slice %arg2[%dma_wait3A_560, %dma_wait3A_561] : memref<26000x16xf32, #tpu.memory_space<hbm>> -> memref<26000x16xf32, #tpu.memory_space<hbm>>
    tpu.wait_indirect_dma semaphore(%arg9 : memref<!tpu.dma_semaphore, #tpu.memory_space<semaphore_mem>>) src(%dma_wait3A_562 : memref<26000x16xf32, #tpu.memory_space<hbm>>) dst(%dma_wait3A_556 : memref<128x16xf32, #tpu.memory_space<vmem>>)
    %dma_wait3A_563 = arith.constant 23 : i32
    %dma_wait3A_564 = arith.constant 384 : i32
    %dma_wait3A_565 = arith.constant 0 : i32
    %dma_wait3A_566 = tpu.memref_slice %arg7[%dma_wait3A_564, %dma_wait3A_565] : memref<512x16xf32, #tpu.memory_space<vmem>> -> memref<128x16xf32, #tpu.memory_space<vmem>>
    %dma_wait3A_567 = arith.constant 0 : i32
    %dma_wait3A_568 = tpu.memref_slice %arg5[%dma_wait3A_563, %dma_wait3A_567] : memref<52x128xi32, #tpu.memory_space<vmem>> -> memref<1x128xi32, #tpu.memory_space<vmem>>
    %dma_wait3A_569 = tpu.memref_squeeze %dma_wait3A_568 : memref<1x128xi32, #tpu.memory_space<vmem>> -> memref<128xi32, #tpu.memory_space<vmem>>
    %dma_wait3A_570 = arith.constant 0 : i32
    %dma_wait3A_571 = arith.constant 0 : i32
    %dma_wait3A_572 = tpu.memref_slice %arg2[%dma_wait3A_570, %dma_wait3A_571] : memref<26000x16xf32, #tpu.memory_space<hbm>> -> memref<26000x16xf32, #tpu.memory_space<hbm>>
    tpu.wait_indirect_dma semaphore(%arg9 : memref<!tpu.dma_semaphore, #tpu.memory_space<semaphore_mem>>) src(%dma_wait3A_572 : memref<26000x16xf32, #tpu.memory_space<hbm>>) dst(%dma_wait3A_566 : memref<128x16xf32, #tpu.memory_space<vmem>>)
    %add3A_573 = arith.constant 2560 : i32
    %add3A_574 = arith.addi %mul3A_2, %add3A_573 : i32
    %dma_start3A_575 = arith.constant 0 : i32
    %dma_start3A_576 = tpu.memref_slice %arg4[%add3A_574, %dma_start3A_575] : memref<212992x16xf32, #tpu.memory_space<hbm>> -> memref<512x16xf32, #tpu.memory_space<hbm>>
    %dma_start3A_577 = arith.constant 0 : i32
    %dma_start3A_578 = tpu.memref_slice %arg4[%add3A_574, %dma_start3A_577] : memref<212992x16xf32, #tpu.memory_space<hbm>> -> memref<512x16xf32, #tpu.memory_space<hbm>>
    tpu.enqueue_dma source(%arg7 : memref<512x16xf32, #tpu.memory_space<vmem>>) target(%dma_start3A_578 : memref<512x16xf32, #tpu.memory_space<hbm>>) target_semaphore(%arg11 : memref<!tpu.dma_semaphore, #tpu.memory_space<semaphore_mem>>)
    %dma_wait3A_579 = arith.constant 0 : i32
    %dma_wait3A_580 = tpu.memref_slice %arg4[%add3A_574, %dma_wait3A_579] : memref<212992x16xf32, #tpu.memory_space<hbm>> -> memref<512x16xf32, #tpu.memory_space<hbm>>
    %dma_wait3A_581 = arith.constant 0 : i32
    %dma_wait3A_582 = tpu.memref_slice %arg4[%add3A_574, %dma_wait3A_581] : memref<212992x16xf32, #tpu.memory_space<hbm>> -> memref<512x16xf32, #tpu.memory_space<hbm>>
    tpu.wait_dma2 semaphore(%arg11 : memref<!tpu.dma_semaphore, #tpu.memory_space<semaphore_mem>>) src(%arg7 : memref<512x16xf32, #tpu.memory_space<vmem>>) dst(%dma_wait3A_582 : memref<512x16xf32, #tpu.memory_space<hbm>>)
    %dma_start3A_583 = arith.constant 28 : i32
    %dma_start3A_584 = arith.constant 0 : i32
    %dma_start3A_585 = arith.constant 0 : i32
    %dma_start3A_586 = tpu.memref_slice %arg7[%dma_start3A_584, %dma_start3A_585] : memref<512x16xf32, #tpu.memory_space<vmem>> -> memref<128x16xf32, #tpu.memory_space<vmem>>
    %dma_start3A_587 = arith.constant 0 : i32
    %dma_start3A_588 = tpu.memref_slice %arg5[%dma_start3A_583, %dma_start3A_587] : memref<52x128xi32, #tpu.memory_space<vmem>> -> memref<1x128xi32, #tpu.memory_space<vmem>>
    %dma_start3A_589 = tpu.memref_squeeze %dma_start3A_588 : memref<1x128xi32, #tpu.memory_space<vmem>> -> memref<128xi32, #tpu.memory_space<vmem>>
    %dma_start3A_590 = arith.constant 0 : i32
    %dma_start3A_591 = arith.constant 0 : i32
    %dma_start3A_592 = tpu.memref_slice %arg2[%dma_start3A_590, %dma_start3A_591] : memref<26000x16xf32, #tpu.memory_space<hbm>> -> memref<26000x16xf32, #tpu.memory_space<hbm>>
    tpu.enqueue_indirect_dma source(%dma_start3A_592 : memref<26000x16xf32, #tpu.memory_space<hbm>>) target(%dma_start3A_586 : memref<128x16xf32, #tpu.memory_space<vmem>>) offsets(%dma_start3A_589 : memref<128xi32, #tpu.memory_space<vmem>>) semaphore(%arg9 : memref<!tpu.dma_semaphore, #tpu.memory_space<semaphore_mem>>)
    %dma_start3A_593 = arith.constant 29 : i32
    %dma_start3A_594 = arith.constant 128 : i32
    %dma_start3A_595 = arith.constant 0 : i32
    %dma_start3A_596 = tpu.memref_slice %arg7[%dma_start3A_594, %dma_start3A_595] : memref<512x16xf32, #tpu.memory_space<vmem>> -> memref<128x16xf32, #tpu.memory_space<vmem>>
    %dma_start3A_597 = arith.constant 0 : i32
    %dma_start3A_598 = tpu.memref_slice %arg5[%dma_start3A_593, %dma_start3A_597] : memref<52x128xi32, #tpu.memory_space<vmem>> -> memref<1x128xi32, #tpu.memory_space<vmem>>
    %dma_start3A_599 = tpu.memref_squeeze %dma_start3A_598 : memref<1x128xi32, #tpu.memory_space<vmem>> -> memref<128xi32, #tpu.memory_space<vmem>>
    %dma_start3A_600 = arith.constant 0 : i32
    %dma_start3A_601 = arith.constant 0 : i32
    %dma_start3A_602 = tpu.memref_slice %arg2[%dma_start3A_600, %dma_start3A_601] : memref<26000x16xf32, #tpu.memory_space<hbm>> -> memref<26000x16xf32, #tpu.memory_space<hbm>>
    tpu.enqueue_indirect_dma source(%dma_start3A_602 : memref<26000x16xf32, #tpu.memory_space<hbm>>) target(%dma_start3A_596 : memref<128x16xf32, #tpu.memory_space<vmem>>) offsets(%dma_start3A_599 : memref<128xi32, #tpu.memory_space<vmem>>) semaphore(%arg9 : memref<!tpu.dma_semaphore, #tpu.memory_space<semaphore_mem>>)
    %dma_start3A_603 = arith.constant 30 : i32
    %dma_start3A_604 = arith.constant 256 : i32
    %dma_start3A_605 = arith.constant 0 : i32
    %dma_start3A_606 = tpu.memref_slice %arg7[%dma_start3A_604, %dma_start3A_605] : memref<512x16xf32, #tpu.memory_space<vmem>> -> memref<128x16xf32, #tpu.memory_space<vmem>>
    %dma_start3A_607 = arith.constant 0 : i32
    %dma_start3A_608 = tpu.memref_slice %arg5[%dma_start3A_603, %dma_start3A_607] : memref<52x128xi32, #tpu.memory_space<vmem>> -> memref<1x128xi32, #tpu.memory_space<vmem>>
    %dma_start3A_609 = tpu.memref_squeeze %dma_start3A_608 : memref<1x128xi32, #tpu.memory_space<vmem>> -> memref<128xi32, #tpu.memory_space<vmem>>
    %dma_start3A_610 = arith.constant 0 : i32
    %dma_start3A_611 = arith.constant 0 : i32
    %dma_start3A_612 = tpu.memref_slice %arg2[%dma_start3A_610, %dma_start3A_611] : memref<26000x16xf32, #tpu.memory_space<hbm>> -> memref<26000x16xf32, #tpu.memory_space<hbm>>
    tpu.enqueue_indirect_dma source(%dma_start3A_612 : memref<26000x16xf32, #tpu.memory_space<hbm>>) target(%dma_start3A_606 : memref<128x16xf32, #tpu.memory_space<vmem>>) offsets(%dma_start3A_609 : memref<128xi32, #tpu.memory_space<vmem>>) semaphore(%arg9 : memref<!tpu.dma_semaphore, #tpu.memory_space<semaphore_mem>>)
    %dma_start3A_613 = arith.constant 31 : i32
    %dma_start3A_614 = arith.constant 384 : i32
    %dma_start3A_615 = arith.constant 0 : i32
    %dma_start3A_616 = tpu.memref_slice %arg7[%dma_start3A_614, %dma_start3A_615] : memref<512x16xf32, #tpu.memory_space<vmem>> -> memref<128x16xf32, #tpu.memory_space<vmem>>
    %dma_start3A_617 = arith.constant 0 : i32
    %dma_start3A_618 = tpu.memref_slice %arg5[%dma_start3A_613, %dma_start3A_617] : memref<52x128xi32, #tpu.memory_space<vmem>> -> memref<1x128xi32, #tpu.memory_space<vmem>>
    %dma_start3A_619 = tpu.memref_squeeze %dma_start3A_618 : memref<1x128xi32, #tpu.memory_space<vmem>> -> memref<128xi32, #tpu.memory_space<vmem>>
    %dma_start3A_620 = arith.constant 0 : i32
    %dma_start3A_621 = arith.constant 0 : i32
    %dma_start3A_622 = tpu.memref_slice %arg2[%dma_start3A_620, %dma_start3A_621] : memref<26000x16xf32, #tpu.memory_space<hbm>> -> memref<26000x16xf32, #tpu.memory_space<hbm>>
    tpu.enqueue_indirect_dma source(%dma_start3A_622 : memref<26000x16xf32, #tpu.memory_space<hbm>>) target(%dma_start3A_616 : memref<128x16xf32, #tpu.memory_space<vmem>>) offsets(%dma_start3A_619 : memref<128xi32, #tpu.memory_space<vmem>>) semaphore(%arg9 : memref<!tpu.dma_semaphore, #tpu.memory_space<semaphore_mem>>)
    %dma_wait3A_623 = arith.constant 24 : i32
    %dma_wait3A_624 = arith.constant 0 : i32
    %dma_wait3A_625 = arith.constant 0 : i32
    %dma_wait3A_626 = tpu.memref_slice %arg6[%dma_wait3A_624, %dma_wait3A_625] : memref<512x16xf32, #tpu.memory_space<vmem>> -> memref<128x16xf32, #tpu.memory_space<vmem>>
    %dma_wait3A_627 = arith.constant 0 : i32
    %dma_wait3A_628 = tpu.memref_slice %arg5[%dma_wait3A_623, %dma_wait3A_627] : memref<52x128xi32, #tpu.memory_space<vmem>> -> memref<1x128xi32, #tpu.memory_space<vmem>>
    %dma_wait3A_629 = tpu.memref_squeeze %dma_wait3A_628 : memref<1x128xi32, #tpu.memory_space<vmem>> -> memref<128xi32, #tpu.memory_space<vmem>>
    %dma_wait3A_630 = arith.constant 0 : i32
    %dma_wait3A_631 = arith.constant 0 : i32
    %dma_wait3A_632 = tpu.memref_slice %arg2[%dma_wait3A_630, %dma_wait3A_631] : memref<26000x16xf32, #tpu.memory_space<hbm>> -> memref<26000x16xf32, #tpu.memory_space<hbm>>
    tpu.wait_indirect_dma semaphore(%arg8 : memref<!tpu.dma_semaphore, #tpu.memory_space<semaphore_mem>>) src(%dma_wait3A_632 : memref<26000x16xf32, #tpu.memory_space<hbm>>) dst(%dma_wait3A_626 : memref<128x16xf32, #tpu.memory_space<vmem>>)
    %dma_wait3A_633 = arith.constant 25 : i32
    %dma_wait3A_634 = arith.constant 128 : i32
    %dma_wait3A_635 = arith.constant 0 : i32
    %dma_wait3A_636 = tpu.memref_slice %arg6[%dma_wait3A_634, %dma_wait3A_635] : memref<512x16xf32, #tpu.memory_space<vmem>> -> memref<128x16xf32, #tpu.memory_space<vmem>>
    %dma_wait3A_637 = arith.constant 0 : i32
    %dma_wait3A_638 = tpu.memref_slice %arg5[%dma_wait3A_633, %dma_wait3A_637] : memref<52x128xi32, #tpu.memory_space<vmem>> -> memref<1x128xi32, #tpu.memory_space<vmem>>
    %dma_wait3A_639 = tpu.memref_squeeze %dma_wait3A_638 : memref<1x128xi32, #tpu.memory_space<vmem>> -> memref<128xi32, #tpu.memory_space<vmem>>
    %dma_wait3A_640 = arith.constant 0 : i32
    %dma_wait3A_641 = arith.constant 0 : i32
    %dma_wait3A_642 = tpu.memref_slice %arg2[%dma_wait3A_640, %dma_wait3A_641] : memref<26000x16xf32, #tpu.memory_space<hbm>> -> memref<26000x16xf32, #tpu.memory_space<hbm>>
    tpu.wait_indirect_dma semaphore(%arg8 : memref<!tpu.dma_semaphore, #tpu.memory_space<semaphore_mem>>) src(%dma_wait3A_642 : memref<26000x16xf32, #tpu.memory_space<hbm>>) dst(%dma_wait3A_636 : memref<128x16xf32, #tpu.memory_space<vmem>>)
    %dma_wait3A_643 = arith.constant 26 : i32
    %dma_wait3A_644 = arith.constant 256 : i32
    %dma_wait3A_645 = arith.constant 0 : i32
    %dma_wait3A_646 = tpu.memref_slice %arg6[%dma_wait3A_644, %dma_wait3A_645] : memref<512x16xf32, #tpu.memory_space<vmem>> -> memref<128x16xf32, #tpu.memory_space<vmem>>
    %dma_wait3A_647 = arith.constant 0 : i32
    %dma_wait3A_648 = tpu.memref_slice %arg5[%dma_wait3A_643, %dma_wait3A_647] : memref<52x128xi32, #tpu.memory_space<vmem>> -> memref<1x128xi32, #tpu.memory_space<vmem>>
    %dma_wait3A_649 = tpu.memref_squeeze %dma_wait3A_648 : memref<1x128xi32, #tpu.memory_space<vmem>> -> memref<128xi32, #tpu.memory_space<vmem>>
    %dma_wait3A_650 = arith.constant 0 : i32
    %dma_wait3A_651 = arith.constant 0 : i32
    %dma_wait3A_652 = tpu.memref_slice %arg2[%dma_wait3A_650, %dma_wait3A_651] : memref<26000x16xf32, #tpu.memory_space<hbm>> -> memref<26000x16xf32, #tpu.memory_space<hbm>>
    tpu.wait_indirect_dma semaphore(%arg8 : memref<!tpu.dma_semaphore, #tpu.memory_space<semaphore_mem>>) src(%dma_wait3A_652 : memref<26000x16xf32, #tpu.memory_space<hbm>>) dst(%dma_wait3A_646 : memref<128x16xf32, #tpu.memory_space<vmem>>)
    %dma_wait3A_653 = arith.constant 27 : i32
    %dma_wait3A_654 = arith.constant 384 : i32
    %dma_wait3A_655 = arith.constant 0 : i32
    %dma_wait3A_656 = tpu.memref_slice %arg6[%dma_wait3A_654, %dma_wait3A_655] : memref<512x16xf32, #tpu.memory_space<vmem>> -> memref<128x16xf32, #tpu.memory_space<vmem>>
    %dma_wait3A_657 = arith.constant 0 : i32
    %dma_wait3A_658 = tpu.memref_slice %arg5[%dma_wait3A_653, %dma_wait3A_657] : memref<52x128xi32, #tpu.memory_space<vmem>> -> memref<1x128xi32, #tpu.memory_space<vmem>>
    %dma_wait3A_659 = tpu.memref_squeeze %dma_wait3A_658 : memref<1x128xi32, #tpu.memory_space<vmem>> -> memref<128xi32, #tpu.memory_space<vmem>>
    %dma_wait3A_660 = arith.constant 0 : i32
    %dma_wait3A_661 = arith.constant 0 : i32
    %dma_wait3A_662 = tpu.memref_slice %arg2[%dma_wait3A_660, %dma_wait3A_661] : memref<26000x16xf32, #tpu.memory_space<hbm>> -> memref<26000x16xf32, #tpu.memory_space<hbm>>
    tpu.wait_indirect_dma semaphore(%arg8 : memref<!tpu.dma_semaphore, #tpu.memory_space<semaphore_mem>>) src(%dma_wait3A_662 : memref<26000x16xf32, #tpu.memory_space<hbm>>) dst(%dma_wait3A_656 : memref<128x16xf32, #tpu.memory_space<vmem>>)
    %add3A_663 = arith.constant 3072 : i32
    %add3A_664 = arith.addi %mul3A_2, %add3A_663 : i32
    %dma_start3A_665 = arith.constant 0 : i32
    %dma_start3A_666 = tpu.memref_slice %arg4[%add3A_664, %dma_start3A_665] : memref<212992x16xf32, #tpu.memory_space<hbm>> -> memref<512x16xf32, #tpu.memory_space<hbm>>
    %dma_start3A_667 = arith.constant 0 : i32
    %dma_start3A_668 = tpu.memref_slice %arg4[%add3A_664, %dma_start3A_667] : memref<212992x16xf32, #tpu.memory_space<hbm>> -> memref<512x16xf32, #tpu.memory_space<hbm>>
    tpu.enqueue_dma source(%arg6 : memref<512x16xf32, #tpu.memory_space<vmem>>) target(%dma_start3A_668 : memref<512x16xf32, #tpu.memory_space<hbm>>) target_semaphore(%arg10 : memref<!tpu.dma_semaphore, #tpu.memory_space<semaphore_mem>>)
    %dma_wait3A_669 = arith.constant 0 : i32
    %dma_wait3A_670 = tpu.memref_slice %arg4[%add3A_664, %dma_wait3A_669] : memref<212992x16xf32, #tpu.memory_space<hbm>> -> memref<512x16xf32, #tpu.memory_space<hbm>>
    %dma_wait3A_671 = arith.constant 0 : i32
    %dma_wait3A_672 = tpu.memref_slice %arg4[%add3A_664, %dma_wait3A_671] : memref<212992x16xf32, #tpu.memory_space<hbm>> -> memref<512x16xf32, #tpu.memory_space<hbm>>
    tpu.wait_dma2 semaphore(%arg10 : memref<!tpu.dma_semaphore, #tpu.memory_space<semaphore_mem>>) src(%arg6 : memref<512x16xf32, #tpu.memory_space<vmem>>) dst(%dma_wait3A_672 : memref<512x16xf32, #tpu.memory_space<hbm>>)
    %dma_start3A_673 = arith.constant 32 : i32
    %dma_start3A_674 = arith.constant 0 : i32
    %dma_start3A_675 = arith.constant 0 : i32
    %dma_start3A_676 = tpu.memref_slice %arg6[%dma_start3A_674, %dma_start3A_675] : memref<512x16xf32, #tpu.memory_space<vmem>> -> memref<128x16xf32, #tpu.memory_space<vmem>>
    %dma_start3A_677 = arith.constant 0 : i32
    %dma_start3A_678 = tpu.memref_slice %arg5[%dma_start3A_673, %dma_start3A_677] : memref<52x128xi32, #tpu.memory_space<vmem>> -> memref<1x128xi32, #tpu.memory_space<vmem>>
    %dma_start3A_679 = tpu.memref_squeeze %dma_start3A_678 : memref<1x128xi32, #tpu.memory_space<vmem>> -> memref<128xi32, #tpu.memory_space<vmem>>
    %dma_start3A_680 = arith.constant 0 : i32
    %dma_start3A_681 = arith.constant 0 : i32
    %dma_start3A_682 = tpu.memref_slice %arg2[%dma_start3A_680, %dma_start3A_681] : memref<26000x16xf32, #tpu.memory_space<hbm>> -> memref<26000x16xf32, #tpu.memory_space<hbm>>
    tpu.enqueue_indirect_dma source(%dma_start3A_682 : memref<26000x16xf32, #tpu.memory_space<hbm>>) target(%dma_start3A_676 : memref<128x16xf32, #tpu.memory_space<vmem>>) offsets(%dma_start3A_679 : memref<128xi32, #tpu.memory_space<vmem>>) semaphore(%arg8 : memref<!tpu.dma_semaphore, #tpu.memory_space<semaphore_mem>>)
    %dma_start3A_683 = arith.constant 33 : i32
    %dma_start3A_684 = arith.constant 128 : i32
    %dma_start3A_685 = arith.constant 0 : i32
    %dma_start3A_686 = tpu.memref_slice %arg6[%dma_start3A_684, %dma_start3A_685] : memref<512x16xf32, #tpu.memory_space<vmem>> -> memref<128x16xf32, #tpu.memory_space<vmem>>
    %dma_start3A_687 = arith.constant 0 : i32
    %dma_start3A_688 = tpu.memref_slice %arg5[%dma_start3A_683, %dma_start3A_687] : memref<52x128xi32, #tpu.memory_space<vmem>> -> memref<1x128xi32, #tpu.memory_space<vmem>>
    %dma_start3A_689 = tpu.memref_squeeze %dma_start3A_688 : memref<1x128xi32, #tpu.memory_space<vmem>> -> memref<128xi32, #tpu.memory_space<vmem>>
    %dma_start3A_690 = arith.constant 0 : i32
    %dma_start3A_691 = arith.constant 0 : i32
    %dma_start3A_692 = tpu.memref_slice %arg2[%dma_start3A_690, %dma_start3A_691] : memref<26000x16xf32, #tpu.memory_space<hbm>> -> memref<26000x16xf32, #tpu.memory_space<hbm>>
    tpu.enqueue_indirect_dma source(%dma_start3A_692 : memref<26000x16xf32, #tpu.memory_space<hbm>>) target(%dma_start3A_686 : memref<128x16xf32, #tpu.memory_space<vmem>>) offsets(%dma_start3A_689 : memref<128xi32, #tpu.memory_space<vmem>>) semaphore(%arg8 : memref<!tpu.dma_semaphore, #tpu.memory_space<semaphore_mem>>)
    %dma_start3A_693 = arith.constant 34 : i32
    %dma_start3A_694 = arith.constant 256 : i32
    %dma_start3A_695 = arith.constant 0 : i32
    %dma_start3A_696 = tpu.memref_slice %arg6[%dma_start3A_694, %dma_start3A_695] : memref<512x16xf32, #tpu.memory_space<vmem>> -> memref<128x16xf32, #tpu.memory_space<vmem>>
    %dma_start3A_697 = arith.constant 0 : i32
    %dma_start3A_698 = tpu.memref_slice %arg5[%dma_start3A_693, %dma_start3A_697] : memref<52x128xi32, #tpu.memory_space<vmem>> -> memref<1x128xi32, #tpu.memory_space<vmem>>
    %dma_start3A_699 = tpu.memref_squeeze %dma_start3A_698 : memref<1x128xi32, #tpu.memory_space<vmem>> -> memref<128xi32, #tpu.memory_space<vmem>>
    %dma_start3A_700 = arith.constant 0 : i32
    %dma_start3A_701 = arith.constant 0 : i32
    %dma_start3A_702 = tpu.memref_slice %arg2[%dma_start3A_700, %dma_start3A_701] : memref<26000x16xf32, #tpu.memory_space<hbm>> -> memref<26000x16xf32, #tpu.memory_space<hbm>>
    tpu.enqueue_indirect_dma source(%dma_start3A_702 : memref<26000x16xf32, #tpu.memory_space<hbm>>) target(%dma_start3A_696 : memref<128x16xf32, #tpu.memory_space<vmem>>) offsets(%dma_start3A_699 : memref<128xi32, #tpu.memory_space<vmem>>) semaphore(%arg8 : memref<!tpu.dma_semaphore, #tpu.memory_space<semaphore_mem>>)
    %dma_start3A_703 = arith.constant 35 : i32
    %dma_start3A_704 = arith.constant 384 : i32
    %dma_start3A_705 = arith.constant 0 : i32
    %dma_start3A_706 = tpu.memref_slice %arg6[%dma_start3A_704, %dma_start3A_705] : memref<512x16xf32, #tpu.memory_space<vmem>> -> memref<128x16xf32, #tpu.memory_space<vmem>>
    %dma_start3A_707 = arith.constant 0 : i32
    %dma_start3A_708 = tpu.memref_slice %arg5[%dma_start3A_703, %dma_start3A_707] : memref<52x128xi32, #tpu.memory_space<vmem>> -> memref<1x128xi32, #tpu.memory_space<vmem>>
    %dma_start3A_709 = tpu.memref_squeeze %dma_start3A_708 : memref<1x128xi32, #tpu.memory_space<vmem>> -> memref<128xi32, #tpu.memory_space<vmem>>
    %dma_start3A_710 = arith.constant 0 : i32
    %dma_start3A_711 = arith.constant 0 : i32
    %dma_start3A_712 = tpu.memref_slice %arg2[%dma_start3A_710, %dma_start3A_711] : memref<26000x16xf32, #tpu.memory_space<hbm>> -> memref<26000x16xf32, #tpu.memory_space<hbm>>
    tpu.enqueue_indirect_dma source(%dma_start3A_712 : memref<26000x16xf32, #tpu.memory_space<hbm>>) target(%dma_start3A_706 : memref<128x16xf32, #tpu.memory_space<vmem>>) offsets(%dma_start3A_709 : memref<128xi32, #tpu.memory_space<vmem>>) semaphore(%arg8 : memref<!tpu.dma_semaphore, #tpu.memory_space<semaphore_mem>>)
    %dma_wait3A_713 = arith.constant 28 : i32
    %dma_wait3A_714 = arith.constant 0 : i32
    %dma_wait3A_715 = arith.constant 0 : i32
    %dma_wait3A_716 = tpu.memref_slice %arg7[%dma_wait3A_714, %dma_wait3A_715] : memref<512x16xf32, #tpu.memory_space<vmem>> -> memref<128x16xf32, #tpu.memory_space<vmem>>
    %dma_wait3A_717 = arith.constant 0 : i32
    %dma_wait3A_718 = tpu.memref_slice %arg5[%dma_wait3A_713, %dma_wait3A_717] : memref<52x128xi32, #tpu.memory_space<vmem>> -> memref<1x128xi32, #tpu.memory_space<vmem>>
    %dma_wait3A_719 = tpu.memref_squeeze %dma_wait3A_718 : memref<1x128xi32, #tpu.memory_space<vmem>> -> memref<128xi32, #tpu.memory_space<vmem>>
    %dma_wait3A_720 = arith.constant 0 : i32
    %dma_wait3A_721 = arith.constant 0 : i32
    %dma_wait3A_722 = tpu.memref_slice %arg2[%dma_wait3A_720, %dma_wait3A_721] : memref<26000x16xf32, #tpu.memory_space<hbm>> -> memref<26000x16xf32, #tpu.memory_space<hbm>>
    tpu.wait_indirect_dma semaphore(%arg9 : memref<!tpu.dma_semaphore, #tpu.memory_space<semaphore_mem>>) src(%dma_wait3A_722 : memref<26000x16xf32, #tpu.memory_space<hbm>>) dst(%dma_wait3A_716 : memref<128x16xf32, #tpu.memory_space<vmem>>)
    %dma_wait3A_723 = arith.constant 29 : i32
    %dma_wait3A_724 = arith.constant 128 : i32
    %dma_wait3A_725 = arith.constant 0 : i32
    %dma_wait3A_726 = tpu.memref_slice %arg7[%dma_wait3A_724, %dma_wait3A_725] : memref<512x16xf32, #tpu.memory_space<vmem>> -> memref<128x16xf32, #tpu.memory_space<vmem>>
    %dma_wait3A_727 = arith.constant 0 : i32
    %dma_wait3A_728 = tpu.memref_slice %arg5[%dma_wait3A_723, %dma_wait3A_727] : memref<52x128xi32, #tpu.memory_space<vmem>> -> memref<1x128xi32, #tpu.memory_space<vmem>>
    %dma_wait3A_729 = tpu.memref_squeeze %dma_wait3A_728 : memref<1x128xi32, #tpu.memory_space<vmem>> -> memref<128xi32, #tpu.memory_space<vmem>>
    %dma_wait3A_730 = arith.constant 0 : i32
    %dma_wait3A_731 = arith.constant 0 : i32
    %dma_wait3A_732 = tpu.memref_slice %arg2[%dma_wait3A_730, %dma_wait3A_731] : memref<26000x16xf32, #tpu.memory_space<hbm>> -> memref<26000x16xf32, #tpu.memory_space<hbm>>
    tpu.wait_indirect_dma semaphore(%arg9 : memref<!tpu.dma_semaphore, #tpu.memory_space<semaphore_mem>>) src(%dma_wait3A_732 : memref<26000x16xf32, #tpu.memory_space<hbm>>) dst(%dma_wait3A_726 : memref<128x16xf32, #tpu.memory_space<vmem>>)
    %dma_wait3A_733 = arith.constant 30 : i32
    %dma_wait3A_734 = arith.constant 256 : i32
    %dma_wait3A_735 = arith.constant 0 : i32
    %dma_wait3A_736 = tpu.memref_slice %arg7[%dma_wait3A_734, %dma_wait3A_735] : memref<512x16xf32, #tpu.memory_space<vmem>> -> memref<128x16xf32, #tpu.memory_space<vmem>>
    %dma_wait3A_737 = arith.constant 0 : i32
    %dma_wait3A_738 = tpu.memref_slice %arg5[%dma_wait3A_733, %dma_wait3A_737] : memref<52x128xi32, #tpu.memory_space<vmem>> -> memref<1x128xi32, #tpu.memory_space<vmem>>
    %dma_wait3A_739 = tpu.memref_squeeze %dma_wait3A_738 : memref<1x128xi32, #tpu.memory_space<vmem>> -> memref<128xi32, #tpu.memory_space<vmem>>
    %dma_wait3A_740 = arith.constant 0 : i32
    %dma_wait3A_741 = arith.constant 0 : i32
    %dma_wait3A_742 = tpu.memref_slice %arg2[%dma_wait3A_740, %dma_wait3A_741] : memref<26000x16xf32, #tpu.memory_space<hbm>> -> memref<26000x16xf32, #tpu.memory_space<hbm>>
    tpu.wait_indirect_dma semaphore(%arg9 : memref<!tpu.dma_semaphore, #tpu.memory_space<semaphore_mem>>) src(%dma_wait3A_742 : memref<26000x16xf32, #tpu.memory_space<hbm>>) dst(%dma_wait3A_736 : memref<128x16xf32, #tpu.memory_space<vmem>>)
    %dma_wait3A_743 = arith.constant 31 : i32
    %dma_wait3A_744 = arith.constant 384 : i32
    %dma_wait3A_745 = arith.constant 0 : i32
    %dma_wait3A_746 = tpu.memref_slice %arg7[%dma_wait3A_744, %dma_wait3A_745] : memref<512x16xf32, #tpu.memory_space<vmem>> -> memref<128x16xf32, #tpu.memory_space<vmem>>
    %dma_wait3A_747 = arith.constant 0 : i32
    %dma_wait3A_748 = tpu.memref_slice %arg5[%dma_wait3A_743, %dma_wait3A_747] : memref<52x128xi32, #tpu.memory_space<vmem>> -> memref<1x128xi32, #tpu.memory_space<vmem>>
    %dma_wait3A_749 = tpu.memref_squeeze %dma_wait3A_748 : memref<1x128xi32, #tpu.memory_space<vmem>> -> memref<128xi32, #tpu.memory_space<vmem>>
    %dma_wait3A_750 = arith.constant 0 : i32
    %dma_wait3A_751 = arith.constant 0 : i32
    %dma_wait3A_752 = tpu.memref_slice %arg2[%dma_wait3A_750, %dma_wait3A_751] : memref<26000x16xf32, #tpu.memory_space<hbm>> -> memref<26000x16xf32, #tpu.memory_space<hbm>>
    tpu.wait_indirect_dma semaphore(%arg9 : memref<!tpu.dma_semaphore, #tpu.memory_space<semaphore_mem>>) src(%dma_wait3A_752 : memref<26000x16xf32, #tpu.memory_space<hbm>>) dst(%dma_wait3A_746 : memref<128x16xf32, #tpu.memory_space<vmem>>)
    %add3A_753 = arith.constant 3584 : i32
    %add3A_754 = arith.addi %mul3A_2, %add3A_753 : i32
    %dma_start3A_755 = arith.constant 0 : i32
    %dma_start3A_756 = tpu.memref_slice %arg4[%add3A_754, %dma_start3A_755] : memref<212992x16xf32, #tpu.memory_space<hbm>> -> memref<512x16xf32, #tpu.memory_space<hbm>>
    %dma_start3A_757 = arith.constant 0 : i32
    %dma_start3A_758 = tpu.memref_slice %arg4[%add3A_754, %dma_start3A_757] : memref<212992x16xf32, #tpu.memory_space<hbm>> -> memref<512x16xf32, #tpu.memory_space<hbm>>
    tpu.enqueue_dma source(%arg7 : memref<512x16xf32, #tpu.memory_space<vmem>>) target(%dma_start3A_758 : memref<512x16xf32, #tpu.memory_space<hbm>>) target_semaphore(%arg11 : memref<!tpu.dma_semaphore, #tpu.memory_space<semaphore_mem>>)
    %dma_wait3A_759 = arith.constant 0 : i32
    %dma_wait3A_760 = tpu.memref_slice %arg4[%add3A_754, %dma_wait3A_759] : memref<212992x16xf32, #tpu.memory_space<hbm>> -> memref<512x16xf32, #tpu.memory_space<hbm>>
    %dma_wait3A_761 = arith.constant 0 : i32
    %dma_wait3A_762 = tpu.memref_slice %arg4[%add3A_754, %dma_wait3A_761] : memref<212992x16xf32, #tpu.memory_space<hbm>> -> memref<512x16xf32, #tpu.memory_space<hbm>>
    tpu.wait_dma2 semaphore(%arg11 : memref<!tpu.dma_semaphore, #tpu.memory_space<semaphore_mem>>) src(%arg7 : memref<512x16xf32, #tpu.memory_space<vmem>>) dst(%dma_wait3A_762 : memref<512x16xf32, #tpu.memory_space<hbm>>)
    %dma_start3A_763 = arith.constant 36 : i32
    %dma_start3A_764 = arith.constant 0 : i32
    %dma_start3A_765 = arith.constant 0 : i32
    %dma_start3A_766 = tpu.memref_slice %arg7[%dma_start3A_764, %dma_start3A_765] : memref<512x16xf32, #tpu.memory_space<vmem>> -> memref<128x16xf32, #tpu.memory_space<vmem>>
    %dma_start3A_767 = arith.constant 0 : i32
    %dma_start3A_768 = tpu.memref_slice %arg5[%dma_start3A_763, %dma_start3A_767] : memref<52x128xi32, #tpu.memory_space<vmem>> -> memref<1x128xi32, #tpu.memory_space<vmem>>
    %dma_start3A_769 = tpu.memref_squeeze %dma_start3A_768 : memref<1x128xi32, #tpu.memory_space<vmem>> -> memref<128xi32, #tpu.memory_space<vmem>>
    %dma_start3A_770 = arith.constant 0 : i32
    %dma_start3A_771 = arith.constant 0 : i32
    %dma_start3A_772 = tpu.memref_slice %arg2[%dma_start3A_770, %dma_start3A_771] : memref<26000x16xf32, #tpu.memory_space<hbm>> -> memref<26000x16xf32, #tpu.memory_space<hbm>>
    tpu.enqueue_indirect_dma source(%dma_start3A_772 : memref<26000x16xf32, #tpu.memory_space<hbm>>) target(%dma_start3A_766 : memref<128x16xf32, #tpu.memory_space<vmem>>) offsets(%dma_start3A_769 : memref<128xi32, #tpu.memory_space<vmem>>) semaphore(%arg9 : memref<!tpu.dma_semaphore, #tpu.memory_space<semaphore_mem>>)
    %dma_start3A_773 = arith.constant 37 : i32
    %dma_start3A_774 = arith.constant 128 : i32
    %dma_start3A_775 = arith.constant 0 : i32
    %dma_start3A_776 = tpu.memref_slice %arg7[%dma_start3A_774, %dma_start3A_775] : memref<512x16xf32, #tpu.memory_space<vmem>> -> memref<128x16xf32, #tpu.memory_space<vmem>>
    %dma_start3A_777 = arith.constant 0 : i32
    %dma_start3A_778 = tpu.memref_slice %arg5[%dma_start3A_773, %dma_start3A_777] : memref<52x128xi32, #tpu.memory_space<vmem>> -> memref<1x128xi32, #tpu.memory_space<vmem>>
    %dma_start3A_779 = tpu.memref_squeeze %dma_start3A_778 : memref<1x128xi32, #tpu.memory_space<vmem>> -> memref<128xi32, #tpu.memory_space<vmem>>
    %dma_start3A_780 = arith.constant 0 : i32
    %dma_start3A_781 = arith.constant 0 : i32
    %dma_start3A_782 = tpu.memref_slice %arg2[%dma_start3A_780, %dma_start3A_781] : memref<26000x16xf32, #tpu.memory_space<hbm>> -> memref<26000x16xf32, #tpu.memory_space<hbm>>
    tpu.enqueue_indirect_dma source(%dma_start3A_782 : memref<26000x16xf32, #tpu.memory_space<hbm>>) target(%dma_start3A_776 : memref<128x16xf32, #tpu.memory_space<vmem>>) offsets(%dma_start3A_779 : memref<128xi32, #tpu.memory_space<vmem>>) semaphore(%arg9 : memref<!tpu.dma_semaphore, #tpu.memory_space<semaphore_mem>>)
    %dma_start3A_783 = arith.constant 38 : i32
    %dma_start3A_784 = arith.constant 256 : i32
    %dma_start3A_785 = arith.constant 0 : i32
    %dma_start3A_786 = tpu.memref_slice %arg7[%dma_start3A_784, %dma_start3A_785] : memref<512x16xf32, #tpu.memory_space<vmem>> -> memref<128x16xf32, #tpu.memory_space<vmem>>
    %dma_start3A_787 = arith.constant 0 : i32
    %dma_start3A_788 = tpu.memref_slice %arg5[%dma_start3A_783, %dma_start3A_787] : memref<52x128xi32, #tpu.memory_space<vmem>> -> memref<1x128xi32, #tpu.memory_space<vmem>>
    %dma_start3A_789 = tpu.memref_squeeze %dma_start3A_788 : memref<1x128xi32, #tpu.memory_space<vmem>> -> memref<128xi32, #tpu.memory_space<vmem>>
    %dma_start3A_790 = arith.constant 0 : i32
    %dma_start3A_791 = arith.constant 0 : i32
    %dma_start3A_792 = tpu.memref_slice %arg2[%dma_start3A_790, %dma_start3A_791] : memref<26000x16xf32, #tpu.memory_space<hbm>> -> memref<26000x16xf32, #tpu.memory_space<hbm>>
    tpu.enqueue_indirect_dma source(%dma_start3A_792 : memref<26000x16xf32, #tpu.memory_space<hbm>>) target(%dma_start3A_786 : memref<128x16xf32, #tpu.memory_space<vmem>>) offsets(%dma_start3A_789 : memref<128xi32, #tpu.memory_space<vmem>>) semaphore(%arg9 : memref<!tpu.dma_semaphore, #tpu.memory_space<semaphore_mem>>)
    %dma_start3A_793 = arith.constant 39 : i32
    %dma_start3A_794 = arith.constant 384 : i32
    %dma_start3A_795 = arith.constant 0 : i32
    %dma_start3A_796 = tpu.memref_slice %arg7[%dma_start3A_794, %dma_start3A_795] : memref<512x16xf32, #tpu.memory_space<vmem>> -> memref<128x16xf32, #tpu.memory_space<vmem>>
    %dma_start3A_797 = arith.constant 0 : i32
    %dma_start3A_798 = tpu.memref_slice %arg5[%dma_start3A_793, %dma_start3A_797] : memref<52x128xi32, #tpu.memory_space<vmem>> -> memref<1x128xi32, #tpu.memory_space<vmem>>
    %dma_start3A_799 = tpu.memref_squeeze %dma_start3A_798 : memref<1x128xi32, #tpu.memory_space<vmem>> -> memref<128xi32, #tpu.memory_space<vmem>>
    %dma_start3A_800 = arith.constant 0 : i32
    %dma_start3A_801 = arith.constant 0 : i32
    %dma_start3A_802 = tpu.memref_slice %arg2[%dma_start3A_800, %dma_start3A_801] : memref<26000x16xf32, #tpu.memory_space<hbm>> -> memref<26000x16xf32, #tpu.memory_space<hbm>>
    tpu.enqueue_indirect_dma source(%dma_start3A_802 : memref<26000x16xf32, #tpu.memory_space<hbm>>) target(%dma_start3A_796 : memref<128x16xf32, #tpu.memory_space<vmem>>) offsets(%dma_start3A_799 : memref<128xi32, #tpu.memory_space<vmem>>) semaphore(%arg9 : memref<!tpu.dma_semaphore, #tpu.memory_space<semaphore_mem>>)
    %dma_wait3A_803 = arith.constant 32 : i32
    %dma_wait3A_804 = arith.constant 0 : i32
    %dma_wait3A_805 = arith.constant 0 : i32
    %dma_wait3A_806 = tpu.memref_slice %arg6[%dma_wait3A_804, %dma_wait3A_805] : memref<512x16xf32, #tpu.memory_space<vmem>> -> memref<128x16xf32, #tpu.memory_space<vmem>>
    %dma_wait3A_807 = arith.constant 0 : i32
    %dma_wait3A_808 = tpu.memref_slice %arg5[%dma_wait3A_803, %dma_wait3A_807] : memref<52x128xi32, #tpu.memory_space<vmem>> -> memref<1x128xi32, #tpu.memory_space<vmem>>
    %dma_wait3A_809 = tpu.memref_squeeze %dma_wait3A_808 : memref<1x128xi32, #tpu.memory_space<vmem>> -> memref<128xi32, #tpu.memory_space<vmem>>
    %dma_wait3A_810 = arith.constant 0 : i32
    %dma_wait3A_811 = arith.constant 0 : i32
    %dma_wait3A_812 = tpu.memref_slice %arg2[%dma_wait3A_810, %dma_wait3A_811] : memref<26000x16xf32, #tpu.memory_space<hbm>> -> memref<26000x16xf32, #tpu.memory_space<hbm>>
    tpu.wait_indirect_dma semaphore(%arg8 : memref<!tpu.dma_semaphore, #tpu.memory_space<semaphore_mem>>) src(%dma_wait3A_812 : memref<26000x16xf32, #tpu.memory_space<hbm>>) dst(%dma_wait3A_806 : memref<128x16xf32, #tpu.memory_space<vmem>>)
    %dma_wait3A_813 = arith.constant 33 : i32
    %dma_wait3A_814 = arith.constant 128 : i32
    %dma_wait3A_815 = arith.constant 0 : i32
    %dma_wait3A_816 = tpu.memref_slice %arg6[%dma_wait3A_814, %dma_wait3A_815] : memref<512x16xf32, #tpu.memory_space<vmem>> -> memref<128x16xf32, #tpu.memory_space<vmem>>
    %dma_wait3A_817 = arith.constant 0 : i32
    %dma_wait3A_818 = tpu.memref_slice %arg5[%dma_wait3A_813, %dma_wait3A_817] : memref<52x128xi32, #tpu.memory_space<vmem>> -> memref<1x128xi32, #tpu.memory_space<vmem>>
    %dma_wait3A_819 = tpu.memref_squeeze %dma_wait3A_818 : memref<1x128xi32, #tpu.memory_space<vmem>> -> memref<128xi32, #tpu.memory_space<vmem>>
    %dma_wait3A_820 = arith.constant 0 : i32
    %dma_wait3A_821 = arith.constant 0 : i32
    %dma_wait3A_822 = tpu.memref_slice %arg2[%dma_wait3A_820, %dma_wait3A_821] : memref<26000x16xf32, #tpu.memory_space<hbm>> -> memref<26000x16xf32, #tpu.memory_space<hbm>>
    tpu.wait_indirect_dma semaphore(%arg8 : memref<!tpu.dma_semaphore, #tpu.memory_space<semaphore_mem>>) src(%dma_wait3A_822 : memref<26000x16xf32, #tpu.memory_space<hbm>>) dst(%dma_wait3A_816 : memref<128x16xf32, #tpu.memory_space<vmem>>)
    %dma_wait3A_823 = arith.constant 34 : i32
    %dma_wait3A_824 = arith.constant 256 : i32
    %dma_wait3A_825 = arith.constant 0 : i32
    %dma_wait3A_826 = tpu.memref_slice %arg6[%dma_wait3A_824, %dma_wait3A_825] : memref<512x16xf32, #tpu.memory_space<vmem>> -> memref<128x16xf32, #tpu.memory_space<vmem>>
    %dma_wait3A_827 = arith.constant 0 : i32
    %dma_wait3A_828 = tpu.memref_slice %arg5[%dma_wait3A_823, %dma_wait3A_827] : memref<52x128xi32, #tpu.memory_space<vmem>> -> memref<1x128xi32, #tpu.memory_space<vmem>>
    %dma_wait3A_829 = tpu.memref_squeeze %dma_wait3A_828 : memref<1x128xi32, #tpu.memory_space<vmem>> -> memref<128xi32, #tpu.memory_space<vmem>>
    %dma_wait3A_830 = arith.constant 0 : i32
    %dma_wait3A_831 = arith.constant 0 : i32
    %dma_wait3A_832 = tpu.memref_slice %arg2[%dma_wait3A_830, %dma_wait3A_831] : memref<26000x16xf32, #tpu.memory_space<hbm>> -> memref<26000x16xf32, #tpu.memory_space<hbm>>
    tpu.wait_indirect_dma semaphore(%arg8 : memref<!tpu.dma_semaphore, #tpu.memory_space<semaphore_mem>>) src(%dma_wait3A_832 : memref<26000x16xf32, #tpu.memory_space<hbm>>) dst(%dma_wait3A_826 : memref<128x16xf32, #tpu.memory_space<vmem>>)
    %dma_wait3A_833 = arith.constant 35 : i32
    %dma_wait3A_834 = arith.constant 384 : i32
    %dma_wait3A_835 = arith.constant 0 : i32
    %dma_wait3A_836 = tpu.memref_slice %arg6[%dma_wait3A_834, %dma_wait3A_835] : memref<512x16xf32, #tpu.memory_space<vmem>> -> memref<128x16xf32, #tpu.memory_space<vmem>>
    %dma_wait3A_837 = arith.constant 0 : i32
    %dma_wait3A_838 = tpu.memref_slice %arg5[%dma_wait3A_833, %dma_wait3A_837] : memref<52x128xi32, #tpu.memory_space<vmem>> -> memref<1x128xi32, #tpu.memory_space<vmem>>
    %dma_wait3A_839 = tpu.memref_squeeze %dma_wait3A_838 : memref<1x128xi32, #tpu.memory_space<vmem>> -> memref<128xi32, #tpu.memory_space<vmem>>
    %dma_wait3A_840 = arith.constant 0 : i32
    %dma_wait3A_841 = arith.constant 0 : i32
    %dma_wait3A_842 = tpu.memref_slice %arg2[%dma_wait3A_840, %dma_wait3A_841] : memref<26000x16xf32, #tpu.memory_space<hbm>> -> memref<26000x16xf32, #tpu.memory_space<hbm>>
    tpu.wait_indirect_dma semaphore(%arg8 : memref<!tpu.dma_semaphore, #tpu.memory_space<semaphore_mem>>) src(%dma_wait3A_842 : memref<26000x16xf32, #tpu.memory_space<hbm>>) dst(%dma_wait3A_836 : memref<128x16xf32, #tpu.memory_space<vmem>>)
    %add3A_843 = arith.constant 4096 : i32
    %add3A_844 = arith.addi %mul3A_2, %add3A_843 : i32
    %dma_start3A_845 = arith.constant 0 : i32
    %dma_start3A_846 = tpu.memref_slice %arg4[%add3A_844, %dma_start3A_845] : memref<212992x16xf32, #tpu.memory_space<hbm>> -> memref<512x16xf32, #tpu.memory_space<hbm>>
    %dma_start3A_847 = arith.constant 0 : i32
    %dma_start3A_848 = tpu.memref_slice %arg4[%add3A_844, %dma_start3A_847] : memref<212992x16xf32, #tpu.memory_space<hbm>> -> memref<512x16xf32, #tpu.memory_space<hbm>>
    tpu.enqueue_dma source(%arg6 : memref<512x16xf32, #tpu.memory_space<vmem>>) target(%dma_start3A_848 : memref<512x16xf32, #tpu.memory_space<hbm>>) target_semaphore(%arg10 : memref<!tpu.dma_semaphore, #tpu.memory_space<semaphore_mem>>)
    %dma_wait3A_849 = arith.constant 0 : i32
    %dma_wait3A_850 = tpu.memref_slice %arg4[%add3A_844, %dma_wait3A_849] : memref<212992x16xf32, #tpu.memory_space<hbm>> -> memref<512x16xf32, #tpu.memory_space<hbm>>
    %dma_wait3A_851 = arith.constant 0 : i32
    %dma_wait3A_852 = tpu.memref_slice %arg4[%add3A_844, %dma_wait3A_851] : memref<212992x16xf32, #tpu.memory_space<hbm>> -> memref<512x16xf32, #tpu.memory_space<hbm>>
    tpu.wait_dma2 semaphore(%arg10 : memref<!tpu.dma_semaphore, #tpu.memory_space<semaphore_mem>>) src(%arg6 : memref<512x16xf32, #tpu.memory_space<vmem>>) dst(%dma_wait3A_852 : memref<512x16xf32, #tpu.memory_space<hbm>>)
    %dma_start3A_853 = arith.constant 40 : i32
    %dma_start3A_854 = arith.constant 0 : i32
    %dma_start3A_855 = arith.constant 0 : i32
    %dma_start3A_856 = tpu.memref_slice %arg6[%dma_start3A_854, %dma_start3A_855] : memref<512x16xf32, #tpu.memory_space<vmem>> -> memref<128x16xf32, #tpu.memory_space<vmem>>
    %dma_start3A_857 = arith.constant 0 : i32
    %dma_start3A_858 = tpu.memref_slice %arg5[%dma_start3A_853, %dma_start3A_857] : memref<52x128xi32, #tpu.memory_space<vmem>> -> memref<1x128xi32, #tpu.memory_space<vmem>>
    %dma_start3A_859 = tpu.memref_squeeze %dma_start3A_858 : memref<1x128xi32, #tpu.memory_space<vmem>> -> memref<128xi32, #tpu.memory_space<vmem>>
    %dma_start3A_860 = arith.constant 0 : i32
    %dma_start3A_861 = arith.constant 0 : i32
    %dma_start3A_862 = tpu.memref_slice %arg2[%dma_start3A_860, %dma_start3A_861] : memref<26000x16xf32, #tpu.memory_space<hbm>> -> memref<26000x16xf32, #tpu.memory_space<hbm>>
    tpu.enqueue_indirect_dma source(%dma_start3A_862 : memref<26000x16xf32, #tpu.memory_space<hbm>>) target(%dma_start3A_856 : memref<128x16xf32, #tpu.memory_space<vmem>>) offsets(%dma_start3A_859 : memref<128xi32, #tpu.memory_space<vmem>>) semaphore(%arg8 : memref<!tpu.dma_semaphore, #tpu.memory_space<semaphore_mem>>)
    %dma_start3A_863 = arith.constant 41 : i32
    %dma_start3A_864 = arith.constant 128 : i32
    %dma_start3A_865 = arith.constant 0 : i32
    %dma_start3A_866 = tpu.memref_slice %arg6[%dma_start3A_864, %dma_start3A_865] : memref<512x16xf32, #tpu.memory_space<vmem>> -> memref<128x16xf32, #tpu.memory_space<vmem>>
    %dma_start3A_867 = arith.constant 0 : i32
    %dma_start3A_868 = tpu.memref_slice %arg5[%dma_start3A_863, %dma_start3A_867] : memref<52x128xi32, #tpu.memory_space<vmem>> -> memref<1x128xi32, #tpu.memory_space<vmem>>
    %dma_start3A_869 = tpu.memref_squeeze %dma_start3A_868 : memref<1x128xi32, #tpu.memory_space<vmem>> -> memref<128xi32, #tpu.memory_space<vmem>>
    %dma_start3A_870 = arith.constant 0 : i32
    %dma_start3A_871 = arith.constant 0 : i32
    %dma_start3A_872 = tpu.memref_slice %arg2[%dma_start3A_870, %dma_start3A_871] : memref<26000x16xf32, #tpu.memory_space<hbm>> -> memref<26000x16xf32, #tpu.memory_space<hbm>>
    tpu.enqueue_indirect_dma source(%dma_start3A_872 : memref<26000x16xf32, #tpu.memory_space<hbm>>) target(%dma_start3A_866 : memref<128x16xf32, #tpu.memory_space<vmem>>) offsets(%dma_start3A_869 : memref<128xi32, #tpu.memory_space<vmem>>) semaphore(%arg8 : memref<!tpu.dma_semaphore, #tpu.memory_space<semaphore_mem>>)
    %dma_start3A_873 = arith.constant 42 : i32
    %dma_start3A_874 = arith.constant 256 : i32
    %dma_start3A_875 = arith.constant 0 : i32
    %dma_start3A_876 = tpu.memref_slice %arg6[%dma_start3A_874, %dma_start3A_875] : memref<512x16xf32, #tpu.memory_space<vmem>> -> memref<128x16xf32, #tpu.memory_space<vmem>>
    %dma_start3A_877 = arith.constant 0 : i32
    %dma_start3A_878 = tpu.memref_slice %arg5[%dma_start3A_873, %dma_start3A_877] : memref<52x128xi32, #tpu.memory_space<vmem>> -> memref<1x128xi32, #tpu.memory_space<vmem>>
    %dma_start3A_879 = tpu.memref_squeeze %dma_start3A_878 : memref<1x128xi32, #tpu.memory_space<vmem>> -> memref<128xi32, #tpu.memory_space<vmem>>
    %dma_start3A_880 = arith.constant 0 : i32
    %dma_start3A_881 = arith.constant 0 : i32
    %dma_start3A_882 = tpu.memref_slice %arg2[%dma_start3A_880, %dma_start3A_881] : memref<26000x16xf32, #tpu.memory_space<hbm>> -> memref<26000x16xf32, #tpu.memory_space<hbm>>
    tpu.enqueue_indirect_dma source(%dma_start3A_882 : memref<26000x16xf32, #tpu.memory_space<hbm>>) target(%dma_start3A_876 : memref<128x16xf32, #tpu.memory_space<vmem>>) offsets(%dma_start3A_879 : memref<128xi32, #tpu.memory_space<vmem>>) semaphore(%arg8 : memref<!tpu.dma_semaphore, #tpu.memory_space<semaphore_mem>>)
    %dma_start3A_883 = arith.constant 43 : i32
    %dma_start3A_884 = arith.constant 384 : i32
    %dma_start3A_885 = arith.constant 0 : i32
    %dma_start3A_886 = tpu.memref_slice %arg6[%dma_start3A_884, %dma_start3A_885] : memref<512x16xf32, #tpu.memory_space<vmem>> -> memref<128x16xf32, #tpu.memory_space<vmem>>
    %dma_start3A_887 = arith.constant 0 : i32
    %dma_start3A_888 = tpu.memref_slice %arg5[%dma_start3A_883, %dma_start3A_887] : memref<52x128xi32, #tpu.memory_space<vmem>> -> memref<1x128xi32, #tpu.memory_space<vmem>>
    %dma_start3A_889 = tpu.memref_squeeze %dma_start3A_888 : memref<1x128xi32, #tpu.memory_space<vmem>> -> memref<128xi32, #tpu.memory_space<vmem>>
    %dma_start3A_890 = arith.constant 0 : i32
    %dma_start3A_891 = arith.constant 0 : i32
    %dma_start3A_892 = tpu.memref_slice %arg2[%dma_start3A_890, %dma_start3A_891] : memref<26000x16xf32, #tpu.memory_space<hbm>> -> memref<26000x16xf32, #tpu.memory_space<hbm>>
    tpu.enqueue_indirect_dma source(%dma_start3A_892 : memref<26000x16xf32, #tpu.memory_space<hbm>>) target(%dma_start3A_886 : memref<128x16xf32, #tpu.memory_space<vmem>>) offsets(%dma_start3A_889 : memref<128xi32, #tpu.memory_space<vmem>>) semaphore(%arg8 : memref<!tpu.dma_semaphore, #tpu.memory_space<semaphore_mem>>)
    %dma_wait3A_893 = arith.constant 36 : i32
    %dma_wait3A_894 = arith.constant 0 : i32
    %dma_wait3A_895 = arith.constant 0 : i32
    %dma_wait3A_896 = tpu.memref_slice %arg7[%dma_wait3A_894, %dma_wait3A_895] : memref<512x16xf32, #tpu.memory_space<vmem>> -> memref<128x16xf32, #tpu.memory_space<vmem>>
    %dma_wait3A_897 = arith.constant 0 : i32
    %dma_wait3A_898 = tpu.memref_slice %arg5[%dma_wait3A_893, %dma_wait3A_897] : memref<52x128xi32, #tpu.memory_space<vmem>> -> memref<1x128xi32, #tpu.memory_space<vmem>>
    %dma_wait3A_899 = tpu.memref_squeeze %dma_wait3A_898 : memref<1x128xi32, #tpu.memory_space<vmem>> -> memref<128xi32, #tpu.memory_space<vmem>>
    %dma_wait3A_900 = arith.constant 0 : i32
    %dma_wait3A_901 = arith.constant 0 : i32
    %dma_wait3A_902 = tpu.memref_slice %arg2[%dma_wait3A_900, %dma_wait3A_901] : memref<26000x16xf32, #tpu.memory_space<hbm>> -> memref<26000x16xf32, #tpu.memory_space<hbm>>
    tpu.wait_indirect_dma semaphore(%arg9 : memref<!tpu.dma_semaphore, #tpu.memory_space<semaphore_mem>>) src(%dma_wait3A_902 : memref<26000x16xf32, #tpu.memory_space<hbm>>) dst(%dma_wait3A_896 : memref<128x16xf32, #tpu.memory_space<vmem>>)
    %dma_wait3A_903 = arith.constant 37 : i32
    %dma_wait3A_904 = arith.constant 128 : i32
    %dma_wait3A_905 = arith.constant 0 : i32
    %dma_wait3A_906 = tpu.memref_slice %arg7[%dma_wait3A_904, %dma_wait3A_905] : memref<512x16xf32, #tpu.memory_space<vmem>> -> memref<128x16xf32, #tpu.memory_space<vmem>>
    %dma_wait3A_907 = arith.constant 0 : i32
    %dma_wait3A_908 = tpu.memref_slice %arg5[%dma_wait3A_903, %dma_wait3A_907] : memref<52x128xi32, #tpu.memory_space<vmem>> -> memref<1x128xi32, #tpu.memory_space<vmem>>
    %dma_wait3A_909 = tpu.memref_squeeze %dma_wait3A_908 : memref<1x128xi32, #tpu.memory_space<vmem>> -> memref<128xi32, #tpu.memory_space<vmem>>
    %dma_wait3A_910 = arith.constant 0 : i32
    %dma_wait3A_911 = arith.constant 0 : i32
    %dma_wait3A_912 = tpu.memref_slice %arg2[%dma_wait3A_910, %dma_wait3A_911] : memref<26000x16xf32, #tpu.memory_space<hbm>> -> memref<26000x16xf32, #tpu.memory_space<hbm>>
    tpu.wait_indirect_dma semaphore(%arg9 : memref<!tpu.dma_semaphore, #tpu.memory_space<semaphore_mem>>) src(%dma_wait3A_912 : memref<26000x16xf32, #tpu.memory_space<hbm>>) dst(%dma_wait3A_906 : memref<128x16xf32, #tpu.memory_space<vmem>>)
    %dma_wait3A_913 = arith.constant 38 : i32
    %dma_wait3A_914 = arith.constant 256 : i32
    %dma_wait3A_915 = arith.constant 0 : i32
    %dma_wait3A_916 = tpu.memref_slice %arg7[%dma_wait3A_914, %dma_wait3A_915] : memref<512x16xf32, #tpu.memory_space<vmem>> -> memref<128x16xf32, #tpu.memory_space<vmem>>
    %dma_wait3A_917 = arith.constant 0 : i32
    %dma_wait3A_918 = tpu.memref_slice %arg5[%dma_wait3A_913, %dma_wait3A_917] : memref<52x128xi32, #tpu.memory_space<vmem>> -> memref<1x128xi32, #tpu.memory_space<vmem>>
    %dma_wait3A_919 = tpu.memref_squeeze %dma_wait3A_918 : memref<1x128xi32, #tpu.memory_space<vmem>> -> memref<128xi32, #tpu.memory_space<vmem>>
    %dma_wait3A_920 = arith.constant 0 : i32
    %dma_wait3A_921 = arith.constant 0 : i32
    %dma_wait3A_922 = tpu.memref_slice %arg2[%dma_wait3A_920, %dma_wait3A_921] : memref<26000x16xf32, #tpu.memory_space<hbm>> -> memref<26000x16xf32, #tpu.memory_space<hbm>>
    tpu.wait_indirect_dma semaphore(%arg9 : memref<!tpu.dma_semaphore, #tpu.memory_space<semaphore_mem>>) src(%dma_wait3A_922 : memref<26000x16xf32, #tpu.memory_space<hbm>>) dst(%dma_wait3A_916 : memref<128x16xf32, #tpu.memory_space<vmem>>)
    %dma_wait3A_923 = arith.constant 39 : i32
    %dma_wait3A_924 = arith.constant 384 : i32
    %dma_wait3A_925 = arith.constant 0 : i32
    %dma_wait3A_926 = tpu.memref_slice %arg7[%dma_wait3A_924, %dma_wait3A_925] : memref<512x16xf32, #tpu.memory_space<vmem>> -> memref<128x16xf32, #tpu.memory_space<vmem>>
    %dma_wait3A_927 = arith.constant 0 : i32
    %dma_wait3A_928 = tpu.memref_slice %arg5[%dma_wait3A_923, %dma_wait3A_927] : memref<52x128xi32, #tpu.memory_space<vmem>> -> memref<1x128xi32, #tpu.memory_space<vmem>>
    %dma_wait3A_929 = tpu.memref_squeeze %dma_wait3A_928 : memref<1x128xi32, #tpu.memory_space<vmem>> -> memref<128xi32, #tpu.memory_space<vmem>>
    %dma_wait3A_930 = arith.constant 0 : i32
    %dma_wait3A_931 = arith.constant 0 : i32
    %dma_wait3A_932 = tpu.memref_slice %arg2[%dma_wait3A_930, %dma_wait3A_931] : memref<26000x16xf32, #tpu.memory_space<hbm>> -> memref<26000x16xf32, #tpu.memory_space<hbm>>
    tpu.wait_indirect_dma semaphore(%arg9 : memref<!tpu.dma_semaphore, #tpu.memory_space<semaphore_mem>>) src(%dma_wait3A_932 : memref<26000x16xf32, #tpu.memory_space<hbm>>) dst(%dma_wait3A_926 : memref<128x16xf32, #tpu.memory_space<vmem>>)
    %add3A_933 = arith.constant 4608 : i32
    %add3A_934 = arith.addi %mul3A_2, %add3A_933 : i32
    %dma_start3A_935 = arith.constant 0 : i32
    %dma_start3A_936 = tpu.memref_slice %arg4[%add3A_934, %dma_start3A_935] : memref<212992x16xf32, #tpu.memory_space<hbm>> -> memref<512x16xf32, #tpu.memory_space<hbm>>
    %dma_start3A_937 = arith.constant 0 : i32
    %dma_start3A_938 = tpu.memref_slice %arg4[%add3A_934, %dma_start3A_937] : memref<212992x16xf32, #tpu.memory_space<hbm>> -> memref<512x16xf32, #tpu.memory_space<hbm>>
    tpu.enqueue_dma source(%arg7 : memref<512x16xf32, #tpu.memory_space<vmem>>) target(%dma_start3A_938 : memref<512x16xf32, #tpu.memory_space<hbm>>) target_semaphore(%arg11 : memref<!tpu.dma_semaphore, #tpu.memory_space<semaphore_mem>>)
    %dma_wait3A_939 = arith.constant 0 : i32
    %dma_wait3A_940 = tpu.memref_slice %arg4[%add3A_934, %dma_wait3A_939] : memref<212992x16xf32, #tpu.memory_space<hbm>> -> memref<512x16xf32, #tpu.memory_space<hbm>>
    %dma_wait3A_941 = arith.constant 0 : i32
    %dma_wait3A_942 = tpu.memref_slice %arg4[%add3A_934, %dma_wait3A_941] : memref<212992x16xf32, #tpu.memory_space<hbm>> -> memref<512x16xf32, #tpu.memory_space<hbm>>
    tpu.wait_dma2 semaphore(%arg11 : memref<!tpu.dma_semaphore, #tpu.memory_space<semaphore_mem>>) src(%arg7 : memref<512x16xf32, #tpu.memory_space<vmem>>) dst(%dma_wait3A_942 : memref<512x16xf32, #tpu.memory_space<hbm>>)
    %dma_start3A_943 = arith.constant 44 : i32
    %dma_start3A_944 = arith.constant 0 : i32
    %dma_start3A_945 = arith.constant 0 : i32
    %dma_start3A_946 = tpu.memref_slice %arg7[%dma_start3A_944, %dma_start3A_945] : memref<512x16xf32, #tpu.memory_space<vmem>> -> memref<128x16xf32, #tpu.memory_space<vmem>>
    %dma_start3A_947 = arith.constant 0 : i32
    %dma_start3A_948 = tpu.memref_slice %arg5[%dma_start3A_943, %dma_start3A_947] : memref<52x128xi32, #tpu.memory_space<vmem>> -> memref<1x128xi32, #tpu.memory_space<vmem>>
    %dma_start3A_949 = tpu.memref_squeeze %dma_start3A_948 : memref<1x128xi32, #tpu.memory_space<vmem>> -> memref<128xi32, #tpu.memory_space<vmem>>
    %dma_start3A_950 = arith.constant 0 : i32
    %dma_start3A_951 = arith.constant 0 : i32
    %dma_start3A_952 = tpu.memref_slice %arg2[%dma_start3A_950, %dma_start3A_951] : memref<26000x16xf32, #tpu.memory_space<hbm>> -> memref<26000x16xf32, #tpu.memory_space<hbm>>
    tpu.enqueue_indirect_dma source(%dma_start3A_952 : memref<26000x16xf32, #tpu.memory_space<hbm>>) target(%dma_start3A_946 : memref<128x16xf32, #tpu.memory_space<vmem>>) offsets(%dma_start3A_949 : memref<128xi32, #tpu.memory_space<vmem>>) semaphore(%arg9 : memref<!tpu.dma_semaphore, #tpu.memory_space<semaphore_mem>>)
    %dma_start3A_953 = arith.constant 45 : i32
    %dma_start3A_954 = arith.constant 128 : i32
    %dma_start3A_955 = arith.constant 0 : i32
    %dma_start3A_956 = tpu.memref_slice %arg7[%dma_start3A_954, %dma_start3A_955] : memref<512x16xf32, #tpu.memory_space<vmem>> -> memref<128x16xf32, #tpu.memory_space<vmem>>
    %dma_start3A_957 = arith.constant 0 : i32
    %dma_start3A_958 = tpu.memref_slice %arg5[%dma_start3A_953, %dma_start3A_957] : memref<52x128xi32, #tpu.memory_space<vmem>> -> memref<1x128xi32, #tpu.memory_space<vmem>>
    %dma_start3A_959 = tpu.memref_squeeze %dma_start3A_958 : memref<1x128xi32, #tpu.memory_space<vmem>> -> memref<128xi32, #tpu.memory_space<vmem>>
    %dma_start3A_960 = arith.constant 0 : i32
    %dma_start3A_961 = arith.constant 0 : i32
    %dma_start3A_962 = tpu.memref_slice %arg2[%dma_start3A_960, %dma_start3A_961] : memref<26000x16xf32, #tpu.memory_space<hbm>> -> memref<26000x16xf32, #tpu.memory_space<hbm>>
    tpu.enqueue_indirect_dma source(%dma_start3A_962 : memref<26000x16xf32, #tpu.memory_space<hbm>>) target(%dma_start3A_956 : memref<128x16xf32, #tpu.memory_space<vmem>>) offsets(%dma_start3A_959 : memref<128xi32, #tpu.memory_space<vmem>>) semaphore(%arg9 : memref<!tpu.dma_semaphore, #tpu.memory_space<semaphore_mem>>)
    %dma_start3A_963 = arith.constant 46 : i32
    %dma_start3A_964 = arith.constant 256 : i32
    %dma_start3A_965 = arith.constant 0 : i32
    %dma_start3A_966 = tpu.memref_slice %arg7[%dma_start3A_964, %dma_start3A_965] : memref<512x16xf32, #tpu.memory_space<vmem>> -> memref<128x16xf32, #tpu.memory_space<vmem>>
    %dma_start3A_967 = arith.constant 0 : i32
    %dma_start3A_968 = tpu.memref_slice %arg5[%dma_start3A_963, %dma_start3A_967] : memref<52x128xi32, #tpu.memory_space<vmem>> -> memref<1x128xi32, #tpu.memory_space<vmem>>
    %dma_start3A_969 = tpu.memref_squeeze %dma_start3A_968 : memref<1x128xi32, #tpu.memory_space<vmem>> -> memref<128xi32, #tpu.memory_space<vmem>>
    %dma_start3A_970 = arith.constant 0 : i32
    %dma_start3A_971 = arith.constant 0 : i32
    %dma_start3A_972 = tpu.memref_slice %arg2[%dma_start3A_970, %dma_start3A_971] : memref<26000x16xf32, #tpu.memory_space<hbm>> -> memref<26000x16xf32, #tpu.memory_space<hbm>>
    tpu.enqueue_indirect_dma source(%dma_start3A_972 : memref<26000x16xf32, #tpu.memory_space<hbm>>) target(%dma_start3A_966 : memref<128x16xf32, #tpu.memory_space<vmem>>) offsets(%dma_start3A_969 : memref<128xi32, #tpu.memory_space<vmem>>) semaphore(%arg9 : memref<!tpu.dma_semaphore, #tpu.memory_space<semaphore_mem>>)
    %dma_start3A_973 = arith.constant 47 : i32
    %dma_start3A_974 = arith.constant 384 : i32
    %dma_start3A_975 = arith.constant 0 : i32
    %dma_start3A_976 = tpu.memref_slice %arg7[%dma_start3A_974, %dma_start3A_975] : memref<512x16xf32, #tpu.memory_space<vmem>> -> memref<128x16xf32, #tpu.memory_space<vmem>>
    %dma_start3A_977 = arith.constant 0 : i32
    %dma_start3A_978 = tpu.memref_slice %arg5[%dma_start3A_973, %dma_start3A_977] : memref<52x128xi32, #tpu.memory_space<vmem>> -> memref<1x128xi32, #tpu.memory_space<vmem>>
    %dma_start3A_979 = tpu.memref_squeeze %dma_start3A_978 : memref<1x128xi32, #tpu.memory_space<vmem>> -> memref<128xi32, #tpu.memory_space<vmem>>
    %dma_start3A_980 = arith.constant 0 : i32
    %dma_start3A_981 = arith.constant 0 : i32
    %dma_start3A_982 = tpu.memref_slice %arg2[%dma_start3A_980, %dma_start3A_981] : memref<26000x16xf32, #tpu.memory_space<hbm>> -> memref<26000x16xf32, #tpu.memory_space<hbm>>
    tpu.enqueue_indirect_dma source(%dma_start3A_982 : memref<26000x16xf32, #tpu.memory_space<hbm>>) target(%dma_start3A_976 : memref<128x16xf32, #tpu.memory_space<vmem>>) offsets(%dma_start3A_979 : memref<128xi32, #tpu.memory_space<vmem>>) semaphore(%arg9 : memref<!tpu.dma_semaphore, #tpu.memory_space<semaphore_mem>>)
    %dma_wait3A_983 = arith.constant 40 : i32
    %dma_wait3A_984 = arith.constant 0 : i32
    %dma_wait3A_985 = arith.constant 0 : i32
    %dma_wait3A_986 = tpu.memref_slice %arg6[%dma_wait3A_984, %dma_wait3A_985] : memref<512x16xf32, #tpu.memory_space<vmem>> -> memref<128x16xf32, #tpu.memory_space<vmem>>
    %dma_wait3A_987 = arith.constant 0 : i32
    %dma_wait3A_988 = tpu.memref_slice %arg5[%dma_wait3A_983, %dma_wait3A_987] : memref<52x128xi32, #tpu.memory_space<vmem>> -> memref<1x128xi32, #tpu.memory_space<vmem>>
    %dma_wait3A_989 = tpu.memref_squeeze %dma_wait3A_988 : memref<1x128xi32, #tpu.memory_space<vmem>> -> memref<128xi32, #tpu.memory_space<vmem>>
    %dma_wait3A_990 = arith.constant 0 : i32
    %dma_wait3A_991 = arith.constant 0 : i32
    %dma_wait3A_992 = tpu.memref_slice %arg2[%dma_wait3A_990, %dma_wait3A_991] : memref<26000x16xf32, #tpu.memory_space<hbm>> -> memref<26000x16xf32, #tpu.memory_space<hbm>>
    tpu.wait_indirect_dma semaphore(%arg8 : memref<!tpu.dma_semaphore, #tpu.memory_space<semaphore_mem>>) src(%dma_wait3A_992 : memref<26000x16xf32, #tpu.memory_space<hbm>>) dst(%dma_wait3A_986 : memref<128x16xf32, #tpu.memory_space<vmem>>)
    %dma_wait3A_993 = arith.constant 41 : i32
    %dma_wait3A_994 = arith.constant 128 : i32
    %dma_wait3A_995 = arith.constant 0 : i32
    %dma_wait3A_996 = tpu.memref_slice %arg6[%dma_wait3A_994, %dma_wait3A_995] : memref<512x16xf32, #tpu.memory_space<vmem>> -> memref<128x16xf32, #tpu.memory_space<vmem>>
    %dma_wait3A_997 = arith.constant 0 : i32
    %dma_wait3A_998 = tpu.memref_slice %arg5[%dma_wait3A_993, %dma_wait3A_997] : memref<52x128xi32, #tpu.memory_space<vmem>> -> memref<1x128xi32, #tpu.memory_space<vmem>>
    %dma_wait3A_999 = tpu.memref_squeeze %dma_wait3A_998 : memref<1x128xi32, #tpu.memory_space<vmem>> -> memref<128xi32, #tpu.memory_space<vmem>>
    %dma_wait3A_1000 = arith.constant 0 : i32
    %dma_wait3A_1001 = arith.constant 0 : i32
    %dma_wait3A_1002 = tpu.memref_slice %arg2[%dma_wait3A_1000, %dma_wait3A_1001] : memref<26000x16xf32, #tpu.memory_space<hbm>> -> memref<26000x16xf32, #tpu.memory_space<hbm>>
    tpu.wait_indirect_dma semaphore(%arg8 : memref<!tpu.dma_semaphore, #tpu.memory_space<semaphore_mem>>) src(%dma_wait3A_1002 : memref<26000x16xf32, #tpu.memory_space<hbm>>) dst(%dma_wait3A_996 : memref<128x16xf32, #tpu.memory_space<vmem>>)
    %dma_wait3A_1003 = arith.constant 42 : i32
    %dma_wait3A_1004 = arith.constant 256 : i32
    %dma_wait3A_1005 = arith.constant 0 : i32
    %dma_wait3A_1006 = tpu.memref_slice %arg6[%dma_wait3A_1004, %dma_wait3A_1005] : memref<512x16xf32, #tpu.memory_space<vmem>> -> memref<128x16xf32, #tpu.memory_space<vmem>>
    %dma_wait3A_1007 = arith.constant 0 : i32
    %dma_wait3A_1008 = tpu.memref_slice %arg5[%dma_wait3A_1003, %dma_wait3A_1007] : memref<52x128xi32, #tpu.memory_space<vmem>> -> memref<1x128xi32, #tpu.memory_space<vmem>>
    %dma_wait3A_1009 = tpu.memref_squeeze %dma_wait3A_1008 : memref<1x128xi32, #tpu.memory_space<vmem>> -> memref<128xi32, #tpu.memory_space<vmem>>
    %dma_wait3A_1010 = arith.constant 0 : i32
    %dma_wait3A_1011 = arith.constant 0 : i32
    %dma_wait3A_1012 = tpu.memref_slice %arg2[%dma_wait3A_1010, %dma_wait3A_1011] : memref<26000x16xf32, #tpu.memory_space<hbm>> -> memref<26000x16xf32, #tpu.memory_space<hbm>>
    tpu.wait_indirect_dma semaphore(%arg8 : memref<!tpu.dma_semaphore, #tpu.memory_space<semaphore_mem>>) src(%dma_wait3A_1012 : memref<26000x16xf32, #tpu.memory_space<hbm>>) dst(%dma_wait3A_1006 : memref<128x16xf32, #tpu.memory_space<vmem>>)
    %dma_wait3A_1013 = arith.constant 43 : i32
    %dma_wait3A_1014 = arith.constant 384 : i32
    %dma_wait3A_1015 = arith.constant 0 : i32
    %dma_wait3A_1016 = tpu.memref_slice %arg6[%dma_wait3A_1014, %dma_wait3A_1015] : memref<512x16xf32, #tpu.memory_space<vmem>> -> memref<128x16xf32, #tpu.memory_space<vmem>>
    %dma_wait3A_1017 = arith.constant 0 : i32
    %dma_wait3A_1018 = tpu.memref_slice %arg5[%dma_wait3A_1013, %dma_wait3A_1017] : memref<52x128xi32, #tpu.memory_space<vmem>> -> memref<1x128xi32, #tpu.memory_space<vmem>>
    %dma_wait3A_1019 = tpu.memref_squeeze %dma_wait3A_1018 : memref<1x128xi32, #tpu.memory_space<vmem>> -> memref<128xi32, #tpu.memory_space<vmem>>
    %dma_wait3A_1020 = arith.constant 0 : i32
    %dma_wait3A_1021 = arith.constant 0 : i32
    %dma_wait3A_1022 = tpu.memref_slice %arg2[%dma_wait3A_1020, %dma_wait3A_1021] : memref<26000x16xf32, #tpu.memory_space<hbm>> -> memref<26000x16xf32, #tpu.memory_space<hbm>>
    tpu.wait_indirect_dma semaphore(%arg8 : memref<!tpu.dma_semaphore, #tpu.memory_space<semaphore_mem>>) src(%dma_wait3A_1022 : memref<26000x16xf32, #tpu.memory_space<hbm>>) dst(%dma_wait3A_1016 : memref<128x16xf32, #tpu.memory_space<vmem>>)
    %add3A_1023 = arith.constant 5120 : i32
    %add3A_1024 = arith.addi %mul3A_2, %add3A_1023 : i32
    %dma_start3A_1025 = arith.constant 0 : i32
    %dma_start3A_1026 = tpu.memref_slice %arg4[%add3A_1024, %dma_start3A_1025] : memref<212992x16xf32, #tpu.memory_space<hbm>> -> memref<512x16xf32, #tpu.memory_space<hbm>>
    %dma_start3A_1027 = arith.constant 0 : i32
    %dma_start3A_1028 = tpu.memref_slice %arg4[%add3A_1024, %dma_start3A_1027] : memref<212992x16xf32, #tpu.memory_space<hbm>> -> memref<512x16xf32, #tpu.memory_space<hbm>>
    tpu.enqueue_dma source(%arg6 : memref<512x16xf32, #tpu.memory_space<vmem>>) target(%dma_start3A_1028 : memref<512x16xf32, #tpu.memory_space<hbm>>) target_semaphore(%arg10 : memref<!tpu.dma_semaphore, #tpu.memory_space<semaphore_mem>>)
    %dma_wait3A_1029 = arith.constant 0 : i32
    %dma_wait3A_1030 = tpu.memref_slice %arg4[%add3A_1024, %dma_wait3A_1029] : memref<212992x16xf32, #tpu.memory_space<hbm>> -> memref<512x16xf32, #tpu.memory_space<hbm>>
    %dma_wait3A_1031 = arith.constant 0 : i32
    %dma_wait3A_1032 = tpu.memref_slice %arg4[%add3A_1024, %dma_wait3A_1031] : memref<212992x16xf32, #tpu.memory_space<hbm>> -> memref<512x16xf32, #tpu.memory_space<hbm>>
    tpu.wait_dma2 semaphore(%arg10 : memref<!tpu.dma_semaphore, #tpu.memory_space<semaphore_mem>>) src(%arg6 : memref<512x16xf32, #tpu.memory_space<vmem>>) dst(%dma_wait3A_1032 : memref<512x16xf32, #tpu.memory_space<hbm>>)
    %dma_start3A_1033 = arith.constant 48 : i32
    %dma_start3A_1034 = arith.constant 0 : i32
    %dma_start3A_1035 = arith.constant 0 : i32
    %dma_start3A_1036 = tpu.memref_slice %arg6[%dma_start3A_1034, %dma_start3A_1035] : memref<512x16xf32, #tpu.memory_space<vmem>> -> memref<128x16xf32, #tpu.memory_space<vmem>>
    %dma_start3A_1037 = arith.constant 0 : i32
    %dma_start3A_1038 = tpu.memref_slice %arg5[%dma_start3A_1033, %dma_start3A_1037] : memref<52x128xi32, #tpu.memory_space<vmem>> -> memref<1x128xi32, #tpu.memory_space<vmem>>
    %dma_start3A_1039 = tpu.memref_squeeze %dma_start3A_1038 : memref<1x128xi32, #tpu.memory_space<vmem>> -> memref<128xi32, #tpu.memory_space<vmem>>
    %dma_start3A_1040 = arith.constant 0 : i32
    %dma_start3A_1041 = arith.constant 0 : i32
    %dma_start3A_1042 = tpu.memref_slice %arg2[%dma_start3A_1040, %dma_start3A_1041] : memref<26000x16xf32, #tpu.memory_space<hbm>> -> memref<26000x16xf32, #tpu.memory_space<hbm>>
    tpu.enqueue_indirect_dma source(%dma_start3A_1042 : memref<26000x16xf32, #tpu.memory_space<hbm>>) target(%dma_start3A_1036 : memref<128x16xf32, #tpu.memory_space<vmem>>) offsets(%dma_start3A_1039 : memref<128xi32, #tpu.memory_space<vmem>>) semaphore(%arg8 : memref<!tpu.dma_semaphore, #tpu.memory_space<semaphore_mem>>)
    %dma_start3A_1043 = arith.constant 49 : i32
    %dma_start3A_1044 = arith.constant 128 : i32
    %dma_start3A_1045 = arith.constant 0 : i32
    %dma_start3A_1046 = tpu.memref_slice %arg6[%dma_start3A_1044, %dma_start3A_1045] : memref<512x16xf32, #tpu.memory_space<vmem>> -> memref<128x16xf32, #tpu.memory_space<vmem>>
    %dma_start3A_1047 = arith.constant 0 : i32
    %dma_start3A_1048 = tpu.memref_slice %arg5[%dma_start3A_1043, %dma_start3A_1047] : memref<52x128xi32, #tpu.memory_space<vmem>> -> memref<1x128xi32, #tpu.memory_space<vmem>>
    %dma_start3A_1049 = tpu.memref_squeeze %dma_start3A_1048 : memref<1x128xi32, #tpu.memory_space<vmem>> -> memref<128xi32, #tpu.memory_space<vmem>>
    %dma_start3A_1050 = arith.constant 0 : i32
    %dma_start3A_1051 = arith.constant 0 : i32
    %dma_start3A_1052 = tpu.memref_slice %arg2[%dma_start3A_1050, %dma_start3A_1051] : memref<26000x16xf32, #tpu.memory_space<hbm>> -> memref<26000x16xf32, #tpu.memory_space<hbm>>
    tpu.enqueue_indirect_dma source(%dma_start3A_1052 : memref<26000x16xf32, #tpu.memory_space<hbm>>) target(%dma_start3A_1046 : memref<128x16xf32, #tpu.memory_space<vmem>>) offsets(%dma_start3A_1049 : memref<128xi32, #tpu.memory_space<vmem>>) semaphore(%arg8 : memref<!tpu.dma_semaphore, #tpu.memory_space<semaphore_mem>>)
    %dma_start3A_1053 = arith.constant 50 : i32
    %dma_start3A_1054 = arith.constant 256 : i32
    %dma_start3A_1055 = arith.constant 0 : i32
    %dma_start3A_1056 = tpu.memref_slice %arg6[%dma_start3A_1054, %dma_start3A_1055] : memref<512x16xf32, #tpu.memory_space<vmem>> -> memref<128x16xf32, #tpu.memory_space<vmem>>
    %dma_start3A_1057 = arith.constant 0 : i32
    %dma_start3A_1058 = tpu.memref_slice %arg5[%dma_start3A_1053, %dma_start3A_1057] : memref<52x128xi32, #tpu.memory_space<vmem>> -> memref<1x128xi32, #tpu.memory_space<vmem>>
    %dma_start3A_1059 = tpu.memref_squeeze %dma_start3A_1058 : memref<1x128xi32, #tpu.memory_space<vmem>> -> memref<128xi32, #tpu.memory_space<vmem>>
    %dma_start3A_1060 = arith.constant 0 : i32
    %dma_start3A_1061 = arith.constant 0 : i32
    %dma_start3A_1062 = tpu.memref_slice %arg2[%dma_start3A_1060, %dma_start3A_1061] : memref<26000x16xf32, #tpu.memory_space<hbm>> -> memref<26000x16xf32, #tpu.memory_space<hbm>>
    tpu.enqueue_indirect_dma source(%dma_start3A_1062 : memref<26000x16xf32, #tpu.memory_space<hbm>>) target(%dma_start3A_1056 : memref<128x16xf32, #tpu.memory_space<vmem>>) offsets(%dma_start3A_1059 : memref<128xi32, #tpu.memory_space<vmem>>) semaphore(%arg8 : memref<!tpu.dma_semaphore, #tpu.memory_space<semaphore_mem>>)
    %dma_start3A_1063 = arith.constant 51 : i32
    %dma_start3A_1064 = arith.constant 384 : i32
    %dma_start3A_1065 = arith.constant 0 : i32
    %dma_start3A_1066 = tpu.memref_slice %arg6[%dma_start3A_1064, %dma_start3A_1065] : memref<512x16xf32, #tpu.memory_space<vmem>> -> memref<128x16xf32, #tpu.memory_space<vmem>>
    %dma_start3A_1067 = arith.constant 0 : i32
    %dma_start3A_1068 = tpu.memref_slice %arg5[%dma_start3A_1063, %dma_start3A_1067] : memref<52x128xi32, #tpu.memory_space<vmem>> -> memref<1x128xi32, #tpu.memory_space<vmem>>
    %dma_start3A_1069 = tpu.memref_squeeze %dma_start3A_1068 : memref<1x128xi32, #tpu.memory_space<vmem>> -> memref<128xi32, #tpu.memory_space<vmem>>
    %dma_start3A_1070 = arith.constant 0 : i32
    %dma_start3A_1071 = arith.constant 0 : i32
    %dma_start3A_1072 = tpu.memref_slice %arg2[%dma_start3A_1070, %dma_start3A_1071] : memref<26000x16xf32, #tpu.memory_space<hbm>> -> memref<26000x16xf32, #tpu.memory_space<hbm>>
    tpu.enqueue_indirect_dma source(%dma_start3A_1072 : memref<26000x16xf32, #tpu.memory_space<hbm>>) target(%dma_start3A_1066 : memref<128x16xf32, #tpu.memory_space<vmem>>) offsets(%dma_start3A_1069 : memref<128xi32, #tpu.memory_space<vmem>>) semaphore(%arg8 : memref<!tpu.dma_semaphore, #tpu.memory_space<semaphore_mem>>)
    %dma_wait3A_1073 = arith.constant 44 : i32
    %dma_wait3A_1074 = arith.constant 0 : i32
    %dma_wait3A_1075 = arith.constant 0 : i32
    %dma_wait3A_1076 = tpu.memref_slice %arg7[%dma_wait3A_1074, %dma_wait3A_1075] : memref<512x16xf32, #tpu.memory_space<vmem>> -> memref<128x16xf32, #tpu.memory_space<vmem>>
    %dma_wait3A_1077 = arith.constant 0 : i32
    %dma_wait3A_1078 = tpu.memref_slice %arg5[%dma_wait3A_1073, %dma_wait3A_1077] : memref<52x128xi32, #tpu.memory_space<vmem>> -> memref<1x128xi32, #tpu.memory_space<vmem>>
    %dma_wait3A_1079 = tpu.memref_squeeze %dma_wait3A_1078 : memref<1x128xi32, #tpu.memory_space<vmem>> -> memref<128xi32, #tpu.memory_space<vmem>>
    %dma_wait3A_1080 = arith.constant 0 : i32
    %dma_wait3A_1081 = arith.constant 0 : i32
    %dma_wait3A_1082 = tpu.memref_slice %arg2[%dma_wait3A_1080, %dma_wait3A_1081] : memref<26000x16xf32, #tpu.memory_space<hbm>> -> memref<26000x16xf32, #tpu.memory_space<hbm>>
    tpu.wait_indirect_dma semaphore(%arg9 : memref<!tpu.dma_semaphore, #tpu.memory_space<semaphore_mem>>) src(%dma_wait3A_1082 : memref<26000x16xf32, #tpu.memory_space<hbm>>) dst(%dma_wait3A_1076 : memref<128x16xf32, #tpu.memory_space<vmem>>)
    %dma_wait3A_1083 = arith.constant 45 : i32
    %dma_wait3A_1084 = arith.constant 128 : i32
    %dma_wait3A_1085 = arith.constant 0 : i32
    %dma_wait3A_1086 = tpu.memref_slice %arg7[%dma_wait3A_1084, %dma_wait3A_1085] : memref<512x16xf32, #tpu.memory_space<vmem>> -> memref<128x16xf32, #tpu.memory_space<vmem>>
    %dma_wait3A_1087 = arith.constant 0 : i32
    %dma_wait3A_1088 = tpu.memref_slice %arg5[%dma_wait3A_1083, %dma_wait3A_1087] : memref<52x128xi32, #tpu.memory_space<vmem>> -> memref<1x128xi32, #tpu.memory_space<vmem>>
    %dma_wait3A_1089 = tpu.memref_squeeze %dma_wait3A_1088 : memref<1x128xi32, #tpu.memory_space<vmem>> -> memref<128xi32, #tpu.memory_space<vmem>>
    %dma_wait3A_1090 = arith.constant 0 : i32
    %dma_wait3A_1091 = arith.constant 0 : i32
    %dma_wait3A_1092 = tpu.memref_slice %arg2[%dma_wait3A_1090, %dma_wait3A_1091] : memref<26000x16xf32, #tpu.memory_space<hbm>> -> memref<26000x16xf32, #tpu.memory_space<hbm>>
    tpu.wait_indirect_dma semaphore(%arg9 : memref<!tpu.dma_semaphore, #tpu.memory_space<semaphore_mem>>) src(%dma_wait3A_1092 : memref<26000x16xf32, #tpu.memory_space<hbm>>) dst(%dma_wait3A_1086 : memref<128x16xf32, #tpu.memory_space<vmem>>)
    %dma_wait3A_1093 = arith.constant 46 : i32
    %dma_wait3A_1094 = arith.constant 256 : i32
    %dma_wait3A_1095 = arith.constant 0 : i32
    %dma_wait3A_1096 = tpu.memref_slice %arg7[%dma_wait3A_1094, %dma_wait3A_1095] : memref<512x16xf32, #tpu.memory_space<vmem>> -> memref<128x16xf32, #tpu.memory_space<vmem>>
    %dma_wait3A_1097 = arith.constant 0 : i32
    %dma_wait3A_1098 = tpu.memref_slice %arg5[%dma_wait3A_1093, %dma_wait3A_1097] : memref<52x128xi32, #tpu.memory_space<vmem>> -> memref<1x128xi32, #tpu.memory_space<vmem>>
    %dma_wait3A_1099 = tpu.memref_squeeze %dma_wait3A_1098 : memref<1x128xi32, #tpu.memory_space<vmem>> -> memref<128xi32, #tpu.memory_space<vmem>>
    %dma_wait3A_1100 = arith.constant 0 : i32
    %dma_wait3A_1101 = arith.constant 0 : i32
    %dma_wait3A_1102 = tpu.memref_slice %arg2[%dma_wait3A_1100, %dma_wait3A_1101] : memref<26000x16xf32, #tpu.memory_space<hbm>> -> memref<26000x16xf32, #tpu.memory_space<hbm>>
    tpu.wait_indirect_dma semaphore(%arg9 : memref<!tpu.dma_semaphore, #tpu.memory_space<semaphore_mem>>) src(%dma_wait3A_1102 : memref<26000x16xf32, #tpu.memory_space<hbm>>) dst(%dma_wait3A_1096 : memref<128x16xf32, #tpu.memory_space<vmem>>)
    %dma_wait3A_1103 = arith.constant 47 : i32
    %dma_wait3A_1104 = arith.constant 384 : i32
    %dma_wait3A_1105 = arith.constant 0 : i32
    %dma_wait3A_1106 = tpu.memref_slice %arg7[%dma_wait3A_1104, %dma_wait3A_1105] : memref<512x16xf32, #tpu.memory_space<vmem>> -> memref<128x16xf32, #tpu.memory_space<vmem>>
    %dma_wait3A_1107 = arith.constant 0 : i32
    %dma_wait3A_1108 = tpu.memref_slice %arg5[%dma_wait3A_1103, %dma_wait3A_1107] : memref<52x128xi32, #tpu.memory_space<vmem>> -> memref<1x128xi32, #tpu.memory_space<vmem>>
    %dma_wait3A_1109 = tpu.memref_squeeze %dma_wait3A_1108 : memref<1x128xi32, #tpu.memory_space<vmem>> -> memref<128xi32, #tpu.memory_space<vmem>>
    %dma_wait3A_1110 = arith.constant 0 : i32
    %dma_wait3A_1111 = arith.constant 0 : i32
    %dma_wait3A_1112 = tpu.memref_slice %arg2[%dma_wait3A_1110, %dma_wait3A_1111] : memref<26000x16xf32, #tpu.memory_space<hbm>> -> memref<26000x16xf32, #tpu.memory_space<hbm>>
    tpu.wait_indirect_dma semaphore(%arg9 : memref<!tpu.dma_semaphore, #tpu.memory_space<semaphore_mem>>) src(%dma_wait3A_1112 : memref<26000x16xf32, #tpu.memory_space<hbm>>) dst(%dma_wait3A_1106 : memref<128x16xf32, #tpu.memory_space<vmem>>)
    %add3A_1113 = arith.constant 5632 : i32
    %add3A_1114 = arith.addi %mul3A_2, %add3A_1113 : i32
    %dma_start3A_1115 = arith.constant 0 : i32
    %dma_start3A_1116 = tpu.memref_slice %arg4[%add3A_1114, %dma_start3A_1115] : memref<212992x16xf32, #tpu.memory_space<hbm>> -> memref<512x16xf32, #tpu.memory_space<hbm>>
    %dma_start3A_1117 = arith.constant 0 : i32
    %dma_start3A_1118 = tpu.memref_slice %arg4[%add3A_1114, %dma_start3A_1117] : memref<212992x16xf32, #tpu.memory_space<hbm>> -> memref<512x16xf32, #tpu.memory_space<hbm>>
    tpu.enqueue_dma source(%arg7 : memref<512x16xf32, #tpu.memory_space<vmem>>) target(%dma_start3A_1118 : memref<512x16xf32, #tpu.memory_space<hbm>>) target_semaphore(%arg11 : memref<!tpu.dma_semaphore, #tpu.memory_space<semaphore_mem>>)
    %dma_wait3A_1119 = arith.constant 48 : i32
    %dma_wait3A_1120 = arith.constant 0 : i32
    %dma_wait3A_1121 = arith.constant 0 : i32
    %dma_wait3A_1122 = tpu.memref_slice %arg6[%dma_wait3A_1120, %dma_wait3A_1121] : memref<512x16xf32, #tpu.memory_space<vmem>> -> memref<128x16xf32, #tpu.memory_space<vmem>>
    %dma_wait3A_1123 = arith.constant 0 : i32
    %dma_wait3A_1124 = tpu.memref_slice %arg5[%dma_wait3A_1119, %dma_wait3A_1123] : memref<52x128xi32, #tpu.memory_space<vmem>> -> memref<1x128xi32, #tpu.memory_space<vmem>>
    %dma_wait3A_1125 = tpu.memref_squeeze %dma_wait3A_1124 : memref<1x128xi32, #tpu.memory_space<vmem>> -> memref<128xi32, #tpu.memory_space<vmem>>
    %dma_wait3A_1126 = arith.constant 0 : i32
    %dma_wait3A_1127 = arith.constant 0 : i32
    %dma_wait3A_1128 = tpu.memref_slice %arg2[%dma_wait3A_1126, %dma_wait3A_1127] : memref<26000x16xf32, #tpu.memory_space<hbm>> -> memref<26000x16xf32, #tpu.memory_space<hbm>>
    tpu.wait_indirect_dma semaphore(%arg8 : memref<!tpu.dma_semaphore, #tpu.memory_space<semaphore_mem>>) src(%dma_wait3A_1128 : memref<26000x16xf32, #tpu.memory_space<hbm>>) dst(%dma_wait3A_1122 : memref<128x16xf32, #tpu.memory_space<vmem>>)
    %dma_wait3A_1129 = arith.constant 49 : i32
    %dma_wait3A_1130 = arith.constant 128 : i32
    %dma_wait3A_1131 = arith.constant 0 : i32
    %dma_wait3A_1132 = tpu.memref_slice %arg6[%dma_wait3A_1130, %dma_wait3A_1131] : memref<512x16xf32, #tpu.memory_space<vmem>> -> memref<128x16xf32, #tpu.memory_space<vmem>>
    %dma_wait3A_1133 = arith.constant 0 : i32
    %dma_wait3A_1134 = tpu.memref_slice %arg5[%dma_wait3A_1129, %dma_wait3A_1133] : memref<52x128xi32, #tpu.memory_space<vmem>> -> memref<1x128xi32, #tpu.memory_space<vmem>>
    %dma_wait3A_1135 = tpu.memref_squeeze %dma_wait3A_1134 : memref<1x128xi32, #tpu.memory_space<vmem>> -> memref<128xi32, #tpu.memory_space<vmem>>
    %dma_wait3A_1136 = arith.constant 0 : i32
    %dma_wait3A_1137 = arith.constant 0 : i32
    %dma_wait3A_1138 = tpu.memref_slice %arg2[%dma_wait3A_1136, %dma_wait3A_1137] : memref<26000x16xf32, #tpu.memory_space<hbm>> -> memref<26000x16xf32, #tpu.memory_space<hbm>>
    tpu.wait_indirect_dma semaphore(%arg8 : memref<!tpu.dma_semaphore, #tpu.memory_space<semaphore_mem>>) src(%dma_wait3A_1138 : memref<26000x16xf32, #tpu.memory_space<hbm>>) dst(%dma_wait3A_1132 : memref<128x16xf32, #tpu.memory_space<vmem>>)
    %dma_wait3A_1139 = arith.constant 50 : i32
    %dma_wait3A_1140 = arith.constant 256 : i32
    %dma_wait3A_1141 = arith.constant 0 : i32
    %dma_wait3A_1142 = tpu.memref_slice %arg6[%dma_wait3A_1140, %dma_wait3A_1141] : memref<512x16xf32, #tpu.memory_space<vmem>> -> memref<128x16xf32, #tpu.memory_space<vmem>>
    %dma_wait3A_1143 = arith.constant 0 : i32
    %dma_wait3A_1144 = tpu.memref_slice %arg5[%dma_wait3A_1139, %dma_wait3A_1143] : memref<52x128xi32, #tpu.memory_space<vmem>> -> memref<1x128xi32, #tpu.memory_space<vmem>>
    %dma_wait3A_1145 = tpu.memref_squeeze %dma_wait3A_1144 : memref<1x128xi32, #tpu.memory_space<vmem>> -> memref<128xi32, #tpu.memory_space<vmem>>
    %dma_wait3A_1146 = arith.constant 0 : i32
    %dma_wait3A_1147 = arith.constant 0 : i32
    %dma_wait3A_1148 = tpu.memref_slice %arg2[%dma_wait3A_1146, %dma_wait3A_1147] : memref<26000x16xf32, #tpu.memory_space<hbm>> -> memref<26000x16xf32, #tpu.memory_space<hbm>>
    tpu.wait_indirect_dma semaphore(%arg8 : memref<!tpu.dma_semaphore, #tpu.memory_space<semaphore_mem>>) src(%dma_wait3A_1148 : memref<26000x16xf32, #tpu.memory_space<hbm>>) dst(%dma_wait3A_1142 : memref<128x16xf32, #tpu.memory_space<vmem>>)
    %dma_wait3A_1149 = arith.constant 51 : i32
    %dma_wait3A_1150 = arith.constant 384 : i32
    %dma_wait3A_1151 = arith.constant 0 : i32
    %dma_wait3A_1152 = tpu.memref_slice %arg6[%dma_wait3A_1150, %dma_wait3A_1151] : memref<512x16xf32, #tpu.memory_space<vmem>> -> memref<128x16xf32, #tpu.memory_space<vmem>>
    %dma_wait3A_1153 = arith.constant 0 : i32
    %dma_wait3A_1154 = tpu.memref_slice %arg5[%dma_wait3A_1149, %dma_wait3A_1153] : memref<52x128xi32, #tpu.memory_space<vmem>> -> memref<1x128xi32, #tpu.memory_space<vmem>>
    %dma_wait3A_1155 = tpu.memref_squeeze %dma_wait3A_1154 : memref<1x128xi32, #tpu.memory_space<vmem>> -> memref<128xi32, #tpu.memory_space<vmem>>
    %dma_wait3A_1156 = arith.constant 0 : i32
    %dma_wait3A_1157 = arith.constant 0 : i32
    %dma_wait3A_1158 = tpu.memref_slice %arg2[%dma_wait3A_1156, %dma_wait3A_1157] : memref<26000x16xf32, #tpu.memory_space<hbm>> -> memref<26000x16xf32, #tpu.memory_space<hbm>>
    tpu.wait_indirect_dma semaphore(%arg8 : memref<!tpu.dma_semaphore, #tpu.memory_space<semaphore_mem>>) src(%dma_wait3A_1158 : memref<26000x16xf32, #tpu.memory_space<hbm>>) dst(%dma_wait3A_1152 : memref<128x16xf32, #tpu.memory_space<vmem>>)
    %add3A_1159 = arith.constant 6144 : i32
    %add3A_1160 = arith.addi %mul3A_2, %add3A_1159 : i32
    %dma_start3A_1161 = arith.constant 0 : i32
    %dma_start3A_1162 = tpu.memref_slice %arg4[%add3A_1160, %dma_start3A_1161] : memref<212992x16xf32, #tpu.memory_space<hbm>> -> memref<512x16xf32, #tpu.memory_space<hbm>>
    %dma_start3A_1163 = arith.constant 0 : i32
    %dma_start3A_1164 = tpu.memref_slice %arg4[%add3A_1160, %dma_start3A_1163] : memref<212992x16xf32, #tpu.memory_space<hbm>> -> memref<512x16xf32, #tpu.memory_space<hbm>>
    tpu.enqueue_dma source(%arg6 : memref<512x16xf32, #tpu.memory_space<vmem>>) target(%dma_start3A_1164 : memref<512x16xf32, #tpu.memory_space<hbm>>) target_semaphore(%arg10 : memref<!tpu.dma_semaphore, #tpu.memory_space<semaphore_mem>>)
    %dma_wait3A_1165 = arith.constant 0 : i32
    %dma_wait3A_1166 = tpu.memref_slice %arg4[%add3A_1114, %dma_wait3A_1165] : memref<212992x16xf32, #tpu.memory_space<hbm>> -> memref<512x16xf32, #tpu.memory_space<hbm>>
    %dma_wait3A_1167 = arith.constant 0 : i32
    %dma_wait3A_1168 = tpu.memref_slice %arg4[%add3A_1114, %dma_wait3A_1167] : memref<212992x16xf32, #tpu.memory_space<hbm>> -> memref<512x16xf32, #tpu.memory_space<hbm>>
    tpu.wait_dma2 semaphore(%arg11 : memref<!tpu.dma_semaphore, #tpu.memory_space<semaphore_mem>>) src(%arg7 : memref<512x16xf32, #tpu.memory_space<vmem>>) dst(%dma_wait3A_1168 : memref<512x16xf32, #tpu.memory_space<hbm>>)
    %dma_wait3A_1169 = arith.constant 0 : i32
    %dma_wait3A_1170 = tpu.memref_slice %arg4[%add3A_1160, %dma_wait3A_1169] : memref<212992x16xf32, #tpu.memory_space<hbm>> -> memref<512x16xf32, #tpu.memory_space<hbm>>
    %dma_wait3A_1171 = arith.constant 0 : i32
    %dma_wait3A_1172 = tpu.memref_slice %arg4[%add3A_1160, %dma_wait3A_1171] : memref<212992x16xf32, #tpu.memory_space<hbm>> -> memref<512x16xf32, #tpu.memory_space<hbm>>
    tpu.wait_dma2 semaphore(%arg10 : memref<!tpu.dma_semaphore, #tpu.memory_space<semaphore_mem>>) src(%arg6 : memref<512x16xf32, #tpu.memory_space<vmem>>) dst(%dma_wait3A_1172 : memref<512x16xf32, #tpu.memory_space<hbm>>)
    return
  }
}

module attributes {stable_mosaic.version = 14 : i64} {
  func.func @mlp_kernel(%arg0: i32, %arg1: memref<1024x13xf32, #tpu.memory_space<vmem>>, %arg2: memref<1024x13xf32, #tpu.memory_space<vmem>>, %arg3: memref<1024x416xf32, #tpu.memory_space<vmem>>, %arg4: memref<442x128xf32, #tpu.memory_space<vmem>>, %arg5: memref<1x128xf32, #tpu.memory_space<vmem>>, %arg6: memref<128x64xf32, #tpu.memory_space<vmem>>, %arg7: memref<1x64xf32, #tpu.memory_space<vmem>>, %arg8: memref<64x1xf32, #tpu.memory_space<vmem>>, %arg9: memref<1x1xf32, #tpu.memory_space<vmem>>, %arg10: memref<1024x1xf32, #tpu.memory_space<vmem>>) attributes {dimension_semantics = [#tpu.dimension_semantics<arbitrary>], iteration_bounds = array<i64: 8>, scalar_prefetch = 0 : i64, scratch_operands = 0 : i64, tpu.core_type = #tpu.core_type<tc>, window_params = [{transform_indices = @transform_0, window_bounds = array<i64: 1024, 13>}, {transform_indices = @transform_1, window_bounds = array<i64: 1024, 13>}, {transform_indices = @transform_2, window_bounds = array<i64: 1024, 416>}, {pipeline_mode = #tpu.pipeline_mode<synchronous>, transform_indices = @transform_3, window_bounds = array<i64: 442, 128>}, {pipeline_mode = #tpu.pipeline_mode<synchronous>, transform_indices = @transform_4, window_bounds = array<i64: 1, 128>}, {pipeline_mode = #tpu.pipeline_mode<synchronous>, transform_indices = @transform_5, window_bounds = array<i64: 128, 64>}, {pipeline_mode = #tpu.pipeline_mode<synchronous>, transform_indices = @transform_6, window_bounds = array<i64: 1, 64>}, {pipeline_mode = #tpu.pipeline_mode<synchronous>, transform_indices = @transform_7, window_bounds = array<i64: 64, 1>}, {pipeline_mode = #tpu.pipeline_mode<synchronous>, transform_indices = @transform_8, window_bounds = array<i64: 1, 1>}, {transform_indices = @transform_9, window_bounds = array<i64: 1024, 1>}]} {
    %get3A = arith.constant 0 : index
    %get3A_0 = arith.constant 0 : index
    %get3A_1 = vector.load %arg4[%get3A, %get3A_0] : memref<442x128xf32, #tpu.memory_space<vmem>>, vector<442x128xf32>
    %get3A_2 = arith.constant 0 : index
    %get3A_3 = arith.constant 0 : index
    %get3A_4 = vector.load %arg1[%get3A_2, %get3A_3] : memref<1024x13xf32, #tpu.memory_space<vmem>>, vector<1024x13xf32>
    %slice3A = vector.extract_strided_slice %get3A_1 {offsets = [0, 0], sizes = [13, 128], strides = [1, 1]} : vector<442x128xf32> to vector<13x128xf32>
    %dot_general3A = arith.constant dense<0.000000e+00> : vector<1024x128xf32>
    %dot_general3A_5 = tpu.matmul %get3A_4, %slice3A, %dot_general3A {dimension_numbers = #tpu.dot_dimension_numbers<[1], [0], [0], [1], [0, 0, 1, 1], [], []>, transpose_lhs_hint = false} : vector<1024x13xf32>, vector<13x128xf32>, vector<1024x128xf32> -> vector<1024x128xf32>
    %get3A_6 = arith.constant 0 : index
    %get3A_7 = arith.constant 0 : index
    %get3A_8 = vector.load %arg2[%get3A_6, %get3A_7] : memref<1024x13xf32, #tpu.memory_space<vmem>>, vector<1024x13xf32>
    %slice3A_9 = vector.extract_strided_slice %get3A_1 {offsets = [13, 0], sizes = [13, 128], strides = [1, 1]} : vector<442x128xf32> to vector<13x128xf32>
    %dot_general3A_10 = arith.constant dense<0.000000e+00> : vector<1024x128xf32>
    %dot_general3A_11 = tpu.matmul %get3A_8, %slice3A_9, %dot_general3A_10 {dimension_numbers = #tpu.dot_dimension_numbers<[1], [0], [0], [1], [0, 0, 1, 1], [], []>, transpose_lhs_hint = false} : vector<1024x13xf32>, vector<13x128xf32>, vector<1024x128xf32> -> vector<1024x128xf32>
    %add3A = arith.addf %dot_general3A_5, %dot_general3A_11 : vector<1024x128xf32>
    %get3A_12 = arith.constant 0 : index
    %get3A_13 = arith.constant 0 : index
    %get3A_14 = vector.load %arg3[%get3A_12, %get3A_13] : memref<1024x416xf32, #tpu.memory_space<vmem>>, vector<1024x416xf32>
    %slice3A_15 = vector.extract_strided_slice %get3A_1 {offsets = [26, 0], sizes = [416, 128], strides = [1, 1]} : vector<442x128xf32> to vector<416x128xf32>
    %dot_general3A_16 = arith.constant dense<0.000000e+00> : vector<1024x128xf32>
    %dot_general3A_17 = tpu.matmul %get3A_14, %slice3A_15, %dot_general3A_16 {dimension_numbers = #tpu.dot_dimension_numbers<[1], [0], [0], [1], [0, 0, 1, 1], [], []>, transpose_lhs_hint = false} : vector<1024x416xf32>, vector<416x128xf32>, vector<1024x128xf32> -> vector<1024x128xf32>
    %add3A_18 = arith.addf %add3A, %dot_general3A_17 : vector<1024x128xf32>
    %get3A_19 = arith.constant 0 : index
    %get3A_20 = arith.constant 0 : index
    %get3A_21 = vector.load %arg5[%get3A_19, %get3A_20] : memref<1x128xf32, #tpu.memory_space<vmem>>, vector<1x128xf32>
    %add3A_22 = vector.broadcast %get3A_21 : vector<1x128xf32> to vector<1024x128xf32>
    %add3A_23 = arith.addf %add3A_18, %add3A_22 : vector<1024x128xf32>
    %max3A = arith.constant 0.000000e+00 : f32
    %max3A_24 = vector.broadcast %max3A : f32 to vector<1024x128xf32>
    %max3A_25 = arith.maximumf %add3A_23, %max3A_24 : vector<1024x128xf32>
    %get3A_26 = arith.constant 0 : index
    %get3A_27 = arith.constant 0 : index
    %get3A_28 = vector.load %arg6[%get3A_26, %get3A_27] : memref<128x64xf32, #tpu.memory_space<vmem>>, vector<128x64xf32>
    %dot_general3A_29 = arith.constant dense<0.000000e+00> : vector<1024x64xf32>
    %dot_general3A_30 = tpu.matmul %max3A_25, %get3A_28, %dot_general3A_29 {dimension_numbers = #tpu.dot_dimension_numbers<[1], [0], [0], [1], [0, 0, 1, 1], [], []>, transpose_lhs_hint = false} : vector<1024x128xf32>, vector<128x64xf32>, vector<1024x64xf32> -> vector<1024x64xf32>
    %get3A_31 = arith.constant 0 : index
    %get3A_32 = arith.constant 0 : index
    %get3A_33 = vector.load %arg7[%get3A_31, %get3A_32] : memref<1x64xf32, #tpu.memory_space<vmem>>, vector<1x64xf32>
    %add3A_34 = vector.broadcast %get3A_33 : vector<1x64xf32> to vector<1024x64xf32>
    %add3A_35 = arith.addf %dot_general3A_30, %add3A_34 : vector<1024x64xf32>
    %max3A_36 = arith.constant 0.000000e+00 : f32
    %max3A_37 = vector.broadcast %max3A_36 : f32 to vector<1024x64xf32>
    %max3A_38 = arith.maximumf %add3A_35, %max3A_37 : vector<1024x64xf32>
    %get3A_39 = arith.constant 0 : index
    %get3A_40 = arith.constant 0 : index
    %get3A_41 = vector.load %arg8[%get3A_39, %get3A_40] : memref<64x1xf32, #tpu.memory_space<vmem>>, vector<64x1xf32>
    %dot_general3A_42 = arith.constant dense<0.000000e+00> : vector<1024x1xf32>
    %dot_general3A_43 = tpu.matmul %max3A_38, %get3A_41, %dot_general3A_42 {dimension_numbers = #tpu.dot_dimension_numbers<[1], [0], [0], [1], [0, 0, 1, 1], [], []>, transpose_lhs_hint = false} : vector<1024x64xf32>, vector<64x1xf32>, vector<1024x1xf32> -> vector<1024x1xf32>
    %get3A_44 = arith.constant 0 : index
    %get3A_45 = arith.constant 0 : index
    %get3A_46 = vector.load %arg9[%get3A_44, %get3A_45] : memref<1x1xf32, #tpu.memory_space<vmem>>, vector<1x1xf32>
    %add3A_47 = vector.broadcast %get3A_46 : vector<1x1xf32> to vector<1024x1xf32>
    %add3A_48 = arith.addf %dot_general3A_43, %add3A_47 : vector<1024x1xf32>
    %neg3A = arith.constant 0.000000e+00 : f32
    %neg3A_49 = vector.broadcast %neg3A : f32 to vector<1024x1xf32>
    %neg3A_50 = arith.subf %neg3A_49, %add3A_48 : vector<1024x1xf32>
    %exp3A = math.exp %neg3A_50 : vector<1024x1xf32>
    %add3A_51 = arith.constant 1.000000e+00 : f32
    %add3A_52 = vector.broadcast %add3A_51 : f32 to vector<1024x1xf32>
    %add3A_53 = arith.addf %add3A_52, %exp3A : vector<1024x1xf32>
    %div3A = arith.constant 1.000000e+00 : f32
    %div3A_54 = vector.broadcast %div3A : f32 to vector<1024x1xf32>
    %div3A_55 = arith.divf %div3A_54, %add3A_53 : vector<1024x1xf32>
    %swap3A = arith.constant 0 : index
    %swap3A_56 = arith.constant 0 : index
    %swap3A_57 = vector.load %arg10[%swap3A, %swap3A_56] : memref<1024x1xf32, #tpu.memory_space<vmem>>, vector<1024x1xf32>
    tpu.vector_store %arg10[%swap3A, %swap3A_56], %div3A_55 {strides = array<i32>} : memref<1024x1xf32, #tpu.memory_space<vmem>>, vector<1024x1xf32>,
    return
  }
  func.func @transform_0(%arg0: i32) -> (i32, i32) {
    %c0_i32 = arith.constant 0 : i32
    %c0_i32_0 = arith.constant 0 : i32
    return %arg0, %c0_i32 : i32, i32
  }
  func.func @transform_1(%arg0: i32) -> (i32, i32) {
    %c0_i32 = arith.constant 0 : i32
    %c0_i32_0 = arith.constant 0 : i32
    return %arg0, %c0_i32 : i32, i32
  }
  func.func @transform_2(%arg0: i32) -> (i32, i32) {
    %c0_i32 = arith.constant 0 : i32
    %c0_i32_0 = arith.constant 0 : i32
    return %arg0, %c0_i32 : i32, i32
  }
  func.func @transform_3(%arg0: i32) -> (i32, i32) {
    %c0_i32 = arith.constant 0 : i32
    %c0_i32_0 = arith.constant 0 : i32
    %c0_i32_1 = arith.constant 0 : i32
    return %c0_i32, %c0_i32_0 : i32, i32
  }
  func.func @transform_4(%arg0: i32) -> (i32, i32) {
    %c0_i32 = arith.constant 0 : i32
    %c0_i32_0 = arith.constant 0 : i32
    %c0_i32_1 = arith.constant 0 : i32
    return %c0_i32, %c0_i32_0 : i32, i32
  }
  func.func @transform_5(%arg0: i32) -> (i32, i32) {
    %c0_i32 = arith.constant 0 : i32
    %c0_i32_0 = arith.constant 0 : i32
    %c0_i32_1 = arith.constant 0 : i32
    return %c0_i32, %c0_i32_0 : i32, i32
  }
  func.func @transform_6(%arg0: i32) -> (i32, i32) {
    %c0_i32 = arith.constant 0 : i32
    %c0_i32_0 = arith.constant 0 : i32
    %c0_i32_1 = arith.constant 0 : i32
    return %c0_i32, %c0_i32_0 : i32, i32
  }
  func.func @transform_7(%arg0: i32) -> (i32, i32) {
    %c0_i32 = arith.constant 0 : i32
    %c0_i32_0 = arith.constant 0 : i32
    %c0_i32_1 = arith.constant 0 : i32
    return %c0_i32, %c0_i32_0 : i32, i32
  }
  func.func @transform_8(%arg0: i32) -> (i32, i32) {
    %c0_i32 = arith.constant 0 : i32
    %c0_i32_0 = arith.constant 0 : i32
    %c0_i32_1 = arith.constant 0 : i32
    return %c0_i32, %c0_i32_0 : i32, i32
  }
  func.func @transform_9(%arg0: i32) -> (i32, i32) {
    %c0_i32 = arith.constant 0 : i32
    %c0_i32_0 = arith.constant 0 : i32
    return %arg0, %c0_i32 : i32, i32
  }
}

</mosaic_0001>

<sc_bundles>
// kernel: kernel.6.cloned.1.call-start
scs
__scs_entry_jumppad:
0x0: {  	(pc) =	sbr.rel $0x88, $3  }
0x1: {  	(tag) =	ssettag $0x0;
	lr =	simm.s32 $0x1  }
0x2: {  	[smem:$0x3F97] =	sst lr;
	_ =	strace $0xD0000000  }
0x3: {  	_ = 	snop  }
0x4: {  	_ = 	snop  }
0x5: {  	_ = 	snop  }
0x6: {  	_ = 	snop  }
0x7: {  	_ = 	snop  }
__scs_overlays_trampoline_lowered:
0x8: {  	[smem:$0x3FA6] =	sst s0  }
0x9: {  	[smem:$0x3FA7] =	sst s1  }
0xa: {  	[smem:$0x3FA8] =	sst s2  }
0xb: {  	[smem:$0x3FA9] =	sst s3  }
0xc: {  	[smem:$0x3FAA] =	sst s4  }
0xd: {  	[smem:$0x3FAB] =	sst s5  }
0xe: {  	[smem:$0x3FAC] =	sst s6  }
0xf: {  	[smem:$0x3FAD] =	sst s7  }
0x10: {  	[smem:$0x3FAE] =	sst s8  }
0x11: {  	[smem:$0x3FAF] =	sst s9;
	s0 =	simm.s32 @!p0 $0x0  }
0x12: {  	s1 =	sld [smem:$0x3F95];
	s0 =	simm.s32 @p0 $0x1  }
0x13: {  	[smem:$0x3FB0] =	sst s0;
	s0 =	simm.s32 @!p1 $0x0  }
0x14: {  	s2 =	sld [smem:$0x3F94];
	s0 =	simm.s32 @p1 $0x1  }
0x15: {  	[smem:$0x3FB1] =	sst s0;
	s0 =	simm.s32 @!p2 $0x0  }
0x16: {  	s3 =	sld [smem:$0x3FDB];
	s0 =	simm.s32 @p2 $0x1  }
0x17: {  	s4 =	simm.s32 $0x1BF5;
	[smem:$0x3FB3] =	sst s0  }
0x18: {  	s0 =	sld [smem:$0x3F96];
	_ =	swait.ge [sflag:s4], $0x0  }
0x19: {  	s7 =	sld [smem:$0x3F97]  }
0x1a: {  	s8 =	sadd.s32 $0xFFFFE003, lr  }
0x1b: {  	s9 =	sadd.s32 $0xFFFFFEF7, lr;
	s5 =	simm.s32 $0xFFFFFFFF;
	p2 =	slt.u32 s8, $0xFFFFF086  }
0x1c: {  	p1 =	slt.u32 s9, $0xF7A;
	s5 =	simm.s32 @!p2 $0x0  }
0x1d: {  	s5 =	simm.s32 @p1 $0x1;
	p0 =	seq.s32 s7, s2  }
0x1e: {  	s7 =	smul.u32 @!p0 $0xF7A, s2;
	p2 =	seq.s32 @!p0 s5, $0x0  }
0x1f: {  	s9 =	smul.u32 $0xF7A, s1;
	s8 =	simm.s32 @!p0 $0x1BF5;
	p2 =	por !p2, p0  }
0x20: {  	[sflag:s8] =	ssyncset.s32 @!p0 $0xFFFFF086;
	s6 =	sadd.s32 @!p0 s3, s7;
	s7 =	simm.s32 @!p0 $0x108  }
0x21: {  	s3 =	sadd.s32 s3, s9;
	s6 =	sadd.s32 @!p0 $0x88, s6;
	s7 =	simm.s32 @p2 $0x1082  }
0x22: {  	[simem:s7], [sflag:s8] =	dma.local @!p0 [hbm:s6], $0xF7A  }
0x23: {  	s9 =	sor.u32 $0xD0000000, s2;
	s6 =	simm.s32 $0x108;
	_ =	swait.ge @!p0 [sflag:s8], $0x0  }
0x24: {  	s3 =	sadd.s32 $0x88, s3;
	s6 =	simm.s32 @!p1 $0x1082;
	[sflag:s4] =	ssyncset.s32 $0xFFFFF086  }
0x25: {  	[simem:s6], [sflag:s4] =	dma.local [hbm:s3], $0xF7A  }
0x26: {  	[smem:$0x3F97] =	sst s1;
	(tag) =	ssettag s2;
	_ =	strace s9  }
0x27: {  	s1 =	sld [smem:$0x3FA7]  }
0x28: {  	s2 =	sld [smem:$0x3FA8]  }
0x29: {  	s4 =	sld [smem:$0x3FAA]  }
0x2a: {  	p0 =	seq.s32 s5, $0x0;
	s5 =	sld [smem:$0x3FAB]  }
0x2b: {  	s6 =	sld [smem:$0x3FAC]  }
0x2c: {  	s7 =	sld [smem:$0x3FAD]  }
0x2d: {  	s3 =	simm.s32 $0x108;
	s8 =	sld [smem:$0x3FAE]  }
0x2e: {  	s3 =	simm.s32 @!p0 $0x1082;
	s9 =	sld [smem:$0x3FAF]  }
0x2f: {  	lr =	sadd.s32 s0, s3;
	s0 =	sld [smem:$0x3FA6]  }
0x30: {  	s3 =	sld [smem:$0x3FA9]  }
0x31: {  	[smem:$0x3FB2] =	sst s10  }
0x32: {  	s10 =	sld [smem:$0x3FB0];
	_ =	sdelay $0x3  }
0x33: {  	p0 =	seq.s32 s10, $0x1;
	s10 =	sld [smem:$0x3FB2];
	_ =	sdelay $0x3  }
0x34: {  	[smem:$0x3FB2] =	sst s10  }
0x35: {  	s10 =	sld [smem:$0x3FB1];
	_ =	sdelay $0x3  }
0x36: {  	p1 =	seq.s32 s10, $0x1;
	s10 =	sld [smem:$0x3FB2];
	_ =	sdelay $0x3  }
0x37: {  	[smem:$0x3FB2] =	sst s10  }
0x38: {  	s10 =	sld [smem:$0x3FB3]  }
0x39: {  	_ = 	snop;
	(pc) =	sbr.ind lr, $3  }
0x3a: {  	_ = 	snop  }
0x3b: {  	_ = 	snop  }
0x3c: {  	p2 =	seq.s32 s10, $0x1;
	s10 =	sld [smem:$0x3FB2]  }
0x3d: {  	_ =	shalt  }
0x3e: {  	_ =	shalt  }
0x3f: {  	_ =	shalt  }
0x40: {  	_ =	shalt  }
0x41: {  	_ =	shalt  }
0x42: {  	_ =	shalt  }
0x43: {  	_ =	shalt  }
0x44: {  	_ =	shalt  }
0x45: {  	_ =	shalt  }
0x46: {  	_ =	shalt  }
0x47: {  	_ =	shalt  }
0x48: {  	_ =	shalt  }
0x49: {  	_ =	shalt  }
0x4a: {  	_ =	shalt  }
0x4b: {  	_ =	shalt  }
0x4c: {  	_ =	shalt  }
0x4d: {  	_ =	shalt  }
0x4e: {  	_ =	shalt  }
0x4f: {  	_ =	shalt  }
0x50: {  	_ =	shalt  }
0x51: {  	_ =	shalt  }
0x52: {  	_ =	shalt  }
0x53: {  	_ =	shalt  }
0x54: {  	_ =	shalt  }
0x55: {  	_ =	shalt  }
0x56: {  	_ =	shalt  }
0x57: {  	_ =	shalt  }
0x58: {  	_ =	shalt  }
0x59: {  	_ =	shalt  }
0x5a: {  	_ =	shalt  }
0x5b: {  	_ =	shalt  }
0x5c: {  	_ =	shalt  }
0x5d: {  	_ =	shalt  }
0x5e: {  	_ =	shalt  }
0x5f: {  	_ =	shalt  }
0x60: {  	_ =	shalt  }
0x61: {  	_ =	shalt  }
0x62: {  	_ =	shalt  }
0x63: {  	_ =	shalt  }
0x64: {  	_ =	shalt  }
0x65: {  	_ =	shalt  }
0x66: {  	_ =	shalt  }
0x67: {  	_ =	shalt  }
0x68: {  	_ =	shalt  }
0x69: {  	_ =	shalt  }
0x6a: {  	_ =	shalt  }
0x6b: {  	_ =	shalt  }
0x6c: {  	_ =	shalt  }
0x6d: {  	_ =	shalt  }
0x6e: {  	_ =	shalt  }
0x6f: {  	_ =	shalt  }
0x70: {  	_ =	shalt  }
0x71: {  	_ =	shalt  }
0x72: {  	_ =	shalt  }
0x73: {  	_ =	shalt  }
0x74: {  	_ =	shalt  }
0x75: {  	_ =	shalt  }
0x76: {  	_ =	shalt  }
0x77: {  	_ =	shalt  }
0x78: {  	_ =	shalt  }
0x79: {  	_ =	shalt  }
0x7a: {  	_ =	shalt  }
0x7b: {  	_ =	shalt  }
0x7c: {  	_ =	shalt  }
0x7d: {  	_ =	shalt  }
0x7e: {  	_ =	shalt  }
0x7f: {  	_ =	shalt  }
0x80: {  	_ =	shalt  }
0x81: {  	_ =	shalt  }
0x82: {  	_ =	shalt  }
0x83: {  	_ =	shalt  }
0x84: {  	_ =	shalt  }
0x85: {  	_ =	shalt  }
0x86: {  	_ =	shalt  }
0x87: {  	_ =	shalt  }
.Lfunc_end0:
.L_simem_size_0:
called_computation_lowered:
.L_overlay_start_0:
0x88: {  	s2 =	sld [smem:$0x3FD9]  }
0x89: {  	s3 =	sld [smem:$0x3FFE];
	_ =	sdelay $0x1  }
0x8a: {  	s1 =	srdreg.scid  }
0x8b: {  	s0 =	sand.u32 $0x1, s1  }
0x8c: {  	s17 =	sshll.u32 s0, $0xA;
	s2 =	sadd.s32 s3, s2  }
0x8d: {  	s2 =	sadd.s32 s2, s17  }
0x8e: {  	[smem:$0x3FBE] =	sst s2  }
0x8f: {  	_ = 	snop  }
0x90: {  	(tm) =	ssettm $0x1  }
0x91: {  	s18 =	sld [smem:$0x3FFB];
	_ =	sdelay $0x3  }
0x92: {  	_ =	strace s18  }
0x93: {  	s2 =	sld [smem:$0x3FFC];
	_ =	sdelay $0x3  }
0x94: {  	_ =	strace s2  }
0x95: {  	s2 =	sld [smem:$0x3FFD];
	_ =	sdelay $0x3  }
0x96: {  	_ =	strace s2  }
0x97: {  	_ =	strace $0x8FFFFFFF  }
0x98: {  	s19 =	sld [smem:$0x3FDB];
	_ =	sdelay $0x1  }
0x99: {  	s20 =	simm.s32 $_scs_section_size  }
0x9a: {  	s4 =	simm.s32 $_size__tile_overlayer_lowered;
	s5 =	simm.s32 $_tile_overlayer_lowered  }
0x9b: {  	s6 =	simm.s32 $0x1BFF;
	s21 =	sshll.u32 s5, $0x1;
	s3 =	sadd.s32 s20, s19  }
0x9c: {  	s22 =	simm.s32 $0x0;
	s4 =	sshll.u32 s4, $0x1;
	s5 =	sadd.s32 s21, s3  }
0x9d: {  	[timem:s22], [sflag:s6] =	dma.local [hbm:s5], s4  }
0x9e: {  	_ =	swait.ge [sflag:s6], s4  }
0x9f: {  	s4 =	ssub.s32 $0x0, s4;
	[sflag:s6] =	ssyncset.done $0x0  }
0xa0: {  	[sflag:s6] =	ssyncadd.s32 s4;
	_ =	sdelay $0x1  }
0xa1: {  	s23 =	simm.s32 $0x1B8B  }
0xa2: {  	_ =	swait.ge [sflag:s23], $0x1  }
0xa3: {  	[sflag:s23] =	ssyncset.done $0x0  }
0xa4: {  	[sflag:s23] =	ssyncadd.s32 $0xFFFFFFFF  }
0xa5: {  	s4 =	sld [smem:$0x0]  }
0xa6: {  	s5 =	sand.u32 $0xFFFFFFFE, s1  }
0xa7: {  	p0 =	sne.s32 s1, s5  }
0xa8: {  	s5 =	sshll.u32 @p0 s5, $0xE  }
0xa9: {  	s5 =	sadd.s32 @p0 $0x11B8D, s5;
	s6 =	sshll.u32 @p0 s4, $0x11  }
0xaa: {  	s5 =	sor.u32 @p0 s6, s5  }
0xab: {  	[sflag:s5] =	ssyncadd.remote.s32 @p0 $0x1;
	_ =	sdelay $0x1  }
0xac: {  	s5 =	simm.s32 @p0 $0x1B8D  }
0xad: {  	_ =	swait.eq @p0 [sflag:s5], $0x1  }
0xae: {  	[sflag:s5] =	ssyncadd.s32 @p0 $0xFFFFFFFF  }
0xaf: {  	s6 =	sshll.u32 @!p0 s1, $0xE  }
0xb0: {  	s6 =	sor.u32 @!p0 $0x4000, s6;
	s5 =	simm.s32 @!p0 $0x1B8D  }
0xb1: {  	s4 =	sshll.u32 @!p0 s4, $0x11;
	s6 =	sadd.s32 @!p0 $0x11B8D, s6;
	_ =	swait.eq @!p0 [sflag:s5], $0x1  }
0xb2: {  	s4 =	sor.u32 @!p0 s4, s6;
	[sflag:s5] =	ssyncadd.s32 @!p0 $0xFFFFFFFF  }
0xb3: {  	s25 =	simm.s32 $0x1B8E;
	s24 =	sld [smem:$0x3FFE];
	[sflag:s4] =	ssyncadd.remote.s32 @!p0 $0x1  }
0xb4: {  	s26 =	simm.s32 $execute0_lowered;
	[smem:$0x3FD2] =	sst s25  }
0xb5: {  	s5 =	sshll.u32 s26, $0x1;
	_ =	strace $0x80000049;
	[dreg:$0x1] =	wrdreg $0xFFFFFFFF  }
0xb6: {  	s28 =	simm.s32 $_size_execute0_lowered;
	s3 =	sadd.s32 s3, s5;
	[dreg:$0x0] =	wrdreg $0x0  }
0xb7: {  	s5 =	sshll.u32 s28, $0x1;
	[dreg:$0x2] =	wrdreg s3  }
0xb8: {  	[dreg:$0x3] =	wrdreg s5  }
0xb9: {  	[dreg:$0x4] =	wrdreg $0xC0  }
0xba: {  	_ =	task [dreg:s22], $0x5FFFF  }
0xbb: {  	[dreg:$0x1] =	wrdreg $0xFFFFFFFF  }
0xbc: {  	[dreg:$0x0] =	wrdreg $0x60  }
0xbd: {  	[dreg:$0x2] =	wrdreg s24  }
0xbe: {  	[dreg:$0x3] =	wrdreg $0x9  }
0xbf: {  	_ =	task.clear_ibuf [dreg:s22], $0x4FFFF;
	_ =	strace $0x90000049  }
0xc0: {  	s29 =	simm.s32 $0x9;
	_ =	strace $0x8000004B  }
0xc1: {  	_ =	swait.ge [sflag:s29], $0x1  }
0xc2: {  	[sflag:s29] =	ssyncadd.s32 $0xFFFFFFFF  }
0xc3: {  	_ =	strace $0x9000004B  }
0xc4: {  	_ =	sfence  }
0xc5: {  	s30 =	sld [smem:$0x0];
	_ =	sdelay $0x2  }
0xc6: {  	s31 =	sshll.u32 s1, $0xD;
	s1 =	sshrl.u32 s1, $0x2  }
0xc7: {  	s4 =	sand.u32 $0x4000, s31;
	s1 =	sadd.s32 s1, s30  }
0xc8: {  	s0 =	sor.u32 s4, s0;
	s1 =	sshll.u32 s1, $0x11  }
0xc9: {  	s0 =	sor.u32 s1, s0  }
0xca: {  	s0 =	sadd.s32 $0x8F2B, s0  }
0xcb: {  	[sflag:s0] =	ssyncadd.remote.s32 $0x1  }
0xcc: {  	_ =	sfence.sel $0xFFFF  }
0xcd: {  	[dreg:$0x0] =	wrdreg $0xFFFFFFFF;
	(pc) =	sbr.abs _section_cstart, $3  }
0xce: {  	[dreg:$0x1] =	wrdreg $0xFFFFFFFF  }
0xcf: {  	_ =	task.clear_ibuf [dreg:s22], $0x2FFFF;
	_ =	strace $0x9FFFFFFF  }
0xd0: {  	(tm) =	ssettm $0x7FFFFFFF  }
0xd1: {  	_ =	shalt  }
tec
execute0_lowered:
.L_overlay_start_1:
0x0: {  	(tag) =	ssettag $0x1  }
0x1: {  	s3 =	rddreg [dreg:$0x0];
	s2 =	simm.s32 $0x0  }
0x2: {  	s10 =	simm.s32 $0x100;
	[smem:$0x7FF] =	sst s2  }
0x3: {  	s11 =	simm.s32 $0x180;
	_ =	strace $0x8000004A;
	[dreg:$0x10] =	wrdreg s10  }
0x4: {  	s12 =	simm.s32 $0x200;
	[dreg:$0x11] =	wrdreg s11  }
0x5: {  	s0 =	srdreg.scid;
	s13 =	simm.s32 $0x280;
	[dreg:$0x12] =	wrdreg s12  }
0x6: {  	s17 =	stileid.u32;
	s14 =	simm.s32 $0x300;
	[dreg:$0x13] =	wrdreg s13  }
0x7: {  	s15 =	simm.s32 $0x380;
	s16 =	simm.s32 $0x400;
	[dreg:$0x14] =	wrdreg s14  }
0x8: {  	s1 =	sand.u32 $0x1, s0;
	s18 =	sshll.u32 s17, $0x1;
	[dreg:$0x15] =	wrdreg s15  }
0x9: {  	s0 =	sor.u32 s1, s18;
	[dreg:$0x16] =	wrdreg s16;
	s18 =	simm.s32 $0x480  }
0xa: {  	s10 =	simm.s32 $0xB80;
	[dreg:$0x17] =	wrdreg s18  }
0xb: {  	s11 =	simm.s32 $0xC00;
	[smem:$0x7EE] =	sst s10  }
0xc: {  	s12 =	simm.s32 $0xC80;
	[smem:$0x7EF] =	sst s11  }
0xd: {  	s13 =	simm.s32 $0xD00;
	[smem:$0x7F0] =	sst s12  }
0xe: {  	s14 =	simm.s32 $0xD80;
	[smem:$0x7F1] =	sst s13  }
0xf: {  	s15 =	simm.s32 $0xE00;
	s4 =	smul.u32 $0x340, s0;
	[smem:$0x7F2] =	sst s14  }
0x10: {  	s16 =	simm.s32 $0xE80;
	s5 =	smul.u32 $0x1A000, s0;
	[smem:$0x7F3] =	sst s15  }
0x11: {  	s0 =	smul.u32 $0x3400, s0;
	[smem:$0x7F4] =	sst s16;
	s18 =	simm.s32 $0xF00  }
0x12: {  	s6 =	sadd.s32 $0x83800, s3;
	[smem:$0x7F5] =	sst s18  }
0x13: {  	s4 =	sadd.s32 s4, s3;
	s5 =	sshrl.u32 s5, $0x3;
	s0 =	sadd.s32 s6, s0  }
0x14: {  	s4 =	sadd.s32 $0x7D000, s4;
	s19 =	sadd.s32 s6, s5;
	[dreg:$0x3] =	wrdreg s0  }
0x15: {  	[dreg:$0x2] =	wrdreg s4;
	s20 =	sadd.s32 $0x400, s19  }
0x16: {  	s21 =	sadd.s32 $0x800, s19;
	[dreg:$0x4] =	wrdreg s20  }
0x17: {  	s22 =	sadd.s32 $0xC00, s19;
	[dreg:$0x5] =	wrdreg s21  }
0x18: {  	s23 =	sadd.s32 $0x1000, s19;
	[dreg:$0x6] =	wrdreg s22  }
0x19: {  	s24 =	sadd.s32 $0x1400, s19;
	[dreg:$0x7] =	wrdreg s23  }
0x1a: {  	s25 =	sadd.s32 $0x1800, s19;
	[dreg:$0x8] =	wrdreg s24  }
0x1b: {  	s26 =	sadd.s32 $0x1C00, s19;
	[dreg:$0x9] =	wrdreg s25  }
0x1c: {  	s5 =	sadd.s32 $0x2000, s19;
	[dreg:$0xa] =	wrdreg s26  }
0x1d: {  	s31 =	simm.s32 $0x5;
	s6 =	sadd.s32 $0x2400, s19;
	[dreg:$0xb] =	wrdreg s5  }
0x1e: {  	s28 =	simm.s32 $0x1480;
	s7 =	sadd.s32 $0x2800, s19;
	[dreg:$0xc] =	wrdreg s6  }
0x1f: {  	s29 =	simm.s32 $0x1500;
	s8 =	sadd.s32 $0x2C00, s19;
	[dreg:$0xd] =	wrdreg s7  }
0x20: {  	s30 =	simm.s32 $0x1580;
	s9 =	sadd.s32 $0x3000, s19;
	[dreg:$0xe] =	wrdreg s8  }
0x21: {  	p0 =	por $0x0, $0x0;
	s19 =	simm.s32 $0x500;
	[dreg:$0xf] =	wrdreg s9  }
0x22: {  	s1 =	ssub.s32 $0x2, s1;
	s4 =	simm.s32 $0x900;
	[dreg:$0x18] =	wrdreg s19  }
0x23: {  	s10 =	simm.s32 $0x2200;
	s11 =	simm.s32 $0x2A00;
	[smem:$0x7E9] =	sst s4  }
0x24: {  	s12 =	simm.s32 $0x3200;
	s20 =	simm.s32 $0x580;
	s0 =	rddreg [dreg:$0x2]  }
0x25: {  	s14 =	simm.s32 $0x4200;
	s21 =	simm.s32 $0x600;
	[dreg:$0x19] =	wrdreg s20  }
0x26: {  	s15 =	simm.s32 $0x4A00;
	s22 =	simm.s32 $0x680;
	[dreg:$0x1a] =	wrdreg s21  }
0x27: {  	s16 =	simm.s32 $0x5200;
	s23 =	simm.s32 $0x700;
	[dreg:$0x1b] =	wrdreg s22  }
0x28: {  	s13 =	simm.s32 $0x2;
	s24 =	simm.s32 $0x780;
	[dreg:$0x1c] =	wrdreg s23  }
0x29: {  	s18 =	simm.s32 $0x1800;
	s25 =	simm.s32 $0x800;
	[dreg:$0x1d] =	wrdreg s24  }
0x2a: {  	s26 =	simm.s32 $0x880;
	s5 =	simm.s32 $0x980;
	[dreg:$0x1e] =	wrdreg s25  }
0x2b: {  	s4 =	sadd.s32 $0x1C00, s3;
	s6 =	simm.s32 $0xA00;
	[dreg:$0x1f] =	wrdreg s26  }
0x2c: {  	s7 =	simm.s32 $0xA80;
	s8 =	sshrl.u32 s1, $0x1;
	[smem:$0x7EA] =	sst s5  }
0x2d: {  	s9 =	simm.s32 $0xB00;
	s3 =	simm.s32 $0x1A00;
	[smem:$0x7EB] =	sst s6  }
0x2e: {  	s19 =	simm.s32 $0xF80;
	[smem:$0x7EC] =	sst s7;
	s1 =	ssub.s32 s1, s8  }
0x2f: {  	[smem:$0x7ED] =	sst s9;
	s6 =	simm.s32 $0x80;
	s8 =	simm.s32 $0x3A00  }
0x30: {  	[smem:$0x7F6] =	sst s19;
	s20 =	simm.s32 $0x1000;
	s21 =	simm.s32 $0x1080  }
0x31: {  	s22 =	simm.s32 $0x1100;
	s7 =	simm.s32 $0x1;
	[smem:$0x7F7] =	sst s20  }
0x32: {  	s23 =	simm.s32 $0x1180;
	s5 =	simm.s32 $0x3;
	[smem:$0x7F8] =	sst s21  }
0x33: {  	s24 =	simm.s32 $0x1200;
	s1 =	smax.u32 s1, $0x1;
	[smem:$0x7F9] =	sst s22  }
0x34: {  	s25 =	simm.s32 $0x1280;
	[smem:$0x7FA] =	sst s23;
	p1 =	sne.s32 s1, $0x1  }
.Ltmp0:
0x35: {  	s9 =	simm.s32 $0x4;
	[smem:$0x7FB] =	sst s24;
	(pc) =	sbr.rel @!p1 .LBB2_1-.Ltmp0, $4  }
0x36: {  	s26 =	simm.s32 $0x1300;
	s19 =	simm.s32 $0x1880;
	[smem:$0x7FC] =	sst s25  }
0x37: {  	[smem:$0x7FD] =	sst s26;
	s22 =	simm.s32 $0x1380;
	s26 =	simm.s32 $0x1400  }
0x38: {  	s23 =	simm.s32 $0x1680;
	s24 =	simm.s32 $0x1700;
	s25 =	simm.s32 $0x1780  }
0x39: {  	s20 =	simm.s32 $0x1900;
	s21 =	simm.s32 $0x1980;
	s1 =	sadd.s32 $0xFFFFFFFF, s1  }
0x3a: {  	[tilespmem:s2], [sflag:$0x5] =	stream.linear.gather [hbm4b:s0+s2], $0x1A00, $0x38;
	[tilespmem:$0x5A00] =	vst v63  }
0x3b: {  	_ =	swait.ge [sflag:s31], $0x1A00  }
0x3c: {  	[sflag:s31] =	ssyncset.done $0x0  }
0x3d: {  	[sflag:s31] =	ssyncadd.s32 $0xFFFFE600  }
0x3e: {  	[tilespmem:s3], [sflag:$0x1] =	stream.indirect.gather [hbm4b:s4+s6], $0x10, s2, s6, $0xb8;
	[tilespmem:$0x5A00] =	vst v63  }
0x3f: {  	_ = 	snop  }
0x40: {  	[tilespmem:s10], [sflag:$0x1] =	stream.indirect.gather [hbm4b:s4+s6], $0x10, s6, s6, $0xb8;
	[tilespmem:$0x5A00] =	vst v63  }
0x41: {  	s0 =	rddreg [dreg:$0x10]  }
0x42: {  	[tilespmem:s11], [sflag:$0x1] =	stream.indirect.gather [hbm4b:s4+s6], $0x10, s0, s6, $0xb8;
	[tilespmem:$0x5A00] =	vst v63  }
0x43: {  	s17 =	smov.u32 s1;
	s1 =	rddreg [dreg:$0x11]  }
0x44: {  	[tilespmem:s12], [sflag:$0x1] =	stream.indirect.gather [hbm4b:s4+s6], $0x10, s1, s6, $0xb8;
	[tilespmem:$0x5A00] =	vst v63  }
0x45: {  	s0 =	rddreg [dreg:$0x12]  }
0x46: {  	[tilespmem:s8], [sflag:$0x2] =	stream.indirect.gather [hbm4b:s4+s6], $0x10, s0, s6, $0xb8;
	[tilespmem:$0x5A00] =	vst v63  }
0x47: {  	s1 =	rddreg [dreg:$0x13]  }
0x48: {  	[tilespmem:s14], [sflag:$0x2] =	stream.indirect.gather [hbm4b:s4+s6], $0x10, s1, s6, $0xb8;
	[tilespmem:$0x5A00] =	vst v63  }
0x49: {  	s0 =	rddreg [dreg:$0x14]  }
0x4a: {  	[tilespmem:s15], [sflag:$0x2] =	stream.indirect.gather [hbm4b:s4+s6], $0x10, s0, s6, $0xb8;
	[tilespmem:$0x5A00] =	vst v63  }
0x4b: {  	s1 =	rddreg [dreg:$0x15]  }
0x4c: {  	[tilespmem:s16], [sflag:$0x2] =	stream.indirect.gather [hbm4b:s4+s6], $0x10, s1, s6, $0xb8;
	[tilespmem:$0x5A00] =	vst v63  }
0x4d: {  	_ =	swait.ge [sflag:s7], $0x800  }
0x4e: {  	[sflag:s7] =	ssyncset.done $0x0  }
0x4f: {  	[sflag:s7] =	ssyncadd.s32 $0xFFFFF800  }
0x50: {  	_ =	swait.ge [sflag:s7], $0x800  }
0x51: {  	[sflag:s7] =	ssyncset.done $0x0  }
0x52: {  	[sflag:s7] =	ssyncadd.s32 $0xFFFFF800  }
0x53: {  	_ =	swait.ge [sflag:s7], $0x800  }
0x54: {  	[sflag:s7] =	ssyncset.done $0x0  }
0x55: {  	[sflag:s7] =	ssyncadd.s32 $0xFFFFF800  }
0x56: {  	_ =	swait.ge [sflag:s7], $0x800  }
0x57: {  	[sflag:s7] =	ssyncset.done $0x0  }
0x58: {  	s1 =	rddreg [dreg:$0x3];
	[sflag:s7] =	ssyncadd.s32 $0xFFFFF800  }
0x59: {  	[hbm4b:s1+s2] =	stream.linear.scatter [tilespmem:s3], [sflag:$0x3], $0x2000, $0x38;
	[tilespmem:$0x5A00] =	vst v63  }
0x5a: {  	_ =	swait.ge [sflag:s5], $0x2000  }
0x5b: {  	[sflag:s5] =	ssyncset.done $0x0  }
0x5c: {  	s0 =	rddreg [dreg:$0x16];
	[sflag:s5] =	ssyncadd.s32 $0xFFFFE000  }
0x5d: {  	[tilespmem:s3], [sflag:$0x1] =	stream.indirect.gather [hbm4b:s4+s6], $0x10, s0, s6, $0xb8;
	[tilespmem:$0x5A00] =	vst v63  }
0x5e: {  	s1 =	rddreg [dreg:$0x17]  }
0x5f: {  	[tilespmem:s10], [sflag:$0x1] =	stream.indirect.gather [hbm4b:s4+s6], $0x10, s1, s6, $0xb8;
	[tilespmem:$0x5A00] =	vst v63  }
0x60: {  	s0 =	rddreg [dreg:$0x18]  }
0x61: {  	[tilespmem:s11], [sflag:$0x1] =	stream.indirect.gather [hbm4b:s4+s6], $0x10, s0, s6, $0xb8;
	[tilespmem:$0x5A00] =	vst v63  }
0x62: {  	s1 =	rddreg [dreg:$0x19]  }
0x63: {  	[tilespmem:s12], [sflag:$0x1] =	stream.indirect.gather [hbm4b:s4+s6], $0x10, s1, s6, $0xb8;
	[tilespmem:$0x5A00] =	vst v63  }
0x64: {  	_ =	swait.ge [sflag:s13], $0x800  }
0x65: {  	[sflag:s13] =	ssyncset.done $0x0  }
0x66: {  	[sflag:s13] =	ssyncadd.s32 $0xFFFFF800  }
0x67: {  	_ =	swait.ge [sflag:s13], $0x800  }
0x68: {  	[sflag:s13] =	ssyncset.done $0x0  }
0x69: {  	[sflag:s13] =	ssyncadd.s32 $0xFFFFF800  }
0x6a: {  	_ =	swait.ge [sflag:s13], $0x800  }
0x6b: {  	[sflag:s13] =	ssyncset.done $0x0  }
0x6c: {  	[sflag:s13] =	ssyncadd.s32 $0xFFFFF800  }
0x6d: {  	_ =	swait.ge [sflag:s13], $0x800  }
0x6e: {  	[sflag:s13] =	ssyncset.done $0x0  }
0x6f: {  	s1 =	rddreg [dreg:$0x4];
	[sflag:s13] =	ssyncadd.s32 $0xFFFFF800  }
0x70: {  	[hbm4b:s1+s2] =	stream.linear.scatter [tilespmem:s8], [sflag:$0x4], $0x2000, $0x38;
	[tilespmem:$0x5A00] =	vst v63  }
0x71: {  	_ =	swait.ge [sflag:s9], $0x2000  }
0x72: {  	[sflag:s9] =	ssyncset.done $0x0  }
0x73: {  	s0 =	rddreg [dreg:$0x1a];
	[sflag:s9] =	ssyncadd.s32 $0xFFFFE000  }
0x74: {  	[tilespmem:s8], [sflag:$0x2] =	stream.indirect.gather [hbm4b:s4+s6], $0x10, s0, s6, $0xb8;
	[tilespmem:$0x5A00] =	vst v63  }
0x75: {  	s1 =	rddreg [dreg:$0x1b]  }
0x76: {  	[tilespmem:s14], [sflag:$0x2] =	stream.indirect.gather [hbm4b:s4+s6], $0x10, s1, s6, $0xb8;
	[tilespmem:$0x5A00] =	vst v63  }
0x77: {  	s0 =	rddreg [dreg:$0x1c]  }
0x78: {  	[tilespmem:s15], [sflag:$0x2] =	stream.indirect.gather [hbm4b:s4+s6], $0x10, s0, s6, $0xb8;
	[tilespmem:$0x5A00] =	vst v63  }
0x79: {  	s1 =	rddreg [dreg:$0x1d]  }
0x7a: {  	[tilespmem:s16], [sflag:$0x2] =	stream.indirect.gather [hbm4b:s4+s6], $0x10, s1, s6, $0xb8;
	[tilespmem:$0x5A00] =	vst v63  }
0x7b: {  	_ =	swait.ge [sflag:s7], $0x800  }
0x7c: {  	[sflag:s7] =	ssyncset.done $0x0  }
0x7d: {  	[sflag:s7] =	ssyncadd.s32 $0xFFFFF800  }
0x7e: {  	_ =	swait.ge [sflag:s7], $0x800  }
0x7f: {  	[sflag:s7] =	ssyncset.done $0x0  }
0x80: {  	[sflag:s7] =	ssyncadd.s32 $0xFFFFF800  }
0x81: {  	_ =	swait.ge [sflag:s7], $0x800  }
0x82: {  	[sflag:s7] =	ssyncset.done $0x0  }
0x83: {  	[sflag:s7] =	ssyncadd.s32 $0xFFFFF800  }
0x84: {  	_ =	swait.ge [sflag:s7], $0x800  }
0x85: {  	[sflag:s7] =	ssyncset.done $0x0  }
0x86: {  	s1 =	rddreg [dreg:$0x5];
	[sflag:s7] =	ssyncadd.s32 $0xFFFFF800  }
0x87: {  	[hbm4b:s1+s2] =	stream.linear.scatter [tilespmem:s3], [sflag:$0x3], $0x2000, $0x38;
	[tilespmem:$0x5A00] =	vst v63  }
0x88: {  	_ =	swait.ge [sflag:s5], $0x2000  }
0x89: {  	s0 =	rddreg [dreg:$0x1e];
	[sflag:s5] =	ssyncset.done $0x0  }
0x8a: {  	s1 =	rddreg [dreg:$0x1f];
	[sflag:s5] =	ssyncadd.s32 $0xFFFFE000  }
0x8b: {  	[tilespmem:s3], [sflag:$0x1] =	stream.indirect.gather [hbm4b:s4+s6], $0x10, s0, s6, $0xb8;
	[tilespmem:$0x5A00] =	vst v63  }
0x8c: {  	s0 =	sld [smem:$0x7E9]  }
0x8d: {  	[tilespmem:s10], [sflag:$0x1] =	stream.indirect.gather [hbm4b:s4+s6], $0x10, s1, s6, $0xb8;
	[tilespmem:$0x5A00] =	vst v63  }
0x8e: {  	s1 =	sld [smem:$0x7EA]  }
0x8f: {  	[tilespmem:s11], [sflag:$0x1] =	stream.indirect.gather [hbm4b:s4+s6], $0x10, s0, s6, $0xb8;
	[tilespmem:$0x5A00] =	vst v63  }
0x90: {  	_ = 	snop  }
0x91: {  	[tilespmem:s12], [sflag:$0x1] =	stream.indirect.gather [hbm4b:s4+s6], $0x10, s1, s6, $0xb8;
	[tilespmem:$0x5A00] =	vst v63  }
0x92: {  	_ =	swait.ge [sflag:s13], $0x800  }
0x93: {  	[sflag:s13] =	ssyncset.done $0x0  }
0x94: {  	[sflag:s13] =	ssyncadd.s32 $0xFFFFF800  }
0x95: {  	_ =	swait.ge [sflag:s13], $0x800  }
0x96: {  	[sflag:s13] =	ssyncset.done $0x0  }
0x97: {  	[sflag:s13] =	ssyncadd.s32 $0xFFFFF800  }
0x98: {  	_ =	swait.ge [sflag:s13], $0x800  }
0x99: {  	[sflag:s13] =	ssyncset.done $0x0  }
0x9a: {  	[sflag:s13] =	ssyncadd.s32 $0xFFFFF800  }
0x9b: {  	_ =	swait.ge [sflag:s13], $0x800  }
0x9c: {  	[sflag:s13] =	ssyncset.done $0x0  }
0x9d: {  	s1 =	rddreg [dreg:$0x6];
	[sflag:s13] =	ssyncadd.s32 $0xFFFFF800  }
0x9e: {  	[hbm4b:s1+s2] =	stream.linear.scatter [tilespmem:s8], [sflag:$0x4], $0x2000, $0x38;
	[tilespmem:$0x5A00] =	vst v63  }
0x9f: {  	_ =	swait.ge [sflag:s9], $0x2000  }
0xa0: {  	s0 =	sld [smem:$0x7EB]  }
0xa1: {  	[sflag:s9] =	ssyncset.done $0x0  }
0xa2: {  	s1 =	sld [smem:$0x7EC];
	[sflag:s9] =	ssyncadd.s32 $0xFFFFE000  }
0xa3: {  	[tilespmem:s8], [sflag:$0x2] =	stream.indirect.gather [hbm4b:s4+s6], $0x10, s0, s6, $0xb8;
	[tilespmem:$0x5A00] =	vst v63  }
0xa4: {  	s0 =	sld [smem:$0x7ED]  }
0xa5: {  	[tilespmem:s14], [sflag:$0x2] =	stream.indirect.gather [hbm4b:s4+s6], $0x10, s1, s6, $0xb8;
	[tilespmem:$0x5A00] =	vst v63  }
0xa6: {  	s1 =	sld [smem:$0x7EE]  }
0xa7: {  	[tilespmem:s15], [sflag:$0x2] =	stream.indirect.gather [hbm4b:s4+s6], $0x10, s0, s6, $0xb8;
	[tilespmem:$0x5A00] =	vst v63  }
0xa8: {  	_ = 	snop  }
0xa9: {  	[tilespmem:s16], [sflag:$0x2] =	stream.indirect.gather [hbm4b:s4+s6], $0x10, s1, s6, $0xb8;
	[tilespmem:$0x5A00] =	vst v63  }
0xaa: {  	_ =	swait.ge [sflag:s7], $0x800  }
0xab: {  	[sflag:s7] =	ssyncset.done $0x0  }
0xac: {  	[sflag:s7] =	ssyncadd.s32 $0xFFFFF800  }
0xad: {  	_ =	swait.ge [sflag:s7], $0x800  }
0xae: {  	[sflag:s7] =	ssyncset.done $0x0  }
0xaf: {  	[sflag:s7] =	ssyncadd.s32 $0xFFFFF800  }
0xb0: {  	_ =	swait.ge [sflag:s7], $0x800  }
0xb1: {  	[sflag:s7] =	ssyncset.done $0x0  }
0xb2: {  	[sflag:s7] =	ssyncadd.s32 $0xFFFFF800  }
0xb3: {  	_ =	swait.ge [sflag:s7], $0x800  }
0xb4: {  	[sflag:s7] =	ssyncset.done $0x0  }
0xb5: {  	s1 =	rddreg [dreg:$0x7];
	[sflag:s7] =	ssyncadd.s32 $0xFFFFF800  }
0xb6: {  	[hbm4b:s1+s2] =	stream.linear.scatter [tilespmem:s3], [sflag:$0x3], $0x2000, $0x38;
	[tilespmem:$0x5A00] =	vst v63  }
0xb7: {  	_ =	swait.ge [sflag:s5], $0x2000  }
0xb8: {  	s0 =	sld [smem:$0x7EF]  }
0xb9: {  	[sflag:s5] =	ssyncset.done $0x0  }
0xba: {  	s1 =	sld [smem:$0x7F0];
	[sflag:s5] =	ssyncadd.s32 $0xFFFFE000  }
0xbb: {  	[tilespmem:s3], [sflag:$0x1] =	stream.indirect.gather [hbm4b:s4+s6], $0x10, s0, s6, $0xb8;
	[tilespmem:$0x5A00] =	vst v63  }
0xbc: {  	s0 =	sld [smem:$0x7F1]  }
0xbd: {  	[tilespmem:s10], [sflag:$0x1] =	stream.indirect.gather [hbm4b:s4+s6], $0x10, s1, s6, $0xb8;
	[tilespmem:$0x5A00] =	vst v63  }
0xbe: {  	s1 =	sld [smem:$0x7F2]  }
0xbf: {  	[tilespmem:s11], [sflag:$0x1] =	stream.indirect.gather [hbm4b:s4+s6], $0x10, s0, s6, $0xb8;
	[tilespmem:$0x5A00] =	vst v63  }
0xc0: {  	_ = 	snop  }
0xc1: {  	[tilespmem:s12], [sflag:$0x1] =	stream.indirect.gather [hbm4b:s4+s6], $0x10, s1, s6, $0xb8;
	[tilespmem:$0x5A00] =	vst v63  }
0xc2: {  	_ =	swait.ge [sflag:s13], $0x800  }
0xc3: {  	[sflag:s13] =	ssyncset.done $0x0  }
0xc4: {  	[sflag:s13] =	ssyncadd.s32 $0xFFFFF800  }
0xc5: {  	_ =	swait.ge [sflag:s13], $0x800  }
0xc6: {  	[sflag:s13] =	ssyncset.done $0x0  }
0xc7: {  	[sflag:s13] =	ssyncadd.s32 $0xFFFFF800  }
0xc8: {  	_ =	swait.ge [sflag:s13], $0x800  }
0xc9: {  	[sflag:s13] =	ssyncset.done $0x0  }
0xca: {  	[sflag:s13] =	ssyncadd.s32 $0xFFFFF800  }
0xcb: {  	_ =	swait.ge [sflag:s13], $0x800  }
0xcc: {  	[sflag:s13] =	ssyncset.done $0x0  }
0xcd: {  	s1 =	rddreg [dreg:$0x8];
	[sflag:s13] =	ssyncadd.s32 $0xFFFFF800  }
0xce: {  	[hbm4b:s1+s2] =	stream.linear.scatter [tilespmem:s8], [sflag:$0x4], $0x2000, $0x38;
	[tilespmem:$0x5A00] =	vst v63  }
0xcf: {  	_ =	swait.ge [sflag:s9], $0x2000  }
0xd0: {  	s0 =	sld [smem:$0x7F3]  }
0xd1: {  	[sflag:s9] =	ssyncset.done $0x0  }
0xd2: {  	s1 =	sld [smem:$0x7F4];
	[sflag:s9] =	ssyncadd.s32 $0xFFFFE000  }
0xd3: {  	[tilespmem:s8], [sflag:$0x2] =	stream.indirect.gather [hbm4b:s4+s6], $0x10, s0, s6, $0xb8;
	[tilespmem:$0x5A00] =	vst v63  }
0xd4: {  	s0 =	sld [smem:$0x7F5]  }
0xd5: {  	[tilespmem:s14], [sflag:$0x2] =	stream.indirect.gather [hbm4b:s4+s6], $0x10, s1, s6, $0xb8;
	[tilespmem:$0x5A00] =	vst v63  }
0xd6: {  	s1 =	sld [smem:$0x7F6]  }
0xd7: {  	[tilespmem:s15], [sflag:$0x2] =	stream.indirect.gather [hbm4b:s4+s6], $0x10, s0, s6, $0xb8;
	[tilespmem:$0x5A00] =	vst v63  }
0xd8: {  	_ = 	snop  }
0xd9: {  	[tilespmem:s16], [sflag:$0x2] =	stream.indirect.gather [hbm4b:s4+s6], $0x10, s1, s6, $0xb8;
	[tilespmem:$0x5A00] =	vst v63  }
0xda: {  	_ =	swait.ge [sflag:s7], $0x800  }
0xdb: {  	[sflag:s7] =	ssyncset.done $0x0  }
0xdc: {  	[sflag:s7] =	ssyncadd.s32 $0xFFFFF800  }
0xdd: {  	_ =	swait.ge [sflag:s7], $0x800  }
0xde: {  	[sflag:s7] =	ssyncset.done $0x0  }
0xdf: {  	[sflag:s7] =	ssyncadd.s32 $0xFFFFF800  }
0xe0: {  	_ =	swait.ge [sflag:s7], $0x800  }
0xe1: {  	[sflag:s7] =	ssyncset.done $0x0  }
0xe2: {  	[sflag:s7] =	ssyncadd.s32 $0xFFFFF800  }
0xe3: {  	_ =	swait.ge [sflag:s7], $0x800  }
0xe4: {  	[sflag:s7] =	ssyncset.done $0x0  }
0xe5: {  	s1 =	rddreg [dreg:$0x9];
	[sflag:s7] =	ssyncadd.s32 $0xFFFFF800  }
0xe6: {  	[hbm4b:s1+s2] =	stream.linear.scatter [tilespmem:s3], [sflag:$0x3], $0x2000, $0x38;
	[tilespmem:$0x5A00] =	vst v63  }
0xe7: {  	_ =	swait.ge [sflag:s5], $0x2000  }
0xe8: {  	s0 =	sld [smem:$0x7F7]  }
0xe9: {  	[sflag:s5] =	ssyncset.done $0x0  }
0xea: {  	s1 =	sld [smem:$0x7F8];
	[sflag:s5] =	ssyncadd.s32 $0xFFFFE000  }
0xeb: {  	[tilespmem:s3], [sflag:$0x1] =	stream.indirect.gather [hbm4b:s4+s6], $0x10, s0, s6, $0xb8;
	[tilespmem:$0x5A00] =	vst v63  }
0xec: {  	s0 =	sld [smem:$0x7F9]  }
0xed: {  	[tilespmem:s10], [sflag:$0x1] =	stream.indirect.gather [hbm4b:s4+s6], $0x10, s1, s6, $0xb8;
	[tilespmem:$0x5A00] =	vst v63  }
0xee: {  	s1 =	sld [smem:$0x7FA]  }
0xef: {  	[tilespmem:s11], [sflag:$0x1] =	stream.indirect.gather [hbm4b:s4+s6], $0x10, s0, s6, $0xb8;
	[tilespmem:$0x5A00] =	vst v63  }
0xf0: {  	_ = 	snop  }
0xf1: {  	[tilespmem:s12], [sflag:$0x1] =	stream.indirect.gather [hbm4b:s4+s6], $0x10, s1, s6, $0xb8;
	[tilespmem:$0x5A00] =	vst v63  }
0xf2: {  	_ =	swait.ge [sflag:s13], $0x800  }
0xf3: {  	[sflag:s13] =	ssyncset.done $0x0  }
0xf4: {  	[sflag:s13] =	ssyncadd.s32 $0xFFFFF800  }
0xf5: {  	_ =	swait.ge [sflag:s13], $0x800  }
0xf6: {  	[sflag:s13] =	ssyncset.done $0x0  }
0xf7: {  	[sflag:s13] =	ssyncadd.s32 $0xFFFFF800  }
0xf8: {  	_ =	swait.ge [sflag:s13], $0x800  }
0xf9: {  	[sflag:s13] =	ssyncset.done $0x0  }
0xfa: {  	[sflag:s13] =	ssyncadd.s32 $0xFFFFF800  }
0xfb: {  	_ =	swait.ge [sflag:s13], $0x800  }
0xfc: {  	[sflag:s13] =	ssyncset.done $0x0  }
0xfd: {  	s1 =	rddreg [dreg:$0xa];
	[sflag:s13] =	ssyncadd.s32 $0xFFFFF800  }
0xfe: {  	[hbm4b:s1+s2] =	stream.linear.scatter [tilespmem:s8], [sflag:$0x4], $0x2000, $0x38;
	[tilespmem:$0x5A00] =	vst v63  }
0xff: {  	_ =	swait.ge [sflag:s9], $0x2000  }
0x100: {  	s0 =	sld [smem:$0x7FB]  }
0x101: {  	[sflag:s9] =	ssyncset.done $0x0  }
0x102: {  	s1 =	sld [smem:$0x7FC];
	[sflag:s9] =	ssyncadd.s32 $0xFFFFE000  }
0x103: {  	[tilespmem:s8], [sflag:$0x2] =	stream.indirect.gather [hbm4b:s4+s6], $0x10, s0, s6, $0xb8;
	[tilespmem:$0x5A00] =	vst v63  }
0x104: {  	s0 =	sld [smem:$0x7FD]  }
0x105: {  	[tilespmem:s14], [sflag:$0x2] =	stream.indirect.gather [hbm4b:s4+s6], $0x10, s1, s6, $0xb8;
	[tilespmem:$0x5A00] =	vst v63  }
0x106: {  	_ = 	snop  }
0x107: {  	[tilespmem:s15], [sflag:$0x2] =	stream.indirect.gather [hbm4b:s4+s6], $0x10, s0, s6, $0xb8;
	[tilespmem:$0x5A00] =	vst v63  }
0x108: {  	_ = 	snop  }
0x109: {  	[tilespmem:s16], [sflag:$0x2] =	stream.indirect.gather [hbm4b:s4+s6], $0x10, s22, s6, $0xb8;
	[tilespmem:$0x5A00] =	vst v63  }
0x10a: {  	_ =	swait.ge [sflag:s7], $0x800  }
0x10b: {  	[sflag:s7] =	ssyncset.done $0x0  }
0x10c: {  	[sflag:s7] =	ssyncadd.s32 $0xFFFFF800  }
0x10d: {  	_ =	swait.ge [sflag:s7], $0x800  }
0x10e: {  	[sflag:s7] =	ssyncset.done $0x0  }
0x10f: {  	[sflag:s7] =	ssyncadd.s32 $0xFFFFF800  }
0x110: {  	_ =	swait.ge [sflag:s7], $0x800  }
0x111: {  	[sflag:s7] =	ssyncset.done $0x0  }
0x112: {  	[sflag:s7] =	ssyncadd.s32 $0xFFFFF800  }
0x113: {  	_ =	swait.ge [sflag:s7], $0x800  }
0x114: {  	[sflag:s7] =	ssyncset.done $0x0  }
0x115: {  	s1 =	rddreg [dreg:$0xb];
	[sflag:s7] =	ssyncadd.s32 $0xFFFFF800  }
0x116: {  	[hbm4b:s1+s2] =	stream.linear.scatter [tilespmem:s3], [sflag:$0x3], $0x2000, $0x38;
	[tilespmem:$0x5A00] =	vst v63  }
0x117: {  	_ =	swait.ge [sflag:s5], $0x2000  }
0x118: {  	[sflag:s5] =	ssyncset.done $0x0  }
0x119: {  	[sflag:s5] =	ssyncadd.s32 $0xFFFFE000  }
0x11a: {  	[tilespmem:s3], [sflag:$0x1] =	stream.indirect.gather [hbm4b:s4+s6], $0x10, s26, s6, $0xb8;
	[tilespmem:$0x5A00] =	vst v63  }
0x11b: {  	_ = 	snop  }
0x11c: {  	[tilespmem:s10], [sflag:$0x1] =	stream.indirect.gather [hbm4b:s4+s6], $0x10, s28, s6, $0xb8;
	[tilespmem:$0x5A00] =	vst v63  }
0x11d: {  	_ = 	snop  }
0x11e: {  	[tilespmem:s11], [sflag:$0x1] =	stream.indirect.gather [hbm4b:s4+s6], $0x10, s29, s6, $0xb8;
	[tilespmem:$0x5A00] =	vst v63  }
0x11f: {  	_ = 	snop  }
0x120: {  	[tilespmem:s12], [sflag:$0x1] =	stream.indirect.gather [hbm4b:s4+s6], $0x10, s30, s6, $0xb8;
	[tilespmem:$0x5A00] =	vst v63  }
0x121: {  	_ =	swait.ge [sflag:s13], $0x800  }
0x122: {  	[sflag:s13] =	ssyncset.done $0x0  }
0x123: {  	[sflag:s13] =	ssyncadd.s32 $0xFFFFF800  }
0x124: {  	_ =	swait.ge [sflag:s13], $0x800  }
0x125: {  	[sflag:s13] =	ssyncset.done $0x0  }
0x126: {  	[sflag:s13] =	ssyncadd.s32 $0xFFFFF800  }
0x127: {  	_ =	swait.ge [sflag:s13], $0x800  }
0x128: {  	[sflag:s13] =	ssyncset.done $0x0  }
0x129: {  	[sflag:s13] =	ssyncadd.s32 $0xFFFFF800  }
0x12a: {  	_ =	swait.ge [sflag:s13], $0x800  }
0x12b: {  	[sflag:s13] =	ssyncset.done $0x0  }
0x12c: {  	s1 =	rddreg [dreg:$0xc];
	[sflag:s13] =	ssyncadd.s32 $0xFFFFF800  }
0x12d: {  	[hbm4b:s1+s2] =	stream.linear.scatter [tilespmem:s8], [sflag:$0x4], $0x2000, $0x38;
	[tilespmem:$0x5A00] =	vst v63  }
0x12e: {  	_ =	swait.ge [sflag:s9], $0x2000  }
0x12f: {  	[sflag:s9] =	ssyncset.done $0x0  }
0x130: {  	s1 =	simm.s32 $0x1600;
	[sflag:s9] =	ssyncadd.s32 $0xFFFFE000  }
0x131: {  	[tilespmem:s8], [sflag:$0x2] =	stream.indirect.gather [hbm4b:s4+s6], $0x10, s1, s6, $0xb8;
	[tilespmem:$0x5A00] =	vst v63  }
0x132: {  	_ = 	snop  }
0x133: {  	[tilespmem:s14], [sflag:$0x2] =	stream.indirect.gather [hbm4b:s4+s6], $0x10, s23, s6, $0xb8;
	[tilespmem:$0x5A00] =	vst v63  }
0x134: {  	_ = 	snop  }
0x135: {  	[tilespmem:s15], [sflag:$0x2] =	stream.indirect.gather [hbm4b:s4+s6], $0x10, s24, s6, $0xb8;
	[tilespmem:$0x5A00] =	vst v63  }
0x136: {  	_ = 	snop  }
0x137: {  	[tilespmem:s16], [sflag:$0x2] =	stream.indirect.gather [hbm4b:s4+s6], $0x10, s25, s6, $0xb8;
	[tilespmem:$0x5A00] =	vst v63  }
0x138: {  	_ =	swait.ge [sflag:s7], $0x800  }
0x139: {  	[sflag:s7] =	ssyncset.done $0x0  }
0x13a: {  	[sflag:s7] =	ssyncadd.s32 $0xFFFFF800  }
0x13b: {  	_ =	swait.ge [sflag:s7], $0x800  }
0x13c: {  	[sflag:s7] =	ssyncset.done $0x0  }
0x13d: {  	[sflag:s7] =	ssyncadd.s32 $0xFFFFF800  }
0x13e: {  	_ =	swait.ge [sflag:s7], $0x800  }
0x13f: {  	[sflag:s7] =	ssyncset.done $0x0  }
0x140: {  	[sflag:s7] =	ssyncadd.s32 $0xFFFFF800  }
0x141: {  	_ =	swait.ge [sflag:s7], $0x800  }
0x142: {  	[sflag:s7] =	ssyncset.done $0x0  }
0x143: {  	s1 =	rddreg [dreg:$0xd];
	[sflag:s7] =	ssyncadd.s32 $0xFFFFF800  }
0x144: {  	[hbm4b:s1+s2] =	stream.linear.scatter [tilespmem:s3], [sflag:$0x3], $0x2000, $0x38;
	[tilespmem:$0x5A00] =	vst v63  }
0x145: {  	_ =	swait.ge [sflag:s5], $0x2000  }
0x146: {  	[sflag:s5] =	ssyncset.done $0x0  }
0x147: {  	[sflag:s5] =	ssyncadd.s32 $0xFFFFE000  }
0x148: {  	[tilespmem:s3], [sflag:$0x1] =	stream.indirect.gather [hbm4b:s4+s6], $0x10, s18, s6, $0xb8;
	[tilespmem:$0x5A00] =	vst v63  }
0x149: {  	_ = 	snop  }
0x14a: {  	[tilespmem:s10], [sflag:$0x1] =	stream.indirect.gather [hbm4b:s4+s6], $0x10, s19, s6, $0xb8;
	[tilespmem:$0x5A00] =	vst v63  }
0x14b: {  	_ = 	snop  }
0x14c: {  	[tilespmem:s11], [sflag:$0x1] =	stream.indirect.gather [hbm4b:s4+s6], $0x10, s20, s6, $0xb8;
	[tilespmem:$0x5A00] =	vst v63  }
0x14d: {  	_ = 	snop  }
0x14e: {  	[tilespmem:s12], [sflag:$0x1] =	stream.indirect.gather [hbm4b:s4+s6], $0x10, s21, s6, $0xb8;
	[tilespmem:$0x5A00] =	vst v63  }
0x14f: {  	_ =	swait.ge [sflag:s13], $0x800  }
0x150: {  	[sflag:s13] =	ssyncset.done $0x0  }
0x151: {  	[sflag:s13] =	ssyncadd.s32 $0xFFFFF800  }
0x152: {  	_ =	swait.ge [sflag:s13], $0x800  }
0x153: {  	[sflag:s13] =	ssyncset.done $0x0  }
0x154: {  	[sflag:s13] =	ssyncadd.s32 $0xFFFFF800  }
0x155: {  	_ =	swait.ge [sflag:s13], $0x800  }
0x156: {  	[sflag:s13] =	ssyncset.done $0x0  }
0x157: {  	[sflag:s13] =	ssyncadd.s32 $0xFFFFF800  }
0x158: {  	_ =	swait.ge [sflag:s13], $0x800  }
0x159: {  	[sflag:s13] =	ssyncset.done $0x0  }
0x15a: {  	s1 =	rddreg [dreg:$0xe];
	[sflag:s13] =	ssyncadd.s32 $0xFFFFF800  }
0x15b: {  	[hbm4b:s1+s2] =	stream.linear.scatter [tilespmem:s8], [sflag:$0x4], $0x2000, $0x38;
	[tilespmem:$0x5A00] =	vst v63  }
0x15c: {  	_ =	swait.ge [sflag:s7], $0x800  }
0x15d: {  	[sflag:s7] =	ssyncset.done $0x0  }
0x15e: {  	[sflag:s7] =	ssyncadd.s32 $0xFFFFF800  }
0x15f: {  	_ =	swait.ge [sflag:s7], $0x800  }
0x160: {  	[sflag:s7] =	ssyncset.done $0x0  }
0x161: {  	[sflag:s7] =	ssyncadd.s32 $0xFFFFF800  }
0x162: {  	_ =	swait.ge [sflag:s7], $0x800  }
0x163: {  	[sflag:s7] =	ssyncset.done $0x0  }
0x164: {  	[sflag:s7] =	ssyncadd.s32 $0xFFFFF800  }
0x165: {  	_ =	swait.ge [sflag:s7], $0x800  }
0x166: {  	[sflag:s7] =	ssyncset.done $0x0  }
0x167: {  	p1 =	sne.s32 s17, $0x1;
	s1 =	rddreg [dreg:$0xf];
	[sflag:s7] =	ssyncadd.s32 $0xFFFFF800  }
0x168: {  	[hbm4b:s1+s2] =	stream.linear.scatter [tilespmem:s3], [sflag:$0x3], $0x2000, $0x38;
	[tilespmem:$0x5A00] =	vst v63  }
.Ltmp1:
0x169: {  	_ =	swait.ge [sflag:s9], $0x2000;
	(pc) =	sbr.rel @!p1 .LBB2_3-.Ltmp1, $4  }
0x16a: {  	[sflag:s9] =	ssyncset.done $0x0  }
0x16b: {  	[sflag:s9] =	ssyncadd.s32 $0xFFFFE000  }
0x16c: {  	p0 =	por $0x1, $0x1;
	_ =	swait.ge [sflag:s5], $0x2000  }
0x16d: {  	s1 =	sadd.s32 $0xFFFFFFFF, s17;
	s0 =	rddreg [dreg:$0x2];
	[sflag:s5] =	ssyncset.done $0x0  }
.LBB2_4:
0x16e: {  	[sflag:s5] =	ssyncadd.s32 $0xFFFFE000  }
0x16f: {  	[tilespmem:s2], [sflag:$0x5] =	stream.linear.gather [hbm4b:s0+s2], $0x1A00, $0x38;
	[tilespmem:$0x5A00] =	vst v63  }
0x170: {  	_ =	swait.ge [sflag:s31], $0x1A00  }
0x171: {  	[sflag:s31] =	ssyncset.done $0x0  }
0x172: {  	[sflag:s31] =	ssyncadd.s32 $0xFFFFE600  }
0x173: {  	[tilespmem:s3], [sflag:$0x1] =	stream.indirect.gather [hbm4b:s4+s6], $0x10, s2, s6, $0xb8;
	[tilespmem:$0x5A00] =	vst v63  }
0x174: {  	_ = 	snop  }
0x175: {  	[tilespmem:s10], [sflag:$0x1] =	stream.indirect.gather [hbm4b:s4+s6], $0x10, s6, s6, $0xb8;
	[tilespmem:$0x5A00] =	vst v63  }
0x176: {  	s0 =	rddreg [dreg:$0x10]  }
0x177: {  	[tilespmem:s11], [sflag:$0x1] =	stream.indirect.gather [hbm4b:s4+s6], $0x10, s0, s6, $0xb8;
	[tilespmem:$0x5A00] =	vst v63  }
0x178: {  	s17 =	rddreg [dreg:$0x11]  }
0x179: {  	[tilespmem:s12], [sflag:$0x1] =	stream.indirect.gather [hbm4b:s4+s6], $0x10, s17, s6, $0xb8;
	[tilespmem:$0x5A00] =	vst v63  }
0x17a: {  	s0 =	rddreg [dreg:$0x12]  }
0x17b: {  	[tilespmem:s8], [sflag:$0x2] =	stream.indirect.gather [hbm4b:s4+s6], $0x10, s0, s6, $0xb8;
	[tilespmem:$0x5A00] =	vst v63  }
0x17c: {  	s17 =	rddreg [dreg:$0x13]  }
0x17d: {  	[tilespmem:s14], [sflag:$0x2] =	stream.indirect.gather [hbm4b:s4+s6], $0x10, s17, s6, $0xb8;
	[tilespmem:$0x5A00] =	vst v63  }
0x17e: {  	s0 =	rddreg [dreg:$0x14]  }
0x17f: {  	[tilespmem:s15], [sflag:$0x2] =	stream.indirect.gather [hbm4b:s4+s6], $0x10, s0, s6, $0xb8;
	[tilespmem:$0x5A00] =	vst v63  }
0x180: {  	s17 =	rddreg [dreg:$0x15]  }
0x181: {  	[tilespmem:s16], [sflag:$0x2] =	stream.indirect.gather [hbm4b:s4+s6], $0x10, s17, s6, $0xb8;
	[tilespmem:$0x5A00] =	vst v63  }
0x182: {  	_ =	swait.ge [sflag:s7], $0x800  }
0x183: {  	[sflag:s7] =	ssyncset.done $0x0  }
0x184: {  	[sflag:s7] =	ssyncadd.s32 $0xFFFFF800  }
0x185: {  	_ =	swait.ge [sflag:s7], $0x800  }
0x186: {  	[sflag:s7] =	ssyncset.done $0x0  }
0x187: {  	[sflag:s7] =	ssyncadd.s32 $0xFFFFF800  }
0x188: {  	_ =	swait.ge [sflag:s7], $0x800  }
0x189: {  	[sflag:s7] =	ssyncset.done $0x0  }
0x18a: {  	[sflag:s7] =	ssyncadd.s32 $0xFFFFF800  }
0x18b: {  	_ =	swait.ge [sflag:s7], $0x800  }
0x18c: {  	[sflag:s7] =	ssyncset.done $0x0  }
0x18d: {  	s17 =	rddreg [dreg:$0x3];
	[sflag:s7] =	ssyncadd.s32 $0xFFFFF800  }
0x18e: {  	[hbm4b:s17+s2] =	stream.linear.scatter [tilespmem:s3], [sflag:$0x3], $0x2000, $0x38;
	[tilespmem:$0x5A00] =	vst v63  }
0x18f: {  	_ =	swait.ge [sflag:s5], $0x2000  }
0x190: {  	[sflag:s5] =	ssyncset.done $0x0  }
0x191: {  	s0 =	rddreg [dreg:$0x16];
	[sflag:s5] =	ssyncadd.s32 $0xFFFFE000  }
0x192: {  	[tilespmem:s3], [sflag:$0x1] =	stream.indirect.gather [hbm4b:s4+s6], $0x10, s0, s6, $0xb8;
	[tilespmem:$0x5A00] =	vst v63  }
0x193: {  	s17 =	rddreg [dreg:$0x17]  }
0x194: {  	[tilespmem:s10], [sflag:$0x1] =	stream.indirect.gather [hbm4b:s4+s6], $0x10, s17, s6, $0xb8;
	[tilespmem:$0x5A00] =	vst v63  }
0x195: {  	s0 =	rddreg [dreg:$0x18]  }
0x196: {  	[tilespmem:s11], [sflag:$0x1] =	stream.indirect.gather [hbm4b:s4+s6], $0x10, s0, s6, $0xb8;
	[tilespmem:$0x5A00] =	vst v63  }
0x197: {  	s17 =	rddreg [dreg:$0x19]  }
0x198: {  	[tilespmem:s12], [sflag:$0x1] =	stream.indirect.gather [hbm4b:s4+s6], $0x10, s17, s6, $0xb8;
	[tilespmem:$0x5A00] =	vst v63  }
0x199: {  	_ =	swait.ge [sflag:s13], $0x800  }
0x19a: {  	[sflag:s13] =	ssyncset.done $0x0  }
0x19b: {  	[sflag:s13] =	ssyncadd.s32 $0xFFFFF800  }
0x19c: {  	_ =	swait.ge [sflag:s13], $0x800  }
0x19d: {  	[sflag:s13] =	ssyncset.done $0x0  }
0x19e: {  	[sflag:s13] =	ssyncadd.s32 $0xFFFFF800  }
0x19f: {  	_ =	swait.ge [sflag:s13], $0x800  }
0x1a0: {  	[sflag:s13] =	ssyncset.done $0x0  }
0x1a1: {  	[sflag:s13] =	ssyncadd.s32 $0xFFFFF800  }
0x1a2: {  	_ =	swait.ge [sflag:s13], $0x800  }
0x1a3: {  	[sflag:s13] =	ssyncset.done $0x0  }
0x1a4: {  	s17 =	rddreg [dreg:$0x4];
	[sflag:s13] =	ssyncadd.s32 $0xFFFFF800  }
0x1a5: {  	[hbm4b:s17+s2] =	stream.linear.scatter [tilespmem:s8], [sflag:$0x4], $0x2000, $0x38;
	[tilespmem:$0x5A00] =	vst v63  }
0x1a6: {  	_ =	swait.ge [sflag:s9], $0x2000  }
0x1a7: {  	[sflag:s9] =	ssyncset.done $0x0  }
0x1a8: {  	s0 =	rddreg [dreg:$0x1a];
	[sflag:s9] =	ssyncadd.s32 $0xFFFFE000  }
0x1a9: {  	[tilespmem:s8], [sflag:$0x2] =	stream.indirect.gather [hbm4b:s4+s6], $0x10, s0, s6, $0xb8;
	[tilespmem:$0x5A00] =	vst v63  }
0x1aa: {  	s17 =	rddreg [dreg:$0x1b]  }
0x1ab: {  	[tilespmem:s14], [sflag:$0x2] =	stream.indirect.gather [hbm4b:s4+s6], $0x10, s17, s6, $0xb8;
	[tilespmem:$0x5A00] =	vst v63  }
0x1ac: {  	s0 =	rddreg [dreg:$0x1c]  }
0x1ad: {  	[tilespmem:s15], [sflag:$0x2] =	stream.indirect.gather [hbm4b:s4+s6], $0x10, s0, s6, $0xb8;
	[tilespmem:$0x5A00] =	vst v63  }
0x1ae: {  	s17 =	rddreg [dreg:$0x1d]  }
0x1af: {  	[tilespmem:s16], [sflag:$0x2] =	stream.indirect.gather [hbm4b:s4+s6], $0x10, s17, s6, $0xb8;
	[tilespmem:$0x5A00] =	vst v63  }
0x1b0: {  	_ =	swait.ge [sflag:s7], $0x800  }
0x1b1: {  	[sflag:s7] =	ssyncset.done $0x0  }
0x1b2: {  	[sflag:s7] =	ssyncadd.s32 $0xFFFFF800  }
0x1b3: {  	_ =	swait.ge [sflag:s7], $0x800  }
0x1b4: {  	[sflag:s7] =	ssyncset.done $0x0  }
0x1b5: {  	[sflag:s7] =	ssyncadd.s32 $0xFFFFF800  }
0x1b6: {  	_ =	swait.ge [sflag:s7], $0x800  }
0x1b7: {  	[sflag:s7] =	ssyncset.done $0x0  }
0x1b8: {  	[sflag:s7] =	ssyncadd.s32 $0xFFFFF800  }
0x1b9: {  	_ =	swait.ge [sflag:s7], $0x800  }
0x1ba: {  	[sflag:s7] =	ssyncset.done $0x0  }
0x1bb: {  	s17 =	rddreg [dreg:$0x5];
	[sflag:s7] =	ssyncadd.s32 $0xFFFFF800  }
0x1bc: {  	[hbm4b:s17+s2] =	stream.linear.scatter [tilespmem:s3], [sflag:$0x3], $0x2000, $0x38;
	[tilespmem:$0x5A00] =	vst v63  }
0x1bd: {  	_ =	swait.ge [sflag:s5], $0x2000  }
0x1be: {  	s0 =	rddreg [dreg:$0x1e];
	[sflag:s5] =	ssyncset.done $0x0  }
0x1bf: {  	s17 =	rddreg [dreg:$0x1f];
	[sflag:s5] =	ssyncadd.s32 $0xFFFFE000  }
0x1c0: {  	[tilespmem:s3], [sflag:$0x1] =	stream.indirect.gather [hbm4b:s4+s6], $0x10, s0, s6, $0xb8;
	[tilespmem:$0x5A00] =	vst v63  }
0x1c1: {  	s0 =	sld [smem:$0x7E9]  }
0x1c2: {  	[tilespmem:s10], [sflag:$0x1] =	stream.indirect.gather [hbm4b:s4+s6], $0x10, s17, s6, $0xb8;
	[tilespmem:$0x5A00] =	vst v63  }
0x1c3: {  	s17 =	sld [smem:$0x7EA]  }
0x1c4: {  	[tilespmem:s11], [sflag:$0x1] =	stream.indirect.gather [hbm4b:s4+s6], $0x10, s0, s6, $0xb8;
	[tilespmem:$0x5A00] =	vst v63  }
0x1c5: {  	_ = 	snop  }
0x1c6: {  	[tilespmem:s12], [sflag:$0x1] =	stream.indirect.gather [hbm4b:s4+s6], $0x10, s17, s6, $0xb8;
	[tilespmem:$0x5A00] =	vst v63  }
0x1c7: {  	_ =	swait.ge [sflag:s13], $0x800  }
0x1c8: {  	[sflag:s13] =	ssyncset.done $0x0  }
0x1c9: {  	[sflag:s13] =	ssyncadd.s32 $0xFFFFF800  }
0x1ca: {  	_ =	swait.ge [sflag:s13], $0x800  }
0x1cb: {  	[sflag:s13] =	ssyncset.done $0x0  }
0x1cc: {  	[sflag:s13] =	ssyncadd.s32 $0xFFFFF800  }
0x1cd: {  	_ =	swait.ge [sflag:s13], $0x800  }
0x1ce: {  	[sflag:s13] =	ssyncset.done $0x0  }
0x1cf: {  	[sflag:s13] =	ssyncadd.s32 $0xFFFFF800  }
0x1d0: {  	_ =	swait.ge [sflag:s13], $0x800  }
0x1d1: {  	[sflag:s13] =	ssyncset.done $0x0  }
0x1d2: {  	s17 =	rddreg [dreg:$0x6];
	[sflag:s13] =	ssyncadd.s32 $0xFFFFF800  }
0x1d3: {  	[hbm4b:s17+s2] =	stream.linear.scatter [tilespmem:s8], [sflag:$0x4], $0x2000, $0x38;
	[tilespmem:$0x5A00] =	vst v63  }
0x1d4: {  	_ =	swait.ge [sflag:s9], $0x2000  }
0x1d5: {  	s0 =	sld [smem:$0x7EB]  }
0x1d6: {  	[sflag:s9] =	ssyncset.done $0x0  }
0x1d7: {  	s17 =	sld [smem:$0x7EC];
	[sflag:s9] =	ssyncadd.s32 $0xFFFFE000  }
0x1d8: {  	[tilespmem:s8], [sflag:$0x2] =	stream.indirect.gather [hbm4b:s4+s6], $0x10, s0, s6, $0xb8;
	[tilespmem:$0x5A00] =	vst v63  }
0x1d9: {  	s0 =	sld [smem:$0x7ED]  }
0x1da: {  	[tilespmem:s14], [sflag:$0x2] =	stream.indirect.gather [hbm4b:s4+s6], $0x10, s17, s6, $0xb8;
	[tilespmem:$0x5A00] =	vst v63  }
0x1db: {  	s17 =	sld [smem:$0x7EE]  }
0x1dc: {  	[tilespmem:s15], [sflag:$0x2] =	stream.indirect.gather [hbm4b:s4+s6], $0x10, s0, s6, $0xb8;
	[tilespmem:$0x5A00] =	vst v63  }
0x1dd: {  	_ = 	snop  }
0x1de: {  	[tilespmem:s16], [sflag:$0x2] =	stream.indirect.gather [hbm4b:s4+s6], $0x10, s17, s6, $0xb8;
	[tilespmem:$0x5A00] =	vst v63  }
0x1df: {  	_ =	swait.ge [sflag:s7], $0x800  }
0x1e0: {  	[sflag:s7] =	ssyncset.done $0x0  }
0x1e1: {  	[sflag:s7] =	ssyncadd.s32 $0xFFFFF800  }
0x1e2: {  	_ =	swait.ge [sflag:s7], $0x800  }
0x1e3: {  	[sflag:s7] =	ssyncset.done $0x0  }
0x1e4: {  	[sflag:s7] =	ssyncadd.s32 $0xFFFFF800  }
0x1e5: {  	_ =	swait.ge [sflag:s7], $0x800  }
0x1e6: {  	[sflag:s7] =	ssyncset.done $0x0  }
0x1e7: {  	[sflag:s7] =	ssyncadd.s32 $0xFFFFF800  }
0x1e8: {  	_ =	swait.ge [sflag:s7], $0x800  }
0x1e9: {  	[sflag:s7] =	ssyncset.done $0x0  }
0x1ea: {  	s17 =	rddreg [dreg:$0x7];
	[sflag:s7] =	ssyncadd.s32 $0xFFFFF800  }
0x1eb: {  	[hbm4b:s17+s2] =	stream.linear.scatter [tilespmem:s3], [sflag:$0x3], $0x2000, $0x38;
	[tilespmem:$0x5A00] =	vst v63  }
0x1ec: {  	_ =	swait.ge [sflag:s5], $0x2000  }
0x1ed: {  	s0 =	sld [smem:$0x7EF]  }
0x1ee: {  	[sflag:s5] =	ssyncset.done $0x0  }
0x1ef: {  	s17 =	sld [smem:$0x7F0];
	[sflag:s5] =	ssyncadd.s32 $0xFFFFE000  }
0x1f0: {  	[tilespmem:s3], [sflag:$0x1] =	stream.indirect.gather [hbm4b:s4+s6], $0x10, s0, s6, $0xb8;
	[tilespmem:$0x5A00] =	vst v63  }
0x1f1: {  	s0 =	sld [smem:$0x7F1]  }
0x1f2: {  	[tilespmem:s10], [sflag:$0x1] =	stream.indirect.gather [hbm4b:s4+s6], $0x10, s17, s6, $0xb8;
	[tilespmem:$0x5A00] =	vst v63  }
0x1f3: {  	s17 =	sld [smem:$0x7F2]  }
0x1f4: {  	[tilespmem:s11], [sflag:$0x1] =	stream.indirect.gather [hbm4b:s4+s6], $0x10, s0, s6, $0xb8;
	[tilespmem:$0x5A00] =	vst v63  }
0x1f5: {  	_ = 	snop  }
0x1f6: {  	[tilespmem:s12], [sflag:$0x1] =	stream.indirect.gather [hbm4b:s4+s6], $0x10, s17, s6, $0xb8;
	[tilespmem:$0x5A00] =	vst v63  }
0x1f7: {  	_ =	swait.ge [sflag:s13], $0x800  }
0x1f8: {  	[sflag:s13] =	ssyncset.done $0x0  }
0x1f9: {  	[sflag:s13] =	ssyncadd.s32 $0xFFFFF800  }
0x1fa: {  	_ =	swait.ge [sflag:s13], $0x800  }
0x1fb: {  	[sflag:s13] =	ssyncset.done $0x0  }
0x1fc: {  	[sflag:s13] =	ssyncadd.s32 $0xFFFFF800  }
0x1fd: {  	_ =	swait.ge [sflag:s13], $0x800  }
0x1fe: {  	[sflag:s13] =	ssyncset.done $0x0  }
0x1ff: {  	[sflag:s13] =	ssyncadd.s32 $0xFFFFF800  }
0x200: {  	_ =	swait.ge [sflag:s13], $0x800  }
0x201: {  	[sflag:s13] =	ssyncset.done $0x0  }
0x202: {  	s17 =	rddreg [dreg:$0x8];
	[sflag:s13] =	ssyncadd.s32 $0xFFFFF800  }
0x203: {  	[hbm4b:s17+s2] =	stream.linear.scatter [tilespmem:s8], [sflag:$0x4], $0x2000, $0x38;
	[tilespmem:$0x5A00] =	vst v63  }
0x204: {  	_ =	swait.ge [sflag:s9], $0x2000  }
0x205: {  	s0 =	sld [smem:$0x7F3]  }
0x206: {  	[sflag:s9] =	ssyncset.done $0x0  }
0x207: {  	s17 =	sld [smem:$0x7F4];
	[sflag:s9] =	ssyncadd.s32 $0xFFFFE000  }
0x208: {  	[tilespmem:s8], [sflag:$0x2] =	stream.indirect.gather [hbm4b:s4+s6], $0x10, s0, s6, $0xb8;
	[tilespmem:$0x5A00] =	vst v63  }
0x209: {  	s0 =	sld [smem:$0x7F5]  }
0x20a: {  	[tilespmem:s14], [sflag:$0x2] =	stream.indirect.gather [hbm4b:s4+s6], $0x10, s17, s6, $0xb8;
	[tilespmem:$0x5A00] =	vst v63  }
0x20b: {  	s17 =	sld [smem:$0x7F6]  }
0x20c: {  	[tilespmem:s15], [sflag:$0x2] =	stream.indirect.gather [hbm4b:s4+s6], $0x10, s0, s6, $0xb8;
	[tilespmem:$0x5A00] =	vst v63  }
0x20d: {  	_ = 	snop  }
0x20e: {  	[tilespmem:s16], [sflag:$0x2] =	stream.indirect.gather [hbm4b:s4+s6], $0x10, s17, s6, $0xb8;
	[tilespmem:$0x5A00] =	vst v63  }
0x20f: {  	_ =	swait.ge [sflag:s7], $0x800  }
0x210: {  	[sflag:s7] =	ssyncset.done $0x0  }
0x211: {  	[sflag:s7] =	ssyncadd.s32 $0xFFFFF800  }
0x212: {  	_ =	swait.ge [sflag:s7], $0x800  }
0x213: {  	[sflag:s7] =	ssyncset.done $0x0  }
0x214: {  	[sflag:s7] =	ssyncadd.s32 $0xFFFFF800  }
0x215: {  	_ =	swait.ge [sflag:s7], $0x800  }
0x216: {  	[sflag:s7] =	ssyncset.done $0x0  }
0x217: {  	[sflag:s7] =	ssyncadd.s32 $0xFFFFF800  }
0x218: {  	_ =	swait.ge [sflag:s7], $0x800  }
0x219: {  	[sflag:s7] =	ssyncset.done $0x0  }
0x21a: {  	s17 =	rddreg [dreg:$0x9];
	[sflag:s7] =	ssyncadd.s32 $0xFFFFF800  }
0x21b: {  	[hbm4b:s17+s2] =	stream.linear.scatter [tilespmem:s3], [sflag:$0x3], $0x2000, $0x38;
	[tilespmem:$0x5A00] =	vst v63  }
0x21c: {  	_ =	swait.ge [sflag:s5], $0x2000  }
0x21d: {  	s0 =	sld [smem:$0x7F7]  }
0x21e: {  	[sflag:s5] =	ssyncset.done $0x0  }
0x21f: {  	s17 =	sld [smem:$0x7F8];
	[sflag:s5] =	ssyncadd.s32 $0xFFFFE000  }
0x220: {  	[tilespmem:s3], [sflag:$0x1] =	stream.indirect.gather [hbm4b:s4+s6], $0x10, s0, s6, $0xb8;
	[tilespmem:$0x5A00] =	vst v63  }
0x221: {  	s0 =	sld [smem:$0x7F9]  }
0x222: {  	[tilespmem:s10], [sflag:$0x1] =	stream.indirect.gather [hbm4b:s4+s6], $0x10, s17, s6, $0xb8;
	[tilespmem:$0x5A00] =	vst v63  }
0x223: {  	s17 =	sld [smem:$0x7FA]  }
0x224: {  	[tilespmem:s11], [sflag:$0x1] =	stream.indirect.gather [hbm4b:s4+s6], $0x10, s0, s6, $0xb8;
	[tilespmem:$0x5A00] =	vst v63  }
0x225: {  	_ = 	snop  }
0x226: {  	[tilespmem:s12], [sflag:$0x1] =	stream.indirect.gather [hbm4b:s4+s6], $0x10, s17, s6, $0xb8;
	[tilespmem:$0x5A00] =	vst v63  }
0x227: {  	_ =	swait.ge [sflag:s13], $0x800  }
0x228: {  	[sflag:s13] =	ssyncset.done $0x0  }
0x229: {  	[sflag:s13] =	ssyncadd.s32 $0xFFFFF800  }
0x22a: {  	_ =	swait.ge [sflag:s13], $0x800  }
0x22b: {  	[sflag:s13] =	ssyncset.done $0x0  }
0x22c: {  	[sflag:s13] =	ssyncadd.s32 $0xFFFFF800  }
0x22d: {  	_ =	swait.ge [sflag:s13], $0x800  }
0x22e: {  	[sflag:s13] =	ssyncset.done $0x0  }
0x22f: {  	[sflag:s13] =	ssyncadd.s32 $0xFFFFF800  }
0x230: {  	_ =	swait.ge [sflag:s13], $0x800  }
0x231: {  	[sflag:s13] =	ssyncset.done $0x0  }
0x232: {  	s17 =	rddreg [dreg:$0xa];
	[sflag:s13] =	ssyncadd.s32 $0xFFFFF800  }
0x233: {  	[hbm4b:s17+s2] =	stream.linear.scatter [tilespmem:s8], [sflag:$0x4], $0x2000, $0x38;
	[tilespmem:$0x5A00] =	vst v63  }
0x234: {  	_ =	swait.ge [sflag:s9], $0x2000  }
0x235: {  	s0 =	sld [smem:$0x7FB]  }
0x236: {  	[sflag:s9] =	ssyncset.done $0x0  }
0x237: {  	s17 =	sld [smem:$0x7FC];
	[sflag:s9] =	ssyncadd.s32 $0xFFFFE000  }
0x238: {  	[tilespmem:s8], [sflag:$0x2] =	stream.indirect.gather [hbm4b:s4+s6], $0x10, s0, s6, $0xb8;
	[tilespmem:$0x5A00] =	vst v63  }
0x239: {  	s0 =	sld [smem:$0x7FD]  }
0x23a: {  	[tilespmem:s14], [sflag:$0x2] =	stream.indirect.gather [hbm4b:s4+s6], $0x10, s17, s6, $0xb8;
	[tilespmem:$0x5A00] =	vst v63  }
0x23b: {  	_ = 	snop  }
0x23c: {  	[tilespmem:s15], [sflag:$0x2] =	stream.indirect.gather [hbm4b:s4+s6], $0x10, s0, s6, $0xb8;
	[tilespmem:$0x5A00] =	vst v63  }
0x23d: {  	_ = 	snop  }
0x23e: {  	[tilespmem:s16], [sflag:$0x2] =	stream.indirect.gather [hbm4b:s4+s6], $0x10, s22, s6, $0xb8;
	[tilespmem:$0x5A00] =	vst v63  }
0x23f: {  	_ =	swait.ge [sflag:s7], $0x800  }
0x240: {  	[sflag:s7] =	ssyncset.done $0x0  }
0x241: {  	[sflag:s7] =	ssyncadd.s32 $0xFFFFF800  }
0x242: {  	_ =	swait.ge [sflag:s7], $0x800  }
0x243: {  	[sflag:s7] =	ssyncset.done $0x0  }
0x244: {  	[sflag:s7] =	ssyncadd.s32 $0xFFFFF800  }
0x245: {  	_ =	swait.ge [sflag:s7], $0x800  }
0x246: {  	[sflag:s7] =	ssyncset.done $0x0  }
0x247: {  	[sflag:s7] =	ssyncadd.s32 $0xFFFFF800  }
0x248: {  	_ =	swait.ge [sflag:s7], $0x800  }
0x249: {  	[sflag:s7] =	ssyncset.done $0x0  }
0x24a: {  	s17 =	rddreg [dreg:$0xb];
	[sflag:s7] =	ssyncadd.s32 $0xFFFFF800  }
0x24b: {  	[hbm4b:s17+s2] =	stream.linear.scatter [tilespmem:s3], [sflag:$0x3], $0x2000, $0x38;
	[tilespmem:$0x5A00] =	vst v63  }
0x24c: {  	_ =	swait.ge [sflag:s5], $0x2000  }
0x24d: {  	[sflag:s5] =	ssyncset.done $0x0  }
0x24e: {  	[sflag:s5] =	ssyncadd.s32 $0xFFFFE000  }
0x24f: {  	[tilespmem:s3], [sflag:$0x1] =	stream.indirect.gather [hbm4b:s4+s6], $0x10, s26, s6, $0xb8;
	[tilespmem:$0x5A00] =	vst v63  }
0x250: {  	_ = 	snop  }
0x251: {  	[tilespmem:s10], [sflag:$0x1] =	stream.indirect.gather [hbm4b:s4+s6], $0x10, s28, s6, $0xb8;
	[tilespmem:$0x5A00] =	vst v63  }
0x252: {  	_ = 	snop  }
0x253: {  	[tilespmem:s11], [sflag:$0x1] =	stream.indirect.gather [hbm4b:s4+s6], $0x10, s29, s6, $0xb8;
	[tilespmem:$0x5A00] =	vst v63  }
0x254: {  	_ = 	snop  }
0x255: {  	[tilespmem:s12], [sflag:$0x1] =	stream.indirect.gather [hbm4b:s4+s6], $0x10, s30, s6, $0xb8;
	[tilespmem:$0x5A00] =	vst v63  }
0x256: {  	_ =	swait.ge [sflag:s13], $0x800  }
0x257: {  	[sflag:s13] =	ssyncset.done $0x0  }
0x258: {  	[sflag:s13] =	ssyncadd.s32 $0xFFFFF800  }
0x259: {  	_ =	swait.ge [sflag:s13], $0x800  }
0x25a: {  	[sflag:s13] =	ssyncset.done $0x0  }
0x25b: {  	[sflag:s13] =	ssyncadd.s32 $0xFFFFF800  }
0x25c: {  	_ =	swait.ge [sflag:s13], $0x800  }
0x25d: {  	[sflag:s13] =	ssyncset.done $0x0  }
0x25e: {  	[sflag:s13] =	ssyncadd.s32 $0xFFFFF800  }
0x25f: {  	_ =	swait.ge [sflag:s13], $0x800  }
0x260: {  	[sflag:s13] =	ssyncset.done $0x0  }
0x261: {  	s17 =	rddreg [dreg:$0xc];
	[sflag:s13] =	ssyncadd.s32 $0xFFFFF800  }
0x262: {  	[hbm4b:s17+s2] =	stream.linear.scatter [tilespmem:s8], [sflag:$0x4], $0x2000, $0x38;
	[tilespmem:$0x5A00] =	vst v63  }
0x263: {  	_ =	swait.ge [sflag:s9], $0x2000  }
0x264: {  	[sflag:s9] =	ssyncset.done $0x0  }
0x265: {  	s17 =	simm.s32 $0x1600;
	[sflag:s9] =	ssyncadd.s32 $0xFFFFE000  }
0x266: {  	[tilespmem:s8], [sflag:$0x2] =	stream.indirect.gather [hbm4b:s4+s6], $0x10, s17, s6, $0xb8;
	[tilespmem:$0x5A00] =	vst v63  }
0x267: {  	_ = 	snop  }
0x268: {  	[tilespmem:s14], [sflag:$0x2] =	stream.indirect.gather [hbm4b:s4+s6], $0x10, s23, s6, $0xb8;
	[tilespmem:$0x5A00] =	vst v63  }
0x269: {  	_ = 	snop  }
0x26a: {  	[tilespmem:s15], [sflag:$0x2] =	stream.indirect.gather [hbm4b:s4+s6], $0x10, s24, s6, $0xb8;
	[tilespmem:$0x5A00] =	vst v63  }
0x26b: {  	_ = 	snop  }
0x26c: {  	[tilespmem:s16], [sflag:$0x2] =	stream.indirect.gather [hbm4b:s4+s6], $0x10, s25, s6, $0xb8;
	[tilespmem:$0x5A00] =	vst v63  }
0x26d: {  	_ =	swait.ge [sflag:s7], $0x800  }
0x26e: {  	[sflag:s7] =	ssyncset.done $0x0  }
0x26f: {  	[sflag:s7] =	ssyncadd.s32 $0xFFFFF800  }
0x270: {  	_ =	swait.ge [sflag:s7], $0x800  }
0x271: {  	[sflag:s7] =	ssyncset.done $0x0  }
0x272: {  	[sflag:s7] =	ssyncadd.s32 $0xFFFFF800  }
0x273: {  	_ =	swait.ge [sflag:s7], $0x800  }
0x274: {  	[sflag:s7] =	ssyncset.done $0x0  }
0x275: {  	[sflag:s7] =	ssyncadd.s32 $0xFFFFF800  }
0x276: {  	_ =	swait.ge [sflag:s7], $0x800  }
0x277: {  	[sflag:s7] =	ssyncset.done $0x0  }
0x278: {  	s17 =	rddreg [dreg:$0xd];
	[sflag:s7] =	ssyncadd.s32 $0xFFFFF800  }
0x279: {  	[hbm4b:s17+s2] =	stream.linear.scatter [tilespmem:s3], [sflag:$0x3], $0x2000, $0x38;
	[tilespmem:$0x5A00] =	vst v63  }
0x27a: {  	_ =	swait.ge [sflag:s5], $0x2000  }
0x27b: {  	[sflag:s5] =	ssyncset.done $0x0  }
0x27c: {  	[sflag:s5] =	ssyncadd.s32 $0xFFFFE000  }
0x27d: {  	[tilespmem:s3], [sflag:$0x1] =	stream.indirect.gather [hbm4b:s4+s6], $0x10, s18, s6, $0xb8;
	[tilespmem:$0x5A00] =	vst v63  }
0x27e: {  	_ = 	snop  }
0x27f: {  	[tilespmem:s10], [sflag:$0x1] =	stream.indirect.gather [hbm4b:s4+s6], $0x10, s19, s6, $0xb8;
	[tilespmem:$0x5A00] =	vst v63  }
0x280: {  	_ = 	snop  }
0x281: {  	[tilespmem:s11], [sflag:$0x1] =	stream.indirect.gather [hbm4b:s4+s6], $0x10, s20, s6, $0xb8;
	[tilespmem:$0x5A00] =	vst v63  }
0x282: {  	_ = 	snop  }
0x283: {  	[tilespmem:s12], [sflag:$0x1] =	stream.indirect.gather [hbm4b:s4+s6], $0x10, s21, s6, $0xb8;
	[tilespmem:$0x5A00] =	vst v63  }
0x284: {  	_ =	swait.ge [sflag:s13], $0x800  }
0x285: {  	[sflag:s13] =	ssyncset.done $0x0  }
0x286: {  	[sflag:s13] =	ssyncadd.s32 $0xFFFFF800  }
0x287: {  	_ =	swait.ge [sflag:s13], $0x800  }
0x288: {  	[sflag:s13] =	ssyncset.done $0x0  }
0x289: {  	[sflag:s13] =	ssyncadd.s32 $0xFFFFF800  }
0x28a: {  	_ =	swait.ge [sflag:s13], $0x800  }
0x28b: {  	[sflag:s13] =	ssyncset.done $0x0  }
0x28c: {  	[sflag:s13] =	ssyncadd.s32 $0xFFFFF800  }
0x28d: {  	_ =	swait.ge [sflag:s13], $0x800  }
0x28e: {  	[sflag:s13] =	ssyncset.done $0x0  }
0x28f: {  	s17 =	rddreg [dreg:$0xe];
	[sflag:s13] =	ssyncadd.s32 $0xFFFFF800  }
0x290: {  	[hbm4b:s17+s2] =	stream.linear.scatter [tilespmem:s8], [sflag:$0x4], $0x2000, $0x38;
	[tilespmem:$0x5A00] =	vst v63  }
0x291: {  	_ =	swait.ge [sflag:s7], $0x800  }
0x292: {  	[sflag:s7] =	ssyncset.done $0x0  }
0x293: {  	[sflag:s7] =	ssyncadd.s32 $0xFFFFF800  }
0x294: {  	_ =	swait.ge [sflag:s7], $0x800  }
0x295: {  	[sflag:s7] =	ssyncset.done $0x0  }
0x296: {  	[sflag:s7] =	ssyncadd.s32 $0xFFFFF800  }
0x297: {  	_ =	swait.ge [sflag:s7], $0x800  }
0x298: {  	[sflag:s7] =	ssyncset.done $0x0  }
0x299: {  	[sflag:s7] =	ssyncadd.s32 $0xFFFFF800  }
0x29a: {  	_ =	swait.ge [sflag:s7], $0x800  }
0x29b: {  	[sflag:s7] =	ssyncset.done $0x0  }
0x29c: {  	p1 =	sne.s32 s1, $0x1;
	s17 =	rddreg [dreg:$0xf];
	[sflag:s7] =	ssyncadd.s32 $0xFFFFF800  }
0x29d: {  	[hbm4b:s17+s2] =	stream.linear.scatter [tilespmem:s3], [sflag:$0x3], $0x2000, $0x38;
	[tilespmem:$0x5A00] =	vst v63  }
.Ltmp2:
0x29e: {  	_ =	swait.ge [sflag:s9], $0x2000;
	(pc) =	sbr.rel @p1 .LBB2_4-.Ltmp2, $4  }
0x29f: {  	[sflag:s9] =	ssyncset.done $0x0  }
0x2a0: {  	[sflag:s9] =	ssyncadd.s32 $0xFFFFE000  }
0x2a1: {  	_ =	swait.ge [sflag:s5], $0x2000  }
0x2a2: {  	s1 =	sadd.s32 $0xFFFFFFFF, s1;
	s0 =	rddreg [dreg:$0x2];
	[sflag:s5] =	ssyncset.done $0x0  }
0x2a3: {  	s21 =	simm.s32 $0x1380  }
0x2a4: {  	s30 =	simm.s32 $0x1580;
	s29 =	simm.s32 $0x1500;
	s28 =	simm.s32 $0x1480  }
0x2a5: {  	s26 =	simm.s32 $0x1400;
	s25 =	simm.s32 $0x1780;
	s24 =	simm.s32 $0x1700  }
0x2a6: {  	s23 =	simm.s32 $0x1680;
	s22 =	simm.s32 $0x1600;
	s20 =	simm.s32 $0x1900  }
0x2a7: {  	s19 =	simm.s32 $0x1880;
	s18 =	simm.s32 $0x1800;
	s17 =	stileid.u32  }
.LBB2_6:
0x2a8: {  	[sflag:s5] =	ssyncadd.s32 @p0 $0xFFFFE000  }
0x2a9: {  	[tilespmem:s2], [sflag:$0x5] =	stream.linear.gather [hbm4b:s0+s2], $0x1A00, $0x38;
	[tilespmem:$0x5A00] =	vst v63  }
0x2aa: {  	_ =	swait.ge [sflag:s31], $0x1A00  }
0x2ab: {  	[sflag:s31] =	ssyncset.done $0x0  }
0x2ac: {  	[sflag:s31] =	ssyncadd.s32 $0xFFFFE600  }
0x2ad: {  	[tilespmem:s3], [sflag:$0x1] =	stream.indirect.gather [hbm4b:s4+s6], $0x10, s2, s6, $0xb8;
	[tilespmem:$0x5A00] =	vst v63  }
0x2ae: {  	_ = 	snop  }
0x2af: {  	[tilespmem:s10], [sflag:$0x1] =	stream.indirect.gather [hbm4b:s4+s6], $0x10, s6, s6, $0xb8;
	[tilespmem:$0x5A00] =	vst v63  }
0x2b0: {  	s31 =	rddreg [dreg:$0x10]  }
0x2b1: {  	[tilespmem:s11], [sflag:$0x1] =	stream.indirect.gather [hbm4b:s4+s6], $0x10, s31, s6, $0xb8;
	[tilespmem:$0x5A00] =	vst v63  }
0x2b2: {  	s1 =	rddreg [dreg:$0x11]  }
0x2b3: {  	[tilespmem:s12], [sflag:$0x1] =	stream.indirect.gather [hbm4b:s4+s6], $0x10, s1, s6, $0xb8;
	[tilespmem:$0x5A00] =	vst v63  }
0x2b4: {  	s0 =	rddreg [dreg:$0x12]  }
0x2b5: {  	[tilespmem:s8], [sflag:$0x2] =	stream.indirect.gather [hbm4b:s4+s6], $0x10, s0, s6, $0xb8;
	[tilespmem:$0x5A00] =	vst v63  }
0x2b6: {  	s31 =	rddreg [dreg:$0x13]  }
0x2b7: {  	[tilespmem:s14], [sflag:$0x2] =	stream.indirect.gather [hbm4b:s4+s6], $0x10, s31, s6, $0xb8;
	[tilespmem:$0x5A00] =	vst v63  }
0x2b8: {  	s0 =	rddreg [dreg:$0x14]  }
0x2b9: {  	[tilespmem:s15], [sflag:$0x2] =	stream.indirect.gather [hbm4b:s4+s6], $0x10, s0, s6, $0xb8;
	[tilespmem:$0x5A00] =	vst v63  }
0x2ba: {  	s31 =	rddreg [dreg:$0x15]  }
0x2bb: {  	[tilespmem:s16], [sflag:$0x2] =	stream.indirect.gather [hbm4b:s4+s6], $0x10, s31, s6, $0xb8;
	[tilespmem:$0x5A00] =	vst v63  }
0x2bc: {  	_ =	swait.ge [sflag:s7], $0x800  }
0x2bd: {  	[sflag:s7] =	ssyncset.done $0x0  }
0x2be: {  	[sflag:s7] =	ssyncadd.s32 $0xFFFFF800  }
0x2bf: {  	_ =	swait.ge [sflag:s7], $0x800  }
0x2c0: {  	[sflag:s7] =	ssyncset.done $0x0  }
0x2c1: {  	[sflag:s7] =	ssyncadd.s32 $0xFFFFF800  }
0x2c2: {  	_ =	swait.ge [sflag:s7], $0x800  }
0x2c3: {  	[sflag:s7] =	ssyncset.done $0x0  }
0x2c4: {  	[sflag:s7] =	ssyncadd.s32 $0xFFFFF800  }
0x2c5: {  	_ =	swait.ge [sflag:s7], $0x800  }
0x2c6: {  	[sflag:s7] =	ssyncset.done $0x0  }
0x2c7: {  	s31 =	rddreg [dreg:$0x3];
	[sflag:s7] =	ssyncadd.s32 $0xFFFFF800  }
0x2c8: {  	[hbm4b:s31+s2] =	stream.linear.scatter [tilespmem:s3], [sflag:$0x3], $0x2000, $0x38;
	[tilespmem:$0x5A00] =	vst v63  }
0x2c9: {  	_ =	swait.ge [sflag:s5], $0x2000  }
0x2ca: {  	[sflag:s5] =	ssyncset.done $0x0  }
0x2cb: {  	s1 =	rddreg [dreg:$0x16];
	[sflag:s5] =	ssyncadd.s32 $0xFFFFE000  }
0x2cc: {  	[tilespmem:s3], [sflag:$0x1] =	stream.indirect.gather [hbm4b:s4+s6], $0x10, s1, s6, $0xb8;
	[tilespmem:$0x5A00] =	vst v63  }
0x2cd: {  	s31 =	rddreg [dreg:$0x17]  }
0x2ce: {  	[tilespmem:s10], [sflag:$0x1] =	stream.indirect.gather [hbm4b:s4+s6], $0x10, s31, s6, $0xb8;
	[tilespmem:$0x5A00] =	vst v63  }
0x2cf: {  	s0 =	rddreg [dreg:$0x18]  }
0x2d0: {  	[tilespmem:s11], [sflag:$0x1] =	stream.indirect.gather [hbm4b:s4+s6], $0x10, s0, s6, $0xb8;
	[tilespmem:$0x5A00] =	vst v63  }
0x2d1: {  	s31 =	rddreg [dreg:$0x19]  }
0x2d2: {  	[tilespmem:s12], [sflag:$0x1] =	stream.indirect.gather [hbm4b:s4+s6], $0x10, s31, s6, $0xb8;
	[tilespmem:$0x5A00] =	vst v63  }
0x2d3: {  	_ =	swait.ge [sflag:s13], $0x800  }
0x2d4: {  	[sflag:s13] =	ssyncset.done $0x0  }
0x2d5: {  	[sflag:s13] =	ssyncadd.s32 $0xFFFFF800  }
0x2d6: {  	_ =	swait.ge [sflag:s13], $0x800  }
0x2d7: {  	[sflag:s13] =	ssyncset.done $0x0  }
0x2d8: {  	[sflag:s13] =	ssyncadd.s32 $0xFFFFF800  }
0x2d9: {  	_ =	swait.ge [sflag:s13], $0x800  }
0x2da: {  	[sflag:s13] =	ssyncset.done $0x0  }
0x2db: {  	[sflag:s13] =	ssyncadd.s32 $0xFFFFF800  }
0x2dc: {  	_ =	swait.ge [sflag:s13], $0x800  }
0x2dd: {  	[sflag:s13] =	ssyncset.done $0x0  }
0x2de: {  	s31 =	rddreg [dreg:$0x4];
	[sflag:s13] =	ssyncadd.s32 $0xFFFFF800  }
0x2df: {  	[hbm4b:s31+s2] =	stream.linear.scatter [tilespmem:s8], [sflag:$0x4], $0x2000, $0x38;
	[tilespmem:$0x5A00] =	vst v63  }
0x2e0: {  	_ =	swait.ge [sflag:s9], $0x2000  }
0x2e1: {  	[sflag:s9] =	ssyncset.done $0x0  }
0x2e2: {  	s1 =	rddreg [dreg:$0x1a];
	[sflag:s9] =	ssyncadd.s32 $0xFFFFE000  }
0x2e3: {  	[tilespmem:s8], [sflag:$0x2] =	stream.indirect.gather [hbm4b:s4+s6], $0x10, s1, s6, $0xb8;
	[tilespmem:$0x5A00] =	vst v63  }
0x2e4: {  	s31 =	rddreg [dreg:$0x1b]  }
0x2e5: {  	[tilespmem:s14], [sflag:$0x2] =	stream.indirect.gather [hbm4b:s4+s6], $0x10, s31, s6, $0xb8;
	[tilespmem:$0x5A00] =	vst v63  }
0x2e6: {  	s0 =	rddreg [dreg:$0x1c]  }
0x2e7: {  	[tilespmem:s15], [sflag:$0x2] =	stream.indirect.gather [hbm4b:s4+s6], $0x10, s0, s6, $0xb8;
	[tilespmem:$0x5A00] =	vst v63  }
0x2e8: {  	s31 =	rddreg [dreg:$0x1d]  }
0x2e9: {  	[tilespmem:s16], [sflag:$0x2] =	stream.indirect.gather [hbm4b:s4+s6], $0x10, s31, s6, $0xb8;
	[tilespmem:$0x5A00] =	vst v63  }
0x2ea: {  	_ =	swait.ge [sflag:s7], $0x800  }
0x2eb: {  	[sflag:s7] =	ssyncset.done $0x0  }
0x2ec: {  	[sflag:s7] =	ssyncadd.s32 $0xFFFFF800  }
0x2ed: {  	_ =	swait.ge [sflag:s7], $0x800  }
0x2ee: {  	[sflag:s7] =	ssyncset.done $0x0  }
0x2ef: {  	[sflag:s7] =	ssyncadd.s32 $0xFFFFF800  }
0x2f0: {  	_ =	swait.ge [sflag:s7], $0x800  }
0x2f1: {  	[sflag:s7] =	ssyncset.done $0x0  }
0x2f2: {  	[sflag:s7] =	ssyncadd.s32 $0xFFFFF800  }
0x2f3: {  	_ =	swait.ge [sflag:s7], $0x800  }
0x2f4: {  	[sflag:s7] =	ssyncset.done $0x0  }
0x2f5: {  	s31 =	rddreg [dreg:$0x5];
	[sflag:s7] =	ssyncadd.s32 $0xFFFFF800  }
0x2f6: {  	[hbm4b:s31+s2] =	stream.linear.scatter [tilespmem:s3], [sflag:$0x3], $0x2000, $0x38;
	[tilespmem:$0x5A00] =	vst v63  }
0x2f7: {  	_ =	swait.ge [sflag:s5], $0x2000  }
0x2f8: {  	s1 =	rddreg [dreg:$0x1e];
	[sflag:s5] =	ssyncset.done $0x0  }
0x2f9: {  	s31 =	rddreg [dreg:$0x1f];
	[sflag:s5] =	ssyncadd.s32 $0xFFFFE000  }
0x2fa: {  	[tilespmem:s3], [sflag:$0x1] =	stream.indirect.gather [hbm4b:s4+s6], $0x10, s1, s6, $0xb8;
	[tilespmem:$0x5A00] =	vst v63  }
0x2fb: {  	s0 =	sld [smem:$0x7E9]  }
0x2fc: {  	[tilespmem:s10], [sflag:$0x1] =	stream.indirect.gather [hbm4b:s4+s6], $0x10, s31, s6, $0xb8;
	[tilespmem:$0x5A00] =	vst v63  }
0x2fd: {  	s31 =	sld [smem:$0x7EA]  }
0x2fe: {  	[tilespmem:s11], [sflag:$0x1] =	stream.indirect.gather [hbm4b:s4+s6], $0x10, s0, s6, $0xb8;
	[tilespmem:$0x5A00] =	vst v63  }
0x2ff: {  	_ = 	snop  }
0x300: {  	[tilespmem:s12], [sflag:$0x1] =	stream.indirect.gather [hbm4b:s4+s6], $0x10, s31, s6, $0xb8;
	[tilespmem:$0x5A00] =	vst v63  }
0x301: {  	_ =	swait.ge [sflag:s13], $0x800  }
0x302: {  	[sflag:s13] =	ssyncset.done $0x0  }
0x303: {  	[sflag:s13] =	ssyncadd.s32 $0xFFFFF800  }
0x304: {  	_ =	swait.ge [sflag:s13], $0x800  }
0x305: {  	[sflag:s13] =	ssyncset.done $0x0  }
0x306: {  	[sflag:s13] =	ssyncadd.s32 $0xFFFFF800  }
0x307: {  	_ =	swait.ge [sflag:s13], $0x800  }
0x308: {  	[sflag:s13] =	ssyncset.done $0x0  }
0x309: {  	[sflag:s13] =	ssyncadd.s32 $0xFFFFF800  }
0x30a: {  	_ =	swait.ge [sflag:s13], $0x800  }
0x30b: {  	[sflag:s13] =	ssyncset.done $0x0  }
0x30c: {  	s31 =	rddreg [dreg:$0x6];
	[sflag:s13] =	ssyncadd.s32 $0xFFFFF800  }
0x30d: {  	[hbm4b:s31+s2] =	stream.linear.scatter [tilespmem:s8], [sflag:$0x4], $0x2000, $0x38;
	[tilespmem:$0x5A00] =	vst v63  }
0x30e: {  	_ =	swait.ge [sflag:s9], $0x2000  }
0x30f: {  	s1 =	sld [smem:$0x7EB]  }
0x310: {  	[sflag:s9] =	ssyncset.done $0x0  }
0x311: {  	s31 =	sld [smem:$0x7EC];
	[sflag:s9] =	ssyncadd.s32 $0xFFFFE000  }
0x312: {  	[tilespmem:s8], [sflag:$0x2] =	stream.indirect.gather [hbm4b:s4+s6], $0x10, s1, s6, $0xb8;
	[tilespmem:$0x5A00] =	vst v63  }
0x313: {  	s0 =	sld [smem:$0x7ED]  }
0x314: {  	[tilespmem:s14], [sflag:$0x2] =	stream.indirect.gather [hbm4b:s4+s6], $0x10, s31, s6, $0xb8;
	[tilespmem:$0x5A00] =	vst v63  }
0x315: {  	s31 =	sld [smem:$0x7EE]  }
0x316: {  	[tilespmem:s15], [sflag:$0x2] =	stream.indirect.gather [hbm4b:s4+s6], $0x10, s0, s6, $0xb8;
	[tilespmem:$0x5A00] =	vst v63  }
0x317: {  	_ = 	snop  }
0x318: {  	[tilespmem:s16], [sflag:$0x2] =	stream.indirect.gather [hbm4b:s4+s6], $0x10, s31, s6, $0xb8;
	[tilespmem:$0x5A00] =	vst v63  }
0x319: {  	_ =	swait.ge [sflag:s7], $0x800  }
0x31a: {  	[sflag:s7] =	ssyncset.done $0x0  }
0x31b: {  	[sflag:s7] =	ssyncadd.s32 $0xFFFFF800  }
0x31c: {  	_ =	swait.ge [sflag:s7], $0x800  }
0x31d: {  	[sflag:s7] =	ssyncset.done $0x0  }
0x31e: {  	[sflag:s7] =	ssyncadd.s32 $0xFFFFF800  }
0x31f: {  	_ =	swait.ge [sflag:s7], $0x800  }
0x320: {  	[sflag:s7] =	ssyncset.done $0x0  }
0x321: {  	[sflag:s7] =	ssyncadd.s32 $0xFFFFF800  }
0x322: {  	_ =	swait.ge [sflag:s7], $0x800  }
0x323: {  	[sflag:s7] =	ssyncset.done $0x0  }
0x324: {  	s31 =	rddreg [dreg:$0x7];
	[sflag:s7] =	ssyncadd.s32 $0xFFFFF800  }
0x325: {  	[hbm4b:s31+s2] =	stream.linear.scatter [tilespmem:s3], [sflag:$0x3], $0x2000, $0x38;
	[tilespmem:$0x5A00] =	vst v63  }
0x326: {  	_ =	swait.ge [sflag:s5], $0x2000  }
0x327: {  	s1 =	sld [smem:$0x7EF]  }
0x328: {  	[sflag:s5] =	ssyncset.done $0x0  }
0x329: {  	s31 =	sld [smem:$0x7F0];
	[sflag:s5] =	ssyncadd.s32 $0xFFFFE000  }
0x32a: {  	[tilespmem:s3], [sflag:$0x1] =	stream.indirect.gather [hbm4b:s4+s6], $0x10, s1, s6, $0xb8;
	[tilespmem:$0x5A00] =	vst v63  }
0x32b: {  	s0 =	sld [smem:$0x7F1]  }
0x32c: {  	[tilespmem:s10], [sflag:$0x1] =	stream.indirect.gather [hbm4b:s4+s6], $0x10, s31, s6, $0xb8;
	[tilespmem:$0x5A00] =	vst v63  }
0x32d: {  	s31 =	sld [smem:$0x7F2]  }
0x32e: {  	[tilespmem:s11], [sflag:$0x1] =	stream.indirect.gather [hbm4b:s4+s6], $0x10, s0, s6, $0xb8;
	[tilespmem:$0x5A00] =	vst v63  }
0x32f: {  	_ = 	snop  }
0x330: {  	[tilespmem:s12], [sflag:$0x1] =	stream.indirect.gather [hbm4b:s4+s6], $0x10, s31, s6, $0xb8;
	[tilespmem:$0x5A00] =	vst v63  }
0x331: {  	_ =	swait.ge [sflag:s13], $0x800  }
0x332: {  	[sflag:s13] =	ssyncset.done $0x0  }
0x333: {  	[sflag:s13] =	ssyncadd.s32 $0xFFFFF800  }
0x334: {  	_ =	swait.ge [sflag:s13], $0x800  }
0x335: {  	[sflag:s13] =	ssyncset.done $0x0  }
0x336: {  	[sflag:s13] =	ssyncadd.s32 $0xFFFFF800  }
0x337: {  	_ =	swait.ge [sflag:s13], $0x800  }
0x338: {  	[sflag:s13] =	ssyncset.done $0x0  }
0x339: {  	[sflag:s13] =	ssyncadd.s32 $0xFFFFF800  }
0x33a: {  	_ =	swait.ge [sflag:s13], $0x800  }
0x33b: {  	[sflag:s13] =	ssyncset.done $0x0  }
0x33c: {  	s31 =	rddreg [dreg:$0x8];
	[sflag:s13] =	ssyncadd.s32 $0xFFFFF800  }
0x33d: {  	[hbm4b:s31+s2] =	stream.linear.scatter [tilespmem:s8], [sflag:$0x4], $0x2000, $0x38;
	[tilespmem:$0x5A00] =	vst v63  }
0x33e: {  	_ =	swait.ge [sflag:s9], $0x2000  }
0x33f: {  	s1 =	sld [smem:$0x7F3]  }
0x340: {  	[sflag:s9] =	ssyncset.done $0x0  }
0x341: {  	s31 =	sld [smem:$0x7F4];
	[sflag:s9] =	ssyncadd.s32 $0xFFFFE000  }
0x342: {  	[tilespmem:s8], [sflag:$0x2] =	stream.indirect.gather [hbm4b:s4+s6], $0x10, s1, s6, $0xb8;
	[tilespmem:$0x5A00] =	vst v63  }
0x343: {  	s0 =	sld [smem:$0x7F5]  }
0x344: {  	[tilespmem:s14], [sflag:$0x2] =	stream.indirect.gather [hbm4b:s4+s6], $0x10, s31, s6, $0xb8;
	[tilespmem:$0x5A00] =	vst v63  }
0x345: {  	s31 =	sld [smem:$0x7F6]  }
0x346: {  	[tilespmem:s15], [sflag:$0x2] =	stream.indirect.gather [hbm4b:s4+s6], $0x10, s0, s6, $0xb8;
	[tilespmem:$0x5A00] =	vst v63  }
0x347: {  	_ = 	snop  }
0x348: {  	[tilespmem:s16], [sflag:$0x2] =	stream.indirect.gather [hbm4b:s4+s6], $0x10, s31, s6, $0xb8;
	[tilespmem:$0x5A00] =	vst v63  }
0x349: {  	_ =	swait.ge [sflag:s7], $0x800  }
0x34a: {  	[sflag:s7] =	ssyncset.done $0x0  }
0x34b: {  	[sflag:s7] =	ssyncadd.s32 $0xFFFFF800  }
0x34c: {  	_ =	swait.ge [sflag:s7], $0x800  }
0x34d: {  	[sflag:s7] =	ssyncset.done $0x0  }
0x34e: {  	[sflag:s7] =	ssyncadd.s32 $0xFFFFF800  }
0x34f: {  	_ =	swait.ge [sflag:s7], $0x800  }
0x350: {  	[sflag:s7] =	ssyncset.done $0x0  }
0x351: {  	[sflag:s7] =	ssyncadd.s32 $0xFFFFF800  }
0x352: {  	_ =	swait.ge [sflag:s7], $0x800  }
0x353: {  	[sflag:s7] =	ssyncset.done $0x0  }
0x354: {  	s31 =	rddreg [dreg:$0x9];
	[sflag:s7] =	ssyncadd.s32 $0xFFFFF800  }
0x355: {  	[hbm4b:s31+s2] =	stream.linear.scatter [tilespmem:s3], [sflag:$0x3], $0x2000, $0x38;
	[tilespmem:$0x5A00] =	vst v63  }
0x356: {  	_ =	swait.ge [sflag:s5], $0x2000  }
0x357: {  	s1 =	sld [smem:$0x7F7]  }
0x358: {  	[sflag:s5] =	ssyncset.done $0x0  }
0x359: {  	s31 =	sld [smem:$0x7F8];
	[sflag:s5] =	ssyncadd.s32 $0xFFFFE000  }
0x35a: {  	[tilespmem:s3], [sflag:$0x1] =	stream.indirect.gather [hbm4b:s4+s6], $0x10, s1, s6, $0xb8;
	[tilespmem:$0x5A00] =	vst v63  }
0x35b: {  	s0 =	sld [smem:$0x7F9]  }
0x35c: {  	[tilespmem:s10], [sflag:$0x1] =	stream.indirect.gather [hbm4b:s4+s6], $0x10, s31, s6, $0xb8;
	[tilespmem:$0x5A00] =	vst v63  }
0x35d: {  	s31 =	sld [smem:$0x7FA]  }
0x35e: {  	[tilespmem:s11], [sflag:$0x1] =	stream.indirect.gather [hbm4b:s4+s6], $0x10, s0, s6, $0xb8;
	[tilespmem:$0x5A00] =	vst v63  }
0x35f: {  	_ = 	snop  }
0x360: {  	[tilespmem:s12], [sflag:$0x1] =	stream.indirect.gather [hbm4b:s4+s6], $0x10, s31, s6, $0xb8;
	[tilespmem:$0x5A00] =	vst v63  }
0x361: {  	_ =	swait.ge [sflag:s13], $0x800  }
0x362: {  	[sflag:s13] =	ssyncset.done $0x0  }
0x363: {  	[sflag:s13] =	ssyncadd.s32 $0xFFFFF800  }
0x364: {  	_ =	swait.ge [sflag:s13], $0x800  }
0x365: {  	[sflag:s13] =	ssyncset.done $0x0  }
0x366: {  	[sflag:s13] =	ssyncadd.s32 $0xFFFFF800  }
0x367: {  	_ =	swait.ge [sflag:s13], $0x800  }
0x368: {  	[sflag:s13] =	ssyncset.done $0x0  }
0x369: {  	[sflag:s13] =	ssyncadd.s32 $0xFFFFF800  }
0x36a: {  	_ =	swait.ge [sflag:s13], $0x800  }
0x36b: {  	[sflag:s13] =	ssyncset.done $0x0  }
0x36c: {  	s1 =	rddreg [dreg:$0xa];
	[sflag:s13] =	ssyncadd.s32 $0xFFFFF800  }
0x36d: {  	[hbm4b:s1+s2] =	stream.linear.scatter [tilespmem:s8], [sflag:$0x4], $0x2000, $0x38;
	[tilespmem:$0x5A00] =	vst v63  }
0x36e: {  	_ =	swait.ge [sflag:s9], $0x2000  }
0x36f: {  	s31 =	sld [smem:$0x7FB]  }
0x370: {  	[sflag:s9] =	ssyncset.done $0x0  }
0x371: {  	s1 =	sld [smem:$0x7FC];
	[sflag:s9] =	ssyncadd.s32 $0xFFFFE000  }
0x372: {  	[tilespmem:s8], [sflag:$0x2] =	stream.indirect.gather [hbm4b:s4+s6], $0x10, s31, s6, $0xb8;
	[tilespmem:$0x5A00] =	vst v63  }
0x373: {  	s31 =	sld [smem:$0x7FD]  }
0x374: {  	[tilespmem:s14], [sflag:$0x2] =	stream.indirect.gather [hbm4b:s4+s6], $0x10, s1, s6, $0xb8;
	[tilespmem:$0x5A00] =	vst v63  }
0x375: {  	_ = 	snop  }
0x376: {  	[tilespmem:s15], [sflag:$0x2] =	stream.indirect.gather [hbm4b:s4+s6], $0x10, s31, s6, $0xb8;
	[tilespmem:$0x5A00] =	vst v63  }
0x377: {  	_ = 	snop  }
0x378: {  	[tilespmem:s16], [sflag:$0x2] =	stream.indirect.gather [hbm4b:s4+s6], $0x10, s21, s6, $0xb8;
	[tilespmem:$0x5A00] =	vst v63  }
0x379: {  	_ =	swait.ge [sflag:s7], $0x800  }
0x37a: {  	[sflag:s7] =	ssyncset.done $0x0  }
0x37b: {  	[sflag:s7] =	ssyncadd.s32 $0xFFFFF800  }
0x37c: {  	_ =	swait.ge [sflag:s7], $0x800  }
0x37d: {  	[sflag:s7] =	ssyncset.done $0x0  }
0x37e: {  	[sflag:s7] =	ssyncadd.s32 $0xFFFFF800  }
0x37f: {  	_ =	swait.ge [sflag:s7], $0x800  }
0x380: {  	[sflag:s7] =	ssyncset.done $0x0  }
0x381: {  	[sflag:s7] =	ssyncadd.s32 $0xFFFFF800  }
0x382: {  	_ =	swait.ge [sflag:s7], $0x800  }
0x383: {  	[sflag:s7] =	ssyncset.done $0x0  }
0x384: {  	s21 =	rddreg [dreg:$0xb];
	[sflag:s7] =	ssyncadd.s32 $0xFFFFF800  }
0x385: {  	[hbm4b:s21+s2] =	stream.linear.scatter [tilespmem:s3], [sflag:$0x3], $0x2000, $0x38;
	[tilespmem:$0x5A00] =	vst v63  }
0x386: {  	_ =	swait.ge [sflag:s5], $0x2000  }
0x387: {  	[sflag:s5] =	ssyncset.done $0x0  }
0x388: {  	[sflag:s5] =	ssyncadd.s32 $0xFFFFE000  }
0x389: {  	[tilespmem:s3], [sflag:$0x1] =	stream.indirect.gather [hbm4b:s4+s6], $0x10, s26, s6, $0xb8;
	[tilespmem:$0x5A00] =	vst v63  }
0x38a: {  	_ = 	snop  }
0x38b: {  	[tilespmem:s10], [sflag:$0x1] =	stream.indirect.gather [hbm4b:s4+s6], $0x10, s28, s6, $0xb8;
	[tilespmem:$0x5A00] =	vst v63  }
0x38c: {  	_ = 	snop  }
0x38d: {  	[tilespmem:s11], [sflag:$0x1] =	stream.indirect.gather [hbm4b:s4+s6], $0x10, s29, s6, $0xb8;
	[tilespmem:$0x5A00] =	vst v63  }
0x38e: {  	_ = 	snop  }
0x38f: {  	[tilespmem:s12], [sflag:$0x1] =	stream.indirect.gather [hbm4b:s4+s6], $0x10, s30, s6, $0xb8;
	[tilespmem:$0x5A00] =	vst v63  }
0x390: {  	_ =	swait.ge [sflag:s13], $0x800  }
0x391: {  	[sflag:s13] =	ssyncset.done $0x0  }
0x392: {  	[sflag:s13] =	ssyncadd.s32 $0xFFFFF800  }
0x393: {  	_ =	swait.ge [sflag:s13], $0x800  }
0x394: {  	[sflag:s13] =	ssyncset.done $0x0  }
0x395: {  	[sflag:s13] =	ssyncadd.s32 $0xFFFFF800  }
0x396: {  	_ =	swait.ge [sflag:s13], $0x800  }
0x397: {  	[sflag:s13] =	ssyncset.done $0x0  }
0x398: {  	[sflag:s13] =	ssyncadd.s32 $0xFFFFF800  }
0x399: {  	_ =	swait.ge [sflag:s13], $0x800  }
0x39a: {  	[sflag:s13] =	ssyncset.done $0x0  }
0x39b: {  	s26 =	rddreg [dreg:$0xc];
	[sflag:s13] =	ssyncadd.s32 $0xFFFFF800  }
0x39c: {  	[hbm4b:s26+s2] =	stream.linear.scatter [tilespmem:s8], [sflag:$0x4], $0x2000, $0x38;
	[tilespmem:$0x5A00] =	vst v63  }
0x39d: {  	_ =	swait.ge [sflag:s9], $0x2000  }
0x39e: {  	[sflag:s9] =	ssyncset.done $0x0  }
0x39f: {  	[sflag:s9] =	ssyncadd.s32 $0xFFFFE000  }
0x3a0: {  	[tilespmem:s8], [sflag:$0x2] =	stream.indirect.gather [hbm4b:s4+s6], $0x10, s22, s6, $0xb8;
	[tilespmem:$0x5A00] =	vst v63  }
0x3a1: {  	_ = 	snop  }
0x3a2: {  	[tilespmem:s14], [sflag:$0x2] =	stream.indirect.gather [hbm4b:s4+s6], $0x10, s23, s6, $0xb8;
	[tilespmem:$0x5A00] =	vst v63  }
0x3a3: {  	_ = 	snop  }
0x3a4: {  	[tilespmem:s15], [sflag:$0x2] =	stream.indirect.gather [hbm4b:s4+s6], $0x10, s24, s6, $0xb8;
	[tilespmem:$0x5A00] =	vst v63  }
0x3a5: {  	_ = 	snop  }
0x3a6: {  	[tilespmem:s16], [sflag:$0x2] =	stream.indirect.gather [hbm4b:s4+s6], $0x10, s25, s6, $0xb8;
	[tilespmem:$0x5A00] =	vst v63  }
0x3a7: {  	_ =	swait.ge [sflag:s7], $0x800  }
0x3a8: {  	[sflag:s7] =	ssyncset.done $0x0  }
0x3a9: {  	[sflag:s7] =	ssyncadd.s32 $0xFFFFF800  }
0x3aa: {  	_ =	swait.ge [sflag:s7], $0x800  }
0x3ab: {  	[sflag:s7] =	ssyncset.done $0x0  }
0x3ac: {  	[sflag:s7] =	ssyncadd.s32 $0xFFFFF800  }
0x3ad: {  	_ =	swait.ge [sflag:s7], $0x800  }
0x3ae: {  	[sflag:s7] =	ssyncset.done $0x0  }
0x3af: {  	[sflag:s7] =	ssyncadd.s32 $0xFFFFF800  }
0x3b0: {  	_ =	swait.ge [sflag:s7], $0x800  }
0x3b1: {  	[sflag:s7] =	ssyncset.done $0x0  }
0x3b2: {  	s28 =	rddreg [dreg:$0xd];
	[sflag:s7] =	ssyncadd.s32 $0xFFFFF800  }
0x3b3: {  	[hbm4b:s28+s2] =	stream.linear.scatter [tilespmem:s3], [sflag:$0x3], $0x2000, $0x38;
	[tilespmem:$0x5A00] =	vst v63  }
0x3b4: {  	_ =	swait.ge [sflag:s5], $0x2000  }
0x3b5: {  	[sflag:s5] =	ssyncset.done $0x0  }
0x3b6: {  	[sflag:s5] =	ssyncadd.s32 $0xFFFFE000  }
0x3b7: {  	[tilespmem:s3], [sflag:$0x1] =	stream.indirect.gather [hbm4b:s4+s6], $0x10, s18, s6, $0xb8;
	[tilespmem:$0x5A00] =	vst v63  }
0x3b8: {  	_ = 	snop  }
0x3b9: {  	[tilespmem:s10], [sflag:$0x1] =	stream.indirect.gather [hbm4b:s4+s6], $0x10, s19, s6, $0xb8;
	[tilespmem:$0x5A00] =	vst v63  }
0x3ba: {  	_ = 	snop  }
0x3bb: {  	[tilespmem:s11], [sflag:$0x1] =	stream.indirect.gather [hbm4b:s4+s6], $0x10, s20, s6, $0xb8;
	[tilespmem:$0x5A00] =	vst v63  }
0x3bc: {  	s29 =	simm.s32 $0x1980  }
0x3bd: {  	[tilespmem:s12], [sflag:$0x1] =	stream.indirect.gather [hbm4b:s4+s6], $0x10, s29, s6, $0xb8;
	[tilespmem:$0x5A00] =	vst v63  }
0x3be: {  	_ =	swait.ge [sflag:s13], $0x800  }
0x3bf: {  	[sflag:s13] =	ssyncset.done $0x0  }
0x3c0: {  	[sflag:s13] =	ssyncadd.s32 $0xFFFFF800  }
0x3c1: {  	_ =	swait.ge [sflag:s13], $0x800  }
0x3c2: {  	[sflag:s13] =	ssyncset.done $0x0  }
0x3c3: {  	[sflag:s13] =	ssyncadd.s32 $0xFFFFF800  }
0x3c4: {  	_ =	swait.ge [sflag:s13], $0x800  }
0x3c5: {  	[sflag:s13] =	ssyncset.done $0x0  }
0x3c6: {  	[sflag:s13] =	ssyncadd.s32 $0xFFFFF800  }
0x3c7: {  	_ =	swait.ge [sflag:s13], $0x800  }
0x3c8: {  	[sflag:s13] =	ssyncset.done $0x0  }
0x3c9: {  	s30 =	rddreg [dreg:$0xe];
	[sflag:s13] =	ssyncadd.s32 $0xFFFFF800  }
0x3ca: {  	[hbm4b:s30+s2] =	stream.linear.scatter [tilespmem:s8], [sflag:$0x4], $0x2000, $0x38;
	[tilespmem:$0x5A00] =	vst v63  }
0x3cb: {  	_ =	swait.ge [sflag:s7], $0x800  }
0x3cc: {  	[sflag:s7] =	ssyncset.done $0x0  }
0x3cd: {  	[sflag:s7] =	ssyncadd.s32 $0xFFFFF800  }
0x3ce: {  	_ =	swait.ge [sflag:s7], $0x800  }
0x3cf: {  	[sflag:s7] =	ssyncset.done $0x0  }
0x3d0: {  	[sflag:s7] =	ssyncadd.s32 $0xFFFFF800  }
0x3d1: {  	_ =	swait.ge [sflag:s7], $0x800  }
0x3d2: {  	[sflag:s7] =	ssyncset.done $0x0  }
0x3d3: {  	[sflag:s7] =	ssyncadd.s32 $0xFFFFF800  }
0x3d4: {  	_ =	swait.ge [sflag:s7], $0x800  }
0x3d5: {  	[sflag:s7] =	ssyncset.done $0x0  }
0x3d6: {  	s31 =	rddreg [dreg:$0xf];
	[sflag:s7] =	ssyncadd.s32 $0xFFFFF800  }
0x3d7: {  	[hbm4b:s31+s2] =	stream.linear.scatter [tilespmem:s3], [sflag:$0x3], $0x2000, $0x38;
	[tilespmem:$0x5A00] =	vst v63  }
0x3d8: {  	_ =	swait.ge [sflag:s9], $0x2000  }
0x3d9: {  	[sflag:s9] =	ssyncset.done $0x0  }
0x3da: {  	[sflag:s9] =	ssyncadd.s32 $0xFFFFE000  }
0x3db: {  	_ =	swait.ge [sflag:s5], $0x2000  }
0x3dc: {  	[sflag:s5] =	ssyncset.done $0x0  }
0x3dd: {  	[sflag:s5] =	ssyncadd.s32 $0xFFFFE000  }
0x3de: {  	_ =	sfence.sel $0x180000  }
0x3df: {  	[bflag:$0x0] =	sbarrier.arrive $0xFFFF  }
0x3e0: {  	_ =	strace $0x9000004A  }
0x3e1: {  	[bflag:$0x2] =	sbarrier.arrive $0xFFFF  }
0x3e2: {  	p0 =	sne.s32 s17, $0x0;
	s0 =	rddreg [dreg:$0x1]  }
0x3e3: {  	s0 =	sadd.s32 @!p0 $0x100000, s0  }
0x3e4: {  	[sflag:s0] =	ssyncadd.tile.s32 @!p0 $0x1;
	_ =	shalt  }
.LBB2_1:
.Ltmp3:
0x3e5: {  	(pc) =	sbr.rel .LBB2_6-.Ltmp3, $4  }
0x3e6: {  	s21 =	simm.s32 $0x1380;
	s30 =	simm.s32 $0x1580;
	s29 =	simm.s32 $0x1500  }
0x3e7: {  	s28 =	simm.s32 $0x1480;
	s26 =	simm.s32 $0x1400;
	s25 =	simm.s32 $0x1780  }
0x3e8: {  	s24 =	simm.s32 $0x1700;
	s23 =	simm.s32 $0x1680;
	s22 =	simm.s32 $0x1600  }
0x3e9: {  	s20 =	simm.s32 $0x1900;
	s19 =	simm.s32 $0x1880;
	s18 =	simm.s32 $0x1800  }
.LBB2_3:
.Ltmp4:
0x3ea: {  	s21 =	simm.s32 $0x1380;
	(pc) =	sbr.rel .LBB2_6-.Ltmp4, $4  }
0x3eb: {  	s30 =	simm.s32 $0x1580;
	s29 =	simm.s32 $0x1500;
	s28 =	simm.s32 $0x1480  }
0x3ec: {  	s26 =	simm.s32 $0x1400;
	s25 =	simm.s32 $0x1780;
	s24 =	simm.s32 $0x1700  }
0x3ed: {  	s23 =	simm.s32 $0x1680;
	s22 =	simm.s32 $0x1600;
	s20 =	simm.s32 $0x1900  }
0x3ee: {  	s19 =	simm.s32 $0x1880;
	s18 =	simm.s32 $0x1800;
	s17 =	stileid.u32  }
.Lfunc_end2:
_tile_overlayer_lowered:
.L_overlay_start_2:
0x3ef: {  	(tag) =	ssettag $0x2  }
0x3f0: {  	s0 =	rddreg [dreg:$0x0];
	s2 =	stileid.u32  }
0x3f1: {  	s1 =	rddreg [dreg:$0x1];
	p0 =	sne.s32 s2, $0x0  }
0x3f2: {  	s3 =	rddreg [dreg:$0x2];
	[bflag:$0x3] =	sbarrier.arrive $0xFFFF;
	s2 =	simm.s32 @!p0 $0x1C05  }
0x3f3: {  	[timem:s3], [sflag:s2] =	dma.local @!p0 [hbm:s0], s1  }
0x3f4: {  	s0 =	simm.s32 @!p0 $0x5  }
0x3f5: {  	_ =	swait.ge @!p0 [sflag:s0], s1  }
0x3f6: {  	s1 =	ssub.s32 @!p0 $0x0, s1;
	[sflag:s0] =	ssyncset.done @!p0 $0x0  }
0x3f7: {  	[sflag:s0] =	ssyncadd.s32 @!p0 s1  }
0x3f8: {  	[bflag:$0x3] =	sbarrier.arrive $0xFFFF  }
0x3f9: {  	_ =	shalt  }

// kernel: kernel.9.cloned.1.call-start
scs
__scs_entry_jumppad:
0x0: {  	(pc) =	sbr.rel $0x88, $3  }
0x1: {  	(tag) =	ssettag $0x0;
	lr =	simm.s32 $0x1  }
0x2: {  	[smem:$0x3F97] =	sst lr;
	_ =	strace $0xD0000000  }
0x3: {  	_ = 	snop  }
0x4: {  	_ = 	snop  }
0x5: {  	_ = 	snop  }
0x6: {  	_ = 	snop  }
0x7: {  	_ = 	snop  }
__scs_overlays_trampoline_lowered:
0x8: {  	[smem:$0x3FA6] =	sst s0  }
0x9: {  	[smem:$0x3FA7] =	sst s1  }
0xa: {  	[smem:$0x3FA8] =	sst s2  }
0xb: {  	[smem:$0x3FA9] =	sst s3  }
0xc: {  	[smem:$0x3FAA] =	sst s4  }
0xd: {  	[smem:$0x3FAB] =	sst s5  }
0xe: {  	[smem:$0x3FAC] =	sst s6  }
0xf: {  	[smem:$0x3FAD] =	sst s7  }
0x10: {  	[smem:$0x3FAE] =	sst s8  }
0x11: {  	[smem:$0x3FAF] =	sst s9;
	s0 =	simm.s32 @!p0 $0x0  }
0x12: {  	s1 =	sld [smem:$0x3F95];
	s0 =	simm.s32 @p0 $0x1  }
0x13: {  	[smem:$0x3FB0] =	sst s0;
	s0 =	simm.s32 @!p1 $0x0  }
0x14: {  	s2 =	sld [smem:$0x3F94];
	s0 =	simm.s32 @p1 $0x1  }
0x15: {  	[smem:$0x3FB1] =	sst s0;
	s0 =	simm.s32 @!p2 $0x0  }
0x16: {  	s3 =	sld [smem:$0x3FDB];
	s0 =	simm.s32 @p2 $0x1  }
0x17: {  	s4 =	simm.s32 $0x1BF5;
	[smem:$0x3FB3] =	sst s0  }
0x18: {  	s0 =	sld [smem:$0x3F96];
	_ =	swait.ge [sflag:s4], $0x0  }
0x19: {  	s7 =	sld [smem:$0x3F97]  }
0x1a: {  	s8 =	sadd.s32 $0xFFFFE003, lr  }
0x1b: {  	s9 =	sadd.s32 $0xFFFFFEF7, lr;
	s5 =	simm.s32 $0xFFFFFFFF;
	p2 =	slt.u32 s8, $0xFFFFF086  }
0x1c: {  	p1 =	slt.u32 s9, $0xF7A;
	s5 =	simm.s32 @!p2 $0x0  }
0x1d: {  	s5 =	simm.s32 @p1 $0x1;
	p0 =	seq.s32 s7, s2  }
0x1e: {  	s7 =	smul.u32 @!p0 $0xF7A, s2;
	p2 =	seq.s32 @!p0 s5, $0x0  }
0x1f: {  	s9 =	smul.u32 $0xF7A, s1;
	s8 =	simm.s32 @!p0 $0x1BF5;
	p2 =	por !p2, p0  }
0x20: {  	[sflag:s8] =	ssyncset.s32 @!p0 $0xFFFFF086;
	s6 =	sadd.s32 @!p0 s3, s7;
	s7 =	simm.s32 @!p0 $0x108  }
0x21: {  	s3 =	sadd.s32 s3, s9;
	s6 =	sadd.s32 @!p0 $0x88, s6;
	s7 =	simm.s32 @p2 $0x1082  }
0x22: {  	[simem:s7], [sflag:s8] =	dma.local @!p0 [hbm:s6], $0xF7A  }
0x23: {  	s9 =	sor.u32 $0xD0000000, s2;
	s6 =	simm.s32 $0x108;
	_ =	swait.ge @!p0 [sflag:s8], $0x0  }
0x24: {  	s3 =	sadd.s32 $0x88, s3;
	s6 =	simm.s32 @!p1 $0x1082;
	[sflag:s4] =	ssyncset.s32 $0xFFFFF086  }
0x25: {  	[simem:s6], [sflag:s4] =	dma.local [hbm:s3], $0xF7A  }
0x26: {  	[smem:$0x3F97] =	sst s1;
	(tag) =	ssettag s2;
	_ =	strace s9  }
0x27: {  	s1 =	sld [smem:$0x3FA7]  }
0x28: {  	s2 =	sld [smem:$0x3FA8]  }
0x29: {  	s4 =	sld [smem:$0x3FAA]  }
0x2a: {  	p0 =	seq.s32 s5, $0x0;
	s5 =	sld [smem:$0x3FAB]  }
0x2b: {  	s6 =	sld [smem:$0x3FAC]  }
0x2c: {  	s7 =	sld [smem:$0x3FAD]  }
0x2d: {  	s3 =	simm.s32 $0x108;
	s8 =	sld [smem:$0x3FAE]  }
0x2e: {  	s3 =	simm.s32 @!p0 $0x1082;
	s9 =	sld [smem:$0x3FAF]  }
0x2f: {  	lr =	sadd.s32 s0, s3;
	s0 =	sld [smem:$0x3FA6]  }
0x30: {  	s3 =	sld [smem:$0x3FA9]  }
0x31: {  	[smem:$0x3FB2] =	sst s10  }
0x32: {  	s10 =	sld [smem:$0x3FB0];
	_ =	sdelay $0x3  }
0x33: {  	p0 =	seq.s32 s10, $0x1;
	s10 =	sld [smem:$0x3FB2];
	_ =	sdelay $0x3  }
0x34: {  	[smem:$0x3FB2] =	sst s10  }
0x35: {  	s10 =	sld [smem:$0x3FB1];
	_ =	sdelay $0x3  }
0x36: {  	p1 =	seq.s32 s10, $0x1;
	s10 =	sld [smem:$0x3FB2];
	_ =	sdelay $0x3  }
0x37: {  	[smem:$0x3FB2] =	sst s10  }
0x38: {  	s10 =	sld [smem:$0x3FB3]  }
0x39: {  	_ = 	snop;
	(pc) =	sbr.ind lr, $3  }
0x3a: {  	_ = 	snop  }
0x3b: {  	_ = 	snop  }
0x3c: {  	p2 =	seq.s32 s10, $0x1;
	s10 =	sld [smem:$0x3FB2]  }
0x3d: {  	_ =	shalt  }
0x3e: {  	_ =	shalt  }
0x3f: {  	_ =	shalt  }
0x40: {  	_ =	shalt  }
0x41: {  	_ =	shalt  }
0x42: {  	_ =	shalt  }
0x43: {  	_ =	shalt  }
0x44: {  	_ =	shalt  }
0x45: {  	_ =	shalt  }
0x46: {  	_ =	shalt  }
0x47: {  	_ =	shalt  }
0x48: {  	_ =	shalt  }
0x49: {  	_ =	shalt  }
0x4a: {  	_ =	shalt  }
0x4b: {  	_ =	shalt  }
0x4c: {  	_ =	shalt  }
0x4d: {  	_ =	shalt  }
0x4e: {  	_ =	shalt  }
0x4f: {  	_ =	shalt  }
0x50: {  	_ =	shalt  }
0x51: {  	_ =	shalt  }
0x52: {  	_ =	shalt  }
0x53: {  	_ =	shalt  }
0x54: {  	_ =	shalt  }
0x55: {  	_ =	shalt  }
0x56: {  	_ =	shalt  }
0x57: {  	_ =	shalt  }
0x58: {  	_ =	shalt  }
0x59: {  	_ =	shalt  }
0x5a: {  	_ =	shalt  }
0x5b: {  	_ =	shalt  }
0x5c: {  	_ =	shalt  }
0x5d: {  	_ =	shalt  }
0x5e: {  	_ =	shalt  }
0x5f: {  	_ =	shalt  }
0x60: {  	_ =	shalt  }
0x61: {  	_ =	shalt  }
0x62: {  	_ =	shalt  }
0x63: {  	_ =	shalt  }
0x64: {  	_ =	shalt  }
0x65: {  	_ =	shalt  }
0x66: {  	_ =	shalt  }
0x67: {  	_ =	shalt  }
0x68: {  	_ =	shalt  }
0x69: {  	_ =	shalt  }
0x6a: {  	_ =	shalt  }
0x6b: {  	_ =	shalt  }
0x6c: {  	_ =	shalt  }
0x6d: {  	_ =	shalt  }
0x6e: {  	_ =	shalt  }
0x6f: {  	_ =	shalt  }
0x70: {  	_ =	shalt  }
0x71: {  	_ =	shalt  }
0x72: {  	_ =	shalt  }
0x73: {  	_ =	shalt  }
0x74: {  	_ =	shalt  }
0x75: {  	_ =	shalt  }
0x76: {  	_ =	shalt  }
0x77: {  	_ =	shalt  }
0x78: {  	_ =	shalt  }
0x79: {  	_ =	shalt  }
0x7a: {  	_ =	shalt  }
0x7b: {  	_ =	shalt  }
0x7c: {  	_ =	shalt  }
0x7d: {  	_ =	shalt  }
0x7e: {  	_ =	shalt  }
0x7f: {  	_ =	shalt  }
0x80: {  	_ =	shalt  }
0x81: {  	_ =	shalt  }
0x82: {  	_ =	shalt  }
0x83: {  	_ =	shalt  }
0x84: {  	_ =	shalt  }
0x85: {  	_ =	shalt  }
0x86: {  	_ =	shalt  }
0x87: {  	_ =	shalt  }
.Lfunc_end0:
.L_simem_size_0:
called_computation.1_lowered:
.L_overlay_start_0:
0x88: {  	s2 =	sld [smem:$0x3FD9]  }
0x89: {  	s3 =	sld [smem:$0x3FFE];
	_ =	sdelay $0x1  }
0x8a: {  	s1 =	srdreg.scid  }
0x8b: {  	s0 =	sand.u32 $0x1, s1  }
0x8c: {  	s16 =	sshll.u32 s0, $0xA;
	s2 =	sadd.s32 s3, s2  }
0x8d: {  	s2 =	sadd.s32 s2, s16  }
0x8e: {  	[smem:$0x3FBE] =	sst s2  }
0x8f: {  	_ = 	snop  }
0x90: {  	(tm) =	ssettm $0x1  }
0x91: {  	s17 =	sld [smem:$0x3FFB];
	_ =	sdelay $0x3  }
0x92: {  	_ =	strace s17  }
0x93: {  	s2 =	sld [smem:$0x3FFC];
	_ =	sdelay $0x3  }
0x94: {  	_ =	strace s2  }
0x95: {  	s2 =	sld [smem:$0x3FFD];
	_ =	sdelay $0x3  }
0x96: {  	_ =	strace s2  }
0x97: {  	_ =	strace $0x8FFFFFFF  }
0x98: {  	s18 =	sld [smem:$0x3FDB];
	_ =	sdelay $0x1  }
0x99: {  	s19 =	simm.s32 $_scs_section_size  }
0x9a: {  	s4 =	simm.s32 $_size__tile_overlayer_lowered;
	s5 =	simm.s32 $_tile_overlayer_lowered  }
0x9b: {  	s22 =	simm.s32 $0x1BFF;
	s21 =	sshll.u32 s5, $0x1;
	s2 =	sadd.s32 s19, s18  }
0x9c: {  	s6 =	simm.s32 $0x0;
	s20 =	sshll.u32 s4, $0x1;
	s4 =	sadd.s32 s21, s2  }
0x9d: {  	[timem:s6], [sflag:s22] =	dma.local [hbm:s4], s20  }
0x9e: {  	_ =	swait.ge [sflag:s22], s20  }
0x9f: {  	s3 =	ssub.s32 $0x0, s20;
	[sflag:s22] =	ssyncset.done $0x0  }
0xa0: {  	[sflag:s22] =	ssyncadd.s32 s3;
	_ =	sdelay $0x1  }
0xa1: {  	s23 =	simm.s32 $0x1B8B  }
0xa2: {  	_ =	swait.ge [sflag:s23], $0x1  }
0xa3: {  	[sflag:s23] =	ssyncset.done $0x0  }
0xa4: {  	s25 =	simm.s32 $0x1B8E;
	s24 =	sld [smem:$0x3FFE];
	[sflag:s23] =	ssyncadd.s32 $0xFFFFFFFF  }
0xa5: {  	s26 =	simm.s32 $execute0_lowered;
	[smem:$0x3FD2] =	sst s25  }
0xa6: {  	s4 =	sshll.u32 s26, $0x1;
	_ =	strace $0x80000046;
	[dreg:$0x1] =	wrdreg $0xFFFFFFFF  }
0xa7: {  	s28 =	simm.s32 $_size_execute0_lowered;
	s2 =	sadd.s32 s2, s4;
	[dreg:$0x0] =	wrdreg $0x0  }
0xa8: {  	s4 =	sshll.u32 s28, $0x1;
	[dreg:$0x2] =	wrdreg s2  }
0xa9: {  	[dreg:$0x3] =	wrdreg s4  }
0xaa: {  	[dreg:$0x4] =	wrdreg $0xC0  }
0xab: {  	_ =	task [dreg:s6], $0x5FFFF  }
0xac: {  	[dreg:$0x1] =	wrdreg $0xFFFFFFFF  }
0xad: {  	[dreg:$0x0] =	wrdreg $0x60  }
0xae: {  	[dreg:$0x2] =	wrdreg s24  }
0xaf: {  	[dreg:$0x3] =	wrdreg $0xA  }
0xb0: {  	_ =	task.clear_ibuf [dreg:s6], $0x4FFFF;
	_ =	strace $0x90000046  }
0xb1: {  	s29 =	simm.s32 $0xA;
	_ =	strace $0x80000048  }
0xb2: {  	_ =	swait.ge [sflag:s29], $0x1  }
0xb3: {  	[sflag:s29] =	ssyncadd.s32 $0xFFFFFFFF  }
0xb4: {  	_ =	strace $0x90000048  }
0xb5: {  	_ =	sfence  }
0xb6: {  	s30 =	sld [smem:$0x0];
	_ =	sdelay $0x2  }
0xb7: {  	s31 =	sshll.u32 s1, $0xD;
	s1 =	sshrl.u32 s1, $0x2  }
0xb8: {  	s3 =	sand.u32 $0x4000, s31;
	s1 =	sadd.s32 s1, s30  }
0xb9: {  	s0 =	sor.u32 s3, s0;
	s1 =	sshll.u32 s1, $0x11  }
0xba: {  	s0 =	sor.u32 s1, s0  }
0xbb: {  	s0 =	sadd.s32 $0x8F2B, s0  }
0xbc: {  	[sflag:s0] =	ssyncadd.remote.s32 $0x1  }
0xbd: {  	_ =	sfence.sel $0xFFFF  }
0xbe: {  	[dreg:$0x0] =	wrdreg $0xFFFFFFFF;
	(pc) =	sbr.abs _section_cstart, $3  }
0xbf: {  	[dreg:$0x1] =	wrdreg $0xFFFFFFFF  }
0xc0: {  	_ =	task.clear_ibuf [dreg:s6], $0x2FFFF;
	_ =	strace $0x9FFFFFFF  }
0xc1: {  	(tm) =	ssettm $0x7FFFFFFF  }
tec
execute0_lowered:
.L_overlay_start_1:
0x0: {  	(tag) =	ssettag $0x1  }
0x1: {  	s3 =	rddreg [dreg:$0x0];
	s2 =	simm.s32 $0x0  }
0x2: {  	s10 =	simm.s32 $0x100;
	[smem:$0x7FF] =	sst s2  }
0x3: {  	s11 =	simm.s32 $0x180;
	_ =	strace $0x80000047;
	[dreg:$0x10] =	wrdreg s10  }
0x4: {  	s12 =	simm.s32 $0x200;
	[dreg:$0x11] =	wrdreg s11  }
0x5: {  	s0 =	srdreg.scid;
	s13 =	simm.s32 $0x280;
	[dreg:$0x12] =	wrdreg s12  }
0x6: {  	s17 =	stileid.u32;
	s14 =	simm.s32 $0x300;
	[dreg:$0x13] =	wrdreg s13  }
0x7: {  	s15 =	simm.s32 $0x380;
	s16 =	simm.s32 $0x400;
	[dreg:$0x14] =	wrdreg s14  }
0x8: {  	s1 =	sand.u32 $0x1, s0;
	s18 =	sshll.u32 s17, $0x1;
	[dreg:$0x15] =	wrdreg s15  }
0x9: {  	s0 =	sor.u32 s1, s18;
	[dreg:$0x16] =	wrdreg s16;
	s18 =	simm.s32 $0x480  }
0xa: {  	s10 =	simm.s32 $0xB80;
	[dreg:$0x17] =	wrdreg s18  }
0xb: {  	s11 =	simm.s32 $0xC00;
	[smem:$0x7EE] =	sst s10  }
0xc: {  	s12 =	simm.s32 $0xC80;
	[smem:$0x7EF] =	sst s11  }
0xd: {  	s13 =	simm.s32 $0xD00;
	[smem:$0x7F0] =	sst s12  }
0xe: {  	s14 =	simm.s32 $0xD80;
	[smem:$0x7F1] =	sst s13  }
0xf: {  	s15 =	simm.s32 $0xE00;
	s4 =	smul.u32 $0x340, s0;
	[smem:$0x7F2] =	sst s14  }
0x10: {  	s16 =	simm.s32 $0xE80;
	s5 =	smul.u32 $0x1A000, s0;
	[smem:$0x7F3] =	sst s15  }
0x11: {  	s0 =	smul.u32 $0x3400, s0;
	[smem:$0x7F4] =	sst s16;
	s18 =	simm.s32 $0xF00  }
0x12: {  	s6 =	sadd.s32 $0x15000, s3;
	[smem:$0x7F5] =	sst s18  }
0x13: {  	s4 =	sadd.s32 s4, s3;
	s5 =	sshrl.u32 s5, $0x3;
	s0 =	sadd.s32 s6, s0  }
0x14: {  	s4 =	sadd.s32 $0xE800, s4;
	s19 =	sadd.s32 s6, s5;
	[dreg:$0x3] =	wrdreg s0  }
0x15: {  	[dreg:$0x2] =	wrdreg s4;
	s20 =	sadd.s32 $0x400, s19  }
0x16: {  	s21 =	sadd.s32 $0x800, s19;
	[dreg:$0x4] =	wrdreg s20  }
0x17: {  	s22 =	sadd.s32 $0xC00, s19;
	[dreg:$0x5] =	wrdreg s21  }
0x18: {  	s23 =	sadd.s32 $0x1000, s19;
	[dreg:$0x6] =	wrdreg s22  }
0x19: {  	s24 =	sadd.s32 $0x1400, s19;
	[dreg:$0x7] =	wrdreg s23  }
0x1a: {  	s25 =	sadd.s32 $0x1800, s19;
	[dreg:$0x8] =	wrdreg s24  }
0x1b: {  	s26 =	sadd.s32 $0x1C00, s19;
	[dreg:$0x9] =	wrdreg s25  }
0x1c: {  	s5 =	sadd.s32 $0x2000, s19;
	[dreg:$0xa] =	wrdreg s26  }
0x1d: {  	s31 =	simm.s32 $0x5;
	s6 =	sadd.s32 $0x2400, s19;
	[dreg:$0xb] =	wrdreg s5  }
0x1e: {  	s28 =	simm.s32 $0x1480;
	s7 =	sadd.s32 $0x2800, s19;
	[dreg:$0xc] =	wrdreg s6  }
0x1f: {  	s29 =	simm.s32 $0x1500;
	s8 =	sadd.s32 $0x2C00, s19;
	[dreg:$0xd] =	wrdreg s7  }
0x20: {  	s30 =	simm.s32 $0x1580;
	s9 =	sadd.s32 $0x3000, s19;
	[dreg:$0xe] =	wrdreg s8  }
0x21: {  	p0 =	por $0x0, $0x0;
	s19 =	simm.s32 $0x500;
	[dreg:$0xf] =	wrdreg s9  }
0x22: {  	s1 =	ssub.s32 $0x2, s1;
	s4 =	simm.s32 $0x900;
	[dreg:$0x18] =	wrdreg s19  }
0x23: {  	s10 =	simm.s32 $0x2200;
	s11 =	simm.s32 $0x2A00;
	[smem:$0x7E9] =	sst s4  }
0x24: {  	s12 =	simm.s32 $0x3200;
	s20 =	simm.s32 $0x580;
	s0 =	rddreg [dreg:$0x2]  }
0x25: {  	s14 =	simm.s32 $0x4200;
	s21 =	simm.s32 $0x600;
	[dreg:$0x19] =	wrdreg s20  }
0x26: {  	s15 =	simm.s32 $0x4A00;
	s22 =	simm.s32 $0x680;
	[dreg:$0x1a] =	wrdreg s21  }
0x27: {  	s16 =	simm.s32 $0x5200;
	s23 =	simm.s32 $0x700;
	[dreg:$0x1b] =	wrdreg s22  }
0x28: {  	s13 =	simm.s32 $0x2;
	s24 =	simm.s32 $0x780;
	[dreg:$0x1c] =	wrdreg s23  }
0x29: {  	s18 =	simm.s32 $0x1800;
	s25 =	simm.s32 $0x800;
	[dreg:$0x1d] =	wrdreg s24  }
0x2a: {  	s26 =	simm.s32 $0x880;
	s5 =	simm.s32 $0x980;
	[dreg:$0x1e] =	wrdreg s25  }
0x2b: {  	s4 =	sadd.s32 $0x1C00, s3;
	s6 =	simm.s32 $0xA00;
	[dreg:$0x1f] =	wrdreg s26  }
0x2c: {  	s7 =	simm.s32 $0xA80;
	s8 =	sshrl.u32 s1, $0x1;
	[smem:$0x7EA] =	sst s5  }
0x2d: {  	s9 =	simm.s32 $0xB00;
	s3 =	simm.s32 $0x1A00;
	[smem:$0x7EB] =	sst s6  }
0x2e: {  	s19 =	simm.s32 $0xF80;
	[smem:$0x7EC] =	sst s7;
	s1 =	ssub.s32 s1, s8  }
0x2f: {  	[smem:$0x7ED] =	sst s9;
	s6 =	simm.s32 $0x80;
	s8 =	simm.s32 $0x3A00  }
0x30: {  	[smem:$0x7F6] =	sst s19;
	s20 =	simm.s32 $0x1000;
	s21 =	simm.s32 $0x1080  }
0x31: {  	s22 =	simm.s32 $0x1100;
	s7 =	simm.s32 $0x1;
	[smem:$0x7F7] =	sst s20  }
0x32: {  	s23 =	simm.s32 $0x1180;
	s5 =	simm.s32 $0x3;
	[smem:$0x7F8] =	sst s21  }
0x33: {  	s24 =	simm.s32 $0x1200;
	s1 =	smax.u32 s1, $0x1;
	[smem:$0x7F9] =	sst s22  }
0x34: {  	s25 =	simm.s32 $0x1280;
	[smem:$0x7FA] =	sst s23;
	p1 =	sne.s32 s1, $0x1  }
.Ltmp0:
0x35: {  	s9 =	simm.s32 $0x4;
	[smem:$0x7FB] =	sst s24;
	(pc) =	sbr.rel @!p1 .LBB2_1-.Ltmp0, $4  }
0x36: {  	s26 =	simm.s32 $0x1300;
	s19 =	simm.s32 $0x1880;
	[smem:$0x7FC] =	sst s25  }
0x37: {  	[smem:$0x7FD] =	sst s26;
	s22 =	simm.s32 $0x1380;
	s26 =	simm.s32 $0x1400  }
0x38: {  	s23 =	simm.s32 $0x1680;
	s24 =	simm.s32 $0x1700;
	s25 =	simm.s32 $0x1780  }
0x39: {  	s20 =	simm.s32 $0x1900;
	s21 =	simm.s32 $0x1980;
	s1 =	sadd.s32 $0xFFFFFFFF, s1  }
0x3a: {  	[tilespmem:s2], [sflag:$0x5] =	stream.linear.gather [hbm4b:s0+s2], $0x1A00, $0x38;
	[tilespmem:$0x5A00] =	vst v63  }
0x3b: {  	_ =	swait.ge [sflag:s31], $0x1A00  }
0x3c: {  	[sflag:s31] =	ssyncset.done $0x0  }
0x3d: {  	[sflag:s31] =	ssyncadd.s32 $0xFFFFE600  }
0x3e: {  	[tilespmem:s3], [sflag:$0x1] =	stream.indirect.gather [hbm4b:s4+s6], $0x10, s2, s6, $0xb8;
	[tilespmem:$0x5A00] =	vst v63  }
0x3f: {  	_ = 	snop  }
0x40: {  	[tilespmem:s10], [sflag:$0x1] =	stream.indirect.gather [hbm4b:s4+s6], $0x10, s6, s6, $0xb8;
	[tilespmem:$0x5A00] =	vst v63  }
0x41: {  	s0 =	rddreg [dreg:$0x10]  }
0x42: {  	[tilespmem:s11], [sflag:$0x1] =	stream.indirect.gather [hbm4b:s4+s6], $0x10, s0, s6, $0xb8;
	[tilespmem:$0x5A00] =	vst v63  }
0x43: {  	s17 =	smov.u32 s1;
	s1 =	rddreg [dreg:$0x11]  }
0x44: {  	[tilespmem:s12], [sflag:$0x1] =	stream.indirect.gather [hbm4b:s4+s6], $0x10, s1, s6, $0xb8;
	[tilespmem:$0x5A00] =	vst v63  }
0x45: {  	s0 =	rddreg [dreg:$0x12]  }
0x46: {  	[tilespmem:s8], [sflag:$0x2] =	stream.indirect.gather [hbm4b:s4+s6], $0x10, s0, s6, $0xb8;
	[tilespmem:$0x5A00] =	vst v63  }
0x47: {  	s1 =	rddreg [dreg:$0x13]  }
0x48: {  	[tilespmem:s14], [sflag:$0x2] =	stream.indirect.gather [hbm4b:s4+s6], $0x10, s1, s6, $0xb8;
	[tilespmem:$0x5A00] =	vst v63  }
0x49: {  	s0 =	rddreg [dreg:$0x14]  }
0x4a: {  	[tilespmem:s15], [sflag:$0x2] =	stream.indirect.gather [hbm4b:s4+s6], $0x10, s0, s6, $0xb8;
	[tilespmem:$0x5A00] =	vst v63  }
0x4b: {  	s1 =	rddreg [dreg:$0x15]  }
0x4c: {  	[tilespmem:s16], [sflag:$0x2] =	stream.indirect.gather [hbm4b:s4+s6], $0x10, s1, s6, $0xb8;
	[tilespmem:$0x5A00] =	vst v63  }
0x4d: {  	_ =	swait.ge [sflag:s7], $0x800  }
0x4e: {  	[sflag:s7] =	ssyncset.done $0x0  }
0x4f: {  	[sflag:s7] =	ssyncadd.s32 $0xFFFFF800  }
0x50: {  	_ =	swait.ge [sflag:s7], $0x800  }
0x51: {  	[sflag:s7] =	ssyncset.done $0x0  }
0x52: {  	[sflag:s7] =	ssyncadd.s32 $0xFFFFF800  }
0x53: {  	_ =	swait.ge [sflag:s7], $0x800  }
0x54: {  	[sflag:s7] =	ssyncset.done $0x0  }
0x55: {  	[sflag:s7] =	ssyncadd.s32 $0xFFFFF800  }
0x56: {  	_ =	swait.ge [sflag:s7], $0x800  }
0x57: {  	[sflag:s7] =	ssyncset.done $0x0  }
0x58: {  	s1 =	rddreg [dreg:$0x3];
	[sflag:s7] =	ssyncadd.s32 $0xFFFFF800  }
0x59: {  	[hbm4b:s1+s2] =	stream.linear.scatter [tilespmem:s3], [sflag:$0x3], $0x2000, $0x38;
	[tilespmem:$0x5A00] =	vst v63  }
0x5a: {  	_ =	swait.ge [sflag:s5], $0x2000  }
0x5b: {  	[sflag:s5] =	ssyncset.done $0x0  }
0x5c: {  	s0 =	rddreg [dreg:$0x16];
	[sflag:s5] =	ssyncadd.s32 $0xFFFFE000  }
0x5d: {  	[tilespmem:s3], [sflag:$0x1] =	stream.indirect.gather [hbm4b:s4+s6], $0x10, s0, s6, $0xb8;
	[tilespmem:$0x5A00] =	vst v63  }
0x5e: {  	s1 =	rddreg [dreg:$0x17]  }
0x5f: {  	[tilespmem:s10], [sflag:$0x1] =	stream.indirect.gather [hbm4b:s4+s6], $0x10, s1, s6, $0xb8;
	[tilespmem:$0x5A00] =	vst v63  }
0x60: {  	s0 =	rddreg [dreg:$0x18]  }
0x61: {  	[tilespmem:s11], [sflag:$0x1] =	stream.indirect.gather [hbm4b:s4+s6], $0x10, s0, s6, $0xb8;
	[tilespmem:$0x5A00] =	vst v63  }
0x62: {  	s1 =	rddreg [dreg:$0x19]  }
0x63: {  	[tilespmem:s12], [sflag:$0x1] =	stream.indirect.gather [hbm4b:s4+s6], $0x10, s1, s6, $0xb8;
	[tilespmem:$0x5A00] =	vst v63  }
0x64: {  	_ =	swait.ge [sflag:s13], $0x800  }
0x65: {  	[sflag:s13] =	ssyncset.done $0x0  }
0x66: {  	[sflag:s13] =	ssyncadd.s32 $0xFFFFF800  }
0x67: {  	_ =	swait.ge [sflag:s13], $0x800  }
0x68: {  	[sflag:s13] =	ssyncset.done $0x0  }
0x69: {  	[sflag:s13] =	ssyncadd.s32 $0xFFFFF800  }
0x6a: {  	_ =	swait.ge [sflag:s13], $0x800  }
0x6b: {  	[sflag:s13] =	ssyncset.done $0x0  }
0x6c: {  	[sflag:s13] =	ssyncadd.s32 $0xFFFFF800  }
0x6d: {  	_ =	swait.ge [sflag:s13], $0x800  }
0x6e: {  	[sflag:s13] =	ssyncset.done $0x0  }
0x6f: {  	s1 =	rddreg [dreg:$0x4];
	[sflag:s13] =	ssyncadd.s32 $0xFFFFF800  }
0x70: {  	[hbm4b:s1+s2] =	stream.linear.scatter [tilespmem:s8], [sflag:$0x4], $0x2000, $0x38;
	[tilespmem:$0x5A00] =	vst v63  }
0x71: {  	_ =	swait.ge [sflag:s9], $0x2000  }
0x72: {  	[sflag:s9] =	ssyncset.done $0x0  }
0x73: {  	s0 =	rddreg [dreg:$0x1a];
	[sflag:s9] =	ssyncadd.s32 $0xFFFFE000  }
0x74: {  	[tilespmem:s8], [sflag:$0x2] =	stream.indirect.gather [hbm4b:s4+s6], $0x10, s0, s6, $0xb8;
	[tilespmem:$0x5A00] =	vst v63  }
0x75: {  	s1 =	rddreg [dreg:$0x1b]  }
0x76: {  	[tilespmem:s14], [sflag:$0x2] =	stream.indirect.gather [hbm4b:s4+s6], $0x10, s1, s6, $0xb8;
	[tilespmem:$0x5A00] =	vst v63  }
0x77: {  	s0 =	rddreg [dreg:$0x1c]  }
0x78: {  	[tilespmem:s15], [sflag:$0x2] =	stream.indirect.gather [hbm4b:s4+s6], $0x10, s0, s6, $0xb8;
	[tilespmem:$0x5A00] =	vst v63  }
0x79: {  	s1 =	rddreg [dreg:$0x1d]  }
0x7a: {  	[tilespmem:s16], [sflag:$0x2] =	stream.indirect.gather [hbm4b:s4+s6], $0x10, s1, s6, $0xb8;
	[tilespmem:$0x5A00] =	vst v63  }
0x7b: {  	_ =	swait.ge [sflag:s7], $0x800  }
0x7c: {  	[sflag:s7] =	ssyncset.done $0x0  }
0x7d: {  	[sflag:s7] =	ssyncadd.s32 $0xFFFFF800  }
0x7e: {  	_ =	swait.ge [sflag:s7], $0x800  }
0x7f: {  	[sflag:s7] =	ssyncset.done $0x0  }
0x80: {  	[sflag:s7] =	ssyncadd.s32 $0xFFFFF800  }
0x81: {  	_ =	swait.ge [sflag:s7], $0x800  }
0x82: {  	[sflag:s7] =	ssyncset.done $0x0  }
0x83: {  	[sflag:s7] =	ssyncadd.s32 $0xFFFFF800  }
0x84: {  	_ =	swait.ge [sflag:s7], $0x800  }
0x85: {  	[sflag:s7] =	ssyncset.done $0x0  }
0x86: {  	s1 =	rddreg [dreg:$0x5];
	[sflag:s7] =	ssyncadd.s32 $0xFFFFF800  }
0x87: {  	[hbm4b:s1+s2] =	stream.linear.scatter [tilespmem:s3], [sflag:$0x3], $0x2000, $0x38;
	[tilespmem:$0x5A00] =	vst v63  }
0x88: {  	_ =	swait.ge [sflag:s5], $0x2000  }
0x89: {  	s0 =	rddreg [dreg:$0x1e];
	[sflag:s5] =	ssyncset.done $0x0  }
0x8a: {  	s1 =	rddreg [dreg:$0x1f];
	[sflag:s5] =	ssyncadd.s32 $0xFFFFE000  }
0x8b: {  	[tilespmem:s3], [sflag:$0x1] =	stream.indirect.gather [hbm4b:s4+s6], $0x10, s0, s6, $0xb8;
	[tilespmem:$0x5A00] =	vst v63  }
0x8c: {  	s0 =	sld [smem:$0x7E9]  }
0x8d: {  	[tilespmem:s10], [sflag:$0x1] =	stream.indirect.gather [hbm4b:s4+s6], $0x10, s1, s6, $0xb8;
	[tilespmem:$0x5A00] =	vst v63  }
0x8e: {  	s1 =	sld [smem:$0x7EA]  }
0x8f: {  	[tilespmem:s11], [sflag:$0x1] =	stream.indirect.gather [hbm4b:s4+s6], $0x10, s0, s6, $0xb8;
	[tilespmem:$0x5A00] =	vst v63  }
0x90: {  	_ = 	snop  }
0x91: {  	[tilespmem:s12], [sflag:$0x1] =	stream.indirect.gather [hbm4b:s4+s6], $0x10, s1, s6, $0xb8;
	[tilespmem:$0x5A00] =	vst v63  }
0x92: {  	_ =	swait.ge [sflag:s13], $0x800  }
0x93: {  	[sflag:s13] =	ssyncset.done $0x0  }
0x94: {  	[sflag:s13] =	ssyncadd.s32 $0xFFFFF800  }
0x95: {  	_ =	swait.ge [sflag:s13], $0x800  }
0x96: {  	[sflag:s13] =	ssyncset.done $0x0  }
0x97: {  	[sflag:s13] =	ssyncadd.s32 $0xFFFFF800  }
0x98: {  	_ =	swait.ge [sflag:s13], $0x800  }
0x99: {  	[sflag:s13] =	ssyncset.done $0x0  }
0x9a: {  	[sflag:s13] =	ssyncadd.s32 $0xFFFFF800  }
0x9b: {  	_ =	swait.ge [sflag:s13], $0x800  }
0x9c: {  	[sflag:s13] =	ssyncset.done $0x0  }
0x9d: {  	s1 =	rddreg [dreg:$0x6];
	[sflag:s13] =	ssyncadd.s32 $0xFFFFF800  }
0x9e: {  	[hbm4b:s1+s2] =	stream.linear.scatter [tilespmem:s8], [sflag:$0x4], $0x2000, $0x38;
	[tilespmem:$0x5A00] =	vst v63  }
0x9f: {  	_ =	swait.ge [sflag:s9], $0x2000  }
0xa0: {  	s0 =	sld [smem:$0x7EB]  }
0xa1: {  	[sflag:s9] =	ssyncset.done $0x0  }
0xa2: {  	s1 =	sld [smem:$0x7EC];
	[sflag:s9] =	ssyncadd.s32 $0xFFFFE000  }
0xa3: {  	[tilespmem:s8], [sflag:$0x2] =	stream.indirect.gather [hbm4b:s4+s6], $0x10, s0, s6, $0xb8;
	[tilespmem:$0x5A00] =	vst v63  }
0xa4: {  	s0 =	sld [smem:$0x7ED]  }
0xa5: {  	[tilespmem:s14], [sflag:$0x2] =	stream.indirect.gather [hbm4b:s4+s6], $0x10, s1, s6, $0xb8;
	[tilespmem:$0x5A00] =	vst v63  }
0xa6: {  	s1 =	sld [smem:$0x7EE]  }
0xa7: {  	[tilespmem:s15], [sflag:$0x2] =	stream.indirect.gather [hbm4b:s4+s6], $0x10, s0, s6, $0xb8;
	[tilespmem:$0x5A00] =	vst v63  }
0xa8: {  	_ = 	snop  }
0xa9: {  	[tilespmem:s16], [sflag:$0x2] =	stream.indirect.gather [hbm4b:s4+s6], $0x10, s1, s6, $0xb8;
	[tilespmem:$0x5A00] =	vst v63  }
0xaa: {  	_ =	swait.ge [sflag:s7], $0x800  }
0xab: {  	[sflag:s7] =	ssyncset.done $0x0  }
0xac: {  	[sflag:s7] =	ssyncadd.s32 $0xFFFFF800  }
0xad: {  	_ =	swait.ge [sflag:s7], $0x800  }
0xae: {  	[sflag:s7] =	ssyncset.done $0x0  }
0xaf: {  	[sflag:s7] =	ssyncadd.s32 $0xFFFFF800  }
0xb0: {  	_ =	swait.ge [sflag:s7], $0x800  }
0xb1: {  	[sflag:s7] =	ssyncset.done $0x0  }
0xb2: {  	[sflag:s7] =	ssyncadd.s32 $0xFFFFF800  }
0xb3: {  	_ =	swait.ge [sflag:s7], $0x800  }
0xb4: {  	[sflag:s7] =	ssyncset.done $0x0  }
0xb5: {  	s1 =	rddreg [dreg:$0x7];
	[sflag:s7] =	ssyncadd.s32 $0xFFFFF800  }
0xb6: {  	[hbm4b:s1+s2] =	stream.linear.scatter [tilespmem:s3], [sflag:$0x3], $0x2000, $0x38;
	[tilespmem:$0x5A00] =	vst v63  }
0xb7: {  	_ =	swait.ge [sflag:s5], $0x2000  }
0xb8: {  	s0 =	sld [smem:$0x7EF]  }
0xb9: {  	[sflag:s5] =	ssyncset.done $0x0  }
0xba: {  	s1 =	sld [smem:$0x7F0];
	[sflag:s5] =	ssyncadd.s32 $0xFFFFE000  }
0xbb: {  	[tilespmem:s3], [sflag:$0x1] =	stream.indirect.gather [hbm4b:s4+s6], $0x10, s0, s6, $0xb8;
	[tilespmem:$0x5A00] =	vst v63  }
0xbc: {  	s0 =	sld [smem:$0x7F1]  }
0xbd: {  	[tilespmem:s10], [sflag:$0x1] =	stream.indirect.gather [hbm4b:s4+s6], $0x10, s1, s6, $0xb8;
	[tilespmem:$0x5A00] =	vst v63  }
0xbe: {  	s1 =	sld [smem:$0x7F2]  }
0xbf: {  	[tilespmem:s11], [sflag:$0x1] =	stream.indirect.gather [hbm4b:s4+s6], $0x10, s0, s6, $0xb8;
	[tilespmem:$0x5A00] =	vst v63  }
0xc0: {  	_ = 	snop  }
0xc1: {  	[tilespmem:s12], [sflag:$0x1] =	stream.indirect.gather [hbm4b:s4+s6], $0x10, s1, s6, $0xb8;
	[tilespmem:$0x5A00] =	vst v63  }
0xc2: {  	_ =	swait.ge [sflag:s13], $0x800  }
0xc3: {  	[sflag:s13] =	ssyncset.done $0x0  }
0xc4: {  	[sflag:s13] =	ssyncadd.s32 $0xFFFFF800  }
0xc5: {  	_ =	swait.ge [sflag:s13], $0x800  }
0xc6: {  	[sflag:s13] =	ssyncset.done $0x0  }
0xc7: {  	[sflag:s13] =	ssyncadd.s32 $0xFFFFF800  }
0xc8: {  	_ =	swait.ge [sflag:s13], $0x800  }
0xc9: {  	[sflag:s13] =	ssyncset.done $0x0  }
0xca: {  	[sflag:s13] =	ssyncadd.s32 $0xFFFFF800  }
0xcb: {  	_ =	swait.ge [sflag:s13], $0x800  }
0xcc: {  	[sflag:s13] =	ssyncset.done $0x0  }
0xcd: {  	s1 =	rddreg [dreg:$0x8];
	[sflag:s13] =	ssyncadd.s32 $0xFFFFF800  }
0xce: {  	[hbm4b:s1+s2] =	stream.linear.scatter [tilespmem:s8], [sflag:$0x4], $0x2000, $0x38;
	[tilespmem:$0x5A00] =	vst v63  }
0xcf: {  	_ =	swait.ge [sflag:s9], $0x2000  }
0xd0: {  	s0 =	sld [smem:$0x7F3]  }
0xd1: {  	[sflag:s9] =	ssyncset.done $0x0  }
0xd2: {  	s1 =	sld [smem:$0x7F4];
	[sflag:s9] =	ssyncadd.s32 $0xFFFFE000  }
0xd3: {  	[tilespmem:s8], [sflag:$0x2] =	stream.indirect.gather [hbm4b:s4+s6], $0x10, s0, s6, $0xb8;
	[tilespmem:$0x5A00] =	vst v63  }
0xd4: {  	s0 =	sld [smem:$0x7F5]  }
0xd5: {  	[tilespmem:s14], [sflag:$0x2] =	stream.indirect.gather [hbm4b:s4+s6], $0x10, s1, s6, $0xb8;
	[tilespmem:$0x5A00] =	vst v63  }
0xd6: {  	s1 =	sld [smem:$0x7F6]  }
0xd7: {  	[tilespmem:s15], [sflag:$0x2] =	stream.indirect.gather [hbm4b:s4+s6], $0x10, s0, s6, $0xb8;
	[tilespmem:$0x5A00] =	vst v63  }
0xd8: {  	_ = 	snop  }
0xd9: {  	[tilespmem:s16], [sflag:$0x2] =	stream.indirect.gather [hbm4b:s4+s6], $0x10, s1, s6, $0xb8;
	[tilespmem:$0x5A00] =	vst v63  }
0xda: {  	_ =	swait.ge [sflag:s7], $0x800  }
0xdb: {  	[sflag:s7] =	ssyncset.done $0x0  }
0xdc: {  	[sflag:s7] =	ssyncadd.s32 $0xFFFFF800  }
0xdd: {  	_ =	swait.ge [sflag:s7], $0x800  }
0xde: {  	[sflag:s7] =	ssyncset.done $0x0  }
0xdf: {  	[sflag:s7] =	ssyncadd.s32 $0xFFFFF800  }
0xe0: {  	_ =	swait.ge [sflag:s7], $0x800  }
0xe1: {  	[sflag:s7] =	ssyncset.done $0x0  }
0xe2: {  	[sflag:s7] =	ssyncadd.s32 $0xFFFFF800  }
0xe3: {  	_ =	swait.ge [sflag:s7], $0x800  }
0xe4: {  	[sflag:s7] =	ssyncset.done $0x0  }
0xe5: {  	s1 =	rddreg [dreg:$0x9];
	[sflag:s7] =	ssyncadd.s32 $0xFFFFF800  }
0xe6: {  	[hbm4b:s1+s2] =	stream.linear.scatter [tilespmem:s3], [sflag:$0x3], $0x2000, $0x38;
	[tilespmem:$0x5A00] =	vst v63  }
0xe7: {  	_ =	swait.ge [sflag:s5], $0x2000  }
0xe8: {  	s0 =	sld [smem:$0x7F7]  }
0xe9: {  	[sflag:s5] =	ssyncset.done $0x0  }
0xea: {  	s1 =	sld [smem:$0x7F8];
	[sflag:s5] =	ssyncadd.s32 $0xFFFFE000  }
0xeb: {  	[tilespmem:s3], [sflag:$0x1] =	stream.indirect.gather [hbm4b:s4+s6], $0x10, s0, s6, $0xb8;
	[tilespmem:$0x5A00] =	vst v63  }
0xec: {  	s0 =	sld [smem:$0x7F9]  }
0xed: {  	[tilespmem:s10], [sflag:$0x1] =	stream.indirect.gather [hbm4b:s4+s6], $0x10, s1, s6, $0xb8;
	[tilespmem:$0x5A00] =	vst v63  }
0xee: {  	s1 =	sld [smem:$0x7FA]  }
0xef: {  	[tilespmem:s11], [sflag:$0x1] =	stream.indirect.gather [hbm4b:s4+s6], $0x10, s0, s6, $0xb8;
	[tilespmem:$0x5A00] =	vst v63  }
0xf0: {  	_ = 	snop  }
0xf1: {  	[tilespmem:s12], [sflag:$0x1] =	stream.indirect.gather [hbm4b:s4+s6], $0x10, s1, s6, $0xb8;
	[tilespmem:$0x5A00] =	vst v63  }
0xf2: {  	_ =	swait.ge [sflag:s13], $0x800  }
0xf3: {  	[sflag:s13] =	ssyncset.done $0x0  }
0xf4: {  	[sflag:s13] =	ssyncadd.s32 $0xFFFFF800  }
0xf5: {  	_ =	swait.ge [sflag:s13], $0x800  }
0xf6: {  	[sflag:s13] =	ssyncset.done $0x0  }
0xf7: {  	[sflag:s13] =	ssyncadd.s32 $0xFFFFF800  }
0xf8: {  	_ =	swait.ge [sflag:s13], $0x800  }
0xf9: {  	[sflag:s13] =	ssyncset.done $0x0  }
0xfa: {  	[sflag:s13] =	ssyncadd.s32 $0xFFFFF800  }
0xfb: {  	_ =	swait.ge [sflag:s13], $0x800  }
0xfc: {  	[sflag:s13] =	ssyncset.done $0x0  }
0xfd: {  	s1 =	rddreg [dreg:$0xa];
	[sflag:s13] =	ssyncadd.s32 $0xFFFFF800  }
0xfe: {  	[hbm4b:s1+s2] =	stream.linear.scatter [tilespmem:s8], [sflag:$0x4], $0x2000, $0x38;
	[tilespmem:$0x5A00] =	vst v63  }
0xff: {  	_ =	swait.ge [sflag:s9], $0x2000  }
0x100: {  	s0 =	sld [smem:$0x7FB]  }
0x101: {  	[sflag:s9] =	ssyncset.done $0x0  }
0x102: {  	s1 =	sld [smem:$0x7FC];
	[sflag:s9] =	ssyncadd.s32 $0xFFFFE000  }
0x103: {  	[tilespmem:s8], [sflag:$0x2] =	stream.indirect.gather [hbm4b:s4+s6], $0x10, s0, s6, $0xb8;
	[tilespmem:$0x5A00] =	vst v63  }
0x104: {  	s0 =	sld [smem:$0x7FD]  }
0x105: {  	[tilespmem:s14], [sflag:$0x2] =	stream.indirect.gather [hbm4b:s4+s6], $0x10, s1, s6, $0xb8;
	[tilespmem:$0x5A00] =	vst v63  }
0x106: {  	_ = 	snop  }
0x107: {  	[tilespmem:s15], [sflag:$0x2] =	stream.indirect.gather [hbm4b:s4+s6], $0x10, s0, s6, $0xb8;
	[tilespmem:$0x5A00] =	vst v63  }
0x108: {  	_ = 	snop  }
0x109: {  	[tilespmem:s16], [sflag:$0x2] =	stream.indirect.gather [hbm4b:s4+s6], $0x10, s22, s6, $0xb8;
	[tilespmem:$0x5A00] =	vst v63  }
0x10a: {  	_ =	swait.ge [sflag:s7], $0x800  }
0x10b: {  	[sflag:s7] =	ssyncset.done $0x0  }
0x10c: {  	[sflag:s7] =	ssyncadd.s32 $0xFFFFF800  }
0x10d: {  	_ =	swait.ge [sflag:s7], $0x800  }
0x10e: {  	[sflag:s7] =	ssyncset.done $0x0  }
0x10f: {  	[sflag:s7] =	ssyncadd.s32 $0xFFFFF800  }
0x110: {  	_ =	swait.ge [sflag:s7], $0x800  }
0x111: {  	[sflag:s7] =	ssyncset.done $0x0  }
0x112: {  	[sflag:s7] =	ssyncadd.s32 $0xFFFFF800  }
0x113: {  	_ =	swait.ge [sflag:s7], $0x800  }
0x114: {  	[sflag:s7] =	ssyncset.done $0x0  }
0x115: {  	s1 =	rddreg [dreg:$0xb];
	[sflag:s7] =	ssyncadd.s32 $0xFFFFF800  }
0x116: {  	[hbm4b:s1+s2] =	stream.linear.scatter [tilespmem:s3], [sflag:$0x3], $0x2000, $0x38;
	[tilespmem:$0x5A00] =	vst v63  }
0x117: {  	_ =	swait.ge [sflag:s5], $0x2000  }
0x118: {  	[sflag:s5] =	ssyncset.done $0x0  }
0x119: {  	[sflag:s5] =	ssyncadd.s32 $0xFFFFE000  }
0x11a: {  	[tilespmem:s3], [sflag:$0x1] =	stream.indirect.gather [hbm4b:s4+s6], $0x10, s26, s6, $0xb8;
	[tilespmem:$0x5A00] =	vst v63  }
0x11b: {  	_ = 	snop  }
0x11c: {  	[tilespmem:s10], [sflag:$0x1] =	stream.indirect.gather [hbm4b:s4+s6], $0x10, s28, s6, $0xb8;
	[tilespmem:$0x5A00] =	vst v63  }
0x11d: {  	_ = 	snop  }
0x11e: {  	[tilespmem:s11], [sflag:$0x1] =	stream.indirect.gather [hbm4b:s4+s6], $0x10, s29, s6, $0xb8;
	[tilespmem:$0x5A00] =	vst v63  }
0x11f: {  	_ = 	snop  }
0x120: {  	[tilespmem:s12], [sflag:$0x1] =	stream.indirect.gather [hbm4b:s4+s6], $0x10, s30, s6, $0xb8;
	[tilespmem:$0x5A00] =	vst v63  }
0x121: {  	_ =	swait.ge [sflag:s13], $0x800  }
0x122: {  	[sflag:s13] =	ssyncset.done $0x0  }
0x123: {  	[sflag:s13] =	ssyncadd.s32 $0xFFFFF800  }
0x124: {  	_ =	swait.ge [sflag:s13], $0x800  }
0x125: {  	[sflag:s13] =	ssyncset.done $0x0  }
0x126: {  	[sflag:s13] =	ssyncadd.s32 $0xFFFFF800  }
0x127: {  	_ =	swait.ge [sflag:s13], $0x800  }
0x128: {  	[sflag:s13] =	ssyncset.done $0x0  }
0x129: {  	[sflag:s13] =	ssyncadd.s32 $0xFFFFF800  }
0x12a: {  	_ =	swait.ge [sflag:s13], $0x800  }
0x12b: {  	[sflag:s13] =	ssyncset.done $0x0  }
0x12c: {  	s1 =	rddreg [dreg:$0xc];
	[sflag:s13] =	ssyncadd.s32 $0xFFFFF800  }
0x12d: {  	[hbm4b:s1+s2] =	stream.linear.scatter [tilespmem:s8], [sflag:$0x4], $0x2000, $0x38;
	[tilespmem:$0x5A00] =	vst v63  }
0x12e: {  	_ =	swait.ge [sflag:s9], $0x2000  }
0x12f: {  	[sflag:s9] =	ssyncset.done $0x0  }
0x130: {  	s1 =	simm.s32 $0x1600;
	[sflag:s9] =	ssyncadd.s32 $0xFFFFE000  }
0x131: {  	[tilespmem:s8], [sflag:$0x2] =	stream.indirect.gather [hbm4b:s4+s6], $0x10, s1, s6, $0xb8;
	[tilespmem:$0x5A00] =	vst v63  }
0x132: {  	_ = 	snop  }
0x133: {  	[tilespmem:s14], [sflag:$0x2] =	stream.indirect.gather [hbm4b:s4+s6], $0x10, s23, s6, $0xb8;
	[tilespmem:$0x5A00] =	vst v63  }
0x134: {  	_ = 	snop  }
0x135: {  	[tilespmem:s15], [sflag:$0x2] =	stream.indirect.gather [hbm4b:s4+s6], $0x10, s24, s6, $0xb8;
	[tilespmem:$0x5A00] =	vst v63  }
0x136: {  	_ = 	snop  }
0x137: {  	[tilespmem:s16], [sflag:$0x2] =	stream.indirect.gather [hbm4b:s4+s6], $0x10, s25, s6, $0xb8;
	[tilespmem:$0x5A00] =	vst v63  }
0x138: {  	_ =	swait.ge [sflag:s7], $0x800  }
0x139: {  	[sflag:s7] =	ssyncset.done $0x0  }
0x13a: {  	[sflag:s7] =	ssyncadd.s32 $0xFFFFF800  }
0x13b: {  	_ =	swait.ge [sflag:s7], $0x800  }
0x13c: {  	[sflag:s7] =	ssyncset.done $0x0  }
0x13d: {  	[sflag:s7] =	ssyncadd.s32 $0xFFFFF800  }
0x13e: {  	_ =	swait.ge [sflag:s7], $0x800  }
0x13f: {  	[sflag:s7] =	ssyncset.done $0x0  }
0x140: {  	[sflag:s7] =	ssyncadd.s32 $0xFFFFF800  }
0x141: {  	_ =	swait.ge [sflag:s7], $0x800  }
0x142: {  	[sflag:s7] =	ssyncset.done $0x0  }
0x143: {  	s1 =	rddreg [dreg:$0xd];
	[sflag:s7] =	ssyncadd.s32 $0xFFFFF800  }
0x144: {  	[hbm4b:s1+s2] =	stream.linear.scatter [tilespmem:s3], [sflag:$0x3], $0x2000, $0x38;
	[tilespmem:$0x5A00] =	vst v63  }
0x145: {  	_ =	swait.ge [sflag:s5], $0x2000  }
0x146: {  	[sflag:s5] =	ssyncset.done $0x0  }
0x147: {  	[sflag:s5] =	ssyncadd.s32 $0xFFFFE000  }
0x148: {  	[tilespmem:s3], [sflag:$0x1] =	stream.indirect.gather [hbm4b:s4+s6], $0x10, s18, s6, $0xb8;
	[tilespmem:$0x5A00] =	vst v63  }
0x149: {  	_ = 	snop  }
0x14a: {  	[tilespmem:s10], [sflag:$0x1] =	stream.indirect.gather [hbm4b:s4+s6], $0x10, s19, s6, $0xb8;
	[tilespmem:$0x5A00] =	vst v63  }
0x14b: {  	_ = 	snop  }
0x14c: {  	[tilespmem:s11], [sflag:$0x1] =	stream.indirect.gather [hbm4b:s4+s6], $0x10, s20, s6, $0xb8;
	[tilespmem:$0x5A00] =	vst v63  }
0x14d: {  	_ = 	snop  }
0x14e: {  	[tilespmem:s12], [sflag:$0x1] =	stream.indirect.gather [hbm4b:s4+s6], $0x10, s21, s6, $0xb8;
	[tilespmem:$0x5A00] =	vst v63  }
0x14f: {  	_ =	swait.ge [sflag:s13], $0x800  }
0x150: {  	[sflag:s13] =	ssyncset.done $0x0  }
0x151: {  	[sflag:s13] =	ssyncadd.s32 $0xFFFFF800  }
0x152: {  	_ =	swait.ge [sflag:s13], $0x800  }
0x153: {  	[sflag:s13] =	ssyncset.done $0x0  }
0x154: {  	[sflag:s13] =	ssyncadd.s32 $0xFFFFF800  }
0x155: {  	_ =	swait.ge [sflag:s13], $0x800  }
0x156: {  	[sflag:s13] =	ssyncset.done $0x0  }
0x157: {  	[sflag:s13] =	ssyncadd.s32 $0xFFFFF800  }
0x158: {  	_ =	swait.ge [sflag:s13], $0x800  }
0x159: {  	[sflag:s13] =	ssyncset.done $0x0  }
0x15a: {  	s1 =	rddreg [dreg:$0xe];
	[sflag:s13] =	ssyncadd.s32 $0xFFFFF800  }
0x15b: {  	[hbm4b:s1+s2] =	stream.linear.scatter [tilespmem:s8], [sflag:$0x4], $0x2000, $0x38;
	[tilespmem:$0x5A00] =	vst v63  }
0x15c: {  	_ =	swait.ge [sflag:s7], $0x800  }
0x15d: {  	[sflag:s7] =	ssyncset.done $0x0  }
0x15e: {  	[sflag:s7] =	ssyncadd.s32 $0xFFFFF800  }
0x15f: {  	_ =	swait.ge [sflag:s7], $0x800  }
0x160: {  	[sflag:s7] =	ssyncset.done $0x0  }
0x161: {  	[sflag:s7] =	ssyncadd.s32 $0xFFFFF800  }
0x162: {  	_ =	swait.ge [sflag:s7], $0x800  }
0x163: {  	[sflag:s7] =	ssyncset.done $0x0  }
0x164: {  	[sflag:s7] =	ssyncadd.s32 $0xFFFFF800  }
0x165: {  	_ =	swait.ge [sflag:s7], $0x800  }
0x166: {  	[sflag:s7] =	ssyncset.done $0x0  }
0x167: {  	p1 =	sne.s32 s17, $0x1;
	s1 =	rddreg [dreg:$0xf];
	[sflag:s7] =	ssyncadd.s32 $0xFFFFF800  }
0x168: {  	[hbm4b:s1+s2] =	stream.linear.scatter [tilespmem:s3], [sflag:$0x3], $0x2000, $0x38;
	[tilespmem:$0x5A00] =	vst v63  }
.Ltmp1:
0x169: {  	_ =	swait.ge [sflag:s9], $0x2000;
	(pc) =	sbr.rel @!p1 .LBB2_3-.Ltmp1, $4  }
0x16a: {  	[sflag:s9] =	ssyncset.done $0x0  }
0x16b: {  	[sflag:s9] =	ssyncadd.s32 $0xFFFFE000  }
0x16c: {  	p0 =	por $0x1, $0x1;
	_ =	swait.ge [sflag:s5], $0x2000  }
0x16d: {  	s1 =	sadd.s32 $0xFFFFFFFF, s17;
	s0 =	rddreg [dreg:$0x2];
	[sflag:s5] =	ssyncset.done $0x0  }
.LBB2_4:
0x16e: {  	[sflag:s5] =	ssyncadd.s32 $0xFFFFE000  }
0x16f: {  	[tilespmem:s2], [sflag:$0x5] =	stream.linear.gather [hbm4b:s0+s2], $0x1A00, $0x38;
	[tilespmem:$0x5A00] =	vst v63  }
0x170: {  	_ =	swait.ge [sflag:s31], $0x1A00  }
0x171: {  	[sflag:s31] =	ssyncset.done $0x0  }
0x172: {  	[sflag:s31] =	ssyncadd.s32 $0xFFFFE600  }
0x173: {  	[tilespmem:s3], [sflag:$0x1] =	stream.indirect.gather [hbm4b:s4+s6], $0x10, s2, s6, $0xb8;
	[tilespmem:$0x5A00] =	vst v63  }
0x174: {  	_ = 	snop  }
0x175: {  	[tilespmem:s10], [sflag:$0x1] =	stream.indirect.gather [hbm4b:s4+s6], $0x10, s6, s6, $0xb8;
	[tilespmem:$0x5A00] =	vst v63  }
0x176: {  	s0 =	rddreg [dreg:$0x10]  }
0x177: {  	[tilespmem:s11], [sflag:$0x1] =	stream.indirect.gather [hbm4b:s4+s6], $0x10, s0, s6, $0xb8;
	[tilespmem:$0x5A00] =	vst v63  }
0x178: {  	s17 =	rddreg [dreg:$0x11]  }
0x179: {  	[tilespmem:s12], [sflag:$0x1] =	stream.indirect.gather [hbm4b:s4+s6], $0x10, s17, s6, $0xb8;
	[tilespmem:$0x5A00] =	vst v63  }
0x17a: {  	s0 =	rddreg [dreg:$0x12]  }
0x17b: {  	[tilespmem:s8], [sflag:$0x2] =	stream.indirect.gather [hbm4b:s4+s6], $0x10, s0, s6, $0xb8;
	[tilespmem:$0x5A00] =	vst v63  }
0x17c: {  	s17 =	rddreg [dreg:$0x13]  }
0x17d: {  	[tilespmem:s14], [sflag:$0x2] =	stream.indirect.gather [hbm4b:s4+s6], $0x10, s17, s6, $0xb8;
	[tilespmem:$0x5A00] =	vst v63  }
0x17e: {  	s0 =	rddreg [dreg:$0x14]  }
0x17f: {  	[tilespmem:s15], [sflag:$0x2] =	stream.indirect.gather [hbm4b:s4+s6], $0x10, s0, s6, $0xb8;
	[tilespmem:$0x5A00] =	vst v63  }
0x180: {  	s17 =	rddreg [dreg:$0x15]  }
0x181: {  	[tilespmem:s16], [sflag:$0x2] =	stream.indirect.gather [hbm4b:s4+s6], $0x10, s17, s6, $0xb8;
	[tilespmem:$0x5A00] =	vst v63  }
0x182: {  	_ =	swait.ge [sflag:s7], $0x800  }
0x183: {  	[sflag:s7] =	ssyncset.done $0x0  }
0x184: {  	[sflag:s7] =	ssyncadd.s32 $0xFFFFF800  }
0x185: {  	_ =	swait.ge [sflag:s7], $0x800  }
0x186: {  	[sflag:s7] =	ssyncset.done $0x0  }
0x187: {  	[sflag:s7] =	ssyncadd.s32 $0xFFFFF800  }
0x188: {  	_ =	swait.ge [sflag:s7], $0x800  }
0x189: {  	[sflag:s7] =	ssyncset.done $0x0  }
0x18a: {  	[sflag:s7] =	ssyncadd.s32 $0xFFFFF800  }
0x18b: {  	_ =	swait.ge [sflag:s7], $0x800  }
0x18c: {  	[sflag:s7] =	ssyncset.done $0x0  }
0x18d: {  	s17 =	rddreg [dreg:$0x3];
	[sflag:s7] =	ssyncadd.s32 $0xFFFFF800  }
0x18e: {  	[hbm4b:s17+s2] =	stream.linear.scatter [tilespmem:s3], [sflag:$0x3], $0x2000, $0x38;
	[tilespmem:$0x5A00] =	vst v63  }
0x18f: {  	_ =	swait.ge [sflag:s5], $0x2000  }
0x190: {  	[sflag:s5] =	ssyncset.done $0x0  }
0x191: {  	s0 =	rddreg [dreg:$0x16];
	[sflag:s5] =	ssyncadd.s32 $0xFFFFE000  }
0x192: {  	[tilespmem:s3], [sflag:$0x1] =	stream.indirect.gather [hbm4b:s4+s6], $0x10, s0, s6, $0xb8;
	[tilespmem:$0x5A00] =	vst v63  }
0x193: {  	s17 =	rddreg [dreg:$0x17]  }
0x194: {  	[tilespmem:s10], [sflag:$0x1] =	stream.indirect.gather [hbm4b:s4+s6], $0x10, s17, s6, $0xb8;
	[tilespmem:$0x5A00] =	vst v63  }
0x195: {  	s0 =	rddreg [dreg:$0x18]  }
0x196: {  	[tilespmem:s11], [sflag:$0x1] =	stream.indirect.gather [hbm4b:s4+s6], $0x10, s0, s6, $0xb8;
	[tilespmem:$0x5A00] =	vst v63  }
0x197: {  	s17 =	rddreg [dreg:$0x19]  }
0x198: {  	[tilespmem:s12], [sflag:$0x1] =	stream.indirect.gather [hbm4b:s4+s6], $0x10, s17, s6, $0xb8;
	[tilespmem:$0x5A00] =	vst v63  }
0x199: {  	_ =	swait.ge [sflag:s13], $0x800  }
0x19a: {  	[sflag:s13] =	ssyncset.done $0x0  }
0x19b: {  	[sflag:s13] =	ssyncadd.s32 $0xFFFFF800  }
0x19c: {  	_ =	swait.ge [sflag:s13], $0x800  }
0x19d: {  	[sflag:s13] =	ssyncset.done $0x0  }
0x19e: {  	[sflag:s13] =	ssyncadd.s32 $0xFFFFF800  }
0x19f: {  	_ =	swait.ge [sflag:s13], $0x800  }
0x1a0: {  	[sflag:s13] =	ssyncset.done $0x0  }
0x1a1: {  	[sflag:s13] =	ssyncadd.s32 $0xFFFFF800  }
0x1a2: {  	_ =	swait.ge [sflag:s13], $0x800  }
0x1a3: {  	[sflag:s13] =	ssyncset.done $0x0  }
0x1a4: {  	s17 =	rddreg [dreg:$0x4];
	[sflag:s13] =	ssyncadd.s32 $0xFFFFF800  }
0x1a5: {  	[hbm4b:s17+s2] =	stream.linear.scatter [tilespmem:s8], [sflag:$0x4], $0x2000, $0x38;
	[tilespmem:$0x5A00] =	vst v63  }
0x1a6: {  	_ =	swait.ge [sflag:s9], $0x2000  }
0x1a7: {  	[sflag:s9] =	ssyncset.done $0x0  }
0x1a8: {  	s0 =	rddreg [dreg:$0x1a];
	[sflag:s9] =	ssyncadd.s32 $0xFFFFE000  }
0x1a9: {  	[tilespmem:s8], [sflag:$0x2] =	stream.indirect.gather [hbm4b:s4+s6], $0x10, s0, s6, $0xb8;
	[tilespmem:$0x5A00] =	vst v63  }
0x1aa: {  	s17 =	rddreg [dreg:$0x1b]  }
0x1ab: {  	[tilespmem:s14], [sflag:$0x2] =	stream.indirect.gather [hbm4b:s4+s6], $0x10, s17, s6, $0xb8;
	[tilespmem:$0x5A00] =	vst v63  }
0x1ac: {  	s0 =	rddreg [dreg:$0x1c]  }
0x1ad: {  	[tilespmem:s15], [sflag:$0x2] =	stream.indirect.gather [hbm4b:s4+s6], $0x10, s0, s6, $0xb8;
	[tilespmem:$0x5A00] =	vst v63  }
0x1ae: {  	s17 =	rddreg [dreg:$0x1d]  }
0x1af: {  	[tilespmem:s16], [sflag:$0x2] =	stream.indirect.gather [hbm4b:s4+s6], $0x10, s17, s6, $0xb8;
	[tilespmem:$0x5A00] =	vst v63  }
0x1b0: {  	_ =	swait.ge [sflag:s7], $0x800  }
0x1b1: {  	[sflag:s7] =	ssyncset.done $0x0  }
0x1b2: {  	[sflag:s7] =	ssyncadd.s32 $0xFFFFF800  }
0x1b3: {  	_ =	swait.ge [sflag:s7], $0x800  }
0x1b4: {  	[sflag:s7] =	ssyncset.done $0x0  }
0x1b5: {  	[sflag:s7] =	ssyncadd.s32 $0xFFFFF800  }
0x1b6: {  	_ =	swait.ge [sflag:s7], $0x800  }
0x1b7: {  	[sflag:s7] =	ssyncset.done $0x0  }
0x1b8: {  	[sflag:s7] =	ssyncadd.s32 $0xFFFFF800  }
0x1b9: {  	_ =	swait.ge [sflag:s7], $0x800  }
0x1ba: {  	[sflag:s7] =	ssyncset.done $0x0  }
0x1bb: {  	s17 =	rddreg [dreg:$0x5];
	[sflag:s7] =	ssyncadd.s32 $0xFFFFF800  }
0x1bc: {  	[hbm4b:s17+s2] =	stream.linear.scatter [tilespmem:s3], [sflag:$0x3], $0x2000, $0x38;
	[tilespmem:$0x5A00] =	vst v63  }
0x1bd: {  	_ =	swait.ge [sflag:s5], $0x2000  }
0x1be: {  	s0 =	rddreg [dreg:$0x1e];
	[sflag:s5] =	ssyncset.done $0x0  }
0x1bf: {  	s17 =	rddreg [dreg:$0x1f];
	[sflag:s5] =	ssyncadd.s32 $0xFFFFE000  }
0x1c0: {  	[tilespmem:s3], [sflag:$0x1] =	stream.indirect.gather [hbm4b:s4+s6], $0x10, s0, s6, $0xb8;
	[tilespmem:$0x5A00] =	vst v63  }
0x1c1: {  	s0 =	sld [smem:$0x7E9]  }
0x1c2: {  	[tilespmem:s10], [sflag:$0x1] =	stream.indirect.gather [hbm4b:s4+s6], $0x10, s17, s6, $0xb8;
	[tilespmem:$0x5A00] =	vst v63  }
0x1c3: {  	s17 =	sld [smem:$0x7EA]  }
0x1c4: {  	[tilespmem:s11], [sflag:$0x1] =	stream.indirect.gather [hbm4b:s4+s6], $0x10, s0, s6, $0xb8;
	[tilespmem:$0x5A00] =	vst v63  }
0x1c5: {  	_ = 	snop  }
0x1c6: {  	[tilespmem:s12], [sflag:$0x1] =	stream.indirect.gather [hbm4b:s4+s6], $0x10, s17, s6, $0xb8;
	[tilespmem:$0x5A00] =	vst v63  }
0x1c7: {  	_ =	swait.ge [sflag:s13], $0x800  }
0x1c8: {  	[sflag:s13] =	ssyncset.done $0x0  }
0x1c9: {  	[sflag:s13] =	ssyncadd.s32 $0xFFFFF800  }
0x1ca: {  	_ =	swait.ge [sflag:s13], $0x800  }
0x1cb: {  	[sflag:s13] =	ssyncset.done $0x0  }
0x1cc: {  	[sflag:s13] =	ssyncadd.s32 $0xFFFFF800  }
0x1cd: {  	_ =	swait.ge [sflag:s13], $0x800  }
0x1ce: {  	[sflag:s13] =	ssyncset.done $0x0  }
0x1cf: {  	[sflag:s13] =	ssyncadd.s32 $0xFFFFF800  }
0x1d0: {  	_ =	swait.ge [sflag:s13], $0x800  }
0x1d1: {  	[sflag:s13] =	ssyncset.done $0x0  }
0x1d2: {  	s17 =	rddreg [dreg:$0x6];
	[sflag:s13] =	ssyncadd.s32 $0xFFFFF800  }
0x1d3: {  	[hbm4b:s17+s2] =	stream.linear.scatter [tilespmem:s8], [sflag:$0x4], $0x2000, $0x38;
	[tilespmem:$0x5A00] =	vst v63  }
0x1d4: {  	_ =	swait.ge [sflag:s9], $0x2000  }
0x1d5: {  	s0 =	sld [smem:$0x7EB]  }
0x1d6: {  	[sflag:s9] =	ssyncset.done $0x0  }
0x1d7: {  	s17 =	sld [smem:$0x7EC];
	[sflag:s9] =	ssyncadd.s32 $0xFFFFE000  }
0x1d8: {  	[tilespmem:s8], [sflag:$0x2] =	stream.indirect.gather [hbm4b:s4+s6], $0x10, s0, s6, $0xb8;
	[tilespmem:$0x5A00] =	vst v63  }
0x1d9: {  	s0 =	sld [smem:$0x7ED]  }
0x1da: {  	[tilespmem:s14], [sflag:$0x2] =	stream.indirect.gather [hbm4b:s4+s6], $0x10, s17, s6, $0xb8;
	[tilespmem:$0x5A00] =	vst v63  }
0x1db: {  	s17 =	sld [smem:$0x7EE]  }
0x1dc: {  	[tilespmem:s15], [sflag:$0x2] =	stream.indirect.gather [hbm4b:s4+s6], $0x10, s0, s6, $0xb8;
	[tilespmem:$0x5A00] =	vst v63  }
0x1dd: {  	_ = 	snop  }
0x1de: {  	[tilespmem:s16], [sflag:$0x2] =	stream.indirect.gather [hbm4b:s4+s6], $0x10, s17, s6, $0xb8;
	[tilespmem:$0x5A00] =	vst v63  }
0x1df: {  	_ =	swait.ge [sflag:s7], $0x800  }
0x1e0: {  	[sflag:s7] =	ssyncset.done $0x0  }
0x1e1: {  	[sflag:s7] =	ssyncadd.s32 $0xFFFFF800  }
0x1e2: {  	_ =	swait.ge [sflag:s7], $0x800  }
0x1e3: {  	[sflag:s7] =	ssyncset.done $0x0  }
0x1e4: {  	[sflag:s7] =	ssyncadd.s32 $0xFFFFF800  }
0x1e5: {  	_ =	swait.ge [sflag:s7], $0x800  }
0x1e6: {  	[sflag:s7] =	ssyncset.done $0x0  }
0x1e7: {  	[sflag:s7] =	ssyncadd.s32 $0xFFFFF800  }
0x1e8: {  	_ =	swait.ge [sflag:s7], $0x800  }
0x1e9: {  	[sflag:s7] =	ssyncset.done $0x0  }
0x1ea: {  	s17 =	rddreg [dreg:$0x7];
	[sflag:s7] =	ssyncadd.s32 $0xFFFFF800  }
0x1eb: {  	[hbm4b:s17+s2] =	stream.linear.scatter [tilespmem:s3], [sflag:$0x3], $0x2000, $0x38;
	[tilespmem:$0x5A00] =	vst v63  }
0x1ec: {  	_ =	swait.ge [sflag:s5], $0x2000  }
0x1ed: {  	s0 =	sld [smem:$0x7EF]  }
0x1ee: {  	[sflag:s5] =	ssyncset.done $0x0  }
0x1ef: {  	s17 =	sld [smem:$0x7F0];
	[sflag:s5] =	ssyncadd.s32 $0xFFFFE000  }
0x1f0: {  	[tilespmem:s3], [sflag:$0x1] =	stream.indirect.gather [hbm4b:s4+s6], $0x10, s0, s6, $0xb8;
	[tilespmem:$0x5A00] =	vst v63  }
0x1f1: {  	s0 =	sld [smem:$0x7F1]  }
0x1f2: {  	[tilespmem:s10], [sflag:$0x1] =	stream.indirect.gather [hbm4b:s4+s6], $0x10, s17, s6, $0xb8;
	[tilespmem:$0x5A00] =	vst v63  }
0x1f3: {  	s17 =	sld [smem:$0x7F2]  }
0x1f4: {  	[tilespmem:s11], [sflag:$0x1] =	stream.indirect.gather [hbm4b:s4+s6], $0x10, s0, s6, $0xb8;
	[tilespmem:$0x5A00] =	vst v63  }
0x1f5: {  	_ = 	snop  }
0x1f6: {  	[tilespmem:s12], [sflag:$0x1] =	stream.indirect.gather [hbm4b:s4+s6], $0x10, s17, s6, $0xb8;
	[tilespmem:$0x5A00] =	vst v63  }
0x1f7: {  	_ =	swait.ge [sflag:s13], $0x800  }
0x1f8: {  	[sflag:s13] =	ssyncset.done $0x0  }
0x1f9: {  	[sflag:s13] =	ssyncadd.s32 $0xFFFFF800  }
0x1fa: {  	_ =	swait.ge [sflag:s13], $0x800  }
0x1fb: {  	[sflag:s13] =	ssyncset.done $0x0  }
0x1fc: {  	[sflag:s13] =	ssyncadd.s32 $0xFFFFF800  }
0x1fd: {  	_ =	swait.ge [sflag:s13], $0x800  }
0x1fe: {  	[sflag:s13] =	ssyncset.done $0x0  }
0x1ff: {  	[sflag:s13] =	ssyncadd.s32 $0xFFFFF800  }
0x200: {  	_ =	swait.ge [sflag:s13], $0x800  }
0x201: {  	[sflag:s13] =	ssyncset.done $0x0  }
0x202: {  	s17 =	rddreg [dreg:$0x8];
	[sflag:s13] =	ssyncadd.s32 $0xFFFFF800  }
0x203: {  	[hbm4b:s17+s2] =	stream.linear.scatter [tilespmem:s8], [sflag:$0x4], $0x2000, $0x38;
	[tilespmem:$0x5A00] =	vst v63  }
0x204: {  	_ =	swait.ge [sflag:s9], $0x2000  }
0x205: {  	s0 =	sld [smem:$0x7F3]  }
0x206: {  	[sflag:s9] =	ssyncset.done $0x0  }
0x207: {  	s17 =	sld [smem:$0x7F4];
	[sflag:s9] =	ssyncadd.s32 $0xFFFFE000  }
0x208: {  	[tilespmem:s8], [sflag:$0x2] =	stream.indirect.gather [hbm4b:s4+s6], $0x10, s0, s6, $0xb8;
	[tilespmem:$0x5A00] =	vst v63  }
0x209: {  	s0 =	sld [smem:$0x7F5]  }
0x20a: {  	[tilespmem:s14], [sflag:$0x2] =	stream.indirect.gather [hbm4b:s4+s6], $0x10, s17, s6, $0xb8;
	[tilespmem:$0x5A00] =	vst v63  }
0x20b: {  	s17 =	sld [smem:$0x7F6]  }
0x20c: {  	[tilespmem:s15], [sflag:$0x2] =	stream.indirect.gather [hbm4b:s4+s6], $0x10, s0, s6, $0xb8;
	[tilespmem:$0x5A00] =	vst v63  }
0x20d: {  	_ = 	snop  }
0x20e: {  	[tilespmem:s16], [sflag:$0x2] =	stream.indirect.gather [hbm4b:s4+s6], $0x10, s17, s6, $0xb8;
	[tilespmem:$0x5A00] =	vst v63  }
0x20f: {  	_ =	swait.ge [sflag:s7], $0x800  }
0x210: {  	[sflag:s7] =	ssyncset.done $0x0  }
0x211: {  	[sflag:s7] =	ssyncadd.s32 $0xFFFFF800  }
0x212: {  	_ =	swait.ge [sflag:s7], $0x800  }
0x213: {  	[sflag:s7] =	ssyncset.done $0x0  }
0x214: {  	[sflag:s7] =	ssyncadd.s32 $0xFFFFF800  }
0x215: {  	_ =	swait.ge [sflag:s7], $0x800  }
0x216: {  	[sflag:s7] =	ssyncset.done $0x0  }
0x217: {  	[sflag:s7] =	ssyncadd.s32 $0xFFFFF800  }
0x218: {  	_ =	swait.ge [sflag:s7], $0x800  }
0x219: {  	[sflag:s7] =	ssyncset.done $0x0  }
0x21a: {  	s17 =	rddreg [dreg:$0x9];
	[sflag:s7] =	ssyncadd.s32 $0xFFFFF800  }
0x21b: {  	[hbm4b:s17+s2] =	stream.linear.scatter [tilespmem:s3], [sflag:$0x3], $0x2000, $0x38;
	[tilespmem:$0x5A00] =	vst v63  }
0x21c: {  	_ =	swait.ge [sflag:s5], $0x2000  }
0x21d: {  	s0 =	sld [smem:$0x7F7]  }
0x21e: {  	[sflag:s5] =	ssyncset.done $0x0  }
0x21f: {  	s17 =	sld [smem:$0x7F8];
	[sflag:s5] =	ssyncadd.s32 $0xFFFFE000  }
0x220: {  	[tilespmem:s3], [sflag:$0x1] =	stream.indirect.gather [hbm4b:s4+s6], $0x10, s0, s6, $0xb8;
	[tilespmem:$0x5A00] =	vst v63  }
0x221: {  	s0 =	sld [smem:$0x7F9]  }
0x222: {  	[tilespmem:s10], [sflag:$0x1] =	stream.indirect.gather [hbm4b:s4+s6], $0x10, s17, s6, $0xb8;
	[tilespmem:$0x5A00] =	vst v63  }
0x223: {  	s17 =	sld [smem:$0x7FA]  }
0x224: {  	[tilespmem:s11], [sflag:$0x1] =	stream.indirect.gather [hbm4b:s4+s6], $0x10, s0, s6, $0xb8;
	[tilespmem:$0x5A00] =	vst v63  }
0x225: {  	_ = 	snop  }
0x226: {  	[tilespmem:s12], [sflag:$0x1] =	stream.indirect.gather [hbm4b:s4+s6], $0x10, s17, s6, $0xb8;
	[tilespmem:$0x5A00] =	vst v63  }
0x227: {  	_ =	swait.ge [sflag:s13], $0x800  }
0x228: {  	[sflag:s13] =	ssyncset.done $0x0  }
0x229: {  	[sflag:s13] =	ssyncadd.s32 $0xFFFFF800  }
0x22a: {  	_ =	swait.ge [sflag:s13], $0x800  }
0x22b: {  	[sflag:s13] =	ssyncset.done $0x0  }
0x22c: {  	[sflag:s13] =	ssyncadd.s32 $0xFFFFF800  }
0x22d: {  	_ =	swait.ge [sflag:s13], $0x800  }
0x22e: {  	[sflag:s13] =	ssyncset.done $0x0  }
0x22f: {  	[sflag:s13] =	ssyncadd.s32 $0xFFFFF800  }
0x230: {  	_ =	swait.ge [sflag:s13], $0x800  }
0x231: {  	[sflag:s13] =	ssyncset.done $0x0  }
0x232: {  	s17 =	rddreg [dreg:$0xa];
	[sflag:s13] =	ssyncadd.s32 $0xFFFFF800  }
0x233: {  	[hbm4b:s17+s2] =	stream.linear.scatter [tilespmem:s8], [sflag:$0x4], $0x2000, $0x38;
	[tilespmem:$0x5A00] =	vst v63  }
0x234: {  	_ =	swait.ge [sflag:s9], $0x2000  }
0x235: {  	s0 =	sld [smem:$0x7FB]  }
0x236: {  	[sflag:s9] =	ssyncset.done $0x0  }
0x237: {  	s17 =	sld [smem:$0x7FC];
	[sflag:s9] =	ssyncadd.s32 $0xFFFFE000  }
0x238: {  	[tilespmem:s8], [sflag:$0x2] =	stream.indirect.gather [hbm4b:s4+s6], $0x10, s0, s6, $0xb8;
	[tilespmem:$0x5A00] =	vst v63  }
0x239: {  	s0 =	sld [smem:$0x7FD]  }
0x23a: {  	[tilespmem:s14], [sflag:$0x2] =	stream.indirect.gather [hbm4b:s4+s6], $0x10, s17, s6, $0xb8;
	[tilespmem:$0x5A00] =	vst v63  }
0x23b: {  	_ = 	snop  }
0x23c: {  	[tilespmem:s15], [sflag:$0x2] =	stream.indirect.gather [hbm4b:s4+s6], $0x10, s0, s6, $0xb8;
	[tilespmem:$0x5A00] =	vst v63  }
0x23d: {  	_ = 	snop  }
0x23e: {  	[tilespmem:s16], [sflag:$0x2] =	stream.indirect.gather [hbm4b:s4+s6], $0x10, s22, s6, $0xb8;
	[tilespmem:$0x5A00] =	vst v63  }
0x23f: {  	_ =	swait.ge [sflag:s7], $0x800  }
0x240: {  	[sflag:s7] =	ssyncset.done $0x0  }
0x241: {  	[sflag:s7] =	ssyncadd.s32 $0xFFFFF800  }
0x242: {  	_ =	swait.ge [sflag:s7], $0x800  }
0x243: {  	[sflag:s7] =	ssyncset.done $0x0  }
0x244: {  	[sflag:s7] =	ssyncadd.s32 $0xFFFFF800  }
0x245: {  	_ =	swait.ge [sflag:s7], $0x800  }
0x246: {  	[sflag:s7] =	ssyncset.done $0x0  }
0x247: {  	[sflag:s7] =	ssyncadd.s32 $0xFFFFF800  }
0x248: {  	_ =	swait.ge [sflag:s7], $0x800  }
0x249: {  	[sflag:s7] =	ssyncset.done $0x0  }
0x24a: {  	s17 =	rddreg [dreg:$0xb];
	[sflag:s7] =	ssyncadd.s32 $0xFFFFF800  }
0x24b: {  	[hbm4b:s17+s2] =	stream.linear.scatter [tilespmem:s3], [sflag:$0x3], $0x2000, $0x38;
	[tilespmem:$0x5A00] =	vst v63  }
0x24c: {  	_ =	swait.ge [sflag:s5], $0x2000  }
0x24d: {  	[sflag:s5] =	ssyncset.done $0x0  }
0x24e: {  	[sflag:s5] =	ssyncadd.s32 $0xFFFFE000  }
0x24f: {  	[tilespmem:s3], [sflag:$0x1] =	stream.indirect.gather [hbm4b:s4+s6], $0x10, s26, s6, $0xb8;
	[tilespmem:$0x5A00] =	vst v63  }
0x250: {  	_ = 	snop  }
0x251: {  	[tilespmem:s10], [sflag:$0x1] =	stream.indirect.gather [hbm4b:s4+s6], $0x10, s28, s6, $0xb8;
	[tilespmem:$0x5A00] =	vst v63  }
0x252: {  	_ = 	snop  }
0x253: {  	[tilespmem:s11], [sflag:$0x1] =	stream.indirect.gather [hbm4b:s4+s6], $0x10, s29, s6, $0xb8;
	[tilespmem:$0x5A00] =	vst v63  }
0x254: {  	_ = 	snop  }
0x255: {  	[tilespmem:s12], [sflag:$0x1] =	stream.indirect.gather [hbm4b:s4+s6], $0x10, s30, s6, $0xb8;
	[tilespmem:$0x5A00] =	vst v63  }
0x256: {  	_ =	swait.ge [sflag:s13], $0x800  }
0x257: {  	[sflag:s13] =	ssyncset.done $0x0  }
0x258: {  	[sflag:s13] =	ssyncadd.s32 $0xFFFFF800  }
0x259: {  	_ =	swait.ge [sflag:s13], $0x800  }
0x25a: {  	[sflag:s13] =	ssyncset.done $0x0  }
0x25b: {  	[sflag:s13] =	ssyncadd.s32 $0xFFFFF800  }
0x25c: {  	_ =	swait.ge [sflag:s13], $0x800  }
0x25d: {  	[sflag:s13] =	ssyncset.done $0x0  }
0x25e: {  	[sflag:s13] =	ssyncadd.s32 $0xFFFFF800  }
0x25f: {  	_ =	swait.ge [sflag:s13], $0x800  }
0x260: {  	[sflag:s13] =	ssyncset.done $0x0  }
0x261: {  	s17 =	rddreg [dreg:$0xc];
	[sflag:s13] =	ssyncadd.s32 $0xFFFFF800  }
0x262: {  	[hbm4b:s17+s2] =	stream.linear.scatter [tilespmem:s8], [sflag:$0x4], $0x2000, $0x38;
	[tilespmem:$0x5A00] =	vst v63  }
0x263: {  	_ =	swait.ge [sflag:s9], $0x2000  }
0x264: {  	[sflag:s9] =	ssyncset.done $0x0  }
0x265: {  	s17 =	simm.s32 $0x1600;
	[sflag:s9] =	ssyncadd.s32 $0xFFFFE000  }
0x266: {  	[tilespmem:s8], [sflag:$0x2] =	stream.indirect.gather [hbm4b:s4+s6], $0x10, s17, s6, $0xb8;
	[tilespmem:$0x5A00] =	vst v63  }
0x267: {  	_ = 	snop  }
0x268: {  	[tilespmem:s14], [sflag:$0x2] =	stream.indirect.gather [hbm4b:s4+s6], $0x10, s23, s6, $0xb8;
	[tilespmem:$0x5A00] =	vst v63  }
0x269: {  	_ = 	snop  }
0x26a: {  	[tilespmem:s15], [sflag:$0x2] =	stream.indirect.gather [hbm4b:s4+s6], $0x10, s24, s6, $0xb8;
	[tilespmem:$0x5A00] =	vst v63  }
0x26b: {  	_ = 	snop  }
0x26c: {  	[tilespmem:s16], [sflag:$0x2] =	stream.indirect.gather [hbm4b:s4+s6], $0x10, s25, s6, $0xb8;
	[tilespmem:$0x5A00] =	vst v63  }
0x26d: {  	_ =	swait.ge [sflag:s7], $0x800  }
0x26e: {  	[sflag:s7] =	ssyncset.done $0x0  }
0x26f: {  	[sflag:s7] =	ssyncadd.s32 $0xFFFFF800  }
0x270: {  	_ =	swait.ge [sflag:s7], $0x800  }
0x271: {  	[sflag:s7] =	ssyncset.done $0x0  }
0x272: {  	[sflag:s7] =	ssyncadd.s32 $0xFFFFF800  }
0x273: {  	_ =	swait.ge [sflag:s7], $0x800  }
0x274: {  	[sflag:s7] =	ssyncset.done $0x0  }
0x275: {  	[sflag:s7] =	ssyncadd.s32 $0xFFFFF800  }
0x276: {  	_ =	swait.ge [sflag:s7], $0x800  }
0x277: {  	[sflag:s7] =	ssyncset.done $0x0  }
0x278: {  	s17 =	rddreg [dreg:$0xd];
	[sflag:s7] =	ssyncadd.s32 $0xFFFFF800  }
0x279: {  	[hbm4b:s17+s2] =	stream.linear.scatter [tilespmem:s3], [sflag:$0x3], $0x2000, $0x38;
	[tilespmem:$0x5A00] =	vst v63  }
0x27a: {  	_ =	swait.ge [sflag:s5], $0x2000  }
0x27b: {  	[sflag:s5] =	ssyncset.done $0x0  }
0x27c: {  	[sflag:s5] =	ssyncadd.s32 $0xFFFFE000  }
0x27d: {  	[tilespmem:s3], [sflag:$0x1] =	stream.indirect.gather [hbm4b:s4+s6], $0x10, s18, s6, $0xb8;
	[tilespmem:$0x5A00] =	vst v63  }
0x27e: {  	_ = 	snop  }
0x27f: {  	[tilespmem:s10], [sflag:$0x1] =	stream.indirect.gather [hbm4b:s4+s6], $0x10, s19, s6, $0xb8;
	[tilespmem:$0x5A00] =	vst v63  }
0x280: {  	_ = 	snop  }
0x281: {  	[tilespmem:s11], [sflag:$0x1] =	stream.indirect.gather [hbm4b:s4+s6], $0x10, s20, s6, $0xb8;
	[tilespmem:$0x5A00] =	vst v63  }
0x282: {  	_ = 	snop  }
0x283: {  	[tilespmem:s12], [sflag:$0x1] =	stream.indirect.gather [hbm4b:s4+s6], $0x10, s21, s6, $0xb8;
	[tilespmem:$0x5A00] =	vst v63  }
0x284: {  	_ =	swait.ge [sflag:s13], $0x800  }
0x285: {  	[sflag:s13] =	ssyncset.done $0x0  }
0x286: {  	[sflag:s13] =	ssyncadd.s32 $0xFFFFF800  }
0x287: {  	_ =	swait.ge [sflag:s13], $0x800  }
0x288: {  	[sflag:s13] =	ssyncset.done $0x0  }
0x289: {  	[sflag:s13] =	ssyncadd.s32 $0xFFFFF800  }
0x28a: {  	_ =	swait.ge [sflag:s13], $0x800  }
0x28b: {  	[sflag:s13] =	ssyncset.done $0x0  }
0x28c: {  	[sflag:s13] =	ssyncadd.s32 $0xFFFFF800  }
0x28d: {  	_ =	swait.ge [sflag:s13], $0x800  }
0x28e: {  	[sflag:s13] =	ssyncset.done $0x0  }
0x28f: {  	s17 =	rddreg [dreg:$0xe];
	[sflag:s13] =	ssyncadd.s32 $0xFFFFF800  }
0x290: {  	[hbm4b:s17+s2] =	stream.linear.scatter [tilespmem:s8], [sflag:$0x4], $0x2000, $0x38;
	[tilespmem:$0x5A00] =	vst v63  }
0x291: {  	_ =	swait.ge [sflag:s7], $0x800  }
0x292: {  	[sflag:s7] =	ssyncset.done $0x0  }
0x293: {  	[sflag:s7] =	ssyncadd.s32 $0xFFFFF800  }
0x294: {  	_ =	swait.ge [sflag:s7], $0x800  }
0x295: {  	[sflag:s7] =	ssyncset.done $0x0  }
0x296: {  	[sflag:s7] =	ssyncadd.s32 $0xFFFFF800  }
0x297: {  	_ =	swait.ge [sflag:s7], $0x800  }
0x298: {  	[sflag:s7] =	ssyncset.done $0x0  }
0x299: {  	[sflag:s7] =	ssyncadd.s32 $0xFFFFF800  }
0x29a: {  	_ =	swait.ge [sflag:s7], $0x800  }
0x29b: {  	[sflag:s7] =	ssyncset.done $0x0  }
0x29c: {  	p1 =	sne.s32 s1, $0x1;
	s17 =	rddreg [dreg:$0xf];
	[sflag:s7] =	ssyncadd.s32 $0xFFFFF800  }
0x29d: {  	[hbm4b:s17+s2] =	stream.linear.scatter [tilespmem:s3], [sflag:$0x3], $0x2000, $0x38;
	[tilespmem:$0x5A00] =	vst v63  }
.Ltmp2:
0x29e: {  	_ =	swait.ge [sflag:s9], $0x2000;
	(pc) =	sbr.rel @p1 .LBB2_4-.Ltmp2, $4  }
0x29f: {  	[sflag:s9] =	ssyncset.done $0x0  }
0x2a0: {  	[sflag:s9] =	ssyncadd.s32 $0xFFFFE000  }
0x2a1: {  	_ =	swait.ge [sflag:s5], $0x2000  }
0x2a2: {  	s1 =	sadd.s32 $0xFFFFFFFF, s1;
	s0 =	rddreg [dreg:$0x2];
	[sflag:s5] =	ssyncset.done $0x0  }
0x2a3: {  	s21 =	simm.s32 $0x1380  }
0x2a4: {  	s30 =	simm.s32 $0x1580;
	s29 =	simm.s32 $0x1500;
	s28 =	simm.s32 $0x1480  }
0x2a5: {  	s26 =	simm.s32 $0x1400;
	s25 =	simm.s32 $0x1780;
	s24 =	simm.s32 $0x1700  }
0x2a6: {  	s23 =	simm.s32 $0x1680;
	s22 =	simm.s32 $0x1600;
	s20 =	simm.s32 $0x1900  }
0x2a7: {  	s19 =	simm.s32 $0x1880;
	s18 =	simm.s32 $0x1800;
	s17 =	stileid.u32  }
.LBB2_6:
0x2a8: {  	[sflag:s5] =	ssyncadd.s32 @p0 $0xFFFFE000  }
0x2a9: {  	[tilespmem:s2], [sflag:$0x5] =	stream.linear.gather [hbm4b:s0+s2], $0x1A00, $0x38;
	[tilespmem:$0x5A00] =	vst v63  }
0x2aa: {  	_ =	swait.ge [sflag:s31], $0x1A00  }
0x2ab: {  	[sflag:s31] =	ssyncset.done $0x0  }
0x2ac: {  	[sflag:s31] =	ssyncadd.s32 $0xFFFFE600  }
0x2ad: {  	[tilespmem:s3], [sflag:$0x1] =	stream.indirect.gather [hbm4b:s4+s6], $0x10, s2, s6, $0xb8;
	[tilespmem:$0x5A00] =	vst v63  }
0x2ae: {  	_ = 	snop  }
0x2af: {  	[tilespmem:s10], [sflag:$0x1] =	stream.indirect.gather [hbm4b:s4+s6], $0x10, s6, s6, $0xb8;
	[tilespmem:$0x5A00] =	vst v63  }
0x2b0: {  	s31 =	rddreg [dreg:$0x10]  }
0x2b1: {  	[tilespmem:s11], [sflag:$0x1] =	stream.indirect.gather [hbm4b:s4+s6], $0x10, s31, s6, $0xb8;
	[tilespmem:$0x5A00] =	vst v63  }
0x2b2: {  	s1 =	rddreg [dreg:$0x11]  }
0x2b3: {  	[tilespmem:s12], [sflag:$0x1] =	stream.indirect.gather [hbm4b:s4+s6], $0x10, s1, s6, $0xb8;
	[tilespmem:$0x5A00] =	vst v63  }
0x2b4: {  	s0 =	rddreg [dreg:$0x12]  }
0x2b5: {  	[tilespmem:s8], [sflag:$0x2] =	stream.indirect.gather [hbm4b:s4+s6], $0x10, s0, s6, $0xb8;
	[tilespmem:$0x5A00] =	vst v63  }
0x2b6: {  	s31 =	rddreg [dreg:$0x13]  }
0x2b7: {  	[tilespmem:s14], [sflag:$0x2] =	stream.indirect.gather [hbm4b:s4+s6], $0x10, s31, s6, $0xb8;
	[tilespmem:$0x5A00] =	vst v63  }
0x2b8: {  	s0 =	rddreg [dreg:$0x14]  }
0x2b9: {  	[tilespmem:s15], [sflag:$0x2] =	stream.indirect.gather [hbm4b:s4+s6], $0x10, s0, s6, $0xb8;
	[tilespmem:$0x5A00] =	vst v63  }
0x2ba: {  	s31 =	rddreg [dreg:$0x15]  }
0x2bb: {  	[tilespmem:s16], [sflag:$0x2] =	stream.indirect.gather [hbm4b:s4+s6], $0x10, s31, s6, $0xb8;
	[tilespmem:$0x5A00] =	vst v63  }
0x2bc: {  	_ =	swait.ge [sflag:s7], $0x800  }
0x2bd: {  	[sflag:s7] =	ssyncset.done $0x0  }
0x2be: {  	[sflag:s7] =	ssyncadd.s32 $0xFFFFF800  }
0x2bf: {  	_ =	swait.ge [sflag:s7], $0x800  }
0x2c0: {  	[sflag:s7] =	ssyncset.done $0x0  }
0x2c1: {  	[sflag:s7] =	ssyncadd.s32 $0xFFFFF800  }
0x2c2: {  	_ =	swait.ge [sflag:s7], $0x800  }
0x2c3: {  	[sflag:s7] =	ssyncset.done $0x0  }
0x2c4: {  	[sflag:s7] =	ssyncadd.s32 $0xFFFFF800  }
0x2c5: {  	_ =	swait.ge [sflag:s7], $0x800  }
0x2c6: {  	[sflag:s7] =	ssyncset.done $0x0  }
0x2c7: {  	s31 =	rddreg [dreg:$0x3];
	[sflag:s7] =	ssyncadd.s32 $0xFFFFF800  }
0x2c8: {  	[hbm4b:s31+s2] =	stream.linear.scatter [tilespmem:s3], [sflag:$0x3], $0x2000, $0x38;
	[tilespmem:$0x5A00] =	vst v63  }
0x2c9: {  	_ =	swait.ge [sflag:s5], $0x2000  }
0x2ca: {  	[sflag:s5] =	ssyncset.done $0x0  }
0x2cb: {  	s1 =	rddreg [dreg:$0x16];
	[sflag:s5] =	ssyncadd.s32 $0xFFFFE000  }
0x2cc: {  	[tilespmem:s3], [sflag:$0x1] =	stream.indirect.gather [hbm4b:s4+s6], $0x10, s1, s6, $0xb8;
	[tilespmem:$0x5A00] =	vst v63  }
0x2cd: {  	s31 =	rddreg [dreg:$0x17]  }
0x2ce: {  	[tilespmem:s10], [sflag:$0x1] =	stream.indirect.gather [hbm4b:s4+s6], $0x10, s31, s6, $0xb8;
	[tilespmem:$0x5A00] =	vst v63  }
0x2cf: {  	s0 =	rddreg [dreg:$0x18]  }
0x2d0: {  	[tilespmem:s11], [sflag:$0x1] =	stream.indirect.gather [hbm4b:s4+s6], $0x10, s0, s6, $0xb8;
	[tilespmem:$0x5A00] =	vst v63  }
0x2d1: {  	s31 =	rddreg [dreg:$0x19]  }
0x2d2: {  	[tilespmem:s12], [sflag:$0x1] =	stream.indirect.gather [hbm4b:s4+s6], $0x10, s31, s6, $0xb8;
	[tilespmem:$0x5A00] =	vst v63  }
0x2d3: {  	_ =	swait.ge [sflag:s13], $0x800  }
0x2d4: {  	[sflag:s13] =	ssyncset.done $0x0  }
0x2d5: {  	[sflag:s13] =	ssyncadd.s32 $0xFFFFF800  }
0x2d6: {  	_ =	swait.ge [sflag:s13], $0x800  }
0x2d7: {  	[sflag:s13] =	ssyncset.done $0x0  }
0x2d8: {  	[sflag:s13] =	ssyncadd.s32 $0xFFFFF800  }
0x2d9: {  	_ =	swait.ge [sflag:s13], $0x800  }
0x2da: {  	[sflag:s13] =	ssyncset.done $0x0  }
0x2db: {  	[sflag:s13] =	ssyncadd.s32 $0xFFFFF800  }
0x2dc: {  	_ =	swait.ge [sflag:s13], $0x800  }
0x2dd: {  	[sflag:s13] =	ssyncset.done $0x0  }
0x2de: {  	s31 =	rddreg [dreg:$0x4];
	[sflag:s13] =	ssyncadd.s32 $0xFFFFF800  }
0x2df: {  	[hbm4b:s31+s2] =	stream.linear.scatter [tilespmem:s8], [sflag:$0x4], $0x2000, $0x38;
	[tilespmem:$0x5A00] =	vst v63  }
0x2e0: {  	_ =	swait.ge [sflag:s9], $0x2000  }
0x2e1: {  	[sflag:s9] =	ssyncset.done $0x0  }
0x2e2: {  	s1 =	rddreg [dreg:$0x1a];
	[sflag:s9] =	ssyncadd.s32 $0xFFFFE000  }
0x2e3: {  	[tilespmem:s8], [sflag:$0x2] =	stream.indirect.gather [hbm4b:s4+s6], $0x10, s1, s6, $0xb8;
	[tilespmem:$0x5A00] =	vst v63  }
0x2e4: {  	s31 =	rddreg [dreg:$0x1b]  }
0x2e5: {  	[tilespmem:s14], [sflag:$0x2] =	stream.indirect.gather [hbm4b:s4+s6], $0x10, s31, s6, $0xb8;
	[tilespmem:$0x5A00] =	vst v63  }
0x2e6: {  	s0 =	rddreg [dreg:$0x1c]  }
0x2e7: {  	[tilespmem:s15], [sflag:$0x2] =	stream.indirect.gather [hbm4b:s4+s6], $0x10, s0, s6, $0xb8;
	[tilespmem:$0x5A00] =	vst v63  }
0x2e8: {  	s31 =	rddreg [dreg:$0x1d]  }
0x2e9: {  	[tilespmem:s16], [sflag:$0x2] =	stream.indirect.gather [hbm4b:s4+s6], $0x10, s31, s6, $0xb8;
	[tilespmem:$0x5A00] =	vst v63  }
0x2ea: {  	_ =	swait.ge [sflag:s7], $0x800  }
0x2eb: {  	[sflag:s7] =	ssyncset.done $0x0  }
0x2ec: {  	[sflag:s7] =	ssyncadd.s32 $0xFFFFF800  }
0x2ed: {  	_ =	swait.ge [sflag:s7], $0x800  }
0x2ee: {  	[sflag:s7] =	ssyncset.done $0x0  }
0x2ef: {  	[sflag:s7] =	ssyncadd.s32 $0xFFFFF800  }
0x2f0: {  	_ =	swait.ge [sflag:s7], $0x800  }
0x2f1: {  	[sflag:s7] =	ssyncset.done $0x0  }
0x2f2: {  	[sflag:s7] =	ssyncadd.s32 $0xFFFFF800  }
0x2f3: {  	_ =	swait.ge [sflag:s7], $0x800  }
0x2f4: {  	[sflag:s7] =	ssyncset.done $0x0  }
0x2f5: {  	s31 =	rddreg [dreg:$0x5];
	[sflag:s7] =	ssyncadd.s32 $0xFFFFF800  }
0x2f6: {  	[hbm4b:s31+s2] =	stream.linear.scatter [tilespmem:s3], [sflag:$0x3], $0x2000, $0x38;
	[tilespmem:$0x5A00] =	vst v63  }
0x2f7: {  	_ =	swait.ge [sflag:s5], $0x2000  }
0x2f8: {  	s1 =	rddreg [dreg:$0x1e];
	[sflag:s5] =	ssyncset.done $0x0  }
0x2f9: {  	s31 =	rddreg [dreg:$0x1f];
	[sflag:s5] =	ssyncadd.s32 $0xFFFFE000  }
0x2fa: {  	[tilespmem:s3], [sflag:$0x1] =	stream.indirect.gather [hbm4b:s4+s6], $0x10, s1, s6, $0xb8;
	[tilespmem:$0x5A00] =	vst v63  }
0x2fb: {  	s0 =	sld [smem:$0x7E9]  }
0x2fc: {  	[tilespmem:s10], [sflag:$0x1] =	stream.indirect.gather [hbm4b:s4+s6], $0x10, s31, s6, $0xb8;
	[tilespmem:$0x5A00] =	vst v63  }
0x2fd: {  	s31 =	sld [smem:$0x7EA]  }
0x2fe: {  	[tilespmem:s11], [sflag:$0x1] =	stream.indirect.gather [hbm4b:s4+s6], $0x10, s0, s6, $0xb8;
	[tilespmem:$0x5A00] =	vst v63  }
0x2ff: {  	_ = 	snop  }
0x300: {  	[tilespmem:s12], [sflag:$0x1] =	stream.indirect.gather [hbm4b:s4+s6], $0x10, s31, s6, $0xb8;
	[tilespmem:$0x5A00] =	vst v63  }
0x301: {  	_ =	swait.ge [sflag:s13], $0x800  }
0x302: {  	[sflag:s13] =	ssyncset.done $0x0  }
0x303: {  	[sflag:s13] =	ssyncadd.s32 $0xFFFFF800  }
0x304: {  	_ =	swait.ge [sflag:s13], $0x800  }
0x305: {  	[sflag:s13] =	ssyncset.done $0x0  }
0x306: {  	[sflag:s13] =	ssyncadd.s32 $0xFFFFF800  }
0x307: {  	_ =	swait.ge [sflag:s13], $0x800  }
0x308: {  	[sflag:s13] =	ssyncset.done $0x0  }
0x309: {  	[sflag:s13] =	ssyncadd.s32 $0xFFFFF800  }
0x30a: {  	_ =	swait.ge [sflag:s13], $0x800  }
0x30b: {  	[sflag:s13] =	ssyncset.done $0x0  }
0x30c: {  	s31 =	rddreg [dreg:$0x6];
	[sflag:s13] =	ssyncadd.s32 $0xFFFFF800  }
0x30d: {  	[hbm4b:s31+s2] =	stream.linear.scatter [tilespmem:s8], [sflag:$0x4], $0x2000, $0x38;
	[tilespmem:$0x5A00] =	vst v63  }
0x30e: {  	_ =	swait.ge [sflag:s9], $0x2000  }
0x30f: {  	s1 =	sld [smem:$0x7EB]  }
0x310: {  	[sflag:s9] =	ssyncset.done $0x0  }
0x311: {  	s31 =	sld [smem:$0x7EC];
	[sflag:s9] =	ssyncadd.s32 $0xFFFFE000  }
0x312: {  	[tilespmem:s8], [sflag:$0x2] =	stream.indirect.gather [hbm4b:s4+s6], $0x10, s1, s6, $0xb8;
	[tilespmem:$0x5A00] =	vst v63  }
0x313: {  	s0 =	sld [smem:$0x7ED]  }
0x314: {  	[tilespmem:s14], [sflag:$0x2] =	stream.indirect.gather [hbm4b:s4+s6], $0x10, s31, s6, $0xb8;
	[tilespmem:$0x5A00] =	vst v63  }
0x315: {  	s31 =	sld [smem:$0x7EE]  }
0x316: {  	[tilespmem:s15], [sflag:$0x2] =	stream.indirect.gather [hbm4b:s4+s6], $0x10, s0, s6, $0xb8;
	[tilespmem:$0x5A00] =	vst v63  }
0x317: {  	_ = 	snop  }
0x318: {  	[tilespmem:s16], [sflag:$0x2] =	stream.indirect.gather [hbm4b:s4+s6], $0x10, s31, s6, $0xb8;
	[tilespmem:$0x5A00] =	vst v63  }
0x319: {  	_ =	swait.ge [sflag:s7], $0x800  }
0x31a: {  	[sflag:s7] =	ssyncset.done $0x0  }
0x31b: {  	[sflag:s7] =	ssyncadd.s32 $0xFFFFF800  }
0x31c: {  	_ =	swait.ge [sflag:s7], $0x800  }
0x31d: {  	[sflag:s7] =	ssyncset.done $0x0  }
0x31e: {  	[sflag:s7] =	ssyncadd.s32 $0xFFFFF800  }
0x31f: {  	_ =	swait.ge [sflag:s7], $0x800  }
0x320: {  	[sflag:s7] =	ssyncset.done $0x0  }
0x321: {  	[sflag:s7] =	ssyncadd.s32 $0xFFFFF800  }
0x322: {  	_ =	swait.ge [sflag:s7], $0x800  }
0x323: {  	[sflag:s7] =	ssyncset.done $0x0  }
0x324: {  	s31 =	rddreg [dreg:$0x7];
	[sflag:s7] =	ssyncadd.s32 $0xFFFFF800  }
0x325: {  	[hbm4b:s31+s2] =	stream.linear.scatter [tilespmem:s3], [sflag:$0x3], $0x2000, $0x38;
	[tilespmem:$0x5A00] =	vst v63  }
0x326: {  	_ =	swait.ge [sflag:s5], $0x2000  }
0x327: {  	s1 =	sld [smem:$0x7EF]  }
0x328: {  	[sflag:s5] =	ssyncset.done $0x0  }
0x329: {  	s31 =	sld [smem:$0x7F0];
	[sflag:s5] =	ssyncadd.s32 $0xFFFFE000  }
0x32a: {  	[tilespmem:s3], [sflag:$0x1] =	stream.indirect.gather [hbm4b:s4+s6], $0x10, s1, s6, $0xb8;
	[tilespmem:$0x5A00] =	vst v63  }
0x32b: {  	s0 =	sld [smem:$0x7F1]  }
0x32c: {  	[tilespmem:s10], [sflag:$0x1] =	stream.indirect.gather [hbm4b:s4+s6], $0x10, s31, s6, $0xb8;
	[tilespmem:$0x5A00] =	vst v63  }
0x32d: {  	s31 =	sld [smem:$0x7F2]  }
0x32e: {  	[tilespmem:s11], [sflag:$0x1] =	stream.indirect.gather [hbm4b:s4+s6], $0x10, s0, s6, $0xb8;
	[tilespmem:$0x5A00] =	vst v63  }
0x32f: {  	_ = 	snop  }
0x330: {  	[tilespmem:s12], [sflag:$0x1] =	stream.indirect.gather [hbm4b:s4+s6], $0x10, s31, s6, $0xb8;
	[tilespmem:$0x5A00] =	vst v63  }
0x331: {  	_ =	swait.ge [sflag:s13], $0x800  }
0x332: {  	[sflag:s13] =	ssyncset.done $0x0  }
0x333: {  	[sflag:s13] =	ssyncadd.s32 $0xFFFFF800  }
0x334: {  	_ =	swait.ge [sflag:s13], $0x800  }
0x335: {  	[sflag:s13] =	ssyncset.done $0x0  }
0x336: {  	[sflag:s13] =	ssyncadd.s32 $0xFFFFF800  }
0x337: {  	_ =	swait.ge [sflag:s13], $0x800  }
0x338: {  	[sflag:s13] =	ssyncset.done $0x0  }
0x339: {  	[sflag:s13] =	ssyncadd.s32 $0xFFFFF800  }
0x33a: {  	_ =	swait.ge [sflag:s13], $0x800  }
0x33b: {  	[sflag:s13] =	ssyncset.done $0x0  }
0x33c: {  	s31 =	rddreg [dreg:$0x8];
	[sflag:s13] =	ssyncadd.s32 $0xFFFFF800  }
0x33d: {  	[hbm4b:s31+s2] =	stream.linear.scatter [tilespmem:s8], [sflag:$0x4], $0x2000, $0x38;
	[tilespmem:$0x5A00] =	vst v63  }
0x33e: {  	_ =	swait.ge [sflag:s9], $0x2000  }
0x33f: {  	s1 =	sld [smem:$0x7F3]  }
0x340: {  	[sflag:s9] =	ssyncset.done $0x0  }
0x341: {  	s31 =	sld [smem:$0x7F4];
	[sflag:s9] =	ssyncadd.s32 $0xFFFFE000  }
0x342: {  	[tilespmem:s8], [sflag:$0x2] =	stream.indirect.gather [hbm4b:s4+s6], $0x10, s1, s6, $0xb8;
	[tilespmem:$0x5A00] =	vst v63  }
0x343: {  	s0 =	sld [smem:$0x7F5]  }
0x344: {  	[tilespmem:s14], [sflag:$0x2] =	stream.indirect.gather [hbm4b:s4+s6], $0x10, s31, s6, $0xb8;
	[tilespmem:$0x5A00] =	vst v63  }
0x345: {  	s31 =	sld [smem:$0x7F6]  }
0x346: {  	[tilespmem:s15], [sflag:$0x2] =	stream.indirect.gather [hbm4b:s4+s6], $0x10, s0, s6, $0xb8;
	[tilespmem:$0x5A00] =	vst v63  }
0x347: {  	_ = 	snop  }
0x348: {  	[tilespmem:s16], [sflag:$0x2] =	stream.indirect.gather [hbm4b:s4+s6], $0x10, s31, s6, $0xb8;
	[tilespmem:$0x5A00] =	vst v63  }
0x349: {  	_ =	swait.ge [sflag:s7], $0x800  }
0x34a: {  	[sflag:s7] =	ssyncset.done $0x0  }
0x34b: {  	[sflag:s7] =	ssyncadd.s32 $0xFFFFF800  }
0x34c: {  	_ =	swait.ge [sflag:s7], $0x800  }
0x34d: {  	[sflag:s7] =	ssyncset.done $0x0  }
0x34e: {  	[sflag:s7] =	ssyncadd.s32 $0xFFFFF800  }
0x34f: {  	_ =	swait.ge [sflag:s7], $0x800  }
0x350: {  	[sflag:s7] =	ssyncset.done $0x0  }
0x351: {  	[sflag:s7] =	ssyncadd.s32 $0xFFFFF800  }
0x352: {  	_ =	swait.ge [sflag:s7], $0x800  }
0x353: {  	[sflag:s7] =	ssyncset.done $0x0  }
0x354: {  	s31 =	rddreg [dreg:$0x9];
	[sflag:s7] =	ssyncadd.s32 $0xFFFFF800  }
0x355: {  	[hbm4b:s31+s2] =	stream.linear.scatter [tilespmem:s3], [sflag:$0x3], $0x2000, $0x38;
	[tilespmem:$0x5A00] =	vst v63  }
0x356: {  	_ =	swait.ge [sflag:s5], $0x2000  }
0x357: {  	s1 =	sld [smem:$0x7F7]  }
0x358: {  	[sflag:s5] =	ssyncset.done $0x0  }
0x359: {  	s31 =	sld [smem:$0x7F8];
	[sflag:s5] =	ssyncadd.s32 $0xFFFFE000  }
0x35a: {  	[tilespmem:s3], [sflag:$0x1] =	stream.indirect.gather [hbm4b:s4+s6], $0x10, s1, s6, $0xb8;
	[tilespmem:$0x5A00] =	vst v63  }
0x35b: {  	s0 =	sld [smem:$0x7F9]  }
0x35c: {  	[tilespmem:s10], [sflag:$0x1] =	stream.indirect.gather [hbm4b:s4+s6], $0x10, s31, s6, $0xb8;
	[tilespmem:$0x5A00] =	vst v63  }
0x35d: {  	s31 =	sld [smem:$0x7FA]  }
0x35e: {  	[tilespmem:s11], [sflag:$0x1] =	stream.indirect.gather [hbm4b:s4+s6], $0x10, s0, s6, $0xb8;
	[tilespmem:$0x5A00] =	vst v63  }
0x35f: {  	_ = 	snop  }
0x360: {  	[tilespmem:s12], [sflag:$0x1] =	stream.indirect.gather [hbm4b:s4+s6], $0x10, s31, s6, $0xb8;
	[tilespmem:$0x5A00] =	vst v63  }
0x361: {  	_ =	swait.ge [sflag:s13], $0x800  }
0x362: {  	[sflag:s13] =	ssyncset.done $0x0  }
0x363: {  	[sflag:s13] =	ssyncadd.s32 $0xFFFFF800  }
0x364: {  	_ =	swait.ge [sflag:s13], $0x800  }
0x365: {  	[sflag:s13] =	ssyncset.done $0x0  }
0x366: {  	[sflag:s13] =	ssyncadd.s32 $0xFFFFF800  }
0x367: {  	_ =	swait.ge [sflag:s13], $0x800  }
0x368: {  	[sflag:s13] =	ssyncset.done $0x0  }
0x369: {  	[sflag:s13] =	ssyncadd.s32 $0xFFFFF800  }
0x36a: {  	_ =	swait.ge [sflag:s13], $0x800  }
0x36b: {  	[sflag:s13] =	ssyncset.done $0x0  }
0x36c: {  	s1 =	rddreg [dreg:$0xa];
	[sflag:s13] =	ssyncadd.s32 $0xFFFFF800  }
0x36d: {  	[hbm4b:s1+s2] =	stream.linear.scatter [tilespmem:s8], [sflag:$0x4], $0x2000, $0x38;
	[tilespmem:$0x5A00] =	vst v63  }
0x36e: {  	_ =	swait.ge [sflag:s9], $0x2000  }
0x36f: {  	s31 =	sld [smem:$0x7FB]  }
0x370: {  	[sflag:s9] =	ssyncset.done $0x0  }
0x371: {  	s1 =	sld [smem:$0x7FC];
	[sflag:s9] =	ssyncadd.s32 $0xFFFFE000  }
0x372: {  	[tilespmem:s8], [sflag:$0x2] =	stream.indirect.gather [hbm4b:s4+s6], $0x10, s31, s6, $0xb8;
	[tilespmem:$0x5A00] =	vst v63  }
0x373: {  	s31 =	sld [smem:$0x7FD]  }
0x374: {  	[tilespmem:s14], [sflag:$0x2] =	stream.indirect.gather [hbm4b:s4+s6], $0x10, s1, s6, $0xb8;
	[tilespmem:$0x5A00] =	vst v63  }
0x375: {  	_ = 	snop  }
0x376: {  	[tilespmem:s15], [sflag:$0x2] =	stream.indirect.gather [hbm4b:s4+s6], $0x10, s31, s6, $0xb8;
	[tilespmem:$0x5A00] =	vst v63  }
0x377: {  	_ = 	snop  }
0x378: {  	[tilespmem:s16], [sflag:$0x2] =	stream.indirect.gather [hbm4b:s4+s6], $0x10, s21, s6, $0xb8;
	[tilespmem:$0x5A00] =	vst v63  }
0x379: {  	_ =	swait.ge [sflag:s7], $0x800  }
0x37a: {  	[sflag:s7] =	ssyncset.done $0x0  }
0x37b: {  	[sflag:s7] =	ssyncadd.s32 $0xFFFFF800  }
0x37c: {  	_ =	swait.ge [sflag:s7], $0x800  }
0x37d: {  	[sflag:s7] =	ssyncset.done $0x0  }
0x37e: {  	[sflag:s7] =	ssyncadd.s32 $0xFFFFF800  }
0x37f: {  	_ =	swait.ge [sflag:s7], $0x800  }
0x380: {  	[sflag:s7] =	ssyncset.done $0x0  }
0x381: {  	[sflag:s7] =	ssyncadd.s32 $0xFFFFF800  }
0x382: {  	_ =	swait.ge [sflag:s7], $0x800  }
0x383: {  	[sflag:s7] =	ssyncset.done $0x0  }
0x384: {  	s21 =	rddreg [dreg:$0xb];
	[sflag:s7] =	ssyncadd.s32 $0xFFFFF800  }
0x385: {  	[hbm4b:s21+s2] =	stream.linear.scatter [tilespmem:s3], [sflag:$0x3], $0x2000, $0x38;
	[tilespmem:$0x5A00] =	vst v63  }
0x386: {  	_ =	swait.ge [sflag:s5], $0x2000  }
0x387: {  	[sflag:s5] =	ssyncset.done $0x0  }
0x388: {  	[sflag:s5] =	ssyncadd.s32 $0xFFFFE000  }
0x389: {  	[tilespmem:s3], [sflag:$0x1] =	stream.indirect.gather [hbm4b:s4+s6], $0x10, s26, s6, $0xb8;
	[tilespmem:$0x5A00] =	vst v63  }
0x38a: {  	_ = 	snop  }
0x38b: {  	[tilespmem:s10], [sflag:$0x1] =	stream.indirect.gather [hbm4b:s4+s6], $0x10, s28, s6, $0xb8;
	[tilespmem:$0x5A00] =	vst v63  }
0x38c: {  	_ = 	snop  }
0x38d: {  	[tilespmem:s11], [sflag:$0x1] =	stream.indirect.gather [hbm4b:s4+s6], $0x10, s29, s6, $0xb8;
	[tilespmem:$0x5A00] =	vst v63  }
0x38e: {  	_ = 	snop  }
0x38f: {  	[tilespmem:s12], [sflag:$0x1] =	stream.indirect.gather [hbm4b:s4+s6], $0x10, s30, s6, $0xb8;
	[tilespmem:$0x5A00] =	vst v63  }
0x390: {  	_ =	swait.ge [sflag:s13], $0x800  }
0x391: {  	[sflag:s13] =	ssyncset.done $0x0  }
0x392: {  	[sflag:s13] =	ssyncadd.s32 $0xFFFFF800  }
0x393: {  	_ =	swait.ge [sflag:s13], $0x800  }
0x394: {  	[sflag:s13] =	ssyncset.done $0x0  }
0x395: {  	[sflag:s13] =	ssyncadd.s32 $0xFFFFF800  }
0x396: {  	_ =	swait.ge [sflag:s13], $0x800  }
0x397: {  	[sflag:s13] =	ssyncset.done $0x0  }
0x398: {  	[sflag:s13] =	ssyncadd.s32 $0xFFFFF800  }
0x399: {  	_ =	swait.ge [sflag:s13], $0x800  }
0x39a: {  	[sflag:s13] =	ssyncset.done $0x0  }
0x39b: {  	s26 =	rddreg [dreg:$0xc];
	[sflag:s13] =	ssyncadd.s32 $0xFFFFF800  }
0x39c: {  	[hbm4b:s26+s2] =	stream.linear.scatter [tilespmem:s8], [sflag:$0x4], $0x2000, $0x38;
	[tilespmem:$0x5A00] =	vst v63  }
0x39d: {  	_ =	swait.ge [sflag:s9], $0x2000  }
0x39e: {  	[sflag:s9] =	ssyncset.done $0x0  }
0x39f: {  	[sflag:s9] =	ssyncadd.s32 $0xFFFFE000  }
0x3a0: {  	[tilespmem:s8], [sflag:$0x2] =	stream.indirect.gather [hbm4b:s4+s6], $0x10, s22, s6, $0xb8;
	[tilespmem:$0x5A00] =	vst v63  }
0x3a1: {  	_ = 	snop  }
0x3a2: {  	[tilespmem:s14], [sflag:$0x2] =	stream.indirect.gather [hbm4b:s4+s6], $0x10, s23, s6, $0xb8;
	[tilespmem:$0x5A00] =	vst v63  }
0x3a3: {  	_ = 	snop  }
0x3a4: {  	[tilespmem:s15], [sflag:$0x2] =	stream.indirect.gather [hbm4b:s4+s6], $0x10, s24, s6, $0xb8;
	[tilespmem:$0x5A00] =	vst v63  }
0x3a5: {  	_ = 	snop  }
0x3a6: {  	[tilespmem:s16], [sflag:$0x2] =	stream.indirect.gather [hbm4b:s4+s6], $0x10, s25, s6, $0xb8;
	[tilespmem:$0x5A00] =	vst v63  }
0x3a7: {  	_ =	swait.ge [sflag:s7], $0x800  }
0x3a8: {  	[sflag:s7] =	ssyncset.done $0x0  }
0x3a9: {  	[sflag:s7] =	ssyncadd.s32 $0xFFFFF800  }
0x3aa: {  	_ =	swait.ge [sflag:s7], $0x800  }
0x3ab: {  	[sflag:s7] =	ssyncset.done $0x0  }
0x3ac: {  	[sflag:s7] =	ssyncadd.s32 $0xFFFFF800  }
0x3ad: {  	_ =	swait.ge [sflag:s7], $0x800  }
0x3ae: {  	[sflag:s7] =	ssyncset.done $0x0  }
0x3af: {  	[sflag:s7] =	ssyncadd.s32 $0xFFFFF800  }
0x3b0: {  	_ =	swait.ge [sflag:s7], $0x800  }
0x3b1: {  	[sflag:s7] =	ssyncset.done $0x0  }
0x3b2: {  	s28 =	rddreg [dreg:$0xd];
	[sflag:s7] =	ssyncadd.s32 $0xFFFFF800  }
0x3b3: {  	[hbm4b:s28+s2] =	stream.linear.scatter [tilespmem:s3], [sflag:$0x3], $0x2000, $0x38;
	[tilespmem:$0x5A00] =	vst v63  }
0x3b4: {  	_ =	swait.ge [sflag:s5], $0x2000  }
0x3b5: {  	[sflag:s5] =	ssyncset.done $0x0  }
0x3b6: {  	[sflag:s5] =	ssyncadd.s32 $0xFFFFE000  }
0x3b7: {  	[tilespmem:s3], [sflag:$0x1] =	stream.indirect.gather [hbm4b:s4+s6], $0x10, s18, s6, $0xb8;
	[tilespmem:$0x5A00] =	vst v63  }
0x3b8: {  	_ = 	snop  }
0x3b9: {  	[tilespmem:s10], [sflag:$0x1] =	stream.indirect.gather [hbm4b:s4+s6], $0x10, s19, s6, $0xb8;
	[tilespmem:$0x5A00] =	vst v63  }
0x3ba: {  	_ = 	snop  }
0x3bb: {  	[tilespmem:s11], [sflag:$0x1] =	stream.indirect.gather [hbm4b:s4+s6], $0x10, s20, s6, $0xb8;
	[tilespmem:$0x5A00] =	vst v63  }
0x3bc: {  	s29 =	simm.s32 $0x1980  }
0x3bd: {  	[tilespmem:s12], [sflag:$0x1] =	stream.indirect.gather [hbm4b:s4+s6], $0x10, s29, s6, $0xb8;
	[tilespmem:$0x5A00] =	vst v63  }
0x3be: {  	_ =	swait.ge [sflag:s13], $0x800  }
0x3bf: {  	[sflag:s13] =	ssyncset.done $0x0  }
0x3c0: {  	[sflag:s13] =	ssyncadd.s32 $0xFFFFF800  }
0x3c1: {  	_ =	swait.ge [sflag:s13], $0x800  }
0x3c2: {  	[sflag:s13] =	ssyncset.done $0x0  }
0x3c3: {  	[sflag:s13] =	ssyncadd.s32 $0xFFFFF800  }
0x3c4: {  	_ =	swait.ge [sflag:s13], $0x800  }
0x3c5: {  	[sflag:s13] =	ssyncset.done $0x0  }
0x3c6: {  	[sflag:s13] =	ssyncadd.s32 $0xFFFFF800  }
0x3c7: {  	_ =	swait.ge [sflag:s13], $0x800  }
0x3c8: {  	[sflag:s13] =	ssyncset.done $0x0  }
0x3c9: {  	s30 =	rddreg [dreg:$0xe];
	[sflag:s13] =	ssyncadd.s32 $0xFFFFF800  }
0x3ca: {  	[hbm4b:s30+s2] =	stream.linear.scatter [tilespmem:s8], [sflag:$0x4], $0x2000, $0x38;
	[tilespmem:$0x5A00] =	vst v63  }
0x3cb: {  	_ =	swait.ge [sflag:s7], $0x800  }
0x3cc: {  	[sflag:s7] =	ssyncset.done $0x0  }
0x3cd: {  	[sflag:s7] =	ssyncadd.s32 $0xFFFFF800  }
0x3ce: {  	_ =	swait.ge [sflag:s7], $0x800  }
0x3cf: {  	[sflag:s7] =	ssyncset.done $0x0  }
0x3d0: {  	[sflag:s7] =	ssyncadd.s32 $0xFFFFF800  }
0x3d1: {  	_ =	swait.ge [sflag:s7], $0x800  }
0x3d2: {  	[sflag:s7] =	ssyncset.done $0x0  }
0x3d3: {  	[sflag:s7] =	ssyncadd.s32 $0xFFFFF800  }
0x3d4: {  	_ =	swait.ge [sflag:s7], $0x800  }
0x3d5: {  	[sflag:s7] =	ssyncset.done $0x0  }
0x3d6: {  	s31 =	rddreg [dreg:$0xf];
	[sflag:s7] =	ssyncadd.s32 $0xFFFFF800  }
0x3d7: {  	[hbm4b:s31+s2] =	stream.linear.scatter [tilespmem:s3], [sflag:$0x3], $0x2000, $0x38;
	[tilespmem:$0x5A00] =	vst v63  }
0x3d8: {  	_ =	swait.ge [sflag:s9], $0x2000  }
0x3d9: {  	[sflag:s9] =	ssyncset.done $0x0  }
0x3da: {  	[sflag:s9] =	ssyncadd.s32 $0xFFFFE000  }
0x3db: {  	_ =	swait.ge [sflag:s5], $0x2000  }
0x3dc: {  	[sflag:s5] =	ssyncset.done $0x0  }
0x3dd: {  	[sflag:s5] =	ssyncadd.s32 $0xFFFFE000  }
0x3de: {  	_ =	sfence.sel $0x180000  }
0x3df: {  	[bflag:$0x0] =	sbarrier.arrive $0xFFFF  }
0x3e0: {  	_ =	strace $0x90000047  }
0x3e1: {  	[bflag:$0x2] =	sbarrier.arrive $0xFFFF  }
0x3e2: {  	p0 =	sne.s32 s17, $0x0;
	s0 =	rddreg [dreg:$0x1]  }
0x3e3: {  	s0 =	sadd.s32 @!p0 $0x100000, s0  }
0x3e4: {  	[sflag:s0] =	ssyncadd.tile.s32 @!p0 $0x1;
	_ =	shalt  }
.LBB2_1:
.Ltmp3:
0x3e5: {  	(pc) =	sbr.rel .LBB2_6-.Ltmp3, $4  }
0x3e6: {  	s21 =	simm.s32 $0x1380;
	s30 =	simm.s32 $0x1580;
	s29 =	simm.s32 $0x1500  }
0x3e7: {  	s28 =	simm.s32 $0x1480;
	s26 =	simm.s32 $0x1400;
	s25 =	simm.s32 $0x1780  }
0x3e8: {  	s24 =	simm.s32 $0x1700;
	s23 =	simm.s32 $0x1680;
	s22 =	simm.s32 $0x1600  }
0x3e9: {  	s20 =	simm.s32 $0x1900;
	s19 =	simm.s32 $0x1880;
	s18 =	simm.s32 $0x1800  }
.LBB2_3:
.Ltmp4:
0x3ea: {  	s21 =	simm.s32 $0x1380;
	(pc) =	sbr.rel .LBB2_6-.Ltmp4, $4  }
0x3eb: {  	s30 =	simm.s32 $0x1580;
	s29 =	simm.s32 $0x1500;
	s28 =	simm.s32 $0x1480  }
0x3ec: {  	s26 =	simm.s32 $0x1400;
	s25 =	simm.s32 $0x1780;
	s24 =	simm.s32 $0x1700  }
0x3ed: {  	s23 =	simm.s32 $0x1680;
	s22 =	simm.s32 $0x1600;
	s20 =	simm.s32 $0x1900  }
0x3ee: {  	s19 =	simm.s32 $0x1880;
	s18 =	simm.s32 $0x1800;
	s17 =	stileid.u32  }
.Lfunc_end2:
_tile_overlayer_lowered:
.L_overlay_start_2:
0x3ef: {  	(tag) =	ssettag $0x2  }
0x3f0: {  	s0 =	rddreg [dreg:$0x0];
	s2 =	stileid.u32  }
0x3f1: {  	s1 =	rddreg [dreg:$0x1];
	p0 =	sne.s32 s2, $0x0  }
0x3f2: {  	s3 =	rddreg [dreg:$0x2];
	[bflag:$0x3] =	sbarrier.arrive $0xFFFF;
	s2 =	simm.s32 @!p0 $0x1C05  }
0x3f3: {  	[timem:s3], [sflag:s2] =	dma.local @!p0 [hbm:s0], s1  }
0x3f4: {  	s0 =	simm.s32 @!p0 $0x5  }
0x3f5: {  	_ =	swait.ge @!p0 [sflag:s0], s1  }
0x3f6: {  	s1 =	ssub.s32 @!p0 $0x0, s1;
	[sflag:s0] =	ssyncset.done @!p0 $0x0  }
0x3f7: {  	[sflag:s0] =	ssyncadd.s32 @!p0 s1  }
0x3f8: {  	[bflag:$0x3] =	sbarrier.arrive $0xFFFF  }
0x3f9: {  	_ =	shalt  }

</sc_bundles>
